<compile_context>
chip_gen: v7x
topology: tpu7x:2x2x1
jax: 0.10.2.dev20260603
libtpu: 0.0.44.dev20260713+nightly
codegen_flags: <defaults>
</compile_context>

<pallas_src>
import functools

import jax
import jax.numpy as jnp
from jax import lax
from jax.experimental import pallas as pl
from jax.experimental.pallas import tpu as pltpu
from jax.experimental.pallas import tpu_sc as plsc

D = 64
S = 50
BT = 16384
NBH = BT // 128
NC, NS = 2, 16
NW = NC * NS
BH_PER_W = NBH // NW
CW = 256
NCHUNK = S * 2
TPAD = 129

_mesh = plsc.VectorSubcoreMesh(core_axis_name="c", subcore_axis_name="s")


@functools.partial(
    pl.kernel,
    mesh=_mesh,
    out_type=jax.ShapeDtypeStruct((S, 8, NBH, 8, 128), jnp.float32),
    compiler_params=pltpu.CompilerParams(
        use_tc_tiling_on_sc=False, needs_layout_passes=False,
        disable_bounds_checks=True),
    scratch_types=[
        pltpu.VMEM((S, BH_PER_W * 128), jnp.int32),
        pltpu.VMEM((2, CW, D), jnp.float32),
        pltpu.VMEM((2, 2, D, TPAD), jnp.float32),
        pltpu.SemaphoreType.DMA,
        pltpu.SemaphoreType.DMA,
    ],
)
def _gather_kernel(idx_hbm, table_hbm, out_hbm, idx_v, rows_v, t_v,
                   sem_g, sem_w):
    wid = lax.axis_index("s") * NC + lax.axis_index("c")

    pltpu.sync_copy(idx_hbm.at[:, pl.ds(wid * (BH_PER_W * 128),
                                        BH_PER_W * 128)], idx_v)

    def launch_gather(c, buf):
        s = c // 2
        half = c % 2
        pltpu.async_copy(
            table_hbm.at[idx_v.at[s, pl.ds(half * CW, CW)]],
            rows_v.at[buf],
            sem_g,
        )

    def wait_gather(buf):
        pltpu.make_async_copy(
            table_hbm.at[pl.ds(0, CW)], rows_v.at[buf], sem_g
        ).wait()

    def launch_writes(c, tb):
        s = c // 2
        half = c % 2
        for ub in range(2):
            bh = wid * BH_PER_W + half * 2 + ub
            for jh in range(8):
                pltpu.async_copy(
                    t_v.at[tb, ub, pl.ds(jh * 8, 8), pl.ds(0, 128)],
                    out_hbm.at[s, jh, bh],
                    sem_w,
                )

    def wait_writes(tb):
        for _ in range(16):
            pltpu.make_async_copy(
                t_v.at[tb, 0, pl.ds(0, 8), pl.ds(0, 128)],
                out_hbm.at[0, 0, 0],
                sem_w,
            ).wait()

    lane = lax.iota(jnp.int32, 16)
    jrows = [jq * 16 + lane for jq in range(4)]

    RUNROLL = 8

    def transpose_chunk(buf, tb):
        @pl.loop(0, CW, step=RUNROLL)
        def _rows(r0):
            for k in range(RUNROLL):
                r = r0 + k
                ub = r // 128
                bl = r % 128
                dst = t_v.at[tb, ub]
                colv = jnp.full((16,), 0, jnp.int32) + bl
                vecs = [rows_v[buf, r, pl.ds(jq * 16, 16)] for jq in range(4)]
                for jq in range(4):
                    plsc.store_scatter(dst, [jrows[jq], colv], vecs[jq])

    launch_gather(0, 0)
    launch_gather(1, 1)

    @pl.loop(0, NCHUNK, step=2)
    def _chunks(c0):
        for b in range(2):
            c = c0 + b
            wait_gather(b)

            @pl.when(c >= 2)
            def _():
                wait_writes(b)

            transpose_chunk(b, b)
            launch_writes(c, b)

            @pl.when(c + 2 < NCHUNK)
            def _():
                launch_gather(c + 2, b)

    wait_writes(0)
    wait_writes(1)


def kernel(inputs, weight):
    out5 = _gather_kernel(inputs.T, weight)
    return out5.transpose(2, 4, 0, 1, 3).reshape(BT, S, D)

# --- scband reference (transcript-rebuilt; emitter-appended) ---
"""Pipeline reference for scband-flax-roberta-embedding-42064909697362 (READ-ONLY COPY).

The authoritative reference and input builder live on the scoring server;
editing this copy changes nothing except your own understanding.
"""

import jax, jax.numpy as jnp
import numpy as np

VOCAB_SIZE = 1000000
HIDDEN_SIZE = 64

def setup_inputs(seed: int = 0) -> dict:
    key = jax.random.key(seed)
    k_idx, k_w = jax.random.split(key)
    inputs = jax.random.randint(k_idx, (16384, 50), 0, VOCAB_SIZE, dtype=jnp.int64 if jax.config.jax_enable_x64 else jnp.int32)
    weight = jax.random.normal(k_w, (VOCAB_SIZE, HIDDEN_SIZE), dtype=jnp.float32) * 0.1
    return {"inputs": inputs, "weight": weight}

def reference(inputs, weight):
    # Faithful translation of FlaxRobertaEmbedding.__call__
    return jnp.take(weight, inputs, axis=0)

if __name__ == "__main__":
    import jax
    _d = setup_inputs()
    print(jax.jit(kernel)(*tuple(_d.values())))

</pallas_src>

<mosaic_0001>
#map = affine_map<(d0, d1) -> (0, 0)>
#map1 = affine_map<(d0, d1) -> (0, 0, 0, 0, 0)>
module attributes {stable_mosaic.version = 14 : i64} {
  func.func @_gather_kernel(%arg0: i32, %arg1: i32, %arg2: memref<50x16384xi32, #tpu.memory_space<hbm>>, %arg3: memref<1000000x64xf32, #tpu.memory_space<hbm>>, %arg4: memref<50x8x128x8x128xf32, #tpu.memory_space<hbm>>, %arg5: memref<50x512xi32, #tpu.memory_space<vmem>>, %arg6: memref<2x256x64xf32, #tpu.memory_space<vmem>>, %arg7: memref<2x2x64x129xf32, #tpu.memory_space<vmem>>, %arg8: memref<!tpu.dma_semaphore, #tpu.memory_space<semaphore_mem>>, %arg9: memref<!tpu.dma_semaphore, #tpu.memory_space<semaphore_mem>>) attributes {dimension_semantics = [#tpu.dimension_semantics<core_parallel>, #tpu.dimension_semantics<subcore_parallel>], iteration_bounds = array<i64: 2, 16>, scalar_prefetch = 0 : i64, scratch_operands = 5 : i64, tpu.core_type = #tpu.core_type<sc_vector_subcore>, window_params = [{transform_indices = #map}, {transform_indices = #map}, {transform_indices = #map1}]} {
    %mul3A = arith.constant 2 : i32
    %mul3A_0 = arith.muli %arg1, %mul3A : i32
    %add3A = arith.addi %mul3A_0, %arg0 : i32
    %mul3A_1 = arith.constant 512 : i32
    %mul3A_2 = arith.muli %add3A, %mul3A_1 : i32
    "tpu.region"() ({
      %run_scoped3A = tpu.sem_alloc : memref<!tpu.dma_semaphore, #tpu.memory_space<semaphore_mem>>
      %dma_start3A_713 = arith.constant 0 : i32
      %dma_start3A_714 = tpu.memref_slice %arg2[%dma_start3A_713, %mul3A_2] : memref<50x16384xi32, #tpu.memory_space<hbm>> -> memref<50x512xi32, #tpu.memory_space<hbm>>
      %dma_start3A_715 = arith.constant 0 : i32
      %dma_start3A_716 = tpu.memref_slice %arg2[%dma_start3A_715, %mul3A_2] : memref<50x16384xi32, #tpu.memory_space<hbm>> -> memref<50x512xi32, #tpu.memory_space<hbm>>
      tpu.enqueue_dma source(%dma_start3A_716 : memref<50x512xi32, #tpu.memory_space<hbm>>) target(%arg5 : memref<50x512xi32, #tpu.memory_space<vmem>>) target_semaphore(%run_scoped3A : memref<!tpu.dma_semaphore, #tpu.memory_space<semaphore_mem>>)
      %dma_wait3A_717 = arith.constant 0 : i32
      %dma_wait3A_718 = tpu.memref_slice %arg2[%dma_wait3A_717, %mul3A_2] : memref<50x16384xi32, #tpu.memory_space<hbm>> -> memref<50x512xi32, #tpu.memory_space<hbm>>
      %dma_wait3A_719 = arith.constant 0 : i32
      %dma_wait3A_720 = tpu.memref_slice %arg2[%dma_wait3A_719, %mul3A_2] : memref<50x16384xi32, #tpu.memory_space<hbm>> -> memref<50x512xi32, #tpu.memory_space<hbm>>
      tpu.wait_dma2 semaphore(%run_scoped3A : memref<!tpu.dma_semaphore, #tpu.memory_space<semaphore_mem>>) src(%dma_wait3A_720 : memref<50x512xi32, #tpu.memory_space<hbm>>) dst(%arg5 : memref<50x512xi32, #tpu.memory_space<vmem>>)
      tpu.yield
    }) : () -> ()
    %iota3A = tpu.iota {dimensions = array<i32: 0>} : vector<16xi32>
    %add3A_3 = arith.constant 0 : i32
    %add3A_4 = vector.broadcast %add3A_3 : i32 to vector<16xi32>
    %add3A_5 = arith.addi %add3A_4, %iota3A : vector<16xi32>
    %add3A_6 = arith.constant 16 : i32
    %add3A_7 = vector.broadcast %add3A_6 : i32 to vector<16xi32>
    %add3A_8 = arith.addi %add3A_7, %iota3A : vector<16xi32>
    %add3A_9 = arith.constant 32 : i32
    %add3A_10 = vector.broadcast %add3A_9 : i32 to vector<16xi32>
    %add3A_11 = arith.addi %add3A_10, %iota3A : vector<16xi32>
    %add3A_12 = arith.constant 48 : i32
    %add3A_13 = vector.broadcast %add3A_12 : i32 to vector<16xi32>
    %add3A_14 = arith.addi %add3A_13, %iota3A : vector<16xi32>
    %dma_start3A = arith.constant 0 : i32
    %dma_start3A_15 = arith.constant 0 : i32
    %dma_start3A_16 = arith.constant 0 : i32
    %dma_start3A_17 = arith.constant 0 : i32
    %dma_start3A_18 = tpu.memref_slice %arg6[%dma_start3A_15, %dma_start3A_16, %dma_start3A_17] : memref<2x256x64xf32, #tpu.memory_space<vmem>> -> memref<1x256x64xf32, #tpu.memory_space<vmem>>
    %dma_start3A_19 = tpu.memref_squeeze %dma_start3A_18 : memref<1x256x64xf32, #tpu.memory_space<vmem>> -> memref<256x64xf32, #tpu.memory_space<vmem>>
    %dma_start3A_20 = arith.constant 0 : i32
    %dma_start3A_21 = tpu.memref_slice %arg5[%dma_start3A, %dma_start3A_20] : memref<50x512xi32, #tpu.memory_space<vmem>> -> memref<1x256xi32, #tpu.memory_space<vmem>>
    %dma_start3A_22 = tpu.memref_squeeze %dma_start3A_21 : memref<1x256xi32, #tpu.memory_space<vmem>> -> memref<256xi32, #tpu.memory_space<vmem>>
    %dma_start3A_23 = arith.constant 0 : i32
    %dma_start3A_24 = arith.constant 0 : i32
    %dma_start3A_25 = tpu.memref_slice %arg3[%dma_start3A_23, %dma_start3A_24] : memref<1000000x64xf32, #tpu.memory_space<hbm>> -> memref<1000000x64xf32, #tpu.memory_space<hbm>>
    tpu.enqueue_indirect_dma source(%dma_start3A_25 : memref<1000000x64xf32, #tpu.memory_space<hbm>>) target(%dma_start3A_19 : memref<256x64xf32, #tpu.memory_space<vmem>>) offsets(%dma_start3A_22 : memref<256xi32, #tpu.memory_space<vmem>>) semaphore(%arg8 : memref<!tpu.dma_semaphore, #tpu.memory_space<semaphore_mem>>)
    %dma_start3A_26 = arith.constant 0 : i32
    %dma_start3A_27 = arith.constant 1 : i32
    %dma_start3A_28 = arith.constant 0 : i32
    %dma_start3A_29 = arith.constant 0 : i32
    %dma_start3A_30 = tpu.memref_slice %arg6[%dma_start3A_27, %dma_start3A_28, %dma_start3A_29] : memref<2x256x64xf32, #tpu.memory_space<vmem>> -> memref<1x256x64xf32, #tpu.memory_space<vmem>>
    %dma_start3A_31 = tpu.memref_squeeze %dma_start3A_30 : memref<1x256x64xf32, #tpu.memory_space<vmem>> -> memref<256x64xf32, #tpu.memory_space<vmem>>
    %dma_start3A_32 = arith.constant 256 : i32
    %dma_start3A_33 = tpu.memref_slice %arg5[%dma_start3A_26, %dma_start3A_32] : memref<50x512xi32, #tpu.memory_space<vmem>> -> memref<1x256xi32, #tpu.memory_space<vmem>>
    %dma_start3A_34 = tpu.memref_squeeze %dma_start3A_33 : memref<1x256xi32, #tpu.memory_space<vmem>> -> memref<256xi32, #tpu.memory_space<vmem>>
    %dma_start3A_35 = arith.constant 0 : i32
    %dma_start3A_36 = arith.constant 0 : i32
    %dma_start3A_37 = tpu.memref_slice %arg3[%dma_start3A_35, %dma_start3A_36] : memref<1000000x64xf32, #tpu.memory_space<hbm>> -> memref<1000000x64xf32, #tpu.memory_space<hbm>>
    tpu.enqueue_indirect_dma source(%dma_start3A_37 : memref<1000000x64xf32, #tpu.memory_space<hbm>>) target(%dma_start3A_31 : memref<256x64xf32, #tpu.memory_space<vmem>>) offsets(%dma_start3A_34 : memref<256xi32, #tpu.memory_space<vmem>>) semaphore(%arg8 : memref<!tpu.dma_semaphore, #tpu.memory_space<semaphore_mem>>)
    %scan3A = arith.constant 0 : i32
    %scan3A_38 = arith.constant 50 : i32
    %scan3A_39 = arith.addi %scan3A, %scan3A_38 : i32
    %scan3A_40 = arith.constant 1 : i32
    scf.for %scan3A_713 = %scan3A to %scan3A_39 step %scan3A_40  : i32 {
      %mul3A_714 = arith.constant 2 : i32
      %mul3A_715 = arith.muli %scan3A_713, %mul3A_714 : i32
      %add3A_716 = arith.constant 0 : i32
      %add3A_717 = arith.addi %add3A_716, %mul3A_715 : i32
      %add3A_718 = arith.constant 0 : i32
      %add3A_719 = arith.addi %add3A_717, %add3A_718 : i32
      %dma_wait3A_720 = arith.constant 0 : i32
      %dma_wait3A_721 = arith.constant 0 : i32
      %dma_wait3A_722 = arith.constant 0 : i32
      %dma_wait3A_723 = tpu.memref_slice %arg6[%dma_wait3A_720, %dma_wait3A_721, %dma_wait3A_722] : memref<2x256x64xf32, #tpu.memory_space<vmem>> -> memref<1x256x64xf32, #tpu.memory_space<vmem>>
      %dma_wait3A_724 = tpu.memref_squeeze %dma_wait3A_723 : memref<1x256x64xf32, #tpu.memory_space<vmem>> -> memref<256x64xf32, #tpu.memory_space<vmem>>
      %dma_wait3A_725 = arith.constant 0 : i32
      %dma_wait3A_726 = arith.constant 0 : i32
      %dma_wait3A_727 = tpu.memref_slice %arg3[%dma_wait3A_725, %dma_wait3A_726] : memref<1000000x64xf32, #tpu.memory_space<hbm>> -> memref<256x64xf32, #tpu.memory_space<hbm>>
      %dma_wait3A_728 = arith.constant 0 : i32
      %dma_wait3A_729 = arith.constant 0 : i32
      %dma_wait3A_730 = tpu.memref_slice %arg6[%dma_wait3A_720, %dma_wait3A_728, %dma_wait3A_729] : memref<2x256x64xf32, #tpu.memory_space<vmem>> -> memref<1x256x64xf32, #tpu.memory_space<vmem>>
      %dma_wait3A_731 = tpu.memref_squeeze %dma_wait3A_730 : memref<1x256x64xf32, #tpu.memory_space<vmem>> -> memref<256x64xf32, #tpu.memory_space<vmem>>
      %dma_wait3A_732 = arith.constant 0 : i32
      %dma_wait3A_733 = arith.constant 0 : i32
      %dma_wait3A_734 = tpu.memref_slice %arg3[%dma_wait3A_732, %dma_wait3A_733] : memref<1000000x64xf32, #tpu.memory_space<hbm>> -> memref<256x64xf32, #tpu.memory_space<hbm>>
      tpu.wait_dma2 semaphore(%arg8 : memref<!tpu.dma_semaphore, #tpu.memory_space<semaphore_mem>>) src(%dma_wait3A_734 : memref<256x64xf32, #tpu.memory_space<hbm>>) dst(%dma_wait3A_731 : memref<256x64xf32, #tpu.memory_space<vmem>>)
      %ge3A = arith.constant 2 : i32
      %ge3A_735 = arith.cmpi sge, %add3A_719, %ge3A : i32
      %convert_element_type3A = arith.extui %ge3A_735 : i1 to i32
      %cond3A = arith.constant 0 : i32
      %cond3A_736 = arith.cmpi ne, %convert_element_type3A, %cond3A : i32
      scf.if %cond3A_736 {
        %dma_wait3A_1489 = arith.constant 0 : i32
        %dma_wait3A_1490 = arith.constant 0 : i32
        %dma_wait3A_1491 = arith.constant 0 : i32
        %dma_wait3A_1492 = arith.constant 0 : i32
        %dma_wait3A_1493 = arith.constant 0 : i32
        %dma_wait3A_1494 = arith.constant 0 : i32
        %dma_wait3A_1495 = arith.constant 0 : i32
        %dma_wait3A_1496 = tpu.memref_slice %arg7[%dma_wait3A_1489, %dma_wait3A_1490, %dma_wait3A_1494, %dma_wait3A_1495] : memref<2x2x64x129xf32, #tpu.memory_space<vmem>> -> memref<1x1x8x128xf32, #tpu.memory_space<vmem>>
        %dma_wait3A_1497 = tpu.memref_squeeze %dma_wait3A_1496 : memref<1x1x8x128xf32, #tpu.memory_space<vmem>> -> memref<8x128xf32, #tpu.memory_space<vmem>>
        %dma_wait3A_1498 = arith.constant 0 : i32
        %dma_wait3A_1499 = arith.constant 0 : i32
        %dma_wait3A_1500 = tpu.memref_slice %arg4[%dma_wait3A_1491, %dma_wait3A_1492, %dma_wait3A_1493, %dma_wait3A_1498, %dma_wait3A_1499] : memref<50x8x128x8x128xf32, #tpu.memory_space<hbm>> -> memref<1x1x1x8x128xf32, #tpu.memory_space<hbm>>
        %dma_wait3A_1501 = tpu.memref_squeeze %dma_wait3A_1500 : memref<1x1x1x8x128xf32, #tpu.memory_space<hbm>> -> memref<8x128xf32, #tpu.memory_space<hbm>>
        %dma_wait3A_1502 = arith.constant 0 : i32
        %dma_wait3A_1503 = arith.constant 0 : i32
        %dma_wait3A_1504 = tpu.memref_slice %arg4[%dma_wait3A_1491, %dma_wait3A_1492, %dma_wait3A_1493, %dma_wait3A_1502, %dma_wait3A_1503] : memref<50x8x128x8x128xf32, #tpu.memory_space<hbm>> -> memref<1x1x1x8x128xf32, #tpu.memory_space<hbm>>
        %dma_wait3A_1505 = tpu.memref_squeeze %dma_wait3A_1504 : memref<1x1x1x8x128xf32, #tpu.memory_space<hbm>> -> memref<8x128xf32, #tpu.memory_space<hbm>>
        %dma_wait3A_1506 = arith.constant 0 : i32
        %dma_wait3A_1507 = arith.constant 0 : i32
        %dma_wait3A_1508 = tpu.memref_slice %arg7[%dma_wait3A_1489, %dma_wait3A_1490, %dma_wait3A_1506, %dma_wait3A_1507] : memref<2x2x64x129xf32, #tpu.memory_space<vmem>> -> memref<1x1x8x128xf32, #tpu.memory_space<vmem>>
        %dma_wait3A_1509 = tpu.memref_squeeze %dma_wait3A_1508 : memref<1x1x8x128xf32, #tpu.memory_space<vmem>> -> memref<8x128xf32, #tpu.memory_space<vmem>>
        tpu.wait_dma2 semaphore(%arg9 : memref<!tpu.dma_semaphore, #tpu.memory_space<semaphore_mem>>) src(%dma_wait3A_1509 : memref<8x128xf32, #tpu.memory_space<vmem>>) dst(%dma_wait3A_1505 : memref<8x128xf32, #tpu.memory_space<hbm>>)
        %dma_wait3A_1510 = arith.constant 0 : i32
        %dma_wait3A_1511 = arith.constant 0 : i32
        %dma_wait3A_1512 = arith.constant 0 : i32
        %dma_wait3A_1513 = arith.constant 0 : i32
        %dma_wait3A_1514 = arith.constant 0 : i32
        %dma_wait3A_1515 = arith.constant 0 : i32
        %dma_wait3A_1516 = arith.constant 0 : i32
        %dma_wait3A_1517 = tpu.memref_slice %arg7[%dma_wait3A_1510, %dma_wait3A_1511, %dma_wait3A_1515, %dma_wait3A_1516] : memref<2x2x64x129xf32, #tpu.memory_space<vmem>> -> memref<1x1x8x128xf32, #tpu.memory_space<vmem>>
        %dma_wait3A_1518 = tpu.memref_squeeze %dma_wait3A_1517 : memref<1x1x8x128xf32, #tpu.memory_space<vmem>> -> memref<8x128xf32, #tpu.memory_space<vmem>>
        %dma_wait3A_1519 = arith.constant 0 : i32
        %dma_wait3A_1520 = arith.constant 0 : i32
        %dma_wait3A_1521 = tpu.memref_slice %arg4[%dma_wait3A_1512, %dma_wait3A_1513, %dma_wait3A_1514, %dma_wait3A_1519, %dma_wait3A_1520] : memref<50x8x128x8x128xf32, #tpu.memory_space<hbm>> -> memref<1x1x1x8x128xf32, #tpu.memory_space<hbm>>
        %dma_wait3A_1522 = tpu.memref_squeeze %dma_wait3A_1521 : memref<1x1x1x8x128xf32, #tpu.memory_space<hbm>> -> memref<8x128xf32, #tpu.memory_space<hbm>>
        %dma_wait3A_1523 = arith.constant 0 : i32
        %dma_wait3A_1524 = arith.constant 0 : i32
        %dma_wait3A_1525 = tpu.memref_slice %arg4[%dma_wait3A_1512, %dma_wait3A_1513, %dma_wait3A_1514, %dma_wait3A_1523, %dma_wait3A_1524] : memref<50x8x128x8x128xf32, #tpu.memory_space<hbm>> -> memref<1x1x1x8x128xf32, #tpu.memory_space<hbm>>
        %dma_wait3A_1526 = tpu.memref_squeeze %dma_wait3A_1525 : memref<1x1x1x8x128xf32, #tpu.memory_space<hbm>> -> memref<8x128xf32, #tpu.memory_space<hbm>>
        %dma_wait3A_1527 = arith.constant 0 : i32
        %dma_wait3A_1528 = arith.constant 0 : i32
        %dma_wait3A_1529 = tpu.memref_slice %arg7[%dma_wait3A_1510, %dma_wait3A_1511, %dma_wait3A_1527, %dma_wait3A_1528] : memref<2x2x64x129xf32, #tpu.memory_space<vmem>> -> memref<1x1x8x128xf32, #tpu.memory_space<vmem>>
        %dma_wait3A_1530 = tpu.memref_squeeze %dma_wait3A_1529 : memref<1x1x8x128xf32, #tpu.memory_space<vmem>> -> memref<8x128xf32, #tpu.memory_space<vmem>>
        tpu.wait_dma2 semaphore(%arg9 : memref<!tpu.dma_semaphore, #tpu.memory_space<semaphore_mem>>) src(%dma_wait3A_1530 : memref<8x128xf32, #tpu.memory_space<vmem>>) dst(%dma_wait3A_1526 : memref<8x128xf32, #tpu.memory_space<hbm>>)
        %dma_wait3A_1531 = arith.constant 0 : i32
        %dma_wait3A_1532 = arith.constant 0 : i32
        %dma_wait3A_1533 = arith.constant 0 : i32
        %dma_wait3A_1534 = arith.constant 0 : i32
        %dma_wait3A_1535 = arith.constant 0 : i32
        %dma_wait3A_1536 = arith.constant 0 : i32
        %dma_wait3A_1537 = arith.constant 0 : i32
        %dma_wait3A_1538 = tpu.memref_slice %arg7[%dma_wait3A_1531, %dma_wait3A_1532, %dma_wait3A_1536, %dma_wait3A_1537] : memref<2x2x64x129xf32, #tpu.memory_space<vmem>> -> memref<1x1x8x128xf32, #tpu.memory_space<vmem>>
        %dma_wait3A_1539 = tpu.memref_squeeze %dma_wait3A_1538 : memref<1x1x8x128xf32, #tpu.memory_space<vmem>> -> memref<8x128xf32, #tpu.memory_space<vmem>>
        %dma_wait3A_1540 = arith.constant 0 : i32
        %dma_wait3A_1541 = arith.constant 0 : i32
        %dma_wait3A_1542 = tpu.memref_slice %arg4[%dma_wait3A_1533, %dma_wait3A_1534, %dma_wait3A_1535, %dma_wait3A_1540, %dma_wait3A_1541] : memref<50x8x128x8x128xf32, #tpu.memory_space<hbm>> -> memref<1x1x1x8x128xf32, #tpu.memory_space<hbm>>
        %dma_wait3A_1543 = tpu.memref_squeeze %dma_wait3A_1542 : memref<1x1x1x8x128xf32, #tpu.memory_space<hbm>> -> memref<8x128xf32, #tpu.memory_space<hbm>>
        %dma_wait3A_1544 = arith.constant 0 : i32
        %dma_wait3A_1545 = arith.constant 0 : i32
        %dma_wait3A_1546 = tpu.memref_slice %arg4[%dma_wait3A_1533, %dma_wait3A_1534, %dma_wait3A_1535, %dma_wait3A_1544, %dma_wait3A_1545] : memref<50x8x128x8x128xf32, #tpu.memory_space<hbm>> -> memref<1x1x1x8x128xf32, #tpu.memory_space<hbm>>
        %dma_wait3A_1547 = tpu.memref_squeeze %dma_wait3A_1546 : memref<1x1x1x8x128xf32, #tpu.memory_space<hbm>> -> memref<8x128xf32, #tpu.memory_space<hbm>>
        %dma_wait3A_1548 = arith.constant 0 : i32
        %dma_wait3A_1549 = arith.constant 0 : i32
        %dma_wait3A_1550 = tpu.memref_slice %arg7[%dma_wait3A_1531, %dma_wait3A_1532, %dma_wait3A_1548, %dma_wait3A_1549] : memref<2x2x64x129xf32, #tpu.memory_space<vmem>> -> memref<1x1x8x128xf32, #tpu.memory_space<vmem>>
        %dma_wait3A_1551 = tpu.memref_squeeze %dma_wait3A_1550 : memref<1x1x8x128xf32, #tpu.memory_space<vmem>> -> memref<8x128xf32, #tpu.memory_space<vmem>>
        tpu.wait_dma2 semaphore(%arg9 : memref<!tpu.dma_semaphore, #tpu.memory_space<semaphore_mem>>) src(%dma_wait3A_1551 : memref<8x128xf32, #tpu.memory_space<vmem>>) dst(%dma_wait3A_1547 : memref<8x128xf32, #tpu.memory_space<hbm>>)
        %dma_wait3A_1552 = arith.constant 0 : i32
        %dma_wait3A_1553 = arith.constant 0 : i32
        %dma_wait3A_1554 = arith.constant 0 : i32
        %dma_wait3A_1555 = arith.constant 0 : i32
        %dma_wait3A_1556 = arith.constant 0 : i32
        %dma_wait3A_1557 = arith.constant 0 : i32
        %dma_wait3A_1558 = arith.constant 0 : i32
        %dma_wait3A_1559 = tpu.memref_slice %arg7[%dma_wait3A_1552, %dma_wait3A_1553, %dma_wait3A_1557, %dma_wait3A_1558] : memref<2x2x64x129xf32, #tpu.memory_space<vmem>> -> memref<1x1x8x128xf32, #tpu.memory_space<vmem>>
        %dma_wait3A_1560 = tpu.memref_squeeze %dma_wait3A_1559 : memref<1x1x8x128xf32, #tpu.memory_space<vmem>> -> memref<8x128xf32, #tpu.memory_space<vmem>>
        %dma_wait3A_1561 = arith.constant 0 : i32
        %dma_wait3A_1562 = arith.constant 0 : i32
        %dma_wait3A_1563 = tpu.memref_slice %arg4[%dma_wait3A_1554, %dma_wait3A_1555, %dma_wait3A_1556, %dma_wait3A_1561, %dma_wait3A_1562] : memref<50x8x128x8x128xf32, #tpu.memory_space<hbm>> -> memref<1x1x1x8x128xf32, #tpu.memory_space<hbm>>
        %dma_wait3A_1564 = tpu.memref_squeeze %dma_wait3A_1563 : memref<1x1x1x8x128xf32, #tpu.memory_space<hbm>> -> memref<8x128xf32, #tpu.memory_space<hbm>>
        %dma_wait3A_1565 = arith.constant 0 : i32
        %dma_wait3A_1566 = arith.constant 0 : i32
        %dma_wait3A_1567 = tpu.memref_slice %arg4[%dma_wait3A_1554, %dma_wait3A_1555, %dma_wait3A_1556, %dma_wait3A_1565, %dma_wait3A_1566] : memref<50x8x128x8x128xf32, #tpu.memory_space<hbm>> -> memref<1x1x1x8x128xf32, #tpu.memory_space<hbm>>
        %dma_wait3A_1568 = tpu.memref_squeeze %dma_wait3A_1567 : memref<1x1x1x8x128xf32, #tpu.memory_space<hbm>> -> memref<8x128xf32, #tpu.memory_space<hbm>>
        %dma_wait3A_1569 = arith.constant 0 : i32
        %dma_wait3A_1570 = arith.constant 0 : i32
        %dma_wait3A_1571 = tpu.memref_slice %arg7[%dma_wait3A_1552, %dma_wait3A_1553, %dma_wait3A_1569, %dma_wait3A_1570] : memref<2x2x64x129xf32, #tpu.memory_space<vmem>> -> memref<1x1x8x128xf32, #tpu.memory_space<vmem>>
        %dma_wait3A_1572 = tpu.memref_squeeze %dma_wait3A_1571 : memref<1x1x8x128xf32, #tpu.memory_space<vmem>> -> memref<8x128xf32, #tpu.memory_space<vmem>>
        tpu.wait_dma2 semaphore(%arg9 : memref<!tpu.dma_semaphore, #tpu.memory_space<semaphore_mem>>) src(%dma_wait3A_1572 : memref<8x128xf32, #tpu.memory_space<vmem>>) dst(%dma_wait3A_1568 : memref<8x128xf32, #tpu.memory_space<hbm>>)
        %dma_wait3A_1573 = arith.constant 0 : i32
        %dma_wait3A_1574 = arith.constant 0 : i32
        %dma_wait3A_1575 = arith.constant 0 : i32
        %dma_wait3A_1576 = arith.constant 0 : i32
        %dma_wait3A_1577 = arith.constant 0 : i32
        %dma_wait3A_1578 = arith.constant 0 : i32
        %dma_wait3A_1579 = arith.constant 0 : i32
        %dma_wait3A_1580 = tpu.memref_slice %arg7[%dma_wait3A_1573, %dma_wait3A_1574, %dma_wait3A_1578, %dma_wait3A_1579] : memref<2x2x64x129xf32, #tpu.memory_space<vmem>> -> memref<1x1x8x128xf32, #tpu.memory_space<vmem>>
        %dma_wait3A_1581 = tpu.memref_squeeze %dma_wait3A_1580 : memref<1x1x8x128xf32, #tpu.memory_space<vmem>> -> memref<8x128xf32, #tpu.memory_space<vmem>>
        %dma_wait3A_1582 = arith.constant 0 : i32
        %dma_wait3A_1583 = arith.constant 0 : i32
        %dma_wait3A_1584 = tpu.memref_slice %arg4[%dma_wait3A_1575, %dma_wait3A_1576, %dma_wait3A_1577, %dma_wait3A_1582, %dma_wait3A_1583] : memref<50x8x128x8x128xf32, #tpu.memory_space<hbm>> -> memref<1x1x1x8x128xf32, #tpu.memory_space<hbm>>
        %dma_wait3A_1585 = tpu.memref_squeeze %dma_wait3A_1584 : memref<1x1x1x8x128xf32, #tpu.memory_space<hbm>> -> memref<8x128xf32, #tpu.memory_space<hbm>>
        %dma_wait3A_1586 = arith.constant 0 : i32
        %dma_wait3A_1587 = arith.constant 0 : i32
        %dma_wait3A_1588 = tpu.memref_slice %arg4[%dma_wait3A_1575, %dma_wait3A_1576, %dma_wait3A_1577, %dma_wait3A_1586, %dma_wait3A_1587] : memref<50x8x128x8x128xf32, #tpu.memory_space<hbm>> -> memref<1x1x1x8x128xf32, #tpu.memory_space<hbm>>
        %dma_wait3A_1589 = tpu.memref_squeeze %dma_wait3A_1588 : memref<1x1x1x8x128xf32, #tpu.memory_space<hbm>> -> memref<8x128xf32, #tpu.memory_space<hbm>>
        %dma_wait3A_1590 = arith.constant 0 : i32
        %dma_wait3A_1591 = arith.constant 0 : i32
        %dma_wait3A_1592 = tpu.memref_slice %arg7[%dma_wait3A_1573, %dma_wait3A_1574, %dma_wait3A_1590, %dma_wait3A_1591] : memref<2x2x64x129xf32, #tpu.memory_space<vmem>> -> memref<1x1x8x128xf32, #tpu.memory_space<vmem>>
        %dma_wait3A_1593 = tpu.memref_squeeze %dma_wait3A_1592 : memref<1x1x8x128xf32, #tpu.memory_space<vmem>> -> memref<8x128xf32, #tpu.memory_space<vmem>>
        tpu.wait_dma2 semaphore(%arg9 : memref<!tpu.dma_semaphore, #tpu.memory_space<semaphore_mem>>) src(%dma_wait3A_1593 : memref<8x128xf32, #tpu.memory_space<vmem>>) dst(%dma_wait3A_1589 : memref<8x128xf32, #tpu.memory_space<hbm>>)
        %dma_wait3A_1594 = arith.constant 0 : i32
        %dma_wait3A_1595 = arith.constant 0 : i32
        %dma_wait3A_1596 = arith.constant 0 : i32
        %dma_wait3A_1597 = arith.constant 0 : i32
        %dma_wait3A_1598 = arith.constant 0 : i32
        %dma_wait3A_1599 = arith.constant 0 : i32
        %dma_wait3A_1600 = arith.constant 0 : i32
        %dma_wait3A_1601 = tpu.memref_slice %arg7[%dma_wait3A_1594, %dma_wait3A_1595, %dma_wait3A_1599, %dma_wait3A_1600] : memref<2x2x64x129xf32, #tpu.memory_space<vmem>> -> memref<1x1x8x128xf32, #tpu.memory_space<vmem>>
        %dma_wait3A_1602 = tpu.memref_squeeze %dma_wait3A_1601 : memref<1x1x8x128xf32, #tpu.memory_space<vmem>> -> memref<8x128xf32, #tpu.memory_space<vmem>>
        %dma_wait3A_1603 = arith.constant 0 : i32
        %dma_wait3A_1604 = arith.constant 0 : i32
        %dma_wait3A_1605 = tpu.memref_slice %arg4[%dma_wait3A_1596, %dma_wait3A_1597, %dma_wait3A_1598, %dma_wait3A_1603, %dma_wait3A_1604] : memref<50x8x128x8x128xf32, #tpu.memory_space<hbm>> -> memref<1x1x1x8x128xf32, #tpu.memory_space<hbm>>
        %dma_wait3A_1606 = tpu.memref_squeeze %dma_wait3A_1605 : memref<1x1x1x8x128xf32, #tpu.memory_space<hbm>> -> memref<8x128xf32, #tpu.memory_space<hbm>>
        %dma_wait3A_1607 = arith.constant 0 : i32
        %dma_wait3A_1608 = arith.constant 0 : i32
        %dma_wait3A_1609 = tpu.memref_slice %arg4[%dma_wait3A_1596, %dma_wait3A_1597, %dma_wait3A_1598, %dma_wait3A_1607, %dma_wait3A_1608] : memref<50x8x128x8x128xf32, #tpu.memory_space<hbm>> -> memref<1x1x1x8x128xf32, #tpu.memory_space<hbm>>
        %dma_wait3A_1610 = tpu.memref_squeeze %dma_wait3A_1609 : memref<1x1x1x8x128xf32, #tpu.memory_space<hbm>> -> memref<8x128xf32, #tpu.memory_space<hbm>>
        %dma_wait3A_1611 = arith.constant 0 : i32
        %dma_wait3A_1612 = arith.constant 0 : i32
        %dma_wait3A_1613 = tpu.memref_slice %arg7[%dma_wait3A_1594, %dma_wait3A_1595, %dma_wait3A_1611, %dma_wait3A_1612] : memref<2x2x64x129xf32, #tpu.memory_space<vmem>> -> memref<1x1x8x128xf32, #tpu.memory_space<vmem>>
        %dma_wait3A_1614 = tpu.memref_squeeze %dma_wait3A_1613 : memref<1x1x8x128xf32, #tpu.memory_space<vmem>> -> memref<8x128xf32, #tpu.memory_space<vmem>>
        tpu.wait_dma2 semaphore(%arg9 : memref<!tpu.dma_semaphore, #tpu.memory_space<semaphore_mem>>) src(%dma_wait3A_1614 : memref<8x128xf32, #tpu.memory_space<vmem>>) dst(%dma_wait3A_1610 : memref<8x128xf32, #tpu.memory_space<hbm>>)
        %dma_wait3A_1615 = arith.constant 0 : i32
        %dma_wait3A_1616 = arith.constant 0 : i32
        %dma_wait3A_1617 = arith.constant 0 : i32
        %dma_wait3A_1618 = arith.constant 0 : i32
        %dma_wait3A_1619 = arith.constant 0 : i32
        %dma_wait3A_1620 = arith.constant 0 : i32
        %dma_wait3A_1621 = arith.constant 0 : i32
        %dma_wait3A_1622 = tpu.memref_slice %arg7[%dma_wait3A_1615, %dma_wait3A_1616, %dma_wait3A_1620, %dma_wait3A_1621] : memref<2x2x64x129xf32, #tpu.memory_space<vmem>> -> memref<1x1x8x128xf32, #tpu.memory_space<vmem>>
        %dma_wait3A_1623 = tpu.memref_squeeze %dma_wait3A_1622 : memref<1x1x8x128xf32, #tpu.memory_space<vmem>> -> memref<8x128xf32, #tpu.memory_space<vmem>>
        %dma_wait3A_1624 = arith.constant 0 : i32
        %dma_wait3A_1625 = arith.constant 0 : i32
        %dma_wait3A_1626 = tpu.memref_slice %arg4[%dma_wait3A_1617, %dma_wait3A_1618, %dma_wait3A_1619, %dma_wait3A_1624, %dma_wait3A_1625] : memref<50x8x128x8x128xf32, #tpu.memory_space<hbm>> -> memref<1x1x1x8x128xf32, #tpu.memory_space<hbm>>
        %dma_wait3A_1627 = tpu.memref_squeeze %dma_wait3A_1626 : memref<1x1x1x8x128xf32, #tpu.memory_space<hbm>> -> memref<8x128xf32, #tpu.memory_space<hbm>>
        %dma_wait3A_1628 = arith.constant 0 : i32
        %dma_wait3A_1629 = arith.constant 0 : i32
        %dma_wait3A_1630 = tpu.memref_slice %arg4[%dma_wait3A_1617, %dma_wait3A_1618, %dma_wait3A_1619, %dma_wait3A_1628, %dma_wait3A_1629] : memref<50x8x128x8x128xf32, #tpu.memory_space<hbm>> -> memref<1x1x1x8x128xf32, #tpu.memory_space<hbm>>
        %dma_wait3A_1631 = tpu.memref_squeeze %dma_wait3A_1630 : memref<1x1x1x8x128xf32, #tpu.memory_space<hbm>> -> memref<8x128xf32, #tpu.memory_space<hbm>>
        %dma_wait3A_1632 = arith.constant 0 : i32
        %dma_wait3A_1633 = arith.constant 0 : i32
        %dma_wait3A_1634 = tpu.memref_slice %arg7[%dma_wait3A_1615, %dma_wait3A_1616, %dma_wait3A_1632, %dma_wait3A_1633] : memref<2x2x64x129xf32, #tpu.memory_space<vmem>> -> memref<1x1x8x128xf32, #tpu.memory_space<vmem>>
        %dma_wait3A_1635 = tpu.memref_squeeze %dma_wait3A_1634 : memref<1x1x8x128xf32, #tpu.memory_space<vmem>> -> memref<8x128xf32, #tpu.memory_space<vmem>>
        tpu.wait_dma2 semaphore(%arg9 : memref<!tpu.dma_semaphore, #tpu.memory_space<semaphore_mem>>) src(%dma_wait3A_1635 : memref<8x128xf32, #tpu.memory_space<vmem>>) dst(%dma_wait3A_1631 : memref<8x128xf32, #tpu.memory_space<hbm>>)
        %dma_wait3A_1636 = arith.constant 0 : i32
        %dma_wait3A_1637 = arith.constant 0 : i32
        %dma_wait3A_1638 = arith.constant 0 : i32
        %dma_wait3A_1639 = arith.constant 0 : i32
        %dma_wait3A_1640 = arith.constant 0 : i32
        %dma_wait3A_1641 = arith.constant 0 : i32
        %dma_wait3A_1642 = arith.constant 0 : i32
        %dma_wait3A_1643 = tpu.memref_slice %arg7[%dma_wait3A_1636, %dma_wait3A_1637, %dma_wait3A_1641, %dma_wait3A_1642] : memref<2x2x64x129xf32, #tpu.memory_space<vmem>> -> memref<1x1x8x128xf32, #tpu.memory_space<vmem>>
        %dma_wait3A_1644 = tpu.memref_squeeze %dma_wait3A_1643 : memref<1x1x8x128xf32, #tpu.memory_space<vmem>> -> memref<8x128xf32, #tpu.memory_space<vmem>>
        %dma_wait3A_1645 = arith.constant 0 : i32
        %dma_wait3A_1646 = arith.constant 0 : i32
        %dma_wait3A_1647 = tpu.memref_slice %arg4[%dma_wait3A_1638, %dma_wait3A_1639, %dma_wait3A_1640, %dma_wait3A_1645, %dma_wait3A_1646] : memref<50x8x128x8x128xf32, #tpu.memory_space<hbm>> -> memref<1x1x1x8x128xf32, #tpu.memory_space<hbm>>
        %dma_wait3A_1648 = tpu.memref_squeeze %dma_wait3A_1647 : memref<1x1x1x8x128xf32, #tpu.memory_space<hbm>> -> memref<8x128xf32, #tpu.memory_space<hbm>>
        %dma_wait3A_1649 = arith.constant 0 : i32
        %dma_wait3A_1650 = arith.constant 0 : i32
        %dma_wait3A_1651 = tpu.memref_slice %arg4[%dma_wait3A_1638, %dma_wait3A_1639, %dma_wait3A_1640, %dma_wait3A_1649, %dma_wait3A_1650] : memref<50x8x128x8x128xf32, #tpu.memory_space<hbm>> -> memref<1x1x1x8x128xf32, #tpu.memory_space<hbm>>
        %dma_wait3A_1652 = tpu.memref_squeeze %dma_wait3A_1651 : memref<1x1x1x8x128xf32, #tpu.memory_space<hbm>> -> memref<8x128xf32, #tpu.memory_space<hbm>>
        %dma_wait3A_1653 = arith.constant 0 : i32
        %dma_wait3A_1654 = arith.constant 0 : i32
        %dma_wait3A_1655 = tpu.memref_slice %arg7[%dma_wait3A_1636, %dma_wait3A_1637, %dma_wait3A_1653, %dma_wait3A_1654] : memref<2x2x64x129xf32, #tpu.memory_space<vmem>> -> memref<1x1x8x128xf32, #tpu.memory_space<vmem>>
        %dma_wait3A_1656 = tpu.memref_squeeze %dma_wait3A_1655 : memref<1x1x8x128xf32, #tpu.memory_space<vmem>> -> memref<8x128xf32, #tpu.memory_space<vmem>>
        tpu.wait_dma2 semaphore(%arg9 : memref<!tpu.dma_semaphore, #tpu.memory_space<semaphore_mem>>) src(%dma_wait3A_1656 : memref<8x128xf32, #tpu.memory_space<vmem>>) dst(%dma_wait3A_1652 : memref<8x128xf32, #tpu.memory_space<hbm>>)
        %dma_wait3A_1657 = arith.constant 0 : i32
        %dma_wait3A_1658 = arith.constant 0 : i32
        %dma_wait3A_1659 = arith.constant 0 : i32
        %dma_wait3A_1660 = arith.constant 0 : i32
        %dma_wait3A_1661 = arith.constant 0 : i32
        %dma_wait3A_1662 = arith.constant 0 : i32
        %dma_wait3A_1663 = arith.constant 0 : i32
        %dma_wait3A_1664 = tpu.memref_slice %arg7[%dma_wait3A_1657, %dma_wait3A_1658, %dma_wait3A_1662, %dma_wait3A_1663] : memref<2x2x64x129xf32, #tpu.memory_space<vmem>> -> memref<1x1x8x128xf32, #tpu.memory_space<vmem>>
        %dma_wait3A_1665 = tpu.memref_squeeze %dma_wait3A_1664 : memref<1x1x8x128xf32, #tpu.memory_space<vmem>> -> memref<8x128xf32, #tpu.memory_space<vmem>>
        %dma_wait3A_1666 = arith.constant 0 : i32
        %dma_wait3A_1667 = arith.constant 0 : i32
        %dma_wait3A_1668 = tpu.memref_slice %arg4[%dma_wait3A_1659, %dma_wait3A_1660, %dma_wait3A_1661, %dma_wait3A_1666, %dma_wait3A_1667] : memref<50x8x128x8x128xf32, #tpu.memory_space<hbm>> -> memref<1x1x1x8x128xf32, #tpu.memory_space<hbm>>
        %dma_wait3A_1669 = tpu.memref_squeeze %dma_wait3A_1668 : memref<1x1x1x8x128xf32, #tpu.memory_space<hbm>> -> memref<8x128xf32, #tpu.memory_space<hbm>>
        %dma_wait3A_1670 = arith.constant 0 : i32
        %dma_wait3A_1671 = arith.constant 0 : i32
        %dma_wait3A_1672 = tpu.memref_slice %arg4[%dma_wait3A_1659, %dma_wait3A_1660, %dma_wait3A_1661, %dma_wait3A_1670, %dma_wait3A_1671] : memref<50x8x128x8x128xf32, #tpu.memory_space<hbm>> -> memref<1x1x1x8x128xf32, #tpu.memory_space<hbm>>
        %dma_wait3A_1673 = tpu.memref_squeeze %dma_wait3A_1672 : memref<1x1x1x8x128xf32, #tpu.memory_space<hbm>> -> memref<8x128xf32, #tpu.memory_space<hbm>>
        %dma_wait3A_1674 = arith.constant 0 : i32
        %dma_wait3A_1675 = arith.constant 0 : i32
        %dma_wait3A_1676 = tpu.memref_slice %arg7[%dma_wait3A_1657, %dma_wait3A_1658, %dma_wait3A_1674, %dma_wait3A_1675] : memref<2x2x64x129xf32, #tpu.memory_space<vmem>> -> memref<1x1x8x128xf32, #tpu.memory_space<vmem>>
        %dma_wait3A_1677 = tpu.memref_squeeze %dma_wait3A_1676 : memref<1x1x8x128xf32, #tpu.memory_space<vmem>> -> memref<8x128xf32, #tpu.memory_space<vmem>>
        tpu.wait_dma2 semaphore(%arg9 : memref<!tpu.dma_semaphore, #tpu.memory_space<semaphore_mem>>) src(%dma_wait3A_1677 : memref<8x128xf32, #tpu.memory_space<vmem>>) dst(%dma_wait3A_1673 : memref<8x128xf32, #tpu.memory_space<hbm>>)
        %dma_wait3A_1678 = arith.constant 0 : i32
        %dma_wait3A_1679 = arith.constant 0 : i32
        %dma_wait3A_1680 = arith.constant 0 : i32
        %dma_wait3A_1681 = arith.constant 0 : i32
        %dma_wait3A_1682 = arith.constant 0 : i32
        %dma_wait3A_1683 = arith.constant 0 : i32
        %dma_wait3A_1684 = arith.constant 0 : i32
        %dma_wait3A_1685 = tpu.memref_slice %arg7[%dma_wait3A_1678, %dma_wait3A_1679, %dma_wait3A_1683, %dma_wait3A_1684] : memref<2x2x64x129xf32, #tpu.memory_space<vmem>> -> memref<1x1x8x128xf32, #tpu.memory_space<vmem>>
        %dma_wait3A_1686 = tpu.memref_squeeze %dma_wait3A_1685 : memref<1x1x8x128xf32, #tpu.memory_space<vmem>> -> memref<8x128xf32, #tpu.memory_space<vmem>>
        %dma_wait3A_1687 = arith.constant 0 : i32
        %dma_wait3A_1688 = arith.constant 0 : i32
        %dma_wait3A_1689 = tpu.memref_slice %arg4[%dma_wait3A_1680, %dma_wait3A_1681, %dma_wait3A_1682, %dma_wait3A_1687, %dma_wait3A_1688] : memref<50x8x128x8x128xf32, #tpu.memory_space<hbm>> -> memref<1x1x1x8x128xf32, #tpu.memory_space<hbm>>
        %dma_wait3A_1690 = tpu.memref_squeeze %dma_wait3A_1689 : memref<1x1x1x8x128xf32, #tpu.memory_space<hbm>> -> memref<8x128xf32, #tpu.memory_space<hbm>>
        %dma_wait3A_1691 = arith.constant 0 : i32
        %dma_wait3A_1692 = arith.constant 0 : i32
        %dma_wait3A_1693 = tpu.memref_slice %arg4[%dma_wait3A_1680, %dma_wait3A_1681, %dma_wait3A_1682, %dma_wait3A_1691, %dma_wait3A_1692] : memref<50x8x128x8x128xf32, #tpu.memory_space<hbm>> -> memref<1x1x1x8x128xf32, #tpu.memory_space<hbm>>
        %dma_wait3A_1694 = tpu.memref_squeeze %dma_wait3A_1693 : memref<1x1x1x8x128xf32, #tpu.memory_space<hbm>> -> memref<8x128xf32, #tpu.memory_space<hbm>>
        %dma_wait3A_1695 = arith.constant 0 : i32
        %dma_wait3A_1696 = arith.constant 0 : i32
        %dma_wait3A_1697 = tpu.memref_slice %arg7[%dma_wait3A_1678, %dma_wait3A_1679, %dma_wait3A_1695, %dma_wait3A_1696] : memref<2x2x64x129xf32, #tpu.memory_space<vmem>> -> memref<1x1x8x128xf32, #tpu.memory_space<vmem>>
        %dma_wait3A_1698 = tpu.memref_squeeze %dma_wait3A_1697 : memref<1x1x8x128xf32, #tpu.memory_space<vmem>> -> memref<8x128xf32, #tpu.memory_space<vmem>>
        tpu.wait_dma2 semaphore(%arg9 : memref<!tpu.dma_semaphore, #tpu.memory_space<semaphore_mem>>) src(%dma_wait3A_1698 : memref<8x128xf32, #tpu.memory_space<vmem>>) dst(%dma_wait3A_1694 : memref<8x128xf32, #tpu.memory_space<hbm>>)
        %dma_wait3A_1699 = arith.constant 0 : i32
        %dma_wait3A_1700 = arith.constant 0 : i32
        %dma_wait3A_1701 = arith.constant 0 : i32
        %dma_wait3A_1702 = arith.constant 0 : i32
        %dma_wait3A_1703 = arith.constant 0 : i32
        %dma_wait3A_1704 = arith.constant 0 : i32
        %dma_wait3A_1705 = arith.constant 0 : i32
        %dma_wait3A_1706 = tpu.memref_slice %arg7[%dma_wait3A_1699, %dma_wait3A_1700, %dma_wait3A_1704, %dma_wait3A_1705] : memref<2x2x64x129xf32, #tpu.memory_space<vmem>> -> memref<1x1x8x128xf32, #tpu.memory_space<vmem>>
        %dma_wait3A_1707 = tpu.memref_squeeze %dma_wait3A_1706 : memref<1x1x8x128xf32, #tpu.memory_space<vmem>> -> memref<8x128xf32, #tpu.memory_space<vmem>>
        %dma_wait3A_1708 = arith.constant 0 : i32
        %dma_wait3A_1709 = arith.constant 0 : i32
        %dma_wait3A_1710 = tpu.memref_slice %arg4[%dma_wait3A_1701, %dma_wait3A_1702, %dma_wait3A_1703, %dma_wait3A_1708, %dma_wait3A_1709] : memref<50x8x128x8x128xf32, #tpu.memory_space<hbm>> -> memref<1x1x1x8x128xf32, #tpu.memory_space<hbm>>
        %dma_wait3A_1711 = tpu.memref_squeeze %dma_wait3A_1710 : memref<1x1x1x8x128xf32, #tpu.memory_space<hbm>> -> memref<8x128xf32, #tpu.memory_space<hbm>>
        %dma_wait3A_1712 = arith.constant 0 : i32
        %dma_wait3A_1713 = arith.constant 0 : i32
        %dma_wait3A_1714 = tpu.memref_slice %arg4[%dma_wait3A_1701, %dma_wait3A_1702, %dma_wait3A_1703, %dma_wait3A_1712, %dma_wait3A_1713] : memref<50x8x128x8x128xf32, #tpu.memory_space<hbm>> -> memref<1x1x1x8x128xf32, #tpu.memory_space<hbm>>
        %dma_wait3A_1715 = tpu.memref_squeeze %dma_wait3A_1714 : memref<1x1x1x8x128xf32, #tpu.memory_space<hbm>> -> memref<8x128xf32, #tpu.memory_space<hbm>>
        %dma_wait3A_1716 = arith.constant 0 : i32
        %dma_wait3A_1717 = arith.constant 0 : i32
        %dma_wait3A_1718 = tpu.memref_slice %arg7[%dma_wait3A_1699, %dma_wait3A_1700, %dma_wait3A_1716, %dma_wait3A_1717] : memref<2x2x64x129xf32, #tpu.memory_space<vmem>> -> memref<1x1x8x128xf32, #tpu.memory_space<vmem>>
        %dma_wait3A_1719 = tpu.memref_squeeze %dma_wait3A_1718 : memref<1x1x8x128xf32, #tpu.memory_space<vmem>> -> memref<8x128xf32, #tpu.memory_space<vmem>>
        tpu.wait_dma2 semaphore(%arg9 : memref<!tpu.dma_semaphore, #tpu.memory_space<semaphore_mem>>) src(%dma_wait3A_1719 : memref<8x128xf32, #tpu.memory_space<vmem>>) dst(%dma_wait3A_1715 : memref<8x128xf32, #tpu.memory_space<hbm>>)
        %dma_wait3A_1720 = arith.constant 0 : i32
        %dma_wait3A_1721 = arith.constant 0 : i32
        %dma_wait3A_1722 = arith.constant 0 : i32
        %dma_wait3A_1723 = arith.constant 0 : i32
        %dma_wait3A_1724 = arith.constant 0 : i32
        %dma_wait3A_1725 = arith.constant 0 : i32
        %dma_wait3A_1726 = arith.constant 0 : i32
        %dma_wait3A_1727 = tpu.memref_slice %arg7[%dma_wait3A_1720, %dma_wait3A_1721, %dma_wait3A_1725, %dma_wait3A_1726] : memref<2x2x64x129xf32, #tpu.memory_space<vmem>> -> memref<1x1x8x128xf32, #tpu.memory_space<vmem>>
        %dma_wait3A_1728 = tpu.memref_squeeze %dma_wait3A_1727 : memref<1x1x8x128xf32, #tpu.memory_space<vmem>> -> memref<8x128xf32, #tpu.memory_space<vmem>>
        %dma_wait3A_1729 = arith.constant 0 : i32
        %dma_wait3A_1730 = arith.constant 0 : i32
        %dma_wait3A_1731 = tpu.memref_slice %arg4[%dma_wait3A_1722, %dma_wait3A_1723, %dma_wait3A_1724, %dma_wait3A_1729, %dma_wait3A_1730] : memref<50x8x128x8x128xf32, #tpu.memory_space<hbm>> -> memref<1x1x1x8x128xf32, #tpu.memory_space<hbm>>
        %dma_wait3A_1732 = tpu.memref_squeeze %dma_wait3A_1731 : memref<1x1x1x8x128xf32, #tpu.memory_space<hbm>> -> memref<8x128xf32, #tpu.memory_space<hbm>>
        %dma_wait3A_1733 = arith.constant 0 : i32
        %dma_wait3A_1734 = arith.constant 0 : i32
        %dma_wait3A_1735 = tpu.memref_slice %arg4[%dma_wait3A_1722, %dma_wait3A_1723, %dma_wait3A_1724, %dma_wait3A_1733, %dma_wait3A_1734] : memref<50x8x128x8x128xf32, #tpu.memory_space<hbm>> -> memref<1x1x1x8x128xf32, #tpu.memory_space<hbm>>
        %dma_wait3A_1736 = tpu.memref_squeeze %dma_wait3A_1735 : memref<1x1x1x8x128xf32, #tpu.memory_space<hbm>> -> memref<8x128xf32, #tpu.memory_space<hbm>>
        %dma_wait3A_1737 = arith.constant 0 : i32
        %dma_wait3A_1738 = arith.constant 0 : i32
        %dma_wait3A_1739 = tpu.memref_slice %arg7[%dma_wait3A_1720, %dma_wait3A_1721, %dma_wait3A_1737, %dma_wait3A_1738] : memref<2x2x64x129xf32, #tpu.memory_space<vmem>> -> memref<1x1x8x128xf32, #tpu.memory_space<vmem>>
        %dma_wait3A_1740 = tpu.memref_squeeze %dma_wait3A_1739 : memref<1x1x8x128xf32, #tpu.memory_space<vmem>> -> memref<8x128xf32, #tpu.memory_space<vmem>>
        tpu.wait_dma2 semaphore(%arg9 : memref<!tpu.dma_semaphore, #tpu.memory_space<semaphore_mem>>) src(%dma_wait3A_1740 : memref<8x128xf32, #tpu.memory_space<vmem>>) dst(%dma_wait3A_1736 : memref<8x128xf32, #tpu.memory_space<hbm>>)
        %dma_wait3A_1741 = arith.constant 0 : i32
        %dma_wait3A_1742 = arith.constant 0 : i32
        %dma_wait3A_1743 = arith.constant 0 : i32
        %dma_wait3A_1744 = arith.constant 0 : i32
        %dma_wait3A_1745 = arith.constant 0 : i32
        %dma_wait3A_1746 = arith.constant 0 : i32
        %dma_wait3A_1747 = arith.constant 0 : i32
        %dma_wait3A_1748 = tpu.memref_slice %arg7[%dma_wait3A_1741, %dma_wait3A_1742, %dma_wait3A_1746, %dma_wait3A_1747] : memref<2x2x64x129xf32, #tpu.memory_space<vmem>> -> memref<1x1x8x128xf32, #tpu.memory_space<vmem>>
        %dma_wait3A_1749 = tpu.memref_squeeze %dma_wait3A_1748 : memref<1x1x8x128xf32, #tpu.memory_space<vmem>> -> memref<8x128xf32, #tpu.memory_space<vmem>>
        %dma_wait3A_1750 = arith.constant 0 : i32
        %dma_wait3A_1751 = arith.constant 0 : i32
        %dma_wait3A_1752 = tpu.memref_slice %arg4[%dma_wait3A_1743, %dma_wait3A_1744, %dma_wait3A_1745, %dma_wait3A_1750, %dma_wait3A_1751] : memref<50x8x128x8x128xf32, #tpu.memory_space<hbm>> -> memref<1x1x1x8x128xf32, #tpu.memory_space<hbm>>
        %dma_wait3A_1753 = tpu.memref_squeeze %dma_wait3A_1752 : memref<1x1x1x8x128xf32, #tpu.memory_space<hbm>> -> memref<8x128xf32, #tpu.memory_space<hbm>>
        %dma_wait3A_1754 = arith.constant 0 : i32
        %dma_wait3A_1755 = arith.constant 0 : i32
        %dma_wait3A_1756 = tpu.memref_slice %arg4[%dma_wait3A_1743, %dma_wait3A_1744, %dma_wait3A_1745, %dma_wait3A_1754, %dma_wait3A_1755] : memref<50x8x128x8x128xf32, #tpu.memory_space<hbm>> -> memref<1x1x1x8x128xf32, #tpu.memory_space<hbm>>
        %dma_wait3A_1757 = tpu.memref_squeeze %dma_wait3A_1756 : memref<1x1x1x8x128xf32, #tpu.memory_space<hbm>> -> memref<8x128xf32, #tpu.memory_space<hbm>>
        %dma_wait3A_1758 = arith.constant 0 : i32
        %dma_wait3A_1759 = arith.constant 0 : i32
        %dma_wait3A_1760 = tpu.memref_slice %arg7[%dma_wait3A_1741, %dma_wait3A_1742, %dma_wait3A_1758, %dma_wait3A_1759] : memref<2x2x64x129xf32, #tpu.memory_space<vmem>> -> memref<1x1x8x128xf32, #tpu.memory_space<vmem>>
        %dma_wait3A_1761 = tpu.memref_squeeze %dma_wait3A_1760 : memref<1x1x8x128xf32, #tpu.memory_space<vmem>> -> memref<8x128xf32, #tpu.memory_space<vmem>>
        tpu.wait_dma2 semaphore(%arg9 : memref<!tpu.dma_semaphore, #tpu.memory_space<semaphore_mem>>) src(%dma_wait3A_1761 : memref<8x128xf32, #tpu.memory_space<vmem>>) dst(%dma_wait3A_1757 : memref<8x128xf32, #tpu.memory_space<hbm>>)
        %dma_wait3A_1762 = arith.constant 0 : i32
        %dma_wait3A_1763 = arith.constant 0 : i32
        %dma_wait3A_1764 = arith.constant 0 : i32
        %dma_wait3A_1765 = arith.constant 0 : i32
        %dma_wait3A_1766 = arith.constant 0 : i32
        %dma_wait3A_1767 = arith.constant 0 : i32
        %dma_wait3A_1768 = arith.constant 0 : i32
        %dma_wait3A_1769 = tpu.memref_slice %arg7[%dma_wait3A_1762, %dma_wait3A_1763, %dma_wait3A_1767, %dma_wait3A_1768] : memref<2x2x64x129xf32, #tpu.memory_space<vmem>> -> memref<1x1x8x128xf32, #tpu.memory_space<vmem>>
        %dma_wait3A_1770 = tpu.memref_squeeze %dma_wait3A_1769 : memref<1x1x8x128xf32, #tpu.memory_space<vmem>> -> memref<8x128xf32, #tpu.memory_space<vmem>>
        %dma_wait3A_1771 = arith.constant 0 : i32
        %dma_wait3A_1772 = arith.constant 0 : i32
        %dma_wait3A_1773 = tpu.memref_slice %arg4[%dma_wait3A_1764, %dma_wait3A_1765, %dma_wait3A_1766, %dma_wait3A_1771, %dma_wait3A_1772] : memref<50x8x128x8x128xf32, #tpu.memory_space<hbm>> -> memref<1x1x1x8x128xf32, #tpu.memory_space<hbm>>
        %dma_wait3A_1774 = tpu.memref_squeeze %dma_wait3A_1773 : memref<1x1x1x8x128xf32, #tpu.memory_space<hbm>> -> memref<8x128xf32, #tpu.memory_space<hbm>>
        %dma_wait3A_1775 = arith.constant 0 : i32
        %dma_wait3A_1776 = arith.constant 0 : i32
        %dma_wait3A_1777 = tpu.memref_slice %arg4[%dma_wait3A_1764, %dma_wait3A_1765, %dma_wait3A_1766, %dma_wait3A_1775, %dma_wait3A_1776] : memref<50x8x128x8x128xf32, #tpu.memory_space<hbm>> -> memref<1x1x1x8x128xf32, #tpu.memory_space<hbm>>
        %dma_wait3A_1778 = tpu.memref_squeeze %dma_wait3A_1777 : memref<1x1x1x8x128xf32, #tpu.memory_space<hbm>> -> memref<8x128xf32, #tpu.memory_space<hbm>>
        %dma_wait3A_1779 = arith.constant 0 : i32
        %dma_wait3A_1780 = arith.constant 0 : i32
        %dma_wait3A_1781 = tpu.memref_slice %arg7[%dma_wait3A_1762, %dma_wait3A_1763, %dma_wait3A_1779, %dma_wait3A_1780] : memref<2x2x64x129xf32, #tpu.memory_space<vmem>> -> memref<1x1x8x128xf32, #tpu.memory_space<vmem>>
        %dma_wait3A_1782 = tpu.memref_squeeze %dma_wait3A_1781 : memref<1x1x8x128xf32, #tpu.memory_space<vmem>> -> memref<8x128xf32, #tpu.memory_space<vmem>>
        tpu.wait_dma2 semaphore(%arg9 : memref<!tpu.dma_semaphore, #tpu.memory_space<semaphore_mem>>) src(%dma_wait3A_1782 : memref<8x128xf32, #tpu.memory_space<vmem>>) dst(%dma_wait3A_1778 : memref<8x128xf32, #tpu.memory_space<hbm>>)
        %dma_wait3A_1783 = arith.constant 0 : i32
        %dma_wait3A_1784 = arith.constant 0 : i32
        %dma_wait3A_1785 = arith.constant 0 : i32
        %dma_wait3A_1786 = arith.constant 0 : i32
        %dma_wait3A_1787 = arith.constant 0 : i32
        %dma_wait3A_1788 = arith.constant 0 : i32
        %dma_wait3A_1789 = arith.constant 0 : i32
        %dma_wait3A_1790 = tpu.memref_slice %arg7[%dma_wait3A_1783, %dma_wait3A_1784, %dma_wait3A_1788, %dma_wait3A_1789] : memref<2x2x64x129xf32, #tpu.memory_space<vmem>> -> memref<1x1x8x128xf32, #tpu.memory_space<vmem>>
        %dma_wait3A_1791 = tpu.memref_squeeze %dma_wait3A_1790 : memref<1x1x8x128xf32, #tpu.memory_space<vmem>> -> memref<8x128xf32, #tpu.memory_space<vmem>>
        %dma_wait3A_1792 = arith.constant 0 : i32
        %dma_wait3A_1793 = arith.constant 0 : i32
        %dma_wait3A_1794 = tpu.memref_slice %arg4[%dma_wait3A_1785, %dma_wait3A_1786, %dma_wait3A_1787, %dma_wait3A_1792, %dma_wait3A_1793] : memref<50x8x128x8x128xf32, #tpu.memory_space<hbm>> -> memref<1x1x1x8x128xf32, #tpu.memory_space<hbm>>
        %dma_wait3A_1795 = tpu.memref_squeeze %dma_wait3A_1794 : memref<1x1x1x8x128xf32, #tpu.memory_space<hbm>> -> memref<8x128xf32, #tpu.memory_space<hbm>>
        %dma_wait3A_1796 = arith.constant 0 : i32
        %dma_wait3A_1797 = arith.constant 0 : i32
        %dma_wait3A_1798 = tpu.memref_slice %arg4[%dma_wait3A_1785, %dma_wait3A_1786, %dma_wait3A_1787, %dma_wait3A_1796, %dma_wait3A_1797] : memref<50x8x128x8x128xf32, #tpu.memory_space<hbm>> -> memref<1x1x1x8x128xf32, #tpu.memory_space<hbm>>
        %dma_wait3A_1799 = tpu.memref_squeeze %dma_wait3A_1798 : memref<1x1x1x8x128xf32, #tpu.memory_space<hbm>> -> memref<8x128xf32, #tpu.memory_space<hbm>>
        %dma_wait3A_1800 = arith.constant 0 : i32
        %dma_wait3A_1801 = arith.constant 0 : i32
        %dma_wait3A_1802 = tpu.memref_slice %arg7[%dma_wait3A_1783, %dma_wait3A_1784, %dma_wait3A_1800, %dma_wait3A_1801] : memref<2x2x64x129xf32, #tpu.memory_space<vmem>> -> memref<1x1x8x128xf32, #tpu.memory_space<vmem>>
        %dma_wait3A_1803 = tpu.memref_squeeze %dma_wait3A_1802 : memref<1x1x8x128xf32, #tpu.memory_space<vmem>> -> memref<8x128xf32, #tpu.memory_space<vmem>>
        tpu.wait_dma2 semaphore(%arg9 : memref<!tpu.dma_semaphore, #tpu.memory_space<semaphore_mem>>) src(%dma_wait3A_1803 : memref<8x128xf32, #tpu.memory_space<vmem>>) dst(%dma_wait3A_1799 : memref<8x128xf32, #tpu.memory_space<hbm>>)
        %dma_wait3A_1804 = arith.constant 0 : i32
        %dma_wait3A_1805 = arith.constant 0 : i32
        %dma_wait3A_1806 = arith.constant 0 : i32
        %dma_wait3A_1807 = arith.constant 0 : i32
        %dma_wait3A_1808 = arith.constant 0 : i32
        %dma_wait3A_1809 = arith.constant 0 : i32
        %dma_wait3A_1810 = arith.constant 0 : i32
        %dma_wait3A_1811 = tpu.memref_slice %arg7[%dma_wait3A_1804, %dma_wait3A_1805, %dma_wait3A_1809, %dma_wait3A_1810] : memref<2x2x64x129xf32, #tpu.memory_space<vmem>> -> memref<1x1x8x128xf32, #tpu.memory_space<vmem>>
        %dma_wait3A_1812 = tpu.memref_squeeze %dma_wait3A_1811 : memref<1x1x8x128xf32, #tpu.memory_space<vmem>> -> memref<8x128xf32, #tpu.memory_space<vmem>>
        %dma_wait3A_1813 = arith.constant 0 : i32
        %dma_wait3A_1814 = arith.constant 0 : i32
        %dma_wait3A_1815 = tpu.memref_slice %arg4[%dma_wait3A_1806, %dma_wait3A_1807, %dma_wait3A_1808, %dma_wait3A_1813, %dma_wait3A_1814] : memref<50x8x128x8x128xf32, #tpu.memory_space<hbm>> -> memref<1x1x1x8x128xf32, #tpu.memory_space<hbm>>
        %dma_wait3A_1816 = tpu.memref_squeeze %dma_wait3A_1815 : memref<1x1x1x8x128xf32, #tpu.memory_space<hbm>> -> memref<8x128xf32, #tpu.memory_space<hbm>>
        %dma_wait3A_1817 = arith.constant 0 : i32
        %dma_wait3A_1818 = arith.constant 0 : i32
        %dma_wait3A_1819 = tpu.memref_slice %arg4[%dma_wait3A_1806, %dma_wait3A_1807, %dma_wait3A_1808, %dma_wait3A_1817, %dma_wait3A_1818] : memref<50x8x128x8x128xf32, #tpu.memory_space<hbm>> -> memref<1x1x1x8x128xf32, #tpu.memory_space<hbm>>
        %dma_wait3A_1820 = tpu.memref_squeeze %dma_wait3A_1819 : memref<1x1x1x8x128xf32, #tpu.memory_space<hbm>> -> memref<8x128xf32, #tpu.memory_space<hbm>>
        %dma_wait3A_1821 = arith.constant 0 : i32
        %dma_wait3A_1822 = arith.constant 0 : i32
        %dma_wait3A_1823 = tpu.memref_slice %arg7[%dma_wait3A_1804, %dma_wait3A_1805, %dma_wait3A_1821, %dma_wait3A_1822] : memref<2x2x64x129xf32, #tpu.memory_space<vmem>> -> memref<1x1x8x128xf32, #tpu.memory_space<vmem>>
        %dma_wait3A_1824 = tpu.memref_squeeze %dma_wait3A_1823 : memref<1x1x8x128xf32, #tpu.memory_space<vmem>> -> memref<8x128xf32, #tpu.memory_space<vmem>>
        tpu.wait_dma2 semaphore(%arg9 : memref<!tpu.dma_semaphore, #tpu.memory_space<semaphore_mem>>) src(%dma_wait3A_1824 : memref<8x128xf32, #tpu.memory_space<vmem>>) dst(%dma_wait3A_1820 : memref<8x128xf32, #tpu.memory_space<hbm>>)
      } else {
      }
      %scan3A_737 = arith.constant 0 : i32
      %scan3A_738 = arith.constant 32 : i32
      %scan3A_739 = arith.addi %scan3A_737, %scan3A_738 : i32
      %scan3A_740 = arith.constant 1 : i32
      scf.for %scan3A_1489 = %scan3A_737 to %scan3A_739 step %scan3A_740  : i32 {
        %mul3A_1490 = arith.constant 8 : i32
        %mul3A_1491 = arith.muli %scan3A_1489, %mul3A_1490 : i32
        %add3A_1492 = arith.constant 0 : i32
        %add3A_1493 = arith.addi %add3A_1492, %mul3A_1491 : i32
        %add3A_1494 = arith.constant 0 : i32
        %add3A_1495 = arith.addi %add3A_1493, %add3A_1494 : i32
        %jit3A_1496 = arith.constant 128 : i32
        %div3A_1497 = arith.divsi %add3A_1495, %jit3A_1496 : i32
        %sign3A_1498 = arith.constant 0 : i32
        %sign3A_1499 = arith.cmpi sgt, %add3A_1495, %sign3A_1498 : i32
        %sign3A_1500 = arith.extui %sign3A_1499 : i1 to i32
        %sign3A_1501 = arith.constant 0 : i32
        %sign3A_1502 = arith.cmpi slt, %add3A_1495, %sign3A_1501 : i32
        %sign3A_1503 = arith.extui %sign3A_1502 : i1 to i32
        %sign3A_1504 = arith.subi %sign3A_1500, %sign3A_1503 : i32
        %sign3A_1505 = arith.constant 0 : i32
        %sign3A_1506 = arith.cmpi sgt, %jit3A_1496, %sign3A_1505 : i32
        %sign3A_1507 = arith.extui %sign3A_1506 : i1 to i32
        %sign3A_1508 = arith.constant 0 : i32
        %sign3A_1509 = arith.cmpi slt, %jit3A_1496, %sign3A_1508 : i32
        %sign3A_1510 = arith.extui %sign3A_1509 : i1 to i32
        %sign3A_1511 = arith.subi %sign3A_1507, %sign3A_1510 : i32
        %ne3A_1512 = arith.cmpi ne, %sign3A_1504, %sign3A_1511 : i32
        %rem3A_1513 = arith.remsi %add3A_1495, %jit3A_1496 : i32
        %ne3A_1514 = arith.constant 0 : i32
        %ne3A_1515 = arith.cmpi ne, %rem3A_1513, %ne3A_1514 : i32
        %and3A_1516 = arith.andi %ne3A_1512, %ne3A_1515 : i1
        %sub3A_1517 = arith.constant 1 : i32
        %sub3A_1518 = arith.subi %div3A_1497, %sub3A_1517 : i32
        %select_n3A_1519 = arith.select %and3A_1516, %sub3A_1518, %div3A_1497 : i32
        %jit3A_1520 = arith.constant 128 : i32
        %eq3A_1521 = arith.constant 0 : i32
        %eq3A_1522 = arith.cmpi eq, %jit3A_1520, %eq3A_1521 : i32
        %jit3A_1523 = arith.constant 1 : i32
        %select_n3A_1524 = arith.select %eq3A_1522, %jit3A_1523, %jit3A_1520 : i32
        %rem3A_1525 = arith.remsi %add3A_1495, %select_n3A_1524 : i32
        %ne3A_1526 = arith.constant 0 : i32
        %ne3A_1527 = arith.cmpi ne, %rem3A_1525, %ne3A_1526 : i32
        %lt3A_1528 = arith.constant 0 : i32
        %lt3A_1529 = arith.cmpi slt, %rem3A_1525, %lt3A_1528 : i32
        %lt3A_1530 = arith.constant 0 : i32
        %lt3A_1531 = arith.cmpi slt, %select_n3A_1524, %lt3A_1530 : i32
        %ne3A_1532 = arith.xori %lt3A_1529, %lt3A_1531 : i1
        %and3A_1533 = arith.andi %ne3A_1532, %ne3A_1527 : i1
        %add3A_1534 = arith.addi %rem3A_1525, %select_n3A_1524 : i32
        %select_n3A_1535 = arith.select %and3A_1533, %add3A_1534, %rem3A_1525 : i32
        %broadcast_in_dim3A = arith.constant 0 : i32
        %broadcast_in_dim3A_1536 = vector.broadcast %broadcast_in_dim3A : i32 to vector<16xi32>
        %add3A_1537 = vector.broadcast %select_n3A_1535 : i32 to vector<16xi32>
        %add3A_1538 = arith.addi %broadcast_in_dim3A_1536, %add3A_1537 : vector<16xi32>
        %get3A = arith.constant 0 : i32
        %get3A_1539 = arith.index_cast %get3A : i32 to index
        %get3A_1540 = arith.index_cast %add3A_1495 : i32 to index
        %get3A_1541 = arith.constant 0 : index
        %get3A_1542 = tpu.vector_load %arg6[%get3A_1539, %get3A_1540, %get3A_1541] {strides = array<i32>} : memref<2x256x64xf32, #tpu.memory_space<vmem>>, vector<16xf32>,
        %get3A_1543 = arith.constant 0 : i32
        %get3A_1544 = arith.index_cast %get3A_1543 : i32 to index
        %get3A_1545 = arith.index_cast %add3A_1495 : i32 to index
        %get3A_1546 = arith.constant 16 : index
        %get3A_1547 = tpu.vector_load %arg6[%get3A_1544, %get3A_1545, %get3A_1546] {strides = array<i32>} : memref<2x256x64xf32, #tpu.memory_space<vmem>>, vector<16xf32>,
        %get3A_1548 = arith.constant 0 : i32
        %get3A_1549 = arith.index_cast %get3A_1548 : i32 to index
        %get3A_1550 = arith.index_cast %add3A_1495 : i32 to index
        %get3A_1551 = arith.constant 32 : index
        %get3A_1552 = tpu.vector_load %arg6[%get3A_1549, %get3A_1550, %get3A_1551] {strides = array<i32>} : memref<2x256x64xf32, #tpu.memory_space<vmem>>, vector<16xf32>,
        %get3A_1553 = arith.constant 0 : i32
        %get3A_1554 = arith.index_cast %get3A_1553 : i32 to index
        %get3A_1555 = arith.index_cast %add3A_1495 : i32 to index
        %get3A_1556 = arith.constant 48 : index
        %get3A_1557 = tpu.vector_load %arg6[%get3A_1554, %get3A_1555, %get3A_1556] {strides = array<i32>} : memref<2x256x64xf32, #tpu.memory_space<vmem>>, vector<16xf32>,
        %scatter3A = arith.constant 0 : i32
        %scatter3A_1558 = arith.constant 0 : i32
        %scatter3A_1559 = arith.constant 0 : i32
        %scatter3A_1560 = tpu.memref_slice %arg7[%scatter3A, %select_n3A_1519, %scatter3A_1558, %scatter3A_1559] : memref<2x2x64x129xf32, #tpu.memory_space<vmem>> -> memref<1x1x64x129xf32, #tpu.memory_space<vmem>>
        %scatter3A_1561 = tpu.memref_squeeze %scatter3A_1560 : memref<1x1x64x129xf32, #tpu.memory_space<vmem>> -> memref<64x129xf32, #tpu.memory_space<vmem>>
        tpu.vector_store_idx %scatter3A_1561[%add3A_5, %add3A_1538], %get3A_1542 : memref<64x129xf32, #tpu.memory_space<vmem>>[vector<16xi32>, vector<16xi32>], vector<16xf32>,
        %scatter3A_1562 = arith.constant 0 : i32
        %scatter3A_1563 = arith.constant 0 : i32
        %scatter3A_1564 = arith.constant 0 : i32
        %scatter3A_1565 = tpu.memref_slice %arg7[%scatter3A_1562, %select_n3A_1519, %scatter3A_1563, %scatter3A_1564] : memref<2x2x64x129xf32, #tpu.memory_space<vmem>> -> memref<1x1x64x129xf32, #tpu.memory_space<vmem>>
        %scatter3A_1566 = tpu.memref_squeeze %scatter3A_1565 : memref<1x1x64x129xf32, #tpu.memory_space<vmem>> -> memref<64x129xf32, #tpu.memory_space<vmem>>
        tpu.vector_store_idx %scatter3A_1566[%add3A_8, %add3A_1538], %get3A_1547 : memref<64x129xf32, #tpu.memory_space<vmem>>[vector<16xi32>, vector<16xi32>], vector<16xf32>,
        %scatter3A_1567 = arith.constant 0 : i32
        %scatter3A_1568 = arith.constant 0 : i32
        %scatter3A_1569 = arith.constant 0 : i32
        %scatter3A_1570 = tpu.memref_slice %arg7[%scatter3A_1567, %select_n3A_1519, %scatter3A_1568, %scatter3A_1569] : memref<2x2x64x129xf32, #tpu.memory_space<vmem>> -> memref<1x1x64x129xf32, #tpu.memory_space<vmem>>
        %scatter3A_1571 = tpu.memref_squeeze %scatter3A_1570 : memref<1x1x64x129xf32, #tpu.memory_space<vmem>> -> memref<64x129xf32, #tpu.memory_space<vmem>>
        tpu.vector_store_idx %scatter3A_1571[%add3A_11, %add3A_1538], %get3A_1552 : memref<64x129xf32, #tpu.memory_space<vmem>>[vector<16xi32>, vector<16xi32>], vector<16xf32>,
        %scatter3A_1572 = arith.constant 0 : i32
        %scatter3A_1573 = arith.constant 0 : i32
        %scatter3A_1574 = arith.constant 0 : i32
        %scatter3A_1575 = tpu.memref_slice %arg7[%scatter3A_1572, %select_n3A_1519, %scatter3A_1573, %scatter3A_1574] : memref<2x2x64x129xf32, #tpu.memory_space<vmem>> -> memref<1x1x64x129xf32, #tpu.memory_space<vmem>>
        %scatter3A_1576 = tpu.memref_squeeze %scatter3A_1575 : memref<1x1x64x129xf32, #tpu.memory_space<vmem>> -> memref<64x129xf32, #tpu.memory_space<vmem>>
        tpu.vector_store_idx %scatter3A_1576[%add3A_14, %add3A_1538], %get3A_1557 : memref<64x129xf32, #tpu.memory_space<vmem>>[vector<16xi32>, vector<16xi32>], vector<16xf32>,
        %add3A_1577 = arith.constant 1 : i32
        %add3A_1578 = arith.addi %add3A_1493, %add3A_1577 : i32
        %jit3A_1579 = arith.constant 128 : i32
        %div3A_1580 = arith.divsi %add3A_1578, %jit3A_1579 : i32
        %sign3A_1581 = arith.constant 0 : i32
        %sign3A_1582 = arith.cmpi sgt, %add3A_1578, %sign3A_1581 : i32
        %sign3A_1583 = arith.extui %sign3A_1582 : i1 to i32
        %sign3A_1584 = arith.constant 0 : i32
        %sign3A_1585 = arith.cmpi slt, %add3A_1578, %sign3A_1584 : i32
        %sign3A_1586 = arith.extui %sign3A_1585 : i1 to i32
        %sign3A_1587 = arith.subi %sign3A_1583, %sign3A_1586 : i32
        %sign3A_1588 = arith.constant 0 : i32
        %sign3A_1589 = arith.cmpi sgt, %jit3A_1579, %sign3A_1588 : i32
        %sign3A_1590 = arith.extui %sign3A_1589 : i1 to i32
        %sign3A_1591 = arith.constant 0 : i32
        %sign3A_1592 = arith.cmpi slt, %jit3A_1579, %sign3A_1591 : i32
        %sign3A_1593 = arith.extui %sign3A_1592 : i1 to i32
        %sign3A_1594 = arith.subi %sign3A_1590, %sign3A_1593 : i32
        %ne3A_1595 = arith.cmpi ne, %sign3A_1587, %sign3A_1594 : i32
        %rem3A_1596 = arith.remsi %add3A_1578, %jit3A_1579 : i32
        %ne3A_1597 = arith.constant 0 : i32
        %ne3A_1598 = arith.cmpi ne, %rem3A_1596, %ne3A_1597 : i32
        %and3A_1599 = arith.andi %ne3A_1595, %ne3A_1598 : i1
        %sub3A_1600 = arith.constant 1 : i32
        %sub3A_1601 = arith.subi %div3A_1580, %sub3A_1600 : i32
        %select_n3A_1602 = arith.select %and3A_1599, %sub3A_1601, %div3A_1580 : i32
        %jit3A_1603 = arith.constant 128 : i32
        %eq3A_1604 = arith.constant 0 : i32
        %eq3A_1605 = arith.cmpi eq, %jit3A_1603, %eq3A_1604 : i32
        %jit3A_1606 = arith.constant 1 : i32
        %select_n3A_1607 = arith.select %eq3A_1605, %jit3A_1606, %jit3A_1603 : i32
        %rem3A_1608 = arith.remsi %add3A_1578, %select_n3A_1607 : i32
        %ne3A_1609 = arith.constant 0 : i32
        %ne3A_1610 = arith.cmpi ne, %rem3A_1608, %ne3A_1609 : i32
        %lt3A_1611 = arith.constant 0 : i32
        %lt3A_1612 = arith.cmpi slt, %rem3A_1608, %lt3A_1611 : i32
        %lt3A_1613 = arith.constant 0 : i32
        %lt3A_1614 = arith.cmpi slt, %select_n3A_1607, %lt3A_1613 : i32
        %ne3A_1615 = arith.xori %lt3A_1612, %lt3A_1614 : i1
        %and3A_1616 = arith.andi %ne3A_1615, %ne3A_1610 : i1
        %add3A_1617 = arith.addi %rem3A_1608, %select_n3A_1607 : i32
        %select_n3A_1618 = arith.select %and3A_1616, %add3A_1617, %rem3A_1608 : i32
        %broadcast_in_dim3A_1619 = arith.constant 0 : i32
        %broadcast_in_dim3A_1620 = vector.broadcast %broadcast_in_dim3A_1619 : i32 to vector<16xi32>
        %add3A_1621 = vector.broadcast %select_n3A_1618 : i32 to vector<16xi32>
        %add3A_1622 = arith.addi %broadcast_in_dim3A_1620, %add3A_1621 : vector<16xi32>
        %get3A_1623 = arith.constant 0 : i32
        %get3A_1624 = arith.index_cast %get3A_1623 : i32 to index
        %get3A_1625 = arith.index_cast %add3A_1578 : i32 to index
        %get3A_1626 = arith.constant 0 : index
        %get3A_1627 = tpu.vector_load %arg6[%get3A_1624, %get3A_1625, %get3A_1626] {strides = array<i32>} : memref<2x256x64xf32, #tpu.memory_space<vmem>>, vector<16xf32>,
        %get3A_1628 = arith.constant 0 : i32
        %get3A_1629 = arith.index_cast %get3A_1628 : i32 to index
        %get3A_1630 = arith.index_cast %add3A_1578 : i32 to index
        %get3A_1631 = arith.constant 16 : index
        %get3A_1632 = tpu.vector_load %arg6[%get3A_1629, %get3A_1630, %get3A_1631] {strides = array<i32>} : memref<2x256x64xf32, #tpu.memory_space<vmem>>, vector<16xf32>,
        %get3A_1633 = arith.constant 0 : i32
        %get3A_1634 = arith.index_cast %get3A_1633 : i32 to index
        %get3A_1635 = arith.index_cast %add3A_1578 : i32 to index
        %get3A_1636 = arith.constant 32 : index
        %get3A_1637 = tpu.vector_load %arg6[%get3A_1634, %get3A_1635, %get3A_1636] {strides = array<i32>} : memref<2x256x64xf32, #tpu.memory_space<vmem>>, vector<16xf32>,
        %get3A_1638 = arith.constant 0 : i32
        %get3A_1639 = arith.index_cast %get3A_1638 : i32 to index
        %get3A_1640 = arith.index_cast %add3A_1578 : i32 to index
        %get3A_1641 = arith.constant 48 : index
        %get3A_1642 = tpu.vector_load %arg6[%get3A_1639, %get3A_1640, %get3A_1641] {strides = array<i32>} : memref<2x256x64xf32, #tpu.memory_space<vmem>>, vector<16xf32>,
        %scatter3A_1643 = arith.constant 0 : i32
        %scatter3A_1644 = arith.constant 0 : i32
        %scatter3A_1645 = arith.constant 0 : i32
        %scatter3A_1646 = tpu.memref_slice %arg7[%scatter3A_1643, %select_n3A_1602, %scatter3A_1644, %scatter3A_1645] : memref<2x2x64x129xf32, #tpu.memory_space<vmem>> -> memref<1x1x64x129xf32, #tpu.memory_space<vmem>>
        %scatter3A_1647 = tpu.memref_squeeze %scatter3A_1646 : memref<1x1x64x129xf32, #tpu.memory_space<vmem>> -> memref<64x129xf32, #tpu.memory_space<vmem>>
        tpu.vector_store_idx %scatter3A_1647[%add3A_5, %add3A_1622], %get3A_1627 : memref<64x129xf32, #tpu.memory_space<vmem>>[vector<16xi32>, vector<16xi32>], vector<16xf32>,
        %scatter3A_1648 = arith.constant 0 : i32
        %scatter3A_1649 = arith.constant 0 : i32
        %scatter3A_1650 = arith.constant 0 : i32
        %scatter3A_1651 = tpu.memref_slice %arg7[%scatter3A_1648, %select_n3A_1602, %scatter3A_1649, %scatter3A_1650] : memref<2x2x64x129xf32, #tpu.memory_space<vmem>> -> memref<1x1x64x129xf32, #tpu.memory_space<vmem>>
        %scatter3A_1652 = tpu.memref_squeeze %scatter3A_1651 : memref<1x1x64x129xf32, #tpu.memory_space<vmem>> -> memref<64x129xf32, #tpu.memory_space<vmem>>
        tpu.vector_store_idx %scatter3A_1652[%add3A_8, %add3A_1622], %get3A_1632 : memref<64x129xf32, #tpu.memory_space<vmem>>[vector<16xi32>, vector<16xi32>], vector<16xf32>,
        %scatter3A_1653 = arith.constant 0 : i32
        %scatter3A_1654 = arith.constant 0 : i32
        %scatter3A_1655 = arith.constant 0 : i32
        %scatter3A_1656 = tpu.memref_slice %arg7[%scatter3A_1653, %select_n3A_1602, %scatter3A_1654, %scatter3A_1655] : memref<2x2x64x129xf32, #tpu.memory_space<vmem>> -> memref<1x1x64x129xf32, #tpu.memory_space<vmem>>
        %scatter3A_1657 = tpu.memref_squeeze %scatter3A_1656 : memref<1x1x64x129xf32, #tpu.memory_space<vmem>> -> memref<64x129xf32, #tpu.memory_space<vmem>>
        tpu.vector_store_idx %scatter3A_1657[%add3A_11, %add3A_1622], %get3A_1637 : memref<64x129xf32, #tpu.memory_space<vmem>>[vector<16xi32>, vector<16xi32>], vector<16xf32>,
        %scatter3A_1658 = arith.constant 0 : i32
        %scatter3A_1659 = arith.constant 0 : i32
        %scatter3A_1660 = arith.constant 0 : i32
        %scatter3A_1661 = tpu.memref_slice %arg7[%scatter3A_1658, %select_n3A_1602, %scatter3A_1659, %scatter3A_1660] : memref<2x2x64x129xf32, #tpu.memory_space<vmem>> -> memref<1x1x64x129xf32, #tpu.memory_space<vmem>>
        %scatter3A_1662 = tpu.memref_squeeze %scatter3A_1661 : memref<1x1x64x129xf32, #tpu.memory_space<vmem>> -> memref<64x129xf32, #tpu.memory_space<vmem>>
        tpu.vector_store_idx %scatter3A_1662[%add3A_14, %add3A_1622], %get3A_1642 : memref<64x129xf32, #tpu.memory_space<vmem>>[vector<16xi32>, vector<16xi32>], vector<16xf32>,
        %add3A_1663 = arith.constant 2 : i32
        %add3A_1664 = arith.addi %add3A_1493, %add3A_1663 : i32
        %jit3A_1665 = arith.constant 128 : i32
        %div3A_1666 = arith.divsi %add3A_1664, %jit3A_1665 : i32
        %sign3A_1667 = arith.constant 0 : i32
        %sign3A_1668 = arith.cmpi sgt, %add3A_1664, %sign3A_1667 : i32
        %sign3A_1669 = arith.extui %sign3A_1668 : i1 to i32
        %sign3A_1670 = arith.constant 0 : i32
        %sign3A_1671 = arith.cmpi slt, %add3A_1664, %sign3A_1670 : i32
        %sign3A_1672 = arith.extui %sign3A_1671 : i1 to i32
        %sign3A_1673 = arith.subi %sign3A_1669, %sign3A_1672 : i32
        %sign3A_1674 = arith.constant 0 : i32
        %sign3A_1675 = arith.cmpi sgt, %jit3A_1665, %sign3A_1674 : i32
        %sign3A_1676 = arith.extui %sign3A_1675 : i1 to i32
        %sign3A_1677 = arith.constant 0 : i32
        %sign3A_1678 = arith.cmpi slt, %jit3A_1665, %sign3A_1677 : i32
        %sign3A_1679 = arith.extui %sign3A_1678 : i1 to i32
        %sign3A_1680 = arith.subi %sign3A_1676, %sign3A_1679 : i32
        %ne3A_1681 = arith.cmpi ne, %sign3A_1673, %sign3A_1680 : i32
        %rem3A_1682 = arith.remsi %add3A_1664, %jit3A_1665 : i32
        %ne3A_1683 = arith.constant 0 : i32
        %ne3A_1684 = arith.cmpi ne, %rem3A_1682, %ne3A_1683 : i32
        %and3A_1685 = arith.andi %ne3A_1681, %ne3A_1684 : i1
        %sub3A_1686 = arith.constant 1 : i32
        %sub3A_1687 = arith.subi %div3A_1666, %sub3A_1686 : i32
        %select_n3A_1688 = arith.select %and3A_1685, %sub3A_1687, %div3A_1666 : i32
        %jit3A_1689 = arith.constant 128 : i32
        %eq3A_1690 = arith.constant 0 : i32
        %eq3A_1691 = arith.cmpi eq, %jit3A_1689, %eq3A_1690 : i32
        %jit3A_1692 = arith.constant 1 : i32
        %select_n3A_1693 = arith.select %eq3A_1691, %jit3A_1692, %jit3A_1689 : i32
        %rem3A_1694 = arith.remsi %add3A_1664, %select_n3A_1693 : i32
        %ne3A_1695 = arith.constant 0 : i32
        %ne3A_1696 = arith.cmpi ne, %rem3A_1694, %ne3A_1695 : i32
        %lt3A_1697 = arith.constant 0 : i32
        %lt3A_1698 = arith.cmpi slt, %rem3A_1694, %lt3A_1697 : i32
        %lt3A_1699 = arith.constant 0 : i32
        %lt3A_1700 = arith.cmpi slt, %select_n3A_1693, %lt3A_1699 : i32
        %ne3A_1701 = arith.xori %lt3A_1698, %lt3A_1700 : i1
        %and3A_1702 = arith.andi %ne3A_1701, %ne3A_1696 : i1
        %add3A_1703 = arith.addi %rem3A_1694, %select_n3A_1693 : i32
        %select_n3A_1704 = arith.select %and3A_1702, %add3A_1703, %rem3A_1694 : i32
        %broadcast_in_dim3A_1705 = arith.constant 0 : i32
        %broadcast_in_dim3A_1706 = vector.broadcast %broadcast_in_dim3A_1705 : i32 to vector<16xi32>
        %add3A_1707 = vector.broadcast %select_n3A_1704 : i32 to vector<16xi32>
        %add3A_1708 = arith.addi %broadcast_in_dim3A_1706, %add3A_1707 : vector<16xi32>
        %get3A_1709 = arith.constant 0 : i32
        %get3A_1710 = arith.index_cast %get3A_1709 : i32 to index
        %get3A_1711 = arith.index_cast %add3A_1664 : i32 to index
        %get3A_1712 = arith.constant 0 : index
        %get3A_1713 = tpu.vector_load %arg6[%get3A_1710, %get3A_1711, %get3A_1712] {strides = array<i32>} : memref<2x256x64xf32, #tpu.memory_space<vmem>>, vector<16xf32>,
        %get3A_1714 = arith.constant 0 : i32
        %get3A_1715 = arith.index_cast %get3A_1714 : i32 to index
        %get3A_1716 = arith.index_cast %add3A_1664 : i32 to index
        %get3A_1717 = arith.constant 16 : index
        %get3A_1718 = tpu.vector_load %arg6[%get3A_1715, %get3A_1716, %get3A_1717] {strides = array<i32>} : memref<2x256x64xf32, #tpu.memory_space<vmem>>, vector<16xf32>,
        %get3A_1719 = arith.constant 0 : i32
        %get3A_1720 = arith.index_cast %get3A_1719 : i32 to index
        %get3A_1721 = arith.index_cast %add3A_1664 : i32 to index
        %get3A_1722 = arith.constant 32 : index
        %get3A_1723 = tpu.vector_load %arg6[%get3A_1720, %get3A_1721, %get3A_1722] {strides = array<i32>} : memref<2x256x64xf32, #tpu.memory_space<vmem>>, vector<16xf32>,
        %get3A_1724 = arith.constant 0 : i32
        %get3A_1725 = arith.index_cast %get3A_1724 : i32 to index
        %get3A_1726 = arith.index_cast %add3A_1664 : i32 to index
        %get3A_1727 = arith.constant 48 : index
        %get3A_1728 = tpu.vector_load %arg6[%get3A_1725, %get3A_1726, %get3A_1727] {strides = array<i32>} : memref<2x256x64xf32, #tpu.memory_space<vmem>>, vector<16xf32>,
        %scatter3A_1729 = arith.constant 0 : i32
        %scatter3A_1730 = arith.constant 0 : i32
        %scatter3A_1731 = arith.constant 0 : i32
        %scatter3A_1732 = tpu.memref_slice %arg7[%scatter3A_1729, %select_n3A_1688, %scatter3A_1730, %scatter3A_1731] : memref<2x2x64x129xf32, #tpu.memory_space<vmem>> -> memref<1x1x64x129xf32, #tpu.memory_space<vmem>>
        %scatter3A_1733 = tpu.memref_squeeze %scatter3A_1732 : memref<1x1x64x129xf32, #tpu.memory_space<vmem>> -> memref<64x129xf32, #tpu.memory_space<vmem>>
        tpu.vector_store_idx %scatter3A_1733[%add3A_5, %add3A_1708], %get3A_1713 : memref<64x129xf32, #tpu.memory_space<vmem>>[vector<16xi32>, vector<16xi32>], vector<16xf32>,
        %scatter3A_1734 = arith.constant 0 : i32
        %scatter3A_1735 = arith.constant 0 : i32
        %scatter3A_1736 = arith.constant 0 : i32
        %scatter3A_1737 = tpu.memref_slice %arg7[%scatter3A_1734, %select_n3A_1688, %scatter3A_1735, %scatter3A_1736] : memref<2x2x64x129xf32, #tpu.memory_space<vmem>> -> memref<1x1x64x129xf32, #tpu.memory_space<vmem>>
        %scatter3A_1738 = tpu.memref_squeeze %scatter3A_1737 : memref<1x1x64x129xf32, #tpu.memory_space<vmem>> -> memref<64x129xf32, #tpu.memory_space<vmem>>
        tpu.vector_store_idx %scatter3A_1738[%add3A_8, %add3A_1708], %get3A_1718 : memref<64x129xf32, #tpu.memory_space<vmem>>[vector<16xi32>, vector<16xi32>], vector<16xf32>,
        %scatter3A_1739 = arith.constant 0 : i32
        %scatter3A_1740 = arith.constant 0 : i32
        %scatter3A_1741 = arith.constant 0 : i32
        %scatter3A_1742 = tpu.memref_slice %arg7[%scatter3A_1739, %select_n3A_1688, %scatter3A_1740, %scatter3A_1741] : memref<2x2x64x129xf32, #tpu.memory_space<vmem>> -> memref<1x1x64x129xf32, #tpu.memory_space<vmem>>
        %scatter3A_1743 = tpu.memref_squeeze %scatter3A_1742 : memref<1x1x64x129xf32, #tpu.memory_space<vmem>> -> memref<64x129xf32, #tpu.memory_space<vmem>>
        tpu.vector_store_idx %scatter3A_1743[%add3A_11, %add3A_1708], %get3A_1723 : memref<64x129xf32, #tpu.memory_space<vmem>>[vector<16xi32>, vector<16xi32>], vector<16xf32>,
        %scatter3A_1744 = arith.constant 0 : i32
        %scatter3A_1745 = arith.constant 0 : i32
        %scatter3A_1746 = arith.constant 0 : i32
        %scatter3A_1747 = tpu.memref_slice %arg7[%scatter3A_1744, %select_n3A_1688, %scatter3A_1745, %scatter3A_1746] : memref<2x2x64x129xf32, #tpu.memory_space<vmem>> -> memref<1x1x64x129xf32, #tpu.memory_space<vmem>>
        %scatter3A_1748 = tpu.memref_squeeze %scatter3A_1747 : memref<1x1x64x129xf32, #tpu.memory_space<vmem>> -> memref<64x129xf32, #tpu.memory_space<vmem>>
        tpu.vector_store_idx %scatter3A_1748[%add3A_14, %add3A_1708], %get3A_1728 : memref<64x129xf32, #tpu.memory_space<vmem>>[vector<16xi32>, vector<16xi32>], vector<16xf32>,
        %add3A_1749 = arith.constant 3 : i32
        %add3A_1750 = arith.addi %add3A_1493, %add3A_1749 : i32
        %jit3A_1751 = arith.constant 128 : i32
        %div3A_1752 = arith.divsi %add3A_1750, %jit3A_1751 : i32
        %sign3A_1753 = arith.constant 0 : i32
        %sign3A_1754 = arith.cmpi sgt, %add3A_1750, %sign3A_1753 : i32
        %sign3A_1755 = arith.extui %sign3A_1754 : i1 to i32
        %sign3A_1756 = arith.constant 0 : i32
        %sign3A_1757 = arith.cmpi slt, %add3A_1750, %sign3A_1756 : i32
        %sign3A_1758 = arith.extui %sign3A_1757 : i1 to i32
        %sign3A_1759 = arith.subi %sign3A_1755, %sign3A_1758 : i32
        %sign3A_1760 = arith.constant 0 : i32
        %sign3A_1761 = arith.cmpi sgt, %jit3A_1751, %sign3A_1760 : i32
        %sign3A_1762 = arith.extui %sign3A_1761 : i1 to i32
        %sign3A_1763 = arith.constant 0 : i32
        %sign3A_1764 = arith.cmpi slt, %jit3A_1751, %sign3A_1763 : i32
        %sign3A_1765 = arith.extui %sign3A_1764 : i1 to i32
        %sign3A_1766 = arith.subi %sign3A_1762, %sign3A_1765 : i32
        %ne3A_1767 = arith.cmpi ne, %sign3A_1759, %sign3A_1766 : i32
        %rem3A_1768 = arith.remsi %add3A_1750, %jit3A_1751 : i32
        %ne3A_1769 = arith.constant 0 : i32
        %ne3A_1770 = arith.cmpi ne, %rem3A_1768, %ne3A_1769 : i32
        %and3A_1771 = arith.andi %ne3A_1767, %ne3A_1770 : i1
        %sub3A_1772 = arith.constant 1 : i32
        %sub3A_1773 = arith.subi %div3A_1752, %sub3A_1772 : i32
        %select_n3A_1774 = arith.select %and3A_1771, %sub3A_1773, %div3A_1752 : i32
        %jit3A_1775 = arith.constant 128 : i32
        %eq3A_1776 = arith.constant 0 : i32
        %eq3A_1777 = arith.cmpi eq, %jit3A_1775, %eq3A_1776 : i32
        %jit3A_1778 = arith.constant 1 : i32
        %select_n3A_1779 = arith.select %eq3A_1777, %jit3A_1778, %jit3A_1775 : i32
        %rem3A_1780 = arith.remsi %add3A_1750, %select_n3A_1779 : i32
        %ne3A_1781 = arith.constant 0 : i32
        %ne3A_1782 = arith.cmpi ne, %rem3A_1780, %ne3A_1781 : i32
        %lt3A_1783 = arith.constant 0 : i32
        %lt3A_1784 = arith.cmpi slt, %rem3A_1780, %lt3A_1783 : i32
        %lt3A_1785 = arith.constant 0 : i32
        %lt3A_1786 = arith.cmpi slt, %select_n3A_1779, %lt3A_1785 : i32
        %ne3A_1787 = arith.xori %lt3A_1784, %lt3A_1786 : i1
        %and3A_1788 = arith.andi %ne3A_1787, %ne3A_1782 : i1
        %add3A_1789 = arith.addi %rem3A_1780, %select_n3A_1779 : i32
        %select_n3A_1790 = arith.select %and3A_1788, %add3A_1789, %rem3A_1780 : i32
        %broadcast_in_dim3A_1791 = arith.constant 0 : i32
        %broadcast_in_dim3A_1792 = vector.broadcast %broadcast_in_dim3A_1791 : i32 to vector<16xi32>
        %add3A_1793 = vector.broadcast %select_n3A_1790 : i32 to vector<16xi32>
        %add3A_1794 = arith.addi %broadcast_in_dim3A_1792, %add3A_1793 : vector<16xi32>
        %get3A_1795 = arith.constant 0 : i32
        %get3A_1796 = arith.index_cast %get3A_1795 : i32 to index
        %get3A_1797 = arith.index_cast %add3A_1750 : i32 to index
        %get3A_1798 = arith.constant 0 : index
        %get3A_1799 = tpu.vector_load %arg6[%get3A_1796, %get3A_1797, %get3A_1798] {strides = array<i32>} : memref<2x256x64xf32, #tpu.memory_space<vmem>>, vector<16xf32>,
        %get3A_1800 = arith.constant 0 : i32
        %get3A_1801 = arith.index_cast %get3A_1800 : i32 to index
        %get3A_1802 = arith.index_cast %add3A_1750 : i32 to index
        %get3A_1803 = arith.constant 16 : index
        %get3A_1804 = tpu.vector_load %arg6[%get3A_1801, %get3A_1802, %get3A_1803] {strides = array<i32>} : memref<2x256x64xf32, #tpu.memory_space<vmem>>, vector<16xf32>,
        %get3A_1805 = arith.constant 0 : i32
        %get3A_1806 = arith.index_cast %get3A_1805 : i32 to index
        %get3A_1807 = arith.index_cast %add3A_1750 : i32 to index
        %get3A_1808 = arith.constant 32 : index
        %get3A_1809 = tpu.vector_load %arg6[%get3A_1806, %get3A_1807, %get3A_1808] {strides = array<i32>} : memref<2x256x64xf32, #tpu.memory_space<vmem>>, vector<16xf32>,
        %get3A_1810 = arith.constant 0 : i32
        %get3A_1811 = arith.index_cast %get3A_1810 : i32 to index
        %get3A_1812 = arith.index_cast %add3A_1750 : i32 to index
        %get3A_1813 = arith.constant 48 : index
        %get3A_1814 = tpu.vector_load %arg6[%get3A_1811, %get3A_1812, %get3A_1813] {strides = array<i32>} : memref<2x256x64xf32, #tpu.memory_space<vmem>>, vector<16xf32>,
        %scatter3A_1815 = arith.constant 0 : i32
        %scatter3A_1816 = arith.constant 0 : i32
        %scatter3A_1817 = arith.constant 0 : i32
        %scatter3A_1818 = tpu.memref_slice %arg7[%scatter3A_1815, %select_n3A_1774, %scatter3A_1816, %scatter3A_1817] : memref<2x2x64x129xf32, #tpu.memory_space<vmem>> -> memref<1x1x64x129xf32, #tpu.memory_space<vmem>>
        %scatter3A_1819 = tpu.memref_squeeze %scatter3A_1818 : memref<1x1x64x129xf32, #tpu.memory_space<vmem>> -> memref<64x129xf32, #tpu.memory_space<vmem>>
        tpu.vector_store_idx %scatter3A_1819[%add3A_5, %add3A_1794], %get3A_1799 : memref<64x129xf32, #tpu.memory_space<vmem>>[vector<16xi32>, vector<16xi32>], vector<16xf32>,
        %scatter3A_1820 = arith.constant 0 : i32
        %scatter3A_1821 = arith.constant 0 : i32
        %scatter3A_1822 = arith.constant 0 : i32
        %scatter3A_1823 = tpu.memref_slice %arg7[%scatter3A_1820, %select_n3A_1774, %scatter3A_1821, %scatter3A_1822] : memref<2x2x64x129xf32, #tpu.memory_space<vmem>> -> memref<1x1x64x129xf32, #tpu.memory_space<vmem>>
        %scatter3A_1824 = tpu.memref_squeeze %scatter3A_1823 : memref<1x1x64x129xf32, #tpu.memory_space<vmem>> -> memref<64x129xf32, #tpu.memory_space<vmem>>
        tpu.vector_store_idx %scatter3A_1824[%add3A_8, %add3A_1794], %get3A_1804 : memref<64x129xf32, #tpu.memory_space<vmem>>[vector<16xi32>, vector<16xi32>], vector<16xf32>,
        %scatter3A_1825 = arith.constant 0 : i32
        %scatter3A_1826 = arith.constant 0 : i32
        %scatter3A_1827 = arith.constant 0 : i32
        %scatter3A_1828 = tpu.memref_slice %arg7[%scatter3A_1825, %select_n3A_1774, %scatter3A_1826, %scatter3A_1827] : memref<2x2x64x129xf32, #tpu.memory_space<vmem>> -> memref<1x1x64x129xf32, #tpu.memory_space<vmem>>
        %scatter3A_1829 = tpu.memref_squeeze %scatter3A_1828 : memref<1x1x64x129xf32, #tpu.memory_space<vmem>> -> memref<64x129xf32, #tpu.memory_space<vmem>>
        tpu.vector_store_idx %scatter3A_1829[%add3A_11, %add3A_1794], %get3A_1809 : memref<64x129xf32, #tpu.memory_space<vmem>>[vector<16xi32>, vector<16xi32>], vector<16xf32>,
        %scatter3A_1830 = arith.constant 0 : i32
        %scatter3A_1831 = arith.constant 0 : i32
        %scatter3A_1832 = arith.constant 0 : i32
        %scatter3A_1833 = tpu.memref_slice %arg7[%scatter3A_1830, %select_n3A_1774, %scatter3A_1831, %scatter3A_1832] : memref<2x2x64x129xf32, #tpu.memory_space<vmem>> -> memref<1x1x64x129xf32, #tpu.memory_space<vmem>>
        %scatter3A_1834 = tpu.memref_squeeze %scatter3A_1833 : memref<1x1x64x129xf32, #tpu.memory_space<vmem>> -> memref<64x129xf32, #tpu.memory_space<vmem>>
        tpu.vector_store_idx %scatter3A_1834[%add3A_14, %add3A_1794], %get3A_1814 : memref<64x129xf32, #tpu.memory_space<vmem>>[vector<16xi32>, vector<16xi32>], vector<16xf32>,
        %add3A_1835 = arith.constant 4 : i32
        %add3A_1836 = arith.addi %add3A_1493, %add3A_1835 : i32
        %jit3A_1837 = arith.constant 128 : i32
        %div3A_1838 = arith.divsi %add3A_1836, %jit3A_1837 : i32
        %sign3A_1839 = arith.constant 0 : i32
        %sign3A_1840 = arith.cmpi sgt, %add3A_1836, %sign3A_1839 : i32
        %sign3A_1841 = arith.extui %sign3A_1840 : i1 to i32
        %sign3A_1842 = arith.constant 0 : i32
        %sign3A_1843 = arith.cmpi slt, %add3A_1836, %sign3A_1842 : i32
        %sign3A_1844 = arith.extui %sign3A_1843 : i1 to i32
        %sign3A_1845 = arith.subi %sign3A_1841, %sign3A_1844 : i32
        %sign3A_1846 = arith.constant 0 : i32
        %sign3A_1847 = arith.cmpi sgt, %jit3A_1837, %sign3A_1846 : i32
        %sign3A_1848 = arith.extui %sign3A_1847 : i1 to i32
        %sign3A_1849 = arith.constant 0 : i32
        %sign3A_1850 = arith.cmpi slt, %jit3A_1837, %sign3A_1849 : i32
        %sign3A_1851 = arith.extui %sign3A_1850 : i1 to i32
        %sign3A_1852 = arith.subi %sign3A_1848, %sign3A_1851 : i32
        %ne3A_1853 = arith.cmpi ne, %sign3A_1845, %sign3A_1852 : i32
        %rem3A_1854 = arith.remsi %add3A_1836, %jit3A_1837 : i32
        %ne3A_1855 = arith.constant 0 : i32
        %ne3A_1856 = arith.cmpi ne, %rem3A_1854, %ne3A_1855 : i32
        %and3A_1857 = arith.andi %ne3A_1853, %ne3A_1856 : i1
        %sub3A_1858 = arith.constant 1 : i32
        %sub3A_1859 = arith.subi %div3A_1838, %sub3A_1858 : i32
        %select_n3A_1860 = arith.select %and3A_1857, %sub3A_1859, %div3A_1838 : i32
        %jit3A_1861 = arith.constant 128 : i32
        %eq3A_1862 = arith.constant 0 : i32
        %eq3A_1863 = arith.cmpi eq, %jit3A_1861, %eq3A_1862 : i32
        %jit3A_1864 = arith.constant 1 : i32
        %select_n3A_1865 = arith.select %eq3A_1863, %jit3A_1864, %jit3A_1861 : i32
        %rem3A_1866 = arith.remsi %add3A_1836, %select_n3A_1865 : i32
        %ne3A_1867 = arith.constant 0 : i32
        %ne3A_1868 = arith.cmpi ne, %rem3A_1866, %ne3A_1867 : i32
        %lt3A_1869 = arith.constant 0 : i32
        %lt3A_1870 = arith.cmpi slt, %rem3A_1866, %lt3A_1869 : i32
        %lt3A_1871 = arith.constant 0 : i32
        %lt3A_1872 = arith.cmpi slt, %select_n3A_1865, %lt3A_1871 : i32
        %ne3A_1873 = arith.xori %lt3A_1870, %lt3A_1872 : i1
        %and3A_1874 = arith.andi %ne3A_1873, %ne3A_1868 : i1
        %add3A_1875 = arith.addi %rem3A_1866, %select_n3A_1865 : i32
        %select_n3A_1876 = arith.select %and3A_1874, %add3A_1875, %rem3A_1866 : i32
        %broadcast_in_dim3A_1877 = arith.constant 0 : i32
        %broadcast_in_dim3A_1878 = vector.broadcast %broadcast_in_dim3A_1877 : i32 to vector<16xi32>
        %add3A_1879 = vector.broadcast %select_n3A_1876 : i32 to vector<16xi32>
        %add3A_1880 = arith.addi %broadcast_in_dim3A_1878, %add3A_1879 : vector<16xi32>
        %get3A_1881 = arith.constant 0 : i32
        %get3A_1882 = arith.index_cast %get3A_1881 : i32 to index
        %get3A_1883 = arith.index_cast %add3A_1836 : i32 to index
        %get3A_1884 = arith.constant 0 : index
        %get3A_1885 = tpu.vector_load %arg6[%get3A_1882, %get3A_1883, %get3A_1884] {strides = array<i32>} : memref<2x256x64xf32, #tpu.memory_space<vmem>>, vector<16xf32>,
        %get3A_1886 = arith.constant 0 : i32
        %get3A_1887 = arith.index_cast %get3A_1886 : i32 to index
        %get3A_1888 = arith.index_cast %add3A_1836 : i32 to index
        %get3A_1889 = arith.constant 16 : index
        %get3A_1890 = tpu.vector_load %arg6[%get3A_1887, %get3A_1888, %get3A_1889] {strides = array<i32>} : memref<2x256x64xf32, #tpu.memory_space<vmem>>, vector<16xf32>,
        %get3A_1891 = arith.constant 0 : i32
        %get3A_1892 = arith.index_cast %get3A_1891 : i32 to index
        %get3A_1893 = arith.index_cast %add3A_1836 : i32 to index
        %get3A_1894 = arith.constant 32 : index
        %get3A_1895 = tpu.vector_load %arg6[%get3A_1892, %get3A_1893, %get3A_1894] {strides = array<i32>} : memref<2x256x64xf32, #tpu.memory_space<vmem>>, vector<16xf32>,
        %get3A_1896 = arith.constant 0 : i32
        %get3A_1897 = arith.index_cast %get3A_1896 : i32 to index
        %get3A_1898 = arith.index_cast %add3A_1836 : i32 to index
        %get3A_1899 = arith.constant 48 : index
        %get3A_1900 = tpu.vector_load %arg6[%get3A_1897, %get3A_1898, %get3A_1899] {strides = array<i32>} : memref<2x256x64xf32, #tpu.memory_space<vmem>>, vector<16xf32>,
        %scatter3A_1901 = arith.constant 0 : i32
        %scatter3A_1902 = arith.constant 0 : i32
        %scatter3A_1903 = arith.constant 0 : i32
        %scatter3A_1904 = tpu.memref_slice %arg7[%scatter3A_1901, %select_n3A_1860, %scatter3A_1902, %scatter3A_1903] : memref<2x2x64x129xf32, #tpu.memory_space<vmem>> -> memref<1x1x64x129xf32, #tpu.memory_space<vmem>>
        %scatter3A_1905 = tpu.memref_squeeze %scatter3A_1904 : memref<1x1x64x129xf32, #tpu.memory_space<vmem>> -> memref<64x129xf32, #tpu.memory_space<vmem>>
        tpu.vector_store_idx %scatter3A_1905[%add3A_5, %add3A_1880], %get3A_1885 : memref<64x129xf32, #tpu.memory_space<vmem>>[vector<16xi32>, vector<16xi32>], vector<16xf32>,
        %scatter3A_1906 = arith.constant 0 : i32
        %scatter3A_1907 = arith.constant 0 : i32
        %scatter3A_1908 = arith.constant 0 : i32
        %scatter3A_1909 = tpu.memref_slice %arg7[%scatter3A_1906, %select_n3A_1860, %scatter3A_1907, %scatter3A_1908] : memref<2x2x64x129xf32, #tpu.memory_space<vmem>> -> memref<1x1x64x129xf32, #tpu.memory_space<vmem>>
        %scatter3A_1910 = tpu.memref_squeeze %scatter3A_1909 : memref<1x1x64x129xf32, #tpu.memory_space<vmem>> -> memref<64x129xf32, #tpu.memory_space<vmem>>
        tpu.vector_store_idx %scatter3A_1910[%add3A_8, %add3A_1880], %get3A_1890 : memref<64x129xf32, #tpu.memory_space<vmem>>[vector<16xi32>, vector<16xi32>], vector<16xf32>,
        %scatter3A_1911 = arith.constant 0 : i32
        %scatter3A_1912 = arith.constant 0 : i32
        %scatter3A_1913 = arith.constant 0 : i32
        %scatter3A_1914 = tpu.memref_slice %arg7[%scatter3A_1911, %select_n3A_1860, %scatter3A_1912, %scatter3A_1913] : memref<2x2x64x129xf32, #tpu.memory_space<vmem>> -> memref<1x1x64x129xf32, #tpu.memory_space<vmem>>
        %scatter3A_1915 = tpu.memref_squeeze %scatter3A_1914 : memref<1x1x64x129xf32, #tpu.memory_space<vmem>> -> memref<64x129xf32, #tpu.memory_space<vmem>>
        tpu.vector_store_idx %scatter3A_1915[%add3A_11, %add3A_1880], %get3A_1895 : memref<64x129xf32, #tpu.memory_space<vmem>>[vector<16xi32>, vector<16xi32>], vector<16xf32>,
        %scatter3A_1916 = arith.constant 0 : i32
        %scatter3A_1917 = arith.constant 0 : i32
        %scatter3A_1918 = arith.constant 0 : i32
        %scatter3A_1919 = tpu.memref_slice %arg7[%scatter3A_1916, %select_n3A_1860, %scatter3A_1917, %scatter3A_1918] : memref<2x2x64x129xf32, #tpu.memory_space<vmem>> -> memref<1x1x64x129xf32, #tpu.memory_space<vmem>>
        %scatter3A_1920 = tpu.memref_squeeze %scatter3A_1919 : memref<1x1x64x129xf32, #tpu.memory_space<vmem>> -> memref<64x129xf32, #tpu.memory_space<vmem>>
        tpu.vector_store_idx %scatter3A_1920[%add3A_14, %add3A_1880], %get3A_1900 : memref<64x129xf32, #tpu.memory_space<vmem>>[vector<16xi32>, vector<16xi32>], vector<16xf32>,
        %add3A_1921 = arith.constant 5 : i32
        %add3A_1922 = arith.addi %add3A_1493, %add3A_1921 : i32
        %jit3A_1923 = arith.constant 128 : i32
        %div3A_1924 = arith.divsi %add3A_1922, %jit3A_1923 : i32
        %sign3A_1925 = arith.constant 0 : i32
        %sign3A_1926 = arith.cmpi sgt, %add3A_1922, %sign3A_1925 : i32
        %sign3A_1927 = arith.extui %sign3A_1926 : i1 to i32
        %sign3A_1928 = arith.constant 0 : i32
        %sign3A_1929 = arith.cmpi slt, %add3A_1922, %sign3A_1928 : i32
        %sign3A_1930 = arith.extui %sign3A_1929 : i1 to i32
        %sign3A_1931 = arith.subi %sign3A_1927, %sign3A_1930 : i32
        %sign3A_1932 = arith.constant 0 : i32
        %sign3A_1933 = arith.cmpi sgt, %jit3A_1923, %sign3A_1932 : i32
        %sign3A_1934 = arith.extui %sign3A_1933 : i1 to i32
        %sign3A_1935 = arith.constant 0 : i32
        %sign3A_1936 = arith.cmpi slt, %jit3A_1923, %sign3A_1935 : i32
        %sign3A_1937 = arith.extui %sign3A_1936 : i1 to i32
        %sign3A_1938 = arith.subi %sign3A_1934, %sign3A_1937 : i32
        %ne3A_1939 = arith.cmpi ne, %sign3A_1931, %sign3A_1938 : i32
        %rem3A_1940 = arith.remsi %add3A_1922, %jit3A_1923 : i32
        %ne3A_1941 = arith.constant 0 : i32
        %ne3A_1942 = arith.cmpi ne, %rem3A_1940, %ne3A_1941 : i32
        %and3A_1943 = arith.andi %ne3A_1939, %ne3A_1942 : i1
        %sub3A_1944 = arith.constant 1 : i32
        %sub3A_1945 = arith.subi %div3A_1924, %sub3A_1944 : i32
        %select_n3A_1946 = arith.select %and3A_1943, %sub3A_1945, %div3A_1924 : i32
        %jit3A_1947 = arith.constant 128 : i32
        %eq3A_1948 = arith.constant 0 : i32
        %eq3A_1949 = arith.cmpi eq, %jit3A_1947, %eq3A_1948 : i32
        %jit3A_1950 = arith.constant 1 : i32
        %select_n3A_1951 = arith.select %eq3A_1949, %jit3A_1950, %jit3A_1947 : i32
        %rem3A_1952 = arith.remsi %add3A_1922, %select_n3A_1951 : i32
        %ne3A_1953 = arith.constant 0 : i32
        %ne3A_1954 = arith.cmpi ne, %rem3A_1952, %ne3A_1953 : i32
        %lt3A_1955 = arith.constant 0 : i32
        %lt3A_1956 = arith.cmpi slt, %rem3A_1952, %lt3A_1955 : i32
        %lt3A_1957 = arith.constant 0 : i32
        %lt3A_1958 = arith.cmpi slt, %select_n3A_1951, %lt3A_1957 : i32
        %ne3A_1959 = arith.xori %lt3A_1956, %lt3A_1958 : i1
        %and3A_1960 = arith.andi %ne3A_1959, %ne3A_1954 : i1
        %add3A_1961 = arith.addi %rem3A_1952, %select_n3A_1951 : i32
        %select_n3A_1962 = arith.select %and3A_1960, %add3A_1961, %rem3A_1952 : i32
        %broadcast_in_dim3A_1963 = arith.constant 0 : i32
        %broadcast_in_dim3A_1964 = vector.broadcast %broadcast_in_dim3A_1963 : i32 to vector<16xi32>
        %add3A_1965 = vector.broadcast %select_n3A_1962 : i32 to vector<16xi32>
        %add3A_1966 = arith.addi %broadcast_in_dim3A_1964, %add3A_1965 : vector<16xi32>
        %get3A_1967 = arith.constant 0 : i32
        %get3A_1968 = arith.index_cast %get3A_1967 : i32 to index
        %get3A_1969 = arith.index_cast %add3A_1922 : i32 to index
        %get3A_1970 = arith.constant 0 : index
        %get3A_1971 = tpu.vector_load %arg6[%get3A_1968, %get3A_1969, %get3A_1970] {strides = array<i32>} : memref<2x256x64xf32, #tpu.memory_space<vmem>>, vector<16xf32>,
        %get3A_1972 = arith.constant 0 : i32
        %get3A_1973 = arith.index_cast %get3A_1972 : i32 to index
        %get3A_1974 = arith.index_cast %add3A_1922 : i32 to index
        %get3A_1975 = arith.constant 16 : index
        %get3A_1976 = tpu.vector_load %arg6[%get3A_1973, %get3A_1974, %get3A_1975] {strides = array<i32>} : memref<2x256x64xf32, #tpu.memory_space<vmem>>, vector<16xf32>,
        %get3A_1977 = arith.constant 0 : i32
        %get3A_1978 = arith.index_cast %get3A_1977 : i32 to index
        %get3A_1979 = arith.index_cast %add3A_1922 : i32 to index
        %get3A_1980 = arith.constant 32 : index
        %get3A_1981 = tpu.vector_load %arg6[%get3A_1978, %get3A_1979, %get3A_1980] {strides = array<i32>} : memref<2x256x64xf32, #tpu.memory_space<vmem>>, vector<16xf32>,
        %get3A_1982 = arith.constant 0 : i32
        %get3A_1983 = arith.index_cast %get3A_1982 : i32 to index
        %get3A_1984 = arith.index_cast %add3A_1922 : i32 to index
        %get3A_1985 = arith.constant 48 : index
        %get3A_1986 = tpu.vector_load %arg6[%get3A_1983, %get3A_1984, %get3A_1985] {strides = array<i32>} : memref<2x256x64xf32, #tpu.memory_space<vmem>>, vector<16xf32>,
        %scatter3A_1987 = arith.constant 0 : i32
        %scatter3A_1988 = arith.constant 0 : i32
        %scatter3A_1989 = arith.constant 0 : i32
        %scatter3A_1990 = tpu.memref_slice %arg7[%scatter3A_1987, %select_n3A_1946, %scatter3A_1988, %scatter3A_1989] : memref<2x2x64x129xf32, #tpu.memory_space<vmem>> -> memref<1x1x64x129xf32, #tpu.memory_space<vmem>>
        %scatter3A_1991 = tpu.memref_squeeze %scatter3A_1990 : memref<1x1x64x129xf32, #tpu.memory_space<vmem>> -> memref<64x129xf32, #tpu.memory_space<vmem>>
        tpu.vector_store_idx %scatter3A_1991[%add3A_5, %add3A_1966], %get3A_1971 : memref<64x129xf32, #tpu.memory_space<vmem>>[vector<16xi32>, vector<16xi32>], vector<16xf32>,
        %scatter3A_1992 = arith.constant 0 : i32
        %scatter3A_1993 = arith.constant 0 : i32
        %scatter3A_1994 = arith.constant 0 : i32
        %scatter3A_1995 = tpu.memref_slice %arg7[%scatter3A_1992, %select_n3A_1946, %scatter3A_1993, %scatter3A_1994] : memref<2x2x64x129xf32, #tpu.memory_space<vmem>> -> memref<1x1x64x129xf32, #tpu.memory_space<vmem>>
        %scatter3A_1996 = tpu.memref_squeeze %scatter3A_1995 : memref<1x1x64x129xf32, #tpu.memory_space<vmem>> -> memref<64x129xf32, #tpu.memory_space<vmem>>
        tpu.vector_store_idx %scatter3A_1996[%add3A_8, %add3A_1966], %get3A_1976 : memref<64x129xf32, #tpu.memory_space<vmem>>[vector<16xi32>, vector<16xi32>], vector<16xf32>,
        %scatter3A_1997 = arith.constant 0 : i32
        %scatter3A_1998 = arith.constant 0 : i32
        %scatter3A_1999 = arith.constant 0 : i32
        %scatter3A_2000 = tpu.memref_slice %arg7[%scatter3A_1997, %select_n3A_1946, %scatter3A_1998, %scatter3A_1999] : memref<2x2x64x129xf32, #tpu.memory_space<vmem>> -> memref<1x1x64x129xf32, #tpu.memory_space<vmem>>
        %scatter3A_2001 = tpu.memref_squeeze %scatter3A_2000 : memref<1x1x64x129xf32, #tpu.memory_space<vmem>> -> memref<64x129xf32, #tpu.memory_space<vmem>>
        tpu.vector_store_idx %scatter3A_2001[%add3A_11, %add3A_1966], %get3A_1981 : memref<64x129xf32, #tpu.memory_space<vmem>>[vector<16xi32>, vector<16xi32>], vector<16xf32>,
        %scatter3A_2002 = arith.constant 0 : i32
        %scatter3A_2003 = arith.constant 0 : i32
        %scatter3A_2004 = arith.constant 0 : i32
        %scatter3A_2005 = tpu.memref_slice %arg7[%scatter3A_2002, %select_n3A_1946, %scatter3A_2003, %scatter3A_2004] : memref<2x2x64x129xf32, #tpu.memory_space<vmem>> -> memref<1x1x64x129xf32, #tpu.memory_space<vmem>>
        %scatter3A_2006 = tpu.memref_squeeze %scatter3A_2005 : memref<1x1x64x129xf32, #tpu.memory_space<vmem>> -> memref<64x129xf32, #tpu.memory_space<vmem>>
        tpu.vector_store_idx %scatter3A_2006[%add3A_14, %add3A_1966], %get3A_1986 : memref<64x129xf32, #tpu.memory_space<vmem>>[vector<16xi32>, vector<16xi32>], vector<16xf32>,
        %add3A_2007 = arith.constant 6 : i32
        %add3A_2008 = arith.addi %add3A_1493, %add3A_2007 : i32
        %jit3A_2009 = arith.constant 128 : i32
        %div3A_2010 = arith.divsi %add3A_2008, %jit3A_2009 : i32
        %sign3A_2011 = arith.constant 0 : i32
        %sign3A_2012 = arith.cmpi sgt, %add3A_2008, %sign3A_2011 : i32
        %sign3A_2013 = arith.extui %sign3A_2012 : i1 to i32
        %sign3A_2014 = arith.constant 0 : i32
        %sign3A_2015 = arith.cmpi slt, %add3A_2008, %sign3A_2014 : i32
        %sign3A_2016 = arith.extui %sign3A_2015 : i1 to i32
        %sign3A_2017 = arith.subi %sign3A_2013, %sign3A_2016 : i32
        %sign3A_2018 = arith.constant 0 : i32
        %sign3A_2019 = arith.cmpi sgt, %jit3A_2009, %sign3A_2018 : i32
        %sign3A_2020 = arith.extui %sign3A_2019 : i1 to i32
        %sign3A_2021 = arith.constant 0 : i32
        %sign3A_2022 = arith.cmpi slt, %jit3A_2009, %sign3A_2021 : i32
        %sign3A_2023 = arith.extui %sign3A_2022 : i1 to i32
        %sign3A_2024 = arith.subi %sign3A_2020, %sign3A_2023 : i32
        %ne3A_2025 = arith.cmpi ne, %sign3A_2017, %sign3A_2024 : i32
        %rem3A_2026 = arith.remsi %add3A_2008, %jit3A_2009 : i32
        %ne3A_2027 = arith.constant 0 : i32
        %ne3A_2028 = arith.cmpi ne, %rem3A_2026, %ne3A_2027 : i32
        %and3A_2029 = arith.andi %ne3A_2025, %ne3A_2028 : i1
        %sub3A_2030 = arith.constant 1 : i32
        %sub3A_2031 = arith.subi %div3A_2010, %sub3A_2030 : i32
        %select_n3A_2032 = arith.select %and3A_2029, %sub3A_2031, %div3A_2010 : i32
        %jit3A_2033 = arith.constant 128 : i32
        %eq3A_2034 = arith.constant 0 : i32
        %eq3A_2035 = arith.cmpi eq, %jit3A_2033, %eq3A_2034 : i32
        %jit3A_2036 = arith.constant 1 : i32
        %select_n3A_2037 = arith.select %eq3A_2035, %jit3A_2036, %jit3A_2033 : i32
        %rem3A_2038 = arith.remsi %add3A_2008, %select_n3A_2037 : i32
        %ne3A_2039 = arith.constant 0 : i32
        %ne3A_2040 = arith.cmpi ne, %rem3A_2038, %ne3A_2039 : i32
        %lt3A_2041 = arith.constant 0 : i32
        %lt3A_2042 = arith.cmpi slt, %rem3A_2038, %lt3A_2041 : i32
        %lt3A_2043 = arith.constant 0 : i32
        %lt3A_2044 = arith.cmpi slt, %select_n3A_2037, %lt3A_2043 : i32
        %ne3A_2045 = arith.xori %lt3A_2042, %lt3A_2044 : i1
        %and3A_2046 = arith.andi %ne3A_2045, %ne3A_2040 : i1
        %add3A_2047 = arith.addi %rem3A_2038, %select_n3A_2037 : i32
        %select_n3A_2048 = arith.select %and3A_2046, %add3A_2047, %rem3A_2038 : i32
        %broadcast_in_dim3A_2049 = arith.constant 0 : i32
        %broadcast_in_dim3A_2050 = vector.broadcast %broadcast_in_dim3A_2049 : i32 to vector<16xi32>
        %add3A_2051 = vector.broadcast %select_n3A_2048 : i32 to vector<16xi32>
        %add3A_2052 = arith.addi %broadcast_in_dim3A_2050, %add3A_2051 : vector<16xi32>
        %get3A_2053 = arith.constant 0 : i32
        %get3A_2054 = arith.index_cast %get3A_2053 : i32 to index
        %get3A_2055 = arith.index_cast %add3A_2008 : i32 to index
        %get3A_2056 = arith.constant 0 : index
        %get3A_2057 = tpu.vector_load %arg6[%get3A_2054, %get3A_2055, %get3A_2056] {strides = array<i32>} : memref<2x256x64xf32, #tpu.memory_space<vmem>>, vector<16xf32>,
        %get3A_2058 = arith.constant 0 : i32
        %get3A_2059 = arith.index_cast %get3A_2058 : i32 to index
        %get3A_2060 = arith.index_cast %add3A_2008 : i32 to index
        %get3A_2061 = arith.constant 16 : index
        %get3A_2062 = tpu.vector_load %arg6[%get3A_2059, %get3A_2060, %get3A_2061] {strides = array<i32>} : memref<2x256x64xf32, #tpu.memory_space<vmem>>, vector<16xf32>,
        %get3A_2063 = arith.constant 0 : i32
        %get3A_2064 = arith.index_cast %get3A_2063 : i32 to index
        %get3A_2065 = arith.index_cast %add3A_2008 : i32 to index
        %get3A_2066 = arith.constant 32 : index
        %get3A_2067 = tpu.vector_load %arg6[%get3A_2064, %get3A_2065, %get3A_2066] {strides = array<i32>} : memref<2x256x64xf32, #tpu.memory_space<vmem>>, vector<16xf32>,
        %get3A_2068 = arith.constant 0 : i32
        %get3A_2069 = arith.index_cast %get3A_2068 : i32 to index
        %get3A_2070 = arith.index_cast %add3A_2008 : i32 to index
        %get3A_2071 = arith.constant 48 : index
        %get3A_2072 = tpu.vector_load %arg6[%get3A_2069, %get3A_2070, %get3A_2071] {strides = array<i32>} : memref<2x256x64xf32, #tpu.memory_space<vmem>>, vector<16xf32>,
        %scatter3A_2073 = arith.constant 0 : i32
        %scatter3A_2074 = arith.constant 0 : i32
        %scatter3A_2075 = arith.constant 0 : i32
        %scatter3A_2076 = tpu.memref_slice %arg7[%scatter3A_2073, %select_n3A_2032, %scatter3A_2074, %scatter3A_2075] : memref<2x2x64x129xf32, #tpu.memory_space<vmem>> -> memref<1x1x64x129xf32, #tpu.memory_space<vmem>>
        %scatter3A_2077 = tpu.memref_squeeze %scatter3A_2076 : memref<1x1x64x129xf32, #tpu.memory_space<vmem>> -> memref<64x129xf32, #tpu.memory_space<vmem>>
        tpu.vector_store_idx %scatter3A_2077[%add3A_5, %add3A_2052], %get3A_2057 : memref<64x129xf32, #tpu.memory_space<vmem>>[vector<16xi32>, vector<16xi32>], vector<16xf32>,
        %scatter3A_2078 = arith.constant 0 : i32
        %scatter3A_2079 = arith.constant 0 : i32
        %scatter3A_2080 = arith.constant 0 : i32
        %scatter3A_2081 = tpu.memref_slice %arg7[%scatter3A_2078, %select_n3A_2032, %scatter3A_2079, %scatter3A_2080] : memref<2x2x64x129xf32, #tpu.memory_space<vmem>> -> memref<1x1x64x129xf32, #tpu.memory_space<vmem>>
        %scatter3A_2082 = tpu.memref_squeeze %scatter3A_2081 : memref<1x1x64x129xf32, #tpu.memory_space<vmem>> -> memref<64x129xf32, #tpu.memory_space<vmem>>
        tpu.vector_store_idx %scatter3A_2082[%add3A_8, %add3A_2052], %get3A_2062 : memref<64x129xf32, #tpu.memory_space<vmem>>[vector<16xi32>, vector<16xi32>], vector<16xf32>,
        %scatter3A_2083 = arith.constant 0 : i32
        %scatter3A_2084 = arith.constant 0 : i32
        %scatter3A_2085 = arith.constant 0 : i32
        %scatter3A_2086 = tpu.memref_slice %arg7[%scatter3A_2083, %select_n3A_2032, %scatter3A_2084, %scatter3A_2085] : memref<2x2x64x129xf32, #tpu.memory_space<vmem>> -> memref<1x1x64x129xf32, #tpu.memory_space<vmem>>
        %scatter3A_2087 = tpu.memref_squeeze %scatter3A_2086 : memref<1x1x64x129xf32, #tpu.memory_space<vmem>> -> memref<64x129xf32, #tpu.memory_space<vmem>>
        tpu.vector_store_idx %scatter3A_2087[%add3A_11, %add3A_2052], %get3A_2067 : memref<64x129xf32, #tpu.memory_space<vmem>>[vector<16xi32>, vector<16xi32>], vector<16xf32>,
        %scatter3A_2088 = arith.constant 0 : i32
        %scatter3A_2089 = arith.constant 0 : i32
        %scatter3A_2090 = arith.constant 0 : i32
        %scatter3A_2091 = tpu.memref_slice %arg7[%scatter3A_2088, %select_n3A_2032, %scatter3A_2089, %scatter3A_2090] : memref<2x2x64x129xf32, #tpu.memory_space<vmem>> -> memref<1x1x64x129xf32, #tpu.memory_space<vmem>>
        %scatter3A_2092 = tpu.memref_squeeze %scatter3A_2091 : memref<1x1x64x129xf32, #tpu.memory_space<vmem>> -> memref<64x129xf32, #tpu.memory_space<vmem>>
        tpu.vector_store_idx %scatter3A_2092[%add3A_14, %add3A_2052], %get3A_2072 : memref<64x129xf32, #tpu.memory_space<vmem>>[vector<16xi32>, vector<16xi32>], vector<16xf32>,
        %add3A_2093 = arith.constant 7 : i32
        %add3A_2094 = arith.addi %add3A_1493, %add3A_2093 : i32
        %jit3A_2095 = arith.constant 128 : i32
        %div3A_2096 = arith.divsi %add3A_2094, %jit3A_2095 : i32
        %sign3A_2097 = arith.constant 0 : i32
        %sign3A_2098 = arith.cmpi sgt, %add3A_2094, %sign3A_2097 : i32
        %sign3A_2099 = arith.extui %sign3A_2098 : i1 to i32
        %sign3A_2100 = arith.constant 0 : i32
        %sign3A_2101 = arith.cmpi slt, %add3A_2094, %sign3A_2100 : i32
        %sign3A_2102 = arith.extui %sign3A_2101 : i1 to i32
        %sign3A_2103 = arith.subi %sign3A_2099, %sign3A_2102 : i32
        %sign3A_2104 = arith.constant 0 : i32
        %sign3A_2105 = arith.cmpi sgt, %jit3A_2095, %sign3A_2104 : i32
        %sign3A_2106 = arith.extui %sign3A_2105 : i1 to i32
        %sign3A_2107 = arith.constant 0 : i32
        %sign3A_2108 = arith.cmpi slt, %jit3A_2095, %sign3A_2107 : i32
        %sign3A_2109 = arith.extui %sign3A_2108 : i1 to i32
        %sign3A_2110 = arith.subi %sign3A_2106, %sign3A_2109 : i32
        %ne3A_2111 = arith.cmpi ne, %sign3A_2103, %sign3A_2110 : i32
        %rem3A_2112 = arith.remsi %add3A_2094, %jit3A_2095 : i32
        %ne3A_2113 = arith.constant 0 : i32
        %ne3A_2114 = arith.cmpi ne, %rem3A_2112, %ne3A_2113 : i32
        %and3A_2115 = arith.andi %ne3A_2111, %ne3A_2114 : i1
        %sub3A_2116 = arith.constant 1 : i32
        %sub3A_2117 = arith.subi %div3A_2096, %sub3A_2116 : i32
        %select_n3A_2118 = arith.select %and3A_2115, %sub3A_2117, %div3A_2096 : i32
        %jit3A_2119 = arith.constant 128 : i32
        %eq3A_2120 = arith.constant 0 : i32
        %eq3A_2121 = arith.cmpi eq, %jit3A_2119, %eq3A_2120 : i32
        %jit3A_2122 = arith.constant 1 : i32
        %select_n3A_2123 = arith.select %eq3A_2121, %jit3A_2122, %jit3A_2119 : i32
        %rem3A_2124 = arith.remsi %add3A_2094, %select_n3A_2123 : i32
        %ne3A_2125 = arith.constant 0 : i32
        %ne3A_2126 = arith.cmpi ne, %rem3A_2124, %ne3A_2125 : i32
        %lt3A_2127 = arith.constant 0 : i32
        %lt3A_2128 = arith.cmpi slt, %rem3A_2124, %lt3A_2127 : i32
        %lt3A_2129 = arith.constant 0 : i32
        %lt3A_2130 = arith.cmpi slt, %select_n3A_2123, %lt3A_2129 : i32
        %ne3A_2131 = arith.xori %lt3A_2128, %lt3A_2130 : i1
        %and3A_2132 = arith.andi %ne3A_2131, %ne3A_2126 : i1
        %add3A_2133 = arith.addi %rem3A_2124, %select_n3A_2123 : i32
        %select_n3A_2134 = arith.select %and3A_2132, %add3A_2133, %rem3A_2124 : i32
        %broadcast_in_dim3A_2135 = arith.constant 0 : i32
        %broadcast_in_dim3A_2136 = vector.broadcast %broadcast_in_dim3A_2135 : i32 to vector<16xi32>
        %add3A_2137 = vector.broadcast %select_n3A_2134 : i32 to vector<16xi32>
        %add3A_2138 = arith.addi %broadcast_in_dim3A_2136, %add3A_2137 : vector<16xi32>
        %get3A_2139 = arith.constant 0 : i32
        %get3A_2140 = arith.index_cast %get3A_2139 : i32 to index
        %get3A_2141 = arith.index_cast %add3A_2094 : i32 to index
        %get3A_2142 = arith.constant 0 : index
        %get3A_2143 = tpu.vector_load %arg6[%get3A_2140, %get3A_2141, %get3A_2142] {strides = array<i32>} : memref<2x256x64xf32, #tpu.memory_space<vmem>>, vector<16xf32>,
        %get3A_2144 = arith.constant 0 : i32
        %get3A_2145 = arith.index_cast %get3A_2144 : i32 to index
        %get3A_2146 = arith.index_cast %add3A_2094 : i32 to index
        %get3A_2147 = arith.constant 16 : index
        %get3A_2148 = tpu.vector_load %arg6[%get3A_2145, %get3A_2146, %get3A_2147] {strides = array<i32>} : memref<2x256x64xf32, #tpu.memory_space<vmem>>, vector<16xf32>,
        %get3A_2149 = arith.constant 0 : i32
        %get3A_2150 = arith.index_cast %get3A_2149 : i32 to index
        %get3A_2151 = arith.index_cast %add3A_2094 : i32 to index
        %get3A_2152 = arith.constant 32 : index
        %get3A_2153 = tpu.vector_load %arg6[%get3A_2150, %get3A_2151, %get3A_2152] {strides = array<i32>} : memref<2x256x64xf32, #tpu.memory_space<vmem>>, vector<16xf32>,
        %get3A_2154 = arith.constant 0 : i32
        %get3A_2155 = arith.index_cast %get3A_2154 : i32 to index
        %get3A_2156 = arith.index_cast %add3A_2094 : i32 to index
        %get3A_2157 = arith.constant 48 : index
        %get3A_2158 = tpu.vector_load %arg6[%get3A_2155, %get3A_2156, %get3A_2157] {strides = array<i32>} : memref<2x256x64xf32, #tpu.memory_space<vmem>>, vector<16xf32>,
        %scatter3A_2159 = arith.constant 0 : i32
        %scatter3A_2160 = arith.constant 0 : i32
        %scatter3A_2161 = arith.constant 0 : i32
        %scatter3A_2162 = tpu.memref_slice %arg7[%scatter3A_2159, %select_n3A_2118, %scatter3A_2160, %scatter3A_2161] : memref<2x2x64x129xf32, #tpu.memory_space<vmem>> -> memref<1x1x64x129xf32, #tpu.memory_space<vmem>>
        %scatter3A_2163 = tpu.memref_squeeze %scatter3A_2162 : memref<1x1x64x129xf32, #tpu.memory_space<vmem>> -> memref<64x129xf32, #tpu.memory_space<vmem>>
        tpu.vector_store_idx %scatter3A_2163[%add3A_5, %add3A_2138], %get3A_2143 : memref<64x129xf32, #tpu.memory_space<vmem>>[vector<16xi32>, vector<16xi32>], vector<16xf32>,
        %scatter3A_2164 = arith.constant 0 : i32
        %scatter3A_2165 = arith.constant 0 : i32
        %scatter3A_2166 = arith.constant 0 : i32
        %scatter3A_2167 = tpu.memref_slice %arg7[%scatter3A_2164, %select_n3A_2118, %scatter3A_2165, %scatter3A_2166] : memref<2x2x64x129xf32, #tpu.memory_space<vmem>> -> memref<1x1x64x129xf32, #tpu.memory_space<vmem>>
        %scatter3A_2168 = tpu.memref_squeeze %scatter3A_2167 : memref<1x1x64x129xf32, #tpu.memory_space<vmem>> -> memref<64x129xf32, #tpu.memory_space<vmem>>
        tpu.vector_store_idx %scatter3A_2168[%add3A_8, %add3A_2138], %get3A_2148 : memref<64x129xf32, #tpu.memory_space<vmem>>[vector<16xi32>, vector<16xi32>], vector<16xf32>,
        %scatter3A_2169 = arith.constant 0 : i32
        %scatter3A_2170 = arith.constant 0 : i32
        %scatter3A_2171 = arith.constant 0 : i32
        %scatter3A_2172 = tpu.memref_slice %arg7[%scatter3A_2169, %select_n3A_2118, %scatter3A_2170, %scatter3A_2171] : memref<2x2x64x129xf32, #tpu.memory_space<vmem>> -> memref<1x1x64x129xf32, #tpu.memory_space<vmem>>
        %scatter3A_2173 = tpu.memref_squeeze %scatter3A_2172 : memref<1x1x64x129xf32, #tpu.memory_space<vmem>> -> memref<64x129xf32, #tpu.memory_space<vmem>>
        tpu.vector_store_idx %scatter3A_2173[%add3A_11, %add3A_2138], %get3A_2153 : memref<64x129xf32, #tpu.memory_space<vmem>>[vector<16xi32>, vector<16xi32>], vector<16xf32>,
        %scatter3A_2174 = arith.constant 0 : i32
        %scatter3A_2175 = arith.constant 0 : i32
        %scatter3A_2176 = arith.constant 0 : i32
        %scatter3A_2177 = tpu.memref_slice %arg7[%scatter3A_2174, %select_n3A_2118, %scatter3A_2175, %scatter3A_2176] : memref<2x2x64x129xf32, #tpu.memory_space<vmem>> -> memref<1x1x64x129xf32, #tpu.memory_space<vmem>>
        %scatter3A_2178 = tpu.memref_squeeze %scatter3A_2177 : memref<1x1x64x129xf32, #tpu.memory_space<vmem>> -> memref<64x129xf32, #tpu.memory_space<vmem>>
        tpu.vector_store_idx %scatter3A_2178[%add3A_14, %add3A_2138], %get3A_2158 : memref<64x129xf32, #tpu.memory_space<vmem>>[vector<16xi32>, vector<16xi32>], vector<16xf32>,
      }
      %scan3A_741 = arith.constant 32 : i32
      %jit3A = arith.constant 2 : i32
      %div3A = arith.divsi %add3A_719, %jit3A : i32
      %sign3A = arith.constant 0 : i32
      %sign3A_742 = arith.cmpi sgt, %add3A_719, %sign3A : i32
      %sign3A_743 = arith.extui %sign3A_742 : i1 to i32
      %sign3A_744 = arith.constant 0 : i32
      %sign3A_745 = arith.cmpi slt, %add3A_719, %sign3A_744 : i32
      %sign3A_746 = arith.extui %sign3A_745 : i1 to i32
      %sign3A_747 = arith.subi %sign3A_743, %sign3A_746 : i32
      %sign3A_748 = arith.constant 0 : i32
      %sign3A_749 = arith.cmpi sgt, %jit3A, %sign3A_748 : i32
      %sign3A_750 = arith.extui %sign3A_749 : i1 to i32
      %sign3A_751 = arith.constant 0 : i32
      %sign3A_752 = arith.cmpi slt, %jit3A, %sign3A_751 : i32
      %sign3A_753 = arith.extui %sign3A_752 : i1 to i32
      %sign3A_754 = arith.subi %sign3A_750, %sign3A_753 : i32
      %ne3A = arith.cmpi ne, %sign3A_747, %sign3A_754 : i32
      %rem3A = arith.remsi %add3A_719, %jit3A : i32
      %ne3A_755 = arith.constant 0 : i32
      %ne3A_756 = arith.cmpi ne, %rem3A, %ne3A_755 : i32
      %and3A = arith.andi %ne3A, %ne3A_756 : i1
      %sub3A = arith.constant 1 : i32
      %sub3A_757 = arith.subi %div3A, %sub3A : i32
      %select_n3A = arith.select %and3A, %sub3A_757, %div3A : i32
      %jit3A_758 = arith.constant 2 : i32
      %eq3A = arith.constant 0 : i32
      %eq3A_759 = arith.cmpi eq, %jit3A_758, %eq3A : i32
      %jit3A_760 = arith.constant 1 : i32
      %select_n3A_761 = arith.select %eq3A_759, %jit3A_760, %jit3A_758 : i32
      %rem3A_762 = arith.remsi %add3A_719, %select_n3A_761 : i32
      %ne3A_763 = arith.constant 0 : i32
      %ne3A_764 = arith.cmpi ne, %rem3A_762, %ne3A_763 : i32
      %lt3A = arith.constant 0 : i32
      %lt3A_765 = arith.cmpi slt, %rem3A_762, %lt3A : i32
      %lt3A_766 = arith.constant 0 : i32
      %lt3A_767 = arith.cmpi slt, %select_n3A_761, %lt3A_766 : i32
      %ne3A_768 = arith.xori %lt3A_765, %lt3A_767 : i1
      %and3A_769 = arith.andi %ne3A_768, %ne3A_764 : i1
      %add3A_770 = arith.addi %rem3A_762, %select_n3A_761 : i32
      %select_n3A_771 = arith.select %and3A_769, %add3A_770, %rem3A_762 : i32
      %mul3A_772 = arith.constant 4 : i32
      %mul3A_773 = arith.muli %add3A, %mul3A_772 : i32
      %mul3A_774 = arith.constant 2 : i32
      %mul3A_775 = arith.muli %select_n3A_771, %mul3A_774 : i32
      %add3A_776 = arith.addi %mul3A_773, %mul3A_775 : i32
      %add3A_777 = arith.constant 0 : i32
      %add3A_778 = arith.addi %add3A_776, %add3A_777 : i32
      %dma_start3A_779 = arith.constant 0 : i32
      %dma_start3A_780 = arith.constant 0 : i32
      %dma_start3A_781 = arith.constant 0 : i32
      %dma_start3A_782 = arith.constant 0 : i32
      %dma_start3A_783 = arith.constant 0 : i32
      %dma_start3A_784 = tpu.memref_slice %arg7[%dma_start3A_779, %dma_start3A_780, %dma_start3A_782, %dma_start3A_783] : memref<2x2x64x129xf32, #tpu.memory_space<vmem>> -> memref<1x1x8x128xf32, #tpu.memory_space<vmem>>
      %dma_start3A_785 = tpu.memref_squeeze %dma_start3A_784 : memref<1x1x8x128xf32, #tpu.memory_space<vmem>> -> memref<8x128xf32, #tpu.memory_space<vmem>>
      %dma_start3A_786 = arith.constant 0 : i32
      %dma_start3A_787 = arith.constant 0 : i32
      %dma_start3A_788 = tpu.memref_slice %arg4[%select_n3A, %dma_start3A_781, %add3A_778, %dma_start3A_786, %dma_start3A_787] : memref<50x8x128x8x128xf32, #tpu.memory_space<hbm>> -> memref<1x1x1x8x128xf32, #tpu.memory_space<hbm>>
      %dma_start3A_789 = tpu.memref_squeeze %dma_start3A_788 : memref<1x1x1x8x128xf32, #tpu.memory_space<hbm>> -> memref<8x128xf32, #tpu.memory_space<hbm>>
      %dma_start3A_790 = arith.constant 0 : i32
      %dma_start3A_791 = arith.constant 0 : i32
      %dma_start3A_792 = tpu.memref_slice %arg4[%select_n3A, %dma_start3A_781, %add3A_778, %dma_start3A_790, %dma_start3A_791] : memref<50x8x128x8x128xf32, #tpu.memory_space<hbm>> -> memref<1x1x1x8x128xf32, #tpu.memory_space<hbm>>
      %dma_start3A_793 = tpu.memref_squeeze %dma_start3A_792 : memref<1x1x1x8x128xf32, #tpu.memory_space<hbm>> -> memref<8x128xf32, #tpu.memory_space<hbm>>
      %dma_start3A_794 = arith.constant 0 : i32
      %dma_start3A_795 = arith.constant 0 : i32
      %dma_start3A_796 = tpu.memref_slice %arg7[%dma_start3A_779, %dma_start3A_780, %dma_start3A_794, %dma_start3A_795] : memref<2x2x64x129xf32, #tpu.memory_space<vmem>> -> memref<1x1x8x128xf32, #tpu.memory_space<vmem>>
      %dma_start3A_797 = tpu.memref_squeeze %dma_start3A_796 : memref<1x1x8x128xf32, #tpu.memory_space<vmem>> -> memref<8x128xf32, #tpu.memory_space<vmem>>
      tpu.enqueue_dma source(%dma_start3A_797 : memref<8x128xf32, #tpu.memory_space<vmem>>) target(%dma_start3A_793 : memref<8x128xf32, #tpu.memory_space<hbm>>) target_semaphore(%arg9 : memref<!tpu.dma_semaphore, #tpu.memory_space<semaphore_mem>>)
      %dma_start3A_798 = arith.constant 0 : i32
      %dma_start3A_799 = arith.constant 0 : i32
      %dma_start3A_800 = arith.constant 1 : i32
      %dma_start3A_801 = arith.constant 8 : i32
      %dma_start3A_802 = arith.constant 0 : i32
      %dma_start3A_803 = tpu.memref_slice %arg7[%dma_start3A_798, %dma_start3A_799, %dma_start3A_801, %dma_start3A_802] : memref<2x2x64x129xf32, #tpu.memory_space<vmem>> -> memref<1x1x8x128xf32, #tpu.memory_space<vmem>>
      %dma_start3A_804 = tpu.memref_squeeze %dma_start3A_803 : memref<1x1x8x128xf32, #tpu.memory_space<vmem>> -> memref<8x128xf32, #tpu.memory_space<vmem>>
      %dma_start3A_805 = arith.constant 0 : i32
      %dma_start3A_806 = arith.constant 0 : i32
      %dma_start3A_807 = tpu.memref_slice %arg4[%select_n3A, %dma_start3A_800, %add3A_778, %dma_start3A_805, %dma_start3A_806] : memref<50x8x128x8x128xf32, #tpu.memory_space<hbm>> -> memref<1x1x1x8x128xf32, #tpu.memory_space<hbm>>
      %dma_start3A_808 = tpu.memref_squeeze %dma_start3A_807 : memref<1x1x1x8x128xf32, #tpu.memory_space<hbm>> -> memref<8x128xf32, #tpu.memory_space<hbm>>
      %dma_start3A_809 = arith.constant 0 : i32
      %dma_start3A_810 = arith.constant 0 : i32
      %dma_start3A_811 = tpu.memref_slice %arg4[%select_n3A, %dma_start3A_800, %add3A_778, %dma_start3A_809, %dma_start3A_810] : memref<50x8x128x8x128xf32, #tpu.memory_space<hbm>> -> memref<1x1x1x8x128xf32, #tpu.memory_space<hbm>>
      %dma_start3A_812 = tpu.memref_squeeze %dma_start3A_811 : memref<1x1x1x8x128xf32, #tpu.memory_space<hbm>> -> memref<8x128xf32, #tpu.memory_space<hbm>>
      %dma_start3A_813 = arith.constant 8 : i32
      %dma_start3A_814 = arith.constant 0 : i32
      %dma_start3A_815 = tpu.memref_slice %arg7[%dma_start3A_798, %dma_start3A_799, %dma_start3A_813, %dma_start3A_814] : memref<2x2x64x129xf32, #tpu.memory_space<vmem>> -> memref<1x1x8x128xf32, #tpu.memory_space<vmem>>
      %dma_start3A_816 = tpu.memref_squeeze %dma_start3A_815 : memref<1x1x8x128xf32, #tpu.memory_space<vmem>> -> memref<8x128xf32, #tpu.memory_space<vmem>>
      tpu.enqueue_dma source(%dma_start3A_816 : memref<8x128xf32, #tpu.memory_space<vmem>>) target(%dma_start3A_812 : memref<8x128xf32, #tpu.memory_space<hbm>>) target_semaphore(%arg9 : memref<!tpu.dma_semaphore, #tpu.memory_space<semaphore_mem>>)
      %dma_start3A_817 = arith.constant 0 : i32
      %dma_start3A_818 = arith.constant 0 : i32
      %dma_start3A_819 = arith.constant 2 : i32
      %dma_start3A_820 = arith.constant 16 : i32
      %dma_start3A_821 = arith.constant 0 : i32
      %dma_start3A_822 = tpu.memref_slice %arg7[%dma_start3A_817, %dma_start3A_818, %dma_start3A_820, %dma_start3A_821] : memref<2x2x64x129xf32, #tpu.memory_space<vmem>> -> memref<1x1x8x128xf32, #tpu.memory_space<vmem>>
      %dma_start3A_823 = tpu.memref_squeeze %dma_start3A_822 : memref<1x1x8x128xf32, #tpu.memory_space<vmem>> -> memref<8x128xf32, #tpu.memory_space<vmem>>
      %dma_start3A_824 = arith.constant 0 : i32
      %dma_start3A_825 = arith.constant 0 : i32
      %dma_start3A_826 = tpu.memref_slice %arg4[%select_n3A, %dma_start3A_819, %add3A_778, %dma_start3A_824, %dma_start3A_825] : memref<50x8x128x8x128xf32, #tpu.memory_space<hbm>> -> memref<1x1x1x8x128xf32, #tpu.memory_space<hbm>>
      %dma_start3A_827 = tpu.memref_squeeze %dma_start3A_826 : memref<1x1x1x8x128xf32, #tpu.memory_space<hbm>> -> memref<8x128xf32, #tpu.memory_space<hbm>>
      %dma_start3A_828 = arith.constant 0 : i32
      %dma_start3A_829 = arith.constant 0 : i32
      %dma_start3A_830 = tpu.memref_slice %arg4[%select_n3A, %dma_start3A_819, %add3A_778, %dma_start3A_828, %dma_start3A_829] : memref<50x8x128x8x128xf32, #tpu.memory_space<hbm>> -> memref<1x1x1x8x128xf32, #tpu.memory_space<hbm>>
      %dma_start3A_831 = tpu.memref_squeeze %dma_start3A_830 : memref<1x1x1x8x128xf32, #tpu.memory_space<hbm>> -> memref<8x128xf32, #tpu.memory_space<hbm>>
      %dma_start3A_832 = arith.constant 16 : i32
      %dma_start3A_833 = arith.constant 0 : i32
      %dma_start3A_834 = tpu.memref_slice %arg7[%dma_start3A_817, %dma_start3A_818, %dma_start3A_832, %dma_start3A_833] : memref<2x2x64x129xf32, #tpu.memory_space<vmem>> -> memref<1x1x8x128xf32, #tpu.memory_space<vmem>>
      %dma_start3A_835 = tpu.memref_squeeze %dma_start3A_834 : memref<1x1x8x128xf32, #tpu.memory_space<vmem>> -> memref<8x128xf32, #tpu.memory_space<vmem>>
      tpu.enqueue_dma source(%dma_start3A_835 : memref<8x128xf32, #tpu.memory_space<vmem>>) target(%dma_start3A_831 : memref<8x128xf32, #tpu.memory_space<hbm>>) target_semaphore(%arg9 : memref<!tpu.dma_semaphore, #tpu.memory_space<semaphore_mem>>)
      %dma_start3A_836 = arith.constant 0 : i32
      %dma_start3A_837 = arith.constant 0 : i32
      %dma_start3A_838 = arith.constant 3 : i32
      %dma_start3A_839 = arith.constant 24 : i32
      %dma_start3A_840 = arith.constant 0 : i32
      %dma_start3A_841 = tpu.memref_slice %arg7[%dma_start3A_836, %dma_start3A_837, %dma_start3A_839, %dma_start3A_840] : memref<2x2x64x129xf32, #tpu.memory_space<vmem>> -> memref<1x1x8x128xf32, #tpu.memory_space<vmem>>
      %dma_start3A_842 = tpu.memref_squeeze %dma_start3A_841 : memref<1x1x8x128xf32, #tpu.memory_space<vmem>> -> memref<8x128xf32, #tpu.memory_space<vmem>>
      %dma_start3A_843 = arith.constant 0 : i32
      %dma_start3A_844 = arith.constant 0 : i32
      %dma_start3A_845 = tpu.memref_slice %arg4[%select_n3A, %dma_start3A_838, %add3A_778, %dma_start3A_843, %dma_start3A_844] : memref<50x8x128x8x128xf32, #tpu.memory_space<hbm>> -> memref<1x1x1x8x128xf32, #tpu.memory_space<hbm>>
      %dma_start3A_846 = tpu.memref_squeeze %dma_start3A_845 : memref<1x1x1x8x128xf32, #tpu.memory_space<hbm>> -> memref<8x128xf32, #tpu.memory_space<hbm>>
      %dma_start3A_847 = arith.constant 0 : i32
      %dma_start3A_848 = arith.constant 0 : i32
      %dma_start3A_849 = tpu.memref_slice %arg4[%select_n3A, %dma_start3A_838, %add3A_778, %dma_start3A_847, %dma_start3A_848] : memref<50x8x128x8x128xf32, #tpu.memory_space<hbm>> -> memref<1x1x1x8x128xf32, #tpu.memory_space<hbm>>
      %dma_start3A_850 = tpu.memref_squeeze %dma_start3A_849 : memref<1x1x1x8x128xf32, #tpu.memory_space<hbm>> -> memref<8x128xf32, #tpu.memory_space<hbm>>
      %dma_start3A_851 = arith.constant 24 : i32
      %dma_start3A_852 = arith.constant 0 : i32
      %dma_start3A_853 = tpu.memref_slice %arg7[%dma_start3A_836, %dma_start3A_837, %dma_start3A_851, %dma_start3A_852] : memref<2x2x64x129xf32, #tpu.memory_space<vmem>> -> memref<1x1x8x128xf32, #tpu.memory_space<vmem>>
      %dma_start3A_854 = tpu.memref_squeeze %dma_start3A_853 : memref<1x1x8x128xf32, #tpu.memory_space<vmem>> -> memref<8x128xf32, #tpu.memory_space<vmem>>
      tpu.enqueue_dma source(%dma_start3A_854 : memref<8x128xf32, #tpu.memory_space<vmem>>) target(%dma_start3A_850 : memref<8x128xf32, #tpu.memory_space<hbm>>) target_semaphore(%arg9 : memref<!tpu.dma_semaphore, #tpu.memory_space<semaphore_mem>>)
      %dma_start3A_855 = arith.constant 0 : i32
      %dma_start3A_856 = arith.constant 0 : i32
      %dma_start3A_857 = arith.constant 4 : i32
      %dma_start3A_858 = arith.constant 32 : i32
      %dma_start3A_859 = arith.constant 0 : i32
      %dma_start3A_860 = tpu.memref_slice %arg7[%dma_start3A_855, %dma_start3A_856, %dma_start3A_858, %dma_start3A_859] : memref<2x2x64x129xf32, #tpu.memory_space<vmem>> -> memref<1x1x8x128xf32, #tpu.memory_space<vmem>>
      %dma_start3A_861 = tpu.memref_squeeze %dma_start3A_860 : memref<1x1x8x128xf32, #tpu.memory_space<vmem>> -> memref<8x128xf32, #tpu.memory_space<vmem>>
      %dma_start3A_862 = arith.constant 0 : i32
      %dma_start3A_863 = arith.constant 0 : i32
      %dma_start3A_864 = tpu.memref_slice %arg4[%select_n3A, %dma_start3A_857, %add3A_778, %dma_start3A_862, %dma_start3A_863] : memref<50x8x128x8x128xf32, #tpu.memory_space<hbm>> -> memref<1x1x1x8x128xf32, #tpu.memory_space<hbm>>
      %dma_start3A_865 = tpu.memref_squeeze %dma_start3A_864 : memref<1x1x1x8x128xf32, #tpu.memory_space<hbm>> -> memref<8x128xf32, #tpu.memory_space<hbm>>
      %dma_start3A_866 = arith.constant 0 : i32
      %dma_start3A_867 = arith.constant 0 : i32
      %dma_start3A_868 = tpu.memref_slice %arg4[%select_n3A, %dma_start3A_857, %add3A_778, %dma_start3A_866, %dma_start3A_867] : memref<50x8x128x8x128xf32, #tpu.memory_space<hbm>> -> memref<1x1x1x8x128xf32, #tpu.memory_space<hbm>>
      %dma_start3A_869 = tpu.memref_squeeze %dma_start3A_868 : memref<1x1x1x8x128xf32, #tpu.memory_space<hbm>> -> memref<8x128xf32, #tpu.memory_space<hbm>>
      %dma_start3A_870 = arith.constant 32 : i32
      %dma_start3A_871 = arith.constant 0 : i32
      %dma_start3A_872 = tpu.memref_slice %arg7[%dma_start3A_855, %dma_start3A_856, %dma_start3A_870, %dma_start3A_871] : memref<2x2x64x129xf32, #tpu.memory_space<vmem>> -> memref<1x1x8x128xf32, #tpu.memory_space<vmem>>
      %dma_start3A_873 = tpu.memref_squeeze %dma_start3A_872 : memref<1x1x8x128xf32, #tpu.memory_space<vmem>> -> memref<8x128xf32, #tpu.memory_space<vmem>>
      tpu.enqueue_dma source(%dma_start3A_873 : memref<8x128xf32, #tpu.memory_space<vmem>>) target(%dma_start3A_869 : memref<8x128xf32, #tpu.memory_space<hbm>>) target_semaphore(%arg9 : memref<!tpu.dma_semaphore, #tpu.memory_space<semaphore_mem>>)
      %dma_start3A_874 = arith.constant 0 : i32
      %dma_start3A_875 = arith.constant 0 : i32
      %dma_start3A_876 = arith.constant 5 : i32
      %dma_start3A_877 = arith.constant 40 : i32
      %dma_start3A_878 = arith.constant 0 : i32
      %dma_start3A_879 = tpu.memref_slice %arg7[%dma_start3A_874, %dma_start3A_875, %dma_start3A_877, %dma_start3A_878] : memref<2x2x64x129xf32, #tpu.memory_space<vmem>> -> memref<1x1x8x128xf32, #tpu.memory_space<vmem>>
      %dma_start3A_880 = tpu.memref_squeeze %dma_start3A_879 : memref<1x1x8x128xf32, #tpu.memory_space<vmem>> -> memref<8x128xf32, #tpu.memory_space<vmem>>
      %dma_start3A_881 = arith.constant 0 : i32
      %dma_start3A_882 = arith.constant 0 : i32
      %dma_start3A_883 = tpu.memref_slice %arg4[%select_n3A, %dma_start3A_876, %add3A_778, %dma_start3A_881, %dma_start3A_882] : memref<50x8x128x8x128xf32, #tpu.memory_space<hbm>> -> memref<1x1x1x8x128xf32, #tpu.memory_space<hbm>>
      %dma_start3A_884 = tpu.memref_squeeze %dma_start3A_883 : memref<1x1x1x8x128xf32, #tpu.memory_space<hbm>> -> memref<8x128xf32, #tpu.memory_space<hbm>>
      %dma_start3A_885 = arith.constant 0 : i32
      %dma_start3A_886 = arith.constant 0 : i32
      %dma_start3A_887 = tpu.memref_slice %arg4[%select_n3A, %dma_start3A_876, %add3A_778, %dma_start3A_885, %dma_start3A_886] : memref<50x8x128x8x128xf32, #tpu.memory_space<hbm>> -> memref<1x1x1x8x128xf32, #tpu.memory_space<hbm>>
      %dma_start3A_888 = tpu.memref_squeeze %dma_start3A_887 : memref<1x1x1x8x128xf32, #tpu.memory_space<hbm>> -> memref<8x128xf32, #tpu.memory_space<hbm>>
      %dma_start3A_889 = arith.constant 40 : i32
      %dma_start3A_890 = arith.constant 0 : i32
      %dma_start3A_891 = tpu.memref_slice %arg7[%dma_start3A_874, %dma_start3A_875, %dma_start3A_889, %dma_start3A_890] : memref<2x2x64x129xf32, #tpu.memory_space<vmem>> -> memref<1x1x8x128xf32, #tpu.memory_space<vmem>>
      %dma_start3A_892 = tpu.memref_squeeze %dma_start3A_891 : memref<1x1x8x128xf32, #tpu.memory_space<vmem>> -> memref<8x128xf32, #tpu.memory_space<vmem>>
      tpu.enqueue_dma source(%dma_start3A_892 : memref<8x128xf32, #tpu.memory_space<vmem>>) target(%dma_start3A_888 : memref<8x128xf32, #tpu.memory_space<hbm>>) target_semaphore(%arg9 : memref<!tpu.dma_semaphore, #tpu.memory_space<semaphore_mem>>)
      %dma_start3A_893 = arith.constant 0 : i32
      %dma_start3A_894 = arith.constant 0 : i32
      %dma_start3A_895 = arith.constant 6 : i32
      %dma_start3A_896 = arith.constant 48 : i32
      %dma_start3A_897 = arith.constant 0 : i32
      %dma_start3A_898 = tpu.memref_slice %arg7[%dma_start3A_893, %dma_start3A_894, %dma_start3A_896, %dma_start3A_897] : memref<2x2x64x129xf32, #tpu.memory_space<vmem>> -> memref<1x1x8x128xf32, #tpu.memory_space<vmem>>
      %dma_start3A_899 = tpu.memref_squeeze %dma_start3A_898 : memref<1x1x8x128xf32, #tpu.memory_space<vmem>> -> memref<8x128xf32, #tpu.memory_space<vmem>>
      %dma_start3A_900 = arith.constant 0 : i32
      %dma_start3A_901 = arith.constant 0 : i32
      %dma_start3A_902 = tpu.memref_slice %arg4[%select_n3A, %dma_start3A_895, %add3A_778, %dma_start3A_900, %dma_start3A_901] : memref<50x8x128x8x128xf32, #tpu.memory_space<hbm>> -> memref<1x1x1x8x128xf32, #tpu.memory_space<hbm>>
      %dma_start3A_903 = tpu.memref_squeeze %dma_start3A_902 : memref<1x1x1x8x128xf32, #tpu.memory_space<hbm>> -> memref<8x128xf32, #tpu.memory_space<hbm>>
      %dma_start3A_904 = arith.constant 0 : i32
      %dma_start3A_905 = arith.constant 0 : i32
      %dma_start3A_906 = tpu.memref_slice %arg4[%select_n3A, %dma_start3A_895, %add3A_778, %dma_start3A_904, %dma_start3A_905] : memref<50x8x128x8x128xf32, #tpu.memory_space<hbm>> -> memref<1x1x1x8x128xf32, #tpu.memory_space<hbm>>
      %dma_start3A_907 = tpu.memref_squeeze %dma_start3A_906 : memref<1x1x1x8x128xf32, #tpu.memory_space<hbm>> -> memref<8x128xf32, #tpu.memory_space<hbm>>
      %dma_start3A_908 = arith.constant 48 : i32
      %dma_start3A_909 = arith.constant 0 : i32
      %dma_start3A_910 = tpu.memref_slice %arg7[%dma_start3A_893, %dma_start3A_894, %dma_start3A_908, %dma_start3A_909] : memref<2x2x64x129xf32, #tpu.memory_space<vmem>> -> memref<1x1x8x128xf32, #tpu.memory_space<vmem>>
      %dma_start3A_911 = tpu.memref_squeeze %dma_start3A_910 : memref<1x1x8x128xf32, #tpu.memory_space<vmem>> -> memref<8x128xf32, #tpu.memory_space<vmem>>
      tpu.enqueue_dma source(%dma_start3A_911 : memref<8x128xf32, #tpu.memory_space<vmem>>) target(%dma_start3A_907 : memref<8x128xf32, #tpu.memory_space<hbm>>) target_semaphore(%arg9 : memref<!tpu.dma_semaphore, #tpu.memory_space<semaphore_mem>>)
      %dma_start3A_912 = arith.constant 0 : i32
      %dma_start3A_913 = arith.constant 0 : i32
      %dma_start3A_914 = arith.constant 7 : i32
      %dma_start3A_915 = arith.constant 56 : i32
      %dma_start3A_916 = arith.constant 0 : i32
      %dma_start3A_917 = tpu.memref_slice %arg7[%dma_start3A_912, %dma_start3A_913, %dma_start3A_915, %dma_start3A_916] : memref<2x2x64x129xf32, #tpu.memory_space<vmem>> -> memref<1x1x8x128xf32, #tpu.memory_space<vmem>>
      %dma_start3A_918 = tpu.memref_squeeze %dma_start3A_917 : memref<1x1x8x128xf32, #tpu.memory_space<vmem>> -> memref<8x128xf32, #tpu.memory_space<vmem>>
      %dma_start3A_919 = arith.constant 0 : i32
      %dma_start3A_920 = arith.constant 0 : i32
      %dma_start3A_921 = tpu.memref_slice %arg4[%select_n3A, %dma_start3A_914, %add3A_778, %dma_start3A_919, %dma_start3A_920] : memref<50x8x128x8x128xf32, #tpu.memory_space<hbm>> -> memref<1x1x1x8x128xf32, #tpu.memory_space<hbm>>
      %dma_start3A_922 = tpu.memref_squeeze %dma_start3A_921 : memref<1x1x1x8x128xf32, #tpu.memory_space<hbm>> -> memref<8x128xf32, #tpu.memory_space<hbm>>
      %dma_start3A_923 = arith.constant 0 : i32
      %dma_start3A_924 = arith.constant 0 : i32
      %dma_start3A_925 = tpu.memref_slice %arg4[%select_n3A, %dma_start3A_914, %add3A_778, %dma_start3A_923, %dma_start3A_924] : memref<50x8x128x8x128xf32, #tpu.memory_space<hbm>> -> memref<1x1x1x8x128xf32, #tpu.memory_space<hbm>>
      %dma_start3A_926 = tpu.memref_squeeze %dma_start3A_925 : memref<1x1x1x8x128xf32, #tpu.memory_space<hbm>> -> memref<8x128xf32, #tpu.memory_space<hbm>>
      %dma_start3A_927 = arith.constant 56 : i32
      %dma_start3A_928 = arith.constant 0 : i32
      %dma_start3A_929 = tpu.memref_slice %arg7[%dma_start3A_912, %dma_start3A_913, %dma_start3A_927, %dma_start3A_928] : memref<2x2x64x129xf32, #tpu.memory_space<vmem>> -> memref<1x1x8x128xf32, #tpu.memory_space<vmem>>
      %dma_start3A_930 = tpu.memref_squeeze %dma_start3A_929 : memref<1x1x8x128xf32, #tpu.memory_space<vmem>> -> memref<8x128xf32, #tpu.memory_space<vmem>>
      tpu.enqueue_dma source(%dma_start3A_930 : memref<8x128xf32, #tpu.memory_space<vmem>>) target(%dma_start3A_926 : memref<8x128xf32, #tpu.memory_space<hbm>>) target_semaphore(%arg9 : memref<!tpu.dma_semaphore, #tpu.memory_space<semaphore_mem>>)
      %mul3A_931 = arith.constant 4 : i32
      %mul3A_932 = arith.muli %add3A, %mul3A_931 : i32
      %mul3A_933 = arith.constant 2 : i32
      %mul3A_934 = arith.muli %select_n3A_771, %mul3A_933 : i32
      %add3A_935 = arith.addi %mul3A_932, %mul3A_934 : i32
      %add3A_936 = arith.constant 1 : i32
      %add3A_937 = arith.addi %add3A_935, %add3A_936 : i32
      %dma_start3A_938 = arith.constant 0 : i32
      %dma_start3A_939 = arith.constant 1 : i32
      %dma_start3A_940 = arith.constant 0 : i32
      %dma_start3A_941 = arith.constant 0 : i32
      %dma_start3A_942 = arith.constant 0 : i32
      %dma_start3A_943 = tpu.memref_slice %arg7[%dma_start3A_938, %dma_start3A_939, %dma_start3A_941, %dma_start3A_942] : memref<2x2x64x129xf32, #tpu.memory_space<vmem>> -> memref<1x1x8x128xf32, #tpu.memory_space<vmem>>
      %dma_start3A_944 = tpu.memref_squeeze %dma_start3A_943 : memref<1x1x8x128xf32, #tpu.memory_space<vmem>> -> memref<8x128xf32, #tpu.memory_space<vmem>>
      %dma_start3A_945 = arith.constant 0 : i32
      %dma_start3A_946 = arith.constant 0 : i32
      %dma_start3A_947 = tpu.memref_slice %arg4[%select_n3A, %dma_start3A_940, %add3A_937, %dma_start3A_945, %dma_start3A_946] : memref<50x8x128x8x128xf32, #tpu.memory_space<hbm>> -> memref<1x1x1x8x128xf32, #tpu.memory_space<hbm>>
      %dma_start3A_948 = tpu.memref_squeeze %dma_start3A_947 : memref<1x1x1x8x128xf32, #tpu.memory_space<hbm>> -> memref<8x128xf32, #tpu.memory_space<hbm>>
      %dma_start3A_949 = arith.constant 0 : i32
      %dma_start3A_950 = arith.constant 0 : i32
      %dma_start3A_951 = tpu.memref_slice %arg4[%select_n3A, %dma_start3A_940, %add3A_937, %dma_start3A_949, %dma_start3A_950] : memref<50x8x128x8x128xf32, #tpu.memory_space<hbm>> -> memref<1x1x1x8x128xf32, #tpu.memory_space<hbm>>
      %dma_start3A_952 = tpu.memref_squeeze %dma_start3A_951 : memref<1x1x1x8x128xf32, #tpu.memory_space<hbm>> -> memref<8x128xf32, #tpu.memory_space<hbm>>
      %dma_start3A_953 = arith.constant 0 : i32
      %dma_start3A_954 = arith.constant 0 : i32
      %dma_start3A_955 = tpu.memref_slice %arg7[%dma_start3A_938, %dma_start3A_939, %dma_start3A_953, %dma_start3A_954] : memref<2x2x64x129xf32, #tpu.memory_space<vmem>> -> memref<1x1x8x128xf32, #tpu.memory_space<vmem>>
      %dma_start3A_956 = tpu.memref_squeeze %dma_start3A_955 : memref<1x1x8x128xf32, #tpu.memory_space<vmem>> -> memref<8x128xf32, #tpu.memory_space<vmem>>
      tpu.enqueue_dma source(%dma_start3A_956 : memref<8x128xf32, #tpu.memory_space<vmem>>) target(%dma_start3A_952 : memref<8x128xf32, #tpu.memory_space<hbm>>) target_semaphore(%arg9 : memref<!tpu.dma_semaphore, #tpu.memory_space<semaphore_mem>>)
      %dma_start3A_957 = arith.constant 0 : i32
      %dma_start3A_958 = arith.constant 1 : i32
      %dma_start3A_959 = arith.constant 1 : i32
      %dma_start3A_960 = arith.constant 8 : i32
      %dma_start3A_961 = arith.constant 0 : i32
      %dma_start3A_962 = tpu.memref_slice %arg7[%dma_start3A_957, %dma_start3A_958, %dma_start3A_960, %dma_start3A_961] : memref<2x2x64x129xf32, #tpu.memory_space<vmem>> -> memref<1x1x8x128xf32, #tpu.memory_space<vmem>>
      %dma_start3A_963 = tpu.memref_squeeze %dma_start3A_962 : memref<1x1x8x128xf32, #tpu.memory_space<vmem>> -> memref<8x128xf32, #tpu.memory_space<vmem>>
      %dma_start3A_964 = arith.constant 0 : i32
      %dma_start3A_965 = arith.constant 0 : i32
      %dma_start3A_966 = tpu.memref_slice %arg4[%select_n3A, %dma_start3A_959, %add3A_937, %dma_start3A_964, %dma_start3A_965] : memref<50x8x128x8x128xf32, #tpu.memory_space<hbm>> -> memref<1x1x1x8x128xf32, #tpu.memory_space<hbm>>
      %dma_start3A_967 = tpu.memref_squeeze %dma_start3A_966 : memref<1x1x1x8x128xf32, #tpu.memory_space<hbm>> -> memref<8x128xf32, #tpu.memory_space<hbm>>
      %dma_start3A_968 = arith.constant 0 : i32
      %dma_start3A_969 = arith.constant 0 : i32
      %dma_start3A_970 = tpu.memref_slice %arg4[%select_n3A, %dma_start3A_959, %add3A_937, %dma_start3A_968, %dma_start3A_969] : memref<50x8x128x8x128xf32, #tpu.memory_space<hbm>> -> memref<1x1x1x8x128xf32, #tpu.memory_space<hbm>>
      %dma_start3A_971 = tpu.memref_squeeze %dma_start3A_970 : memref<1x1x1x8x128xf32, #tpu.memory_space<hbm>> -> memref<8x128xf32, #tpu.memory_space<hbm>>
      %dma_start3A_972 = arith.constant 8 : i32
      %dma_start3A_973 = arith.constant 0 : i32
      %dma_start3A_974 = tpu.memref_slice %arg7[%dma_start3A_957, %dma_start3A_958, %dma_start3A_972, %dma_start3A_973] : memref<2x2x64x129xf32, #tpu.memory_space<vmem>> -> memref<1x1x8x128xf32, #tpu.memory_space<vmem>>
      %dma_start3A_975 = tpu.memref_squeeze %dma_start3A_974 : memref<1x1x8x128xf32, #tpu.memory_space<vmem>> -> memref<8x128xf32, #tpu.memory_space<vmem>>
      tpu.enqueue_dma source(%dma_start3A_975 : memref<8x128xf32, #tpu.memory_space<vmem>>) target(%dma_start3A_971 : memref<8x128xf32, #tpu.memory_space<hbm>>) target_semaphore(%arg9 : memref<!tpu.dma_semaphore, #tpu.memory_space<semaphore_mem>>)
      %dma_start3A_976 = arith.constant 0 : i32
      %dma_start3A_977 = arith.constant 1 : i32
      %dma_start3A_978 = arith.constant 2 : i32
      %dma_start3A_979 = arith.constant 16 : i32
      %dma_start3A_980 = arith.constant 0 : i32
      %dma_start3A_981 = tpu.memref_slice %arg7[%dma_start3A_976, %dma_start3A_977, %dma_start3A_979, %dma_start3A_980] : memref<2x2x64x129xf32, #tpu.memory_space<vmem>> -> memref<1x1x8x128xf32, #tpu.memory_space<vmem>>
      %dma_start3A_982 = tpu.memref_squeeze %dma_start3A_981 : memref<1x1x8x128xf32, #tpu.memory_space<vmem>> -> memref<8x128xf32, #tpu.memory_space<vmem>>
      %dma_start3A_983 = arith.constant 0 : i32
      %dma_start3A_984 = arith.constant 0 : i32
      %dma_start3A_985 = tpu.memref_slice %arg4[%select_n3A, %dma_start3A_978, %add3A_937, %dma_start3A_983, %dma_start3A_984] : memref<50x8x128x8x128xf32, #tpu.memory_space<hbm>> -> memref<1x1x1x8x128xf32, #tpu.memory_space<hbm>>
      %dma_start3A_986 = tpu.memref_squeeze %dma_start3A_985 : memref<1x1x1x8x128xf32, #tpu.memory_space<hbm>> -> memref<8x128xf32, #tpu.memory_space<hbm>>
      %dma_start3A_987 = arith.constant 0 : i32
      %dma_start3A_988 = arith.constant 0 : i32
      %dma_start3A_989 = tpu.memref_slice %arg4[%select_n3A, %dma_start3A_978, %add3A_937, %dma_start3A_987, %dma_start3A_988] : memref<50x8x128x8x128xf32, #tpu.memory_space<hbm>> -> memref<1x1x1x8x128xf32, #tpu.memory_space<hbm>>
      %dma_start3A_990 = tpu.memref_squeeze %dma_start3A_989 : memref<1x1x1x8x128xf32, #tpu.memory_space<hbm>> -> memref<8x128xf32, #tpu.memory_space<hbm>>
      %dma_start3A_991 = arith.constant 16 : i32
      %dma_start3A_992 = arith.constant 0 : i32
      %dma_start3A_993 = tpu.memref_slice %arg7[%dma_start3A_976, %dma_start3A_977, %dma_start3A_991, %dma_start3A_992] : memref<2x2x64x129xf32, #tpu.memory_space<vmem>> -> memref<1x1x8x128xf32, #tpu.memory_space<vmem>>
      %dma_start3A_994 = tpu.memref_squeeze %dma_start3A_993 : memref<1x1x8x128xf32, #tpu.memory_space<vmem>> -> memref<8x128xf32, #tpu.memory_space<vmem>>
      tpu.enqueue_dma source(%dma_start3A_994 : memref<8x128xf32, #tpu.memory_space<vmem>>) target(%dma_start3A_990 : memref<8x128xf32, #tpu.memory_space<hbm>>) target_semaphore(%arg9 : memref<!tpu.dma_semaphore, #tpu.memory_space<semaphore_mem>>)
      %dma_start3A_995 = arith.constant 0 : i32
      %dma_start3A_996 = arith.constant 1 : i32
      %dma_start3A_997 = arith.constant 3 : i32
      %dma_start3A_998 = arith.constant 24 : i32
      %dma_start3A_999 = arith.constant 0 : i32
      %dma_start3A_1000 = tpu.memref_slice %arg7[%dma_start3A_995, %dma_start3A_996, %dma_start3A_998, %dma_start3A_999] : memref<2x2x64x129xf32, #tpu.memory_space<vmem>> -> memref<1x1x8x128xf32, #tpu.memory_space<vmem>>
      %dma_start3A_1001 = tpu.memref_squeeze %dma_start3A_1000 : memref<1x1x8x128xf32, #tpu.memory_space<vmem>> -> memref<8x128xf32, #tpu.memory_space<vmem>>
      %dma_start3A_1002 = arith.constant 0 : i32
      %dma_start3A_1003 = arith.constant 0 : i32
      %dma_start3A_1004 = tpu.memref_slice %arg4[%select_n3A, %dma_start3A_997, %add3A_937, %dma_start3A_1002, %dma_start3A_1003] : memref<50x8x128x8x128xf32, #tpu.memory_space<hbm>> -> memref<1x1x1x8x128xf32, #tpu.memory_space<hbm>>
      %dma_start3A_1005 = tpu.memref_squeeze %dma_start3A_1004 : memref<1x1x1x8x128xf32, #tpu.memory_space<hbm>> -> memref<8x128xf32, #tpu.memory_space<hbm>>
      %dma_start3A_1006 = arith.constant 0 : i32
      %dma_start3A_1007 = arith.constant 0 : i32
      %dma_start3A_1008 = tpu.memref_slice %arg4[%select_n3A, %dma_start3A_997, %add3A_937, %dma_start3A_1006, %dma_start3A_1007] : memref<50x8x128x8x128xf32, #tpu.memory_space<hbm>> -> memref<1x1x1x8x128xf32, #tpu.memory_space<hbm>>
      %dma_start3A_1009 = tpu.memref_squeeze %dma_start3A_1008 : memref<1x1x1x8x128xf32, #tpu.memory_space<hbm>> -> memref<8x128xf32, #tpu.memory_space<hbm>>
      %dma_start3A_1010 = arith.constant 24 : i32
      %dma_start3A_1011 = arith.constant 0 : i32
      %dma_start3A_1012 = tpu.memref_slice %arg7[%dma_start3A_995, %dma_start3A_996, %dma_start3A_1010, %dma_start3A_1011] : memref<2x2x64x129xf32, #tpu.memory_space<vmem>> -> memref<1x1x8x128xf32, #tpu.memory_space<vmem>>
      %dma_start3A_1013 = tpu.memref_squeeze %dma_start3A_1012 : memref<1x1x8x128xf32, #tpu.memory_space<vmem>> -> memref<8x128xf32, #tpu.memory_space<vmem>>
      tpu.enqueue_dma source(%dma_start3A_1013 : memref<8x128xf32, #tpu.memory_space<vmem>>) target(%dma_start3A_1009 : memref<8x128xf32, #tpu.memory_space<hbm>>) target_semaphore(%arg9 : memref<!tpu.dma_semaphore, #tpu.memory_space<semaphore_mem>>)
      %dma_start3A_1014 = arith.constant 0 : i32
      %dma_start3A_1015 = arith.constant 1 : i32
      %dma_start3A_1016 = arith.constant 4 : i32
      %dma_start3A_1017 = arith.constant 32 : i32
      %dma_start3A_1018 = arith.constant 0 : i32
      %dma_start3A_1019 = tpu.memref_slice %arg7[%dma_start3A_1014, %dma_start3A_1015, %dma_start3A_1017, %dma_start3A_1018] : memref<2x2x64x129xf32, #tpu.memory_space<vmem>> -> memref<1x1x8x128xf32, #tpu.memory_space<vmem>>
      %dma_start3A_1020 = tpu.memref_squeeze %dma_start3A_1019 : memref<1x1x8x128xf32, #tpu.memory_space<vmem>> -> memref<8x128xf32, #tpu.memory_space<vmem>>
      %dma_start3A_1021 = arith.constant 0 : i32
      %dma_start3A_1022 = arith.constant 0 : i32
      %dma_start3A_1023 = tpu.memref_slice %arg4[%select_n3A, %dma_start3A_1016, %add3A_937, %dma_start3A_1021, %dma_start3A_1022] : memref<50x8x128x8x128xf32, #tpu.memory_space<hbm>> -> memref<1x1x1x8x128xf32, #tpu.memory_space<hbm>>
      %dma_start3A_1024 = tpu.memref_squeeze %dma_start3A_1023 : memref<1x1x1x8x128xf32, #tpu.memory_space<hbm>> -> memref<8x128xf32, #tpu.memory_space<hbm>>
      %dma_start3A_1025 = arith.constant 0 : i32
      %dma_start3A_1026 = arith.constant 0 : i32
      %dma_start3A_1027 = tpu.memref_slice %arg4[%select_n3A, %dma_start3A_1016, %add3A_937, %dma_start3A_1025, %dma_start3A_1026] : memref<50x8x128x8x128xf32, #tpu.memory_space<hbm>> -> memref<1x1x1x8x128xf32, #tpu.memory_space<hbm>>
      %dma_start3A_1028 = tpu.memref_squeeze %dma_start3A_1027 : memref<1x1x1x8x128xf32, #tpu.memory_space<hbm>> -> memref<8x128xf32, #tpu.memory_space<hbm>>
      %dma_start3A_1029 = arith.constant 32 : i32
      %dma_start3A_1030 = arith.constant 0 : i32
      %dma_start3A_1031 = tpu.memref_slice %arg7[%dma_start3A_1014, %dma_start3A_1015, %dma_start3A_1029, %dma_start3A_1030] : memref<2x2x64x129xf32, #tpu.memory_space<vmem>> -> memref<1x1x8x128xf32, #tpu.memory_space<vmem>>
      %dma_start3A_1032 = tpu.memref_squeeze %dma_start3A_1031 : memref<1x1x8x128xf32, #tpu.memory_space<vmem>> -> memref<8x128xf32, #tpu.memory_space<vmem>>
      tpu.enqueue_dma source(%dma_start3A_1032 : memref<8x128xf32, #tpu.memory_space<vmem>>) target(%dma_start3A_1028 : memref<8x128xf32, #tpu.memory_space<hbm>>) target_semaphore(%arg9 : memref<!tpu.dma_semaphore, #tpu.memory_space<semaphore_mem>>)
      %dma_start3A_1033 = arith.constant 0 : i32
      %dma_start3A_1034 = arith.constant 1 : i32
      %dma_start3A_1035 = arith.constant 5 : i32
      %dma_start3A_1036 = arith.constant 40 : i32
      %dma_start3A_1037 = arith.constant 0 : i32
      %dma_start3A_1038 = tpu.memref_slice %arg7[%dma_start3A_1033, %dma_start3A_1034, %dma_start3A_1036, %dma_start3A_1037] : memref<2x2x64x129xf32, #tpu.memory_space<vmem>> -> memref<1x1x8x128xf32, #tpu.memory_space<vmem>>
      %dma_start3A_1039 = tpu.memref_squeeze %dma_start3A_1038 : memref<1x1x8x128xf32, #tpu.memory_space<vmem>> -> memref<8x128xf32, #tpu.memory_space<vmem>>
      %dma_start3A_1040 = arith.constant 0 : i32
      %dma_start3A_1041 = arith.constant 0 : i32
      %dma_start3A_1042 = tpu.memref_slice %arg4[%select_n3A, %dma_start3A_1035, %add3A_937, %dma_start3A_1040, %dma_start3A_1041] : memref<50x8x128x8x128xf32, #tpu.memory_space<hbm>> -> memref<1x1x1x8x128xf32, #tpu.memory_space<hbm>>
      %dma_start3A_1043 = tpu.memref_squeeze %dma_start3A_1042 : memref<1x1x1x8x128xf32, #tpu.memory_space<hbm>> -> memref<8x128xf32, #tpu.memory_space<hbm>>
      %dma_start3A_1044 = arith.constant 0 : i32
      %dma_start3A_1045 = arith.constant 0 : i32
      %dma_start3A_1046 = tpu.memref_slice %arg4[%select_n3A, %dma_start3A_1035, %add3A_937, %dma_start3A_1044, %dma_start3A_1045] : memref<50x8x128x8x128xf32, #tpu.memory_space<hbm>> -> memref<1x1x1x8x128xf32, #tpu.memory_space<hbm>>
      %dma_start3A_1047 = tpu.memref_squeeze %dma_start3A_1046 : memref<1x1x1x8x128xf32, #tpu.memory_space<hbm>> -> memref<8x128xf32, #tpu.memory_space<hbm>>
      %dma_start3A_1048 = arith.constant 40 : i32
      %dma_start3A_1049 = arith.constant 0 : i32
      %dma_start3A_1050 = tpu.memref_slice %arg7[%dma_start3A_1033, %dma_start3A_1034, %dma_start3A_1048, %dma_start3A_1049] : memref<2x2x64x129xf32, #tpu.memory_space<vmem>> -> memref<1x1x8x128xf32, #tpu.memory_space<vmem>>
      %dma_start3A_1051 = tpu.memref_squeeze %dma_start3A_1050 : memref<1x1x8x128xf32, #tpu.memory_space<vmem>> -> memref<8x128xf32, #tpu.memory_space<vmem>>
      tpu.enqueue_dma source(%dma_start3A_1051 : memref<8x128xf32, #tpu.memory_space<vmem>>) target(%dma_start3A_1047 : memref<8x128xf32, #tpu.memory_space<hbm>>) target_semaphore(%arg9 : memref<!tpu.dma_semaphore, #tpu.memory_space<semaphore_mem>>)
      %dma_start3A_1052 = arith.constant 0 : i32
      %dma_start3A_1053 = arith.constant 1 : i32
      %dma_start3A_1054 = arith.constant 6 : i32
      %dma_start3A_1055 = arith.constant 48 : i32
      %dma_start3A_1056 = arith.constant 0 : i32
      %dma_start3A_1057 = tpu.memref_slice %arg7[%dma_start3A_1052, %dma_start3A_1053, %dma_start3A_1055, %dma_start3A_1056] : memref<2x2x64x129xf32, #tpu.memory_space<vmem>> -> memref<1x1x8x128xf32, #tpu.memory_space<vmem>>
      %dma_start3A_1058 = tpu.memref_squeeze %dma_start3A_1057 : memref<1x1x8x128xf32, #tpu.memory_space<vmem>> -> memref<8x128xf32, #tpu.memory_space<vmem>>
      %dma_start3A_1059 = arith.constant 0 : i32
      %dma_start3A_1060 = arith.constant 0 : i32
      %dma_start3A_1061 = tpu.memref_slice %arg4[%select_n3A, %dma_start3A_1054, %add3A_937, %dma_start3A_1059, %dma_start3A_1060] : memref<50x8x128x8x128xf32, #tpu.memory_space<hbm>> -> memref<1x1x1x8x128xf32, #tpu.memory_space<hbm>>
      %dma_start3A_1062 = tpu.memref_squeeze %dma_start3A_1061 : memref<1x1x1x8x128xf32, #tpu.memory_space<hbm>> -> memref<8x128xf32, #tpu.memory_space<hbm>>
      %dma_start3A_1063 = arith.constant 0 : i32
      %dma_start3A_1064 = arith.constant 0 : i32
      %dma_start3A_1065 = tpu.memref_slice %arg4[%select_n3A, %dma_start3A_1054, %add3A_937, %dma_start3A_1063, %dma_start3A_1064] : memref<50x8x128x8x128xf32, #tpu.memory_space<hbm>> -> memref<1x1x1x8x128xf32, #tpu.memory_space<hbm>>
      %dma_start3A_1066 = tpu.memref_squeeze %dma_start3A_1065 : memref<1x1x1x8x128xf32, #tpu.memory_space<hbm>> -> memref<8x128xf32, #tpu.memory_space<hbm>>
      %dma_start3A_1067 = arith.constant 48 : i32
      %dma_start3A_1068 = arith.constant 0 : i32
      %dma_start3A_1069 = tpu.memref_slice %arg7[%dma_start3A_1052, %dma_start3A_1053, %dma_start3A_1067, %dma_start3A_1068] : memref<2x2x64x129xf32, #tpu.memory_space<vmem>> -> memref<1x1x8x128xf32, #tpu.memory_space<vmem>>
      %dma_start3A_1070 = tpu.memref_squeeze %dma_start3A_1069 : memref<1x1x8x128xf32, #tpu.memory_space<vmem>> -> memref<8x128xf32, #tpu.memory_space<vmem>>
      tpu.enqueue_dma source(%dma_start3A_1070 : memref<8x128xf32, #tpu.memory_space<vmem>>) target(%dma_start3A_1066 : memref<8x128xf32, #tpu.memory_space<hbm>>) target_semaphore(%arg9 : memref<!tpu.dma_semaphore, #tpu.memory_space<semaphore_mem>>)
      %dma_start3A_1071 = arith.constant 0 : i32
      %dma_start3A_1072 = arith.constant 1 : i32
      %dma_start3A_1073 = arith.constant 7 : i32
      %dma_start3A_1074 = arith.constant 56 : i32
      %dma_start3A_1075 = arith.constant 0 : i32
      %dma_start3A_1076 = tpu.memref_slice %arg7[%dma_start3A_1071, %dma_start3A_1072, %dma_start3A_1074, %dma_start3A_1075] : memref<2x2x64x129xf32, #tpu.memory_space<vmem>> -> memref<1x1x8x128xf32, #tpu.memory_space<vmem>>
      %dma_start3A_1077 = tpu.memref_squeeze %dma_start3A_1076 : memref<1x1x8x128xf32, #tpu.memory_space<vmem>> -> memref<8x128xf32, #tpu.memory_space<vmem>>
      %dma_start3A_1078 = arith.constant 0 : i32
      %dma_start3A_1079 = arith.constant 0 : i32
      %dma_start3A_1080 = tpu.memref_slice %arg4[%select_n3A, %dma_start3A_1073, %add3A_937, %dma_start3A_1078, %dma_start3A_1079] : memref<50x8x128x8x128xf32, #tpu.memory_space<hbm>> -> memref<1x1x1x8x128xf32, #tpu.memory_space<hbm>>
      %dma_start3A_1081 = tpu.memref_squeeze %dma_start3A_1080 : memref<1x1x1x8x128xf32, #tpu.memory_space<hbm>> -> memref<8x128xf32, #tpu.memory_space<hbm>>
      %dma_start3A_1082 = arith.constant 0 : i32
      %dma_start3A_1083 = arith.constant 0 : i32
      %dma_start3A_1084 = tpu.memref_slice %arg4[%select_n3A, %dma_start3A_1073, %add3A_937, %dma_start3A_1082, %dma_start3A_1083] : memref<50x8x128x8x128xf32, #tpu.memory_space<hbm>> -> memref<1x1x1x8x128xf32, #tpu.memory_space<hbm>>
      %dma_start3A_1085 = tpu.memref_squeeze %dma_start3A_1084 : memref<1x1x1x8x128xf32, #tpu.memory_space<hbm>> -> memref<8x128xf32, #tpu.memory_space<hbm>>
      %dma_start3A_1086 = arith.constant 56 : i32
      %dma_start3A_1087 = arith.constant 0 : i32
      %dma_start3A_1088 = tpu.memref_slice %arg7[%dma_start3A_1071, %dma_start3A_1072, %dma_start3A_1086, %dma_start3A_1087] : memref<2x2x64x129xf32, #tpu.memory_space<vmem>> -> memref<1x1x8x128xf32, #tpu.memory_space<vmem>>
      %dma_start3A_1089 = tpu.memref_squeeze %dma_start3A_1088 : memref<1x1x8x128xf32, #tpu.memory_space<vmem>> -> memref<8x128xf32, #tpu.memory_space<vmem>>
      tpu.enqueue_dma source(%dma_start3A_1089 : memref<8x128xf32, #tpu.memory_space<vmem>>) target(%dma_start3A_1085 : memref<8x128xf32, #tpu.memory_space<hbm>>) target_semaphore(%arg9 : memref<!tpu.dma_semaphore, #tpu.memory_space<semaphore_mem>>)
      %add3A_1090 = arith.constant 2 : i32
      %add3A_1091 = arith.addi %add3A_719, %add3A_1090 : i32
      %lt3A_1092 = arith.constant 100 : i32
      %lt3A_1093 = arith.cmpi slt, %add3A_1091, %lt3A_1092 : i32
      %convert_element_type3A_1094 = arith.extui %lt3A_1093 : i1 to i32
      %cond3A_1095 = arith.constant 0 : i32
      %cond3A_1096 = arith.cmpi ne, %convert_element_type3A_1094, %cond3A_1095 : i32
      scf.if %cond3A_1096 {
        %add3A_1489 = arith.constant 2 : i32
        %add3A_1490 = arith.addi %add3A_719, %add3A_1489 : i32
        %jit3A_1491 = arith.constant 2 : i32
        %div3A_1492 = arith.divsi %add3A_1490, %jit3A_1491 : i32
        %sign3A_1493 = arith.constant 0 : i32
        %sign3A_1494 = arith.cmpi sgt, %add3A_1490, %sign3A_1493 : i32
        %sign3A_1495 = arith.extui %sign3A_1494 : i1 to i32
        %sign3A_1496 = arith.constant 0 : i32
        %sign3A_1497 = arith.cmpi slt, %add3A_1490, %sign3A_1496 : i32
        %sign3A_1498 = arith.extui %sign3A_1497 : i1 to i32
        %sign3A_1499 = arith.subi %sign3A_1495, %sign3A_1498 : i32
        %sign3A_1500 = arith.constant 0 : i32
        %sign3A_1501 = arith.cmpi sgt, %jit3A_1491, %sign3A_1500 : i32
        %sign3A_1502 = arith.extui %sign3A_1501 : i1 to i32
        %sign3A_1503 = arith.constant 0 : i32
        %sign3A_1504 = arith.cmpi slt, %jit3A_1491, %sign3A_1503 : i32
        %sign3A_1505 = arith.extui %sign3A_1504 : i1 to i32
        %sign3A_1506 = arith.subi %sign3A_1502, %sign3A_1505 : i32
        %ne3A_1507 = arith.cmpi ne, %sign3A_1499, %sign3A_1506 : i32
        %rem3A_1508 = arith.remsi %add3A_1490, %jit3A_1491 : i32
        %ne3A_1509 = arith.constant 0 : i32
        %ne3A_1510 = arith.cmpi ne, %rem3A_1508, %ne3A_1509 : i32
        %and3A_1511 = arith.andi %ne3A_1507, %ne3A_1510 : i1
        %sub3A_1512 = arith.constant 1 : i32
        %sub3A_1513 = arith.subi %div3A_1492, %sub3A_1512 : i32
        %select_n3A_1514 = arith.select %and3A_1511, %sub3A_1513, %div3A_1492 : i32
        %jit3A_1515 = arith.constant 2 : i32
        %eq3A_1516 = arith.constant 0 : i32
        %eq3A_1517 = arith.cmpi eq, %jit3A_1515, %eq3A_1516 : i32
        %jit3A_1518 = arith.constant 1 : i32
        %select_n3A_1519 = arith.select %eq3A_1517, %jit3A_1518, %jit3A_1515 : i32
        %rem3A_1520 = arith.remsi %add3A_1490, %select_n3A_1519 : i32
        %ne3A_1521 = arith.constant 0 : i32
        %ne3A_1522 = arith.cmpi ne, %rem3A_1520, %ne3A_1521 : i32
        %lt3A_1523 = arith.constant 0 : i32
        %lt3A_1524 = arith.cmpi slt, %rem3A_1520, %lt3A_1523 : i32
        %lt3A_1525 = arith.constant 0 : i32
        %lt3A_1526 = arith.cmpi slt, %select_n3A_1519, %lt3A_1525 : i32
        %ne3A_1527 = arith.xori %lt3A_1524, %lt3A_1526 : i1
        %and3A_1528 = arith.andi %ne3A_1527, %ne3A_1522 : i1
        %add3A_1529 = arith.addi %rem3A_1520, %select_n3A_1519 : i32
        %select_n3A_1530 = arith.select %and3A_1528, %add3A_1529, %rem3A_1520 : i32
        %mul3A_1531 = arith.constant 256 : i32
        %mul3A_1532 = arith.muli %select_n3A_1530, %mul3A_1531 : i32
        %dma_start3A_1533 = arith.constant 0 : i32
        %dma_start3A_1534 = arith.constant 0 : i32
        %dma_start3A_1535 = arith.constant 0 : i32
        %dma_start3A_1536 = tpu.memref_slice %arg6[%dma_start3A_1533, %dma_start3A_1534, %dma_start3A_1535] : memref<2x256x64xf32, #tpu.memory_space<vmem>> -> memref<1x256x64xf32, #tpu.memory_space<vmem>>
        %dma_start3A_1537 = tpu.memref_squeeze %dma_start3A_1536 : memref<1x256x64xf32, #tpu.memory_space<vmem>> -> memref<256x64xf32, #tpu.memory_space<vmem>>
        %dma_start3A_1538 = tpu.memref_slice %arg5[%select_n3A_1514, %mul3A_1532] : memref<50x512xi32, #tpu.memory_space<vmem>> -> memref<1x256xi32, #tpu.memory_space<vmem>>
        %dma_start3A_1539 = tpu.memref_squeeze %dma_start3A_1538 : memref<1x256xi32, #tpu.memory_space<vmem>> -> memref<256xi32, #tpu.memory_space<vmem>>
        %dma_start3A_1540 = arith.constant 0 : i32
        %dma_start3A_1541 = arith.constant 0 : i32
        %dma_start3A_1542 = tpu.memref_slice %arg3[%dma_start3A_1540, %dma_start3A_1541] : memref<1000000x64xf32, #tpu.memory_space<hbm>> -> memref<1000000x64xf32, #tpu.memory_space<hbm>>
        tpu.enqueue_indirect_dma source(%dma_start3A_1542 : memref<1000000x64xf32, #tpu.memory_space<hbm>>) target(%dma_start3A_1537 : memref<256x64xf32, #tpu.memory_space<vmem>>) offsets(%dma_start3A_1539 : memref<256xi32, #tpu.memory_space<vmem>>) semaphore(%arg8 : memref<!tpu.dma_semaphore, #tpu.memory_space<semaphore_mem>>)
      } else {
      }
      %add3A_1097 = arith.constant 1 : i32
      %add3A_1098 = arith.addi %add3A_717, %add3A_1097 : i32
      %dma_wait3A_1099 = arith.constant 1 : i32
      %dma_wait3A_1100 = arith.constant 0 : i32
      %dma_wait3A_1101 = arith.constant 0 : i32
      %dma_wait3A_1102 = tpu.memref_slice %arg6[%dma_wait3A_1099, %dma_wait3A_1100, %dma_wait3A_1101] : memref<2x256x64xf32, #tpu.memory_space<vmem>> -> memref<1x256x64xf32, #tpu.memory_space<vmem>>
      %dma_wait3A_1103 = tpu.memref_squeeze %dma_wait3A_1102 : memref<1x256x64xf32, #tpu.memory_space<vmem>> -> memref<256x64xf32, #tpu.memory_space<vmem>>
      %dma_wait3A_1104 = arith.constant 0 : i32
      %dma_wait3A_1105 = arith.constant 0 : i32
      %dma_wait3A_1106 = tpu.memref_slice %arg3[%dma_wait3A_1104, %dma_wait3A_1105] : memref<1000000x64xf32, #tpu.memory_space<hbm>> -> memref<256x64xf32, #tpu.memory_space<hbm>>
      %dma_wait3A_1107 = arith.constant 0 : i32
      %dma_wait3A_1108 = arith.constant 0 : i32
      %dma_wait3A_1109 = tpu.memref_slice %arg6[%dma_wait3A_1099, %dma_wait3A_1107, %dma_wait3A_1108] : memref<2x256x64xf32, #tpu.memory_space<vmem>> -> memref<1x256x64xf32, #tpu.memory_space<vmem>>
      %dma_wait3A_1110 = tpu.memref_squeeze %dma_wait3A_1109 : memref<1x256x64xf32, #tpu.memory_space<vmem>> -> memref<256x64xf32, #tpu.memory_space<vmem>>
      %dma_wait3A_1111 = arith.constant 0 : i32
      %dma_wait3A_1112 = arith.constant 0 : i32
      %dma_wait3A_1113 = tpu.memref_slice %arg3[%dma_wait3A_1111, %dma_wait3A_1112] : memref<1000000x64xf32, #tpu.memory_space<hbm>> -> memref<256x64xf32, #tpu.memory_space<hbm>>
      tpu.wait_dma2 semaphore(%arg8 : memref<!tpu.dma_semaphore, #tpu.memory_space<semaphore_mem>>) src(%dma_wait3A_1113 : memref<256x64xf32, #tpu.memory_space<hbm>>) dst(%dma_wait3A_1110 : memref<256x64xf32, #tpu.memory_space<vmem>>)
      %ge3A_1114 = arith.constant 2 : i32
      %ge3A_1115 = arith.cmpi sge, %add3A_1098, %ge3A_1114 : i32
      %convert_element_type3A_1116 = arith.extui %ge3A_1115 : i1 to i32
      %cond3A_1117 = arith.constant 0 : i32
      %cond3A_1118 = arith.cmpi ne, %convert_element_type3A_1116, %cond3A_1117 : i32
      scf.if %cond3A_1118 {
        %dma_wait3A_1489 = arith.constant 1 : i32
        %dma_wait3A_1490 = arith.constant 0 : i32
        %dma_wait3A_1491 = arith.constant 0 : i32
        %dma_wait3A_1492 = arith.constant 0 : i32
        %dma_wait3A_1493 = arith.constant 0 : i32
        %dma_wait3A_1494 = arith.constant 0 : i32
        %dma_wait3A_1495 = arith.constant 0 : i32
        %dma_wait3A_1496 = tpu.memref_slice %arg7[%dma_wait3A_1489, %dma_wait3A_1490, %dma_wait3A_1494, %dma_wait3A_1495] : memref<2x2x64x129xf32, #tpu.memory_space<vmem>> -> memref<1x1x8x128xf32, #tpu.memory_space<vmem>>
        %dma_wait3A_1497 = tpu.memref_squeeze %dma_wait3A_1496 : memref<1x1x8x128xf32, #tpu.memory_space<vmem>> -> memref<8x128xf32, #tpu.memory_space<vmem>>
        %dma_wait3A_1498 = arith.constant 0 : i32
        %dma_wait3A_1499 = arith.constant 0 : i32
        %dma_wait3A_1500 = tpu.memref_slice %arg4[%dma_wait3A_1491, %dma_wait3A_1492, %dma_wait3A_1493, %dma_wait3A_1498, %dma_wait3A_1499] : memref<50x8x128x8x128xf32, #tpu.memory_space<hbm>> -> memref<1x1x1x8x128xf32, #tpu.memory_space<hbm>>
        %dma_wait3A_1501 = tpu.memref_squeeze %dma_wait3A_1500 : memref<1x1x1x8x128xf32, #tpu.memory_space<hbm>> -> memref<8x128xf32, #tpu.memory_space<hbm>>
        %dma_wait3A_1502 = arith.constant 0 : i32
        %dma_wait3A_1503 = arith.constant 0 : i32
        %dma_wait3A_1504 = tpu.memref_slice %arg4[%dma_wait3A_1491, %dma_wait3A_1492, %dma_wait3A_1493, %dma_wait3A_1502, %dma_wait3A_1503] : memref<50x8x128x8x128xf32, #tpu.memory_space<hbm>> -> memref<1x1x1x8x128xf32, #tpu.memory_space<hbm>>
        %dma_wait3A_1505 = tpu.memref_squeeze %dma_wait3A_1504 : memref<1x1x1x8x128xf32, #tpu.memory_space<hbm>> -> memref<8x128xf32, #tpu.memory_space<hbm>>
        %dma_wait3A_1506 = arith.constant 0 : i32
        %dma_wait3A_1507 = arith.constant 0 : i32
        %dma_wait3A_1508 = tpu.memref_slice %arg7[%dma_wait3A_1489, %dma_wait3A_1490, %dma_wait3A_1506, %dma_wait3A_1507] : memref<2x2x64x129xf32, #tpu.memory_space<vmem>> -> memref<1x1x8x128xf32, #tpu.memory_space<vmem>>
        %dma_wait3A_1509 = tpu.memref_squeeze %dma_wait3A_1508 : memref<1x1x8x128xf32, #tpu.memory_space<vmem>> -> memref<8x128xf32, #tpu.memory_space<vmem>>
        tpu.wait_dma2 semaphore(%arg9 : memref<!tpu.dma_semaphore, #tpu.memory_space<semaphore_mem>>) src(%dma_wait3A_1509 : memref<8x128xf32, #tpu.memory_space<vmem>>) dst(%dma_wait3A_1505 : memref<8x128xf32, #tpu.memory_space<hbm>>)
        %dma_wait3A_1510 = arith.constant 1 : i32
        %dma_wait3A_1511 = arith.constant 0 : i32
        %dma_wait3A_1512 = arith.constant 0 : i32
        %dma_wait3A_1513 = arith.constant 0 : i32
        %dma_wait3A_1514 = arith.constant 0 : i32
        %dma_wait3A_1515 = arith.constant 0 : i32
        %dma_wait3A_1516 = arith.constant 0 : i32
        %dma_wait3A_1517 = tpu.memref_slice %arg7[%dma_wait3A_1510, %dma_wait3A_1511, %dma_wait3A_1515, %dma_wait3A_1516] : memref<2x2x64x129xf32, #tpu.memory_space<vmem>> -> memref<1x1x8x128xf32, #tpu.memory_space<vmem>>
        %dma_wait3A_1518 = tpu.memref_squeeze %dma_wait3A_1517 : memref<1x1x8x128xf32, #tpu.memory_space<vmem>> -> memref<8x128xf32, #tpu.memory_space<vmem>>
        %dma_wait3A_1519 = arith.constant 0 : i32
        %dma_wait3A_1520 = arith.constant 0 : i32
        %dma_wait3A_1521 = tpu.memref_slice %arg4[%dma_wait3A_1512, %dma_wait3A_1513, %dma_wait3A_1514, %dma_wait3A_1519, %dma_wait3A_1520] : memref<50x8x128x8x128xf32, #tpu.memory_space<hbm>> -> memref<1x1x1x8x128xf32, #tpu.memory_space<hbm>>
        %dma_wait3A_1522 = tpu.memref_squeeze %dma_wait3A_1521 : memref<1x1x1x8x128xf32, #tpu.memory_space<hbm>> -> memref<8x128xf32, #tpu.memory_space<hbm>>
        %dma_wait3A_1523 = arith.constant 0 : i32
        %dma_wait3A_1524 = arith.constant 0 : i32
        %dma_wait3A_1525 = tpu.memref_slice %arg4[%dma_wait3A_1512, %dma_wait3A_1513, %dma_wait3A_1514, %dma_wait3A_1523, %dma_wait3A_1524] : memref<50x8x128x8x128xf32, #tpu.memory_space<hbm>> -> memref<1x1x1x8x128xf32, #tpu.memory_space<hbm>>
        %dma_wait3A_1526 = tpu.memref_squeeze %dma_wait3A_1525 : memref<1x1x1x8x128xf32, #tpu.memory_space<hbm>> -> memref<8x128xf32, #tpu.memory_space<hbm>>
        %dma_wait3A_1527 = arith.constant 0 : i32
        %dma_wait3A_1528 = arith.constant 0 : i32
        %dma_wait3A_1529 = tpu.memref_slice %arg7[%dma_wait3A_1510, %dma_wait3A_1511, %dma_wait3A_1527, %dma_wait3A_1528] : memref<2x2x64x129xf32, #tpu.memory_space<vmem>> -> memref<1x1x8x128xf32, #tpu.memory_space<vmem>>
        %dma_wait3A_1530 = tpu.memref_squeeze %dma_wait3A_1529 : memref<1x1x8x128xf32, #tpu.memory_space<vmem>> -> memref<8x128xf32, #tpu.memory_space<vmem>>
        tpu.wait_dma2 semaphore(%arg9 : memref<!tpu.dma_semaphore, #tpu.memory_space<semaphore_mem>>) src(%dma_wait3A_1530 : memref<8x128xf32, #tpu.memory_space<vmem>>) dst(%dma_wait3A_1526 : memref<8x128xf32, #tpu.memory_space<hbm>>)
        %dma_wait3A_1531 = arith.constant 1 : i32
        %dma_wait3A_1532 = arith.constant 0 : i32
        %dma_wait3A_1533 = arith.constant 0 : i32
        %dma_wait3A_1534 = arith.constant 0 : i32
        %dma_wait3A_1535 = arith.constant 0 : i32
        %dma_wait3A_1536 = arith.constant 0 : i32
        %dma_wait3A_1537 = arith.constant 0 : i32
        %dma_wait3A_1538 = tpu.memref_slice %arg7[%dma_wait3A_1531, %dma_wait3A_1532, %dma_wait3A_1536, %dma_wait3A_1537] : memref<2x2x64x129xf32, #tpu.memory_space<vmem>> -> memref<1x1x8x128xf32, #tpu.memory_space<vmem>>
        %dma_wait3A_1539 = tpu.memref_squeeze %dma_wait3A_1538 : memref<1x1x8x128xf32, #tpu.memory_space<vmem>> -> memref<8x128xf32, #tpu.memory_space<vmem>>
        %dma_wait3A_1540 = arith.constant 0 : i32
        %dma_wait3A_1541 = arith.constant 0 : i32
        %dma_wait3A_1542 = tpu.memref_slice %arg4[%dma_wait3A_1533, %dma_wait3A_1534, %dma_wait3A_1535, %dma_wait3A_1540, %dma_wait3A_1541] : memref<50x8x128x8x128xf32, #tpu.memory_space<hbm>> -> memref<1x1x1x8x128xf32, #tpu.memory_space<hbm>>
        %dma_wait3A_1543 = tpu.memref_squeeze %dma_wait3A_1542 : memref<1x1x1x8x128xf32, #tpu.memory_space<hbm>> -> memref<8x128xf32, #tpu.memory_space<hbm>>
        %dma_wait3A_1544 = arith.constant 0 : i32
        %dma_wait3A_1545 = arith.constant 0 : i32
        %dma_wait3A_1546 = tpu.memref_slice %arg4[%dma_wait3A_1533, %dma_wait3A_1534, %dma_wait3A_1535, %dma_wait3A_1544, %dma_wait3A_1545] : memref<50x8x128x8x128xf32, #tpu.memory_space<hbm>> -> memref<1x1x1x8x128xf32, #tpu.memory_space<hbm>>
        %dma_wait3A_1547 = tpu.memref_squeeze %dma_wait3A_1546 : memref<1x1x1x8x128xf32, #tpu.memory_space<hbm>> -> memref<8x128xf32, #tpu.memory_space<hbm>>
        %dma_wait3A_1548 = arith.constant 0 : i32
        %dma_wait3A_1549 = arith.constant 0 : i32
        %dma_wait3A_1550 = tpu.memref_slice %arg7[%dma_wait3A_1531, %dma_wait3A_1532, %dma_wait3A_1548, %dma_wait3A_1549] : memref<2x2x64x129xf32, #tpu.memory_space<vmem>> -> memref<1x1x8x128xf32, #tpu.memory_space<vmem>>
        %dma_wait3A_1551 = tpu.memref_squeeze %dma_wait3A_1550 : memref<1x1x8x128xf32, #tpu.memory_space<vmem>> -> memref<8x128xf32, #tpu.memory_space<vmem>>
        tpu.wait_dma2 semaphore(%arg9 : memref<!tpu.dma_semaphore, #tpu.memory_space<semaphore_mem>>) src(%dma_wait3A_1551 : memref<8x128xf32, #tpu.memory_space<vmem>>) dst(%dma_wait3A_1547 : memref<8x128xf32, #tpu.memory_space<hbm>>)
        %dma_wait3A_1552 = arith.constant 1 : i32
        %dma_wait3A_1553 = arith.constant 0 : i32
        %dma_wait3A_1554 = arith.constant 0 : i32
        %dma_wait3A_1555 = arith.constant 0 : i32
        %dma_wait3A_1556 = arith.constant 0 : i32
        %dma_wait3A_1557 = arith.constant 0 : i32
        %dma_wait3A_1558 = arith.constant 0 : i32
        %dma_wait3A_1559 = tpu.memref_slice %arg7[%dma_wait3A_1552, %dma_wait3A_1553, %dma_wait3A_1557, %dma_wait3A_1558] : memref<2x2x64x129xf32, #tpu.memory_space<vmem>> -> memref<1x1x8x128xf32, #tpu.memory_space<vmem>>
        %dma_wait3A_1560 = tpu.memref_squeeze %dma_wait3A_1559 : memref<1x1x8x128xf32, #tpu.memory_space<vmem>> -> memref<8x128xf32, #tpu.memory_space<vmem>>
        %dma_wait3A_1561 = arith.constant 0 : i32
        %dma_wait3A_1562 = arith.constant 0 : i32
        %dma_wait3A_1563 = tpu.memref_slice %arg4[%dma_wait3A_1554, %dma_wait3A_1555, %dma_wait3A_1556, %dma_wait3A_1561, %dma_wait3A_1562] : memref<50x8x128x8x128xf32, #tpu.memory_space<hbm>> -> memref<1x1x1x8x128xf32, #tpu.memory_space<hbm>>
        %dma_wait3A_1564 = tpu.memref_squeeze %dma_wait3A_1563 : memref<1x1x1x8x128xf32, #tpu.memory_space<hbm>> -> memref<8x128xf32, #tpu.memory_space<hbm>>
        %dma_wait3A_1565 = arith.constant 0 : i32
        %dma_wait3A_1566 = arith.constant 0 : i32
        %dma_wait3A_1567 = tpu.memref_slice %arg4[%dma_wait3A_1554, %dma_wait3A_1555, %dma_wait3A_1556, %dma_wait3A_1565, %dma_wait3A_1566] : memref<50x8x128x8x128xf32, #tpu.memory_space<hbm>> -> memref<1x1x1x8x128xf32, #tpu.memory_space<hbm>>
        %dma_wait3A_1568 = tpu.memref_squeeze %dma_wait3A_1567 : memref<1x1x1x8x128xf32, #tpu.memory_space<hbm>> -> memref<8x128xf32, #tpu.memory_space<hbm>>
        %dma_wait3A_1569 = arith.constant 0 : i32
        %dma_wait3A_1570 = arith.constant 0 : i32
        %dma_wait3A_1571 = tpu.memref_slice %arg7[%dma_wait3A_1552, %dma_wait3A_1553, %dma_wait3A_1569, %dma_wait3A_1570] : memref<2x2x64x129xf32, #tpu.memory_space<vmem>> -> memref<1x1x8x128xf32, #tpu.memory_space<vmem>>
        %dma_wait3A_1572 = tpu.memref_squeeze %dma_wait3A_1571 : memref<1x1x8x128xf32, #tpu.memory_space<vmem>> -> memref<8x128xf32, #tpu.memory_space<vmem>>
        tpu.wait_dma2 semaphore(%arg9 : memref<!tpu.dma_semaphore, #tpu.memory_space<semaphore_mem>>) src(%dma_wait3A_1572 : memref<8x128xf32, #tpu.memory_space<vmem>>) dst(%dma_wait3A_1568 : memref<8x128xf32, #tpu.memory_space<hbm>>)
        %dma_wait3A_1573 = arith.constant 1 : i32
        %dma_wait3A_1574 = arith.constant 0 : i32
        %dma_wait3A_1575 = arith.constant 0 : i32
        %dma_wait3A_1576 = arith.constant 0 : i32
        %dma_wait3A_1577 = arith.constant 0 : i32
        %dma_wait3A_1578 = arith.constant 0 : i32
        %dma_wait3A_1579 = arith.constant 0 : i32
        %dma_wait3A_1580 = tpu.memref_slice %arg7[%dma_wait3A_1573, %dma_wait3A_1574, %dma_wait3A_1578, %dma_wait3A_1579] : memref<2x2x64x129xf32, #tpu.memory_space<vmem>> -> memref<1x1x8x128xf32, #tpu.memory_space<vmem>>
        %dma_wait3A_1581 = tpu.memref_squeeze %dma_wait3A_1580 : memref<1x1x8x128xf32, #tpu.memory_space<vmem>> -> memref<8x128xf32, #tpu.memory_space<vmem>>
        %dma_wait3A_1582 = arith.constant 0 : i32
        %dma_wait3A_1583 = arith.constant 0 : i32
        %dma_wait3A_1584 = tpu.memref_slice %arg4[%dma_wait3A_1575, %dma_wait3A_1576, %dma_wait3A_1577, %dma_wait3A_1582, %dma_wait3A_1583] : memref<50x8x128x8x128xf32, #tpu.memory_space<hbm>> -> memref<1x1x1x8x128xf32, #tpu.memory_space<hbm>>
        %dma_wait3A_1585 = tpu.memref_squeeze %dma_wait3A_1584 : memref<1x1x1x8x128xf32, #tpu.memory_space<hbm>> -> memref<8x128xf32, #tpu.memory_space<hbm>>
        %dma_wait3A_1586 = arith.constant 0 : i32
        %dma_wait3A_1587 = arith.constant 0 : i32
        %dma_wait3A_1588 = tpu.memref_slice %arg4[%dma_wait3A_1575, %dma_wait3A_1576, %dma_wait3A_1577, %dma_wait3A_1586, %dma_wait3A_1587] : memref<50x8x128x8x128xf32, #tpu.memory_space<hbm>> -> memref<1x1x1x8x128xf32, #tpu.memory_space<hbm>>
        %dma_wait3A_1589 = tpu.memref_squeeze %dma_wait3A_1588 : memref<1x1x1x8x128xf32, #tpu.memory_space<hbm>> -> memref<8x128xf32, #tpu.memory_space<hbm>>
        %dma_wait3A_1590 = arith.constant 0 : i32
        %dma_wait3A_1591 = arith.constant 0 : i32
        %dma_wait3A_1592 = tpu.memref_slice %arg7[%dma_wait3A_1573, %dma_wait3A_1574, %dma_wait3A_1590, %dma_wait3A_1591] : memref<2x2x64x129xf32, #tpu.memory_space<vmem>> -> memref<1x1x8x128xf32, #tpu.memory_space<vmem>>
        %dma_wait3A_1593 = tpu.memref_squeeze %dma_wait3A_1592 : memref<1x1x8x128xf32, #tpu.memory_space<vmem>> -> memref<8x128xf32, #tpu.memory_space<vmem>>
        tpu.wait_dma2 semaphore(%arg9 : memref<!tpu.dma_semaphore, #tpu.memory_space<semaphore_mem>>) src(%dma_wait3A_1593 : memref<8x128xf32, #tpu.memory_space<vmem>>) dst(%dma_wait3A_1589 : memref<8x128xf32, #tpu.memory_space<hbm>>)
        %dma_wait3A_1594 = arith.constant 1 : i32
        %dma_wait3A_1595 = arith.constant 0 : i32
        %dma_wait3A_1596 = arith.constant 0 : i32
        %dma_wait3A_1597 = arith.constant 0 : i32
        %dma_wait3A_1598 = arith.constant 0 : i32
        %dma_wait3A_1599 = arith.constant 0 : i32
        %dma_wait3A_1600 = arith.constant 0 : i32
        %dma_wait3A_1601 = tpu.memref_slice %arg7[%dma_wait3A_1594, %dma_wait3A_1595, %dma_wait3A_1599, %dma_wait3A_1600] : memref<2x2x64x129xf32, #tpu.memory_space<vmem>> -> memref<1x1x8x128xf32, #tpu.memory_space<vmem>>
        %dma_wait3A_1602 = tpu.memref_squeeze %dma_wait3A_1601 : memref<1x1x8x128xf32, #tpu.memory_space<vmem>> -> memref<8x128xf32, #tpu.memory_space<vmem>>
        %dma_wait3A_1603 = arith.constant 0 : i32
        %dma_wait3A_1604 = arith.constant 0 : i32
        %dma_wait3A_1605 = tpu.memref_slice %arg4[%dma_wait3A_1596, %dma_wait3A_1597, %dma_wait3A_1598, %dma_wait3A_1603, %dma_wait3A_1604] : memref<50x8x128x8x128xf32, #tpu.memory_space<hbm>> -> memref<1x1x1x8x128xf32, #tpu.memory_space<hbm>>
        %dma_wait3A_1606 = tpu.memref_squeeze %dma_wait3A_1605 : memref<1x1x1x8x128xf32, #tpu.memory_space<hbm>> -> memref<8x128xf32, #tpu.memory_space<hbm>>
        %dma_wait3A_1607 = arith.constant 0 : i32
        %dma_wait3A_1608 = arith.constant 0 : i32
        %dma_wait3A_1609 = tpu.memref_slice %arg4[%dma_wait3A_1596, %dma_wait3A_1597, %dma_wait3A_1598, %dma_wait3A_1607, %dma_wait3A_1608] : memref<50x8x128x8x128xf32, #tpu.memory_space<hbm>> -> memref<1x1x1x8x128xf32, #tpu.memory_space<hbm>>
        %dma_wait3A_1610 = tpu.memref_squeeze %dma_wait3A_1609 : memref<1x1x1x8x128xf32, #tpu.memory_space<hbm>> -> memref<8x128xf32, #tpu.memory_space<hbm>>
        %dma_wait3A_1611 = arith.constant 0 : i32
        %dma_wait3A_1612 = arith.constant 0 : i32
        %dma_wait3A_1613 = tpu.memref_slice %arg7[%dma_wait3A_1594, %dma_wait3A_1595, %dma_wait3A_1611, %dma_wait3A_1612] : memref<2x2x64x129xf32, #tpu.memory_space<vmem>> -> memref<1x1x8x128xf32, #tpu.memory_space<vmem>>
        %dma_wait3A_1614 = tpu.memref_squeeze %dma_wait3A_1613 : memref<1x1x8x128xf32, #tpu.memory_space<vmem>> -> memref<8x128xf32, #tpu.memory_space<vmem>>
        tpu.wait_dma2 semaphore(%arg9 : memref<!tpu.dma_semaphore, #tpu.memory_space<semaphore_mem>>) src(%dma_wait3A_1614 : memref<8x128xf32, #tpu.memory_space<vmem>>) dst(%dma_wait3A_1610 : memref<8x128xf32, #tpu.memory_space<hbm>>)
        %dma_wait3A_1615 = arith.constant 1 : i32
        %dma_wait3A_1616 = arith.constant 0 : i32
        %dma_wait3A_1617 = arith.constant 0 : i32
        %dma_wait3A_1618 = arith.constant 0 : i32
        %dma_wait3A_1619 = arith.constant 0 : i32
        %dma_wait3A_1620 = arith.constant 0 : i32
        %dma_wait3A_1621 = arith.constant 0 : i32
        %dma_wait3A_1622 = tpu.memref_slice %arg7[%dma_wait3A_1615, %dma_wait3A_1616, %dma_wait3A_1620, %dma_wait3A_1621] : memref<2x2x64x129xf32, #tpu.memory_space<vmem>> -> memref<1x1x8x128xf32, #tpu.memory_space<vmem>>
        %dma_wait3A_1623 = tpu.memref_squeeze %dma_wait3A_1622 : memref<1x1x8x128xf32, #tpu.memory_space<vmem>> -> memref<8x128xf32, #tpu.memory_space<vmem>>
        %dma_wait3A_1624 = arith.constant 0 : i32
        %dma_wait3A_1625 = arith.constant 0 : i32
        %dma_wait3A_1626 = tpu.memref_slice %arg4[%dma_wait3A_1617, %dma_wait3A_1618, %dma_wait3A_1619, %dma_wait3A_1624, %dma_wait3A_1625] : memref<50x8x128x8x128xf32, #tpu.memory_space<hbm>> -> memref<1x1x1x8x128xf32, #tpu.memory_space<hbm>>
        %dma_wait3A_1627 = tpu.memref_squeeze %dma_wait3A_1626 : memref<1x1x1x8x128xf32, #tpu.memory_space<hbm>> -> memref<8x128xf32, #tpu.memory_space<hbm>>
        %dma_wait3A_1628 = arith.constant 0 : i32
        %dma_wait3A_1629 = arith.constant 0 : i32
        %dma_wait3A_1630 = tpu.memref_slice %arg4[%dma_wait3A_1617, %dma_wait3A_1618, %dma_wait3A_1619, %dma_wait3A_1628, %dma_wait3A_1629] : memref<50x8x128x8x128xf32, #tpu.memory_space<hbm>> -> memref<1x1x1x8x128xf32, #tpu.memory_space<hbm>>
        %dma_wait3A_1631 = tpu.memref_squeeze %dma_wait3A_1630 : memref<1x1x1x8x128xf32, #tpu.memory_space<hbm>> -> memref<8x128xf32, #tpu.memory_space<hbm>>
        %dma_wait3A_1632 = arith.constant 0 : i32
        %dma_wait3A_1633 = arith.constant 0 : i32
        %dma_wait3A_1634 = tpu.memref_slice %arg7[%dma_wait3A_1615, %dma_wait3A_1616, %dma_wait3A_1632, %dma_wait3A_1633] : memref<2x2x64x129xf32, #tpu.memory_space<vmem>> -> memref<1x1x8x128xf32, #tpu.memory_space<vmem>>
        %dma_wait3A_1635 = tpu.memref_squeeze %dma_wait3A_1634 : memref<1x1x8x128xf32, #tpu.memory_space<vmem>> -> memref<8x128xf32, #tpu.memory_space<vmem>>
        tpu.wait_dma2 semaphore(%arg9 : memref<!tpu.dma_semaphore, #tpu.memory_space<semaphore_mem>>) src(%dma_wait3A_1635 : memref<8x128xf32, #tpu.memory_space<vmem>>) dst(%dma_wait3A_1631 : memref<8x128xf32, #tpu.memory_space<hbm>>)
        %dma_wait3A_1636 = arith.constant 1 : i32
        %dma_wait3A_1637 = arith.constant 0 : i32
        %dma_wait3A_1638 = arith.constant 0 : i32
        %dma_wait3A_1639 = arith.constant 0 : i32
        %dma_wait3A_1640 = arith.constant 0 : i32
        %dma_wait3A_1641 = arith.constant 0 : i32
        %dma_wait3A_1642 = arith.constant 0 : i32
        %dma_wait3A_1643 = tpu.memref_slice %arg7[%dma_wait3A_1636, %dma_wait3A_1637, %dma_wait3A_1641, %dma_wait3A_1642] : memref<2x2x64x129xf32, #tpu.memory_space<vmem>> -> memref<1x1x8x128xf32, #tpu.memory_space<vmem>>
        %dma_wait3A_1644 = tpu.memref_squeeze %dma_wait3A_1643 : memref<1x1x8x128xf32, #tpu.memory_space<vmem>> -> memref<8x128xf32, #tpu.memory_space<vmem>>
        %dma_wait3A_1645 = arith.constant 0 : i32
        %dma_wait3A_1646 = arith.constant 0 : i32
        %dma_wait3A_1647 = tpu.memref_slice %arg4[%dma_wait3A_1638, %dma_wait3A_1639, %dma_wait3A_1640, %dma_wait3A_1645, %dma_wait3A_1646] : memref<50x8x128x8x128xf32, #tpu.memory_space<hbm>> -> memref<1x1x1x8x128xf32, #tpu.memory_space<hbm>>
        %dma_wait3A_1648 = tpu.memref_squeeze %dma_wait3A_1647 : memref<1x1x1x8x128xf32, #tpu.memory_space<hbm>> -> memref<8x128xf32, #tpu.memory_space<hbm>>
        %dma_wait3A_1649 = arith.constant 0 : i32
        %dma_wait3A_1650 = arith.constant 0 : i32
        %dma_wait3A_1651 = tpu.memref_slice %arg4[%dma_wait3A_1638, %dma_wait3A_1639, %dma_wait3A_1640, %dma_wait3A_1649, %dma_wait3A_1650] : memref<50x8x128x8x128xf32, #tpu.memory_space<hbm>> -> memref<1x1x1x8x128xf32, #tpu.memory_space<hbm>>
        %dma_wait3A_1652 = tpu.memref_squeeze %dma_wait3A_1651 : memref<1x1x1x8x128xf32, #tpu.memory_space<hbm>> -> memref<8x128xf32, #tpu.memory_space<hbm>>
        %dma_wait3A_1653 = arith.constant 0 : i32
        %dma_wait3A_1654 = arith.constant 0 : i32
        %dma_wait3A_1655 = tpu.memref_slice %arg7[%dma_wait3A_1636, %dma_wait3A_1637, %dma_wait3A_1653, %dma_wait3A_1654] : memref<2x2x64x129xf32, #tpu.memory_space<vmem>> -> memref<1x1x8x128xf32, #tpu.memory_space<vmem>>
        %dma_wait3A_1656 = tpu.memref_squeeze %dma_wait3A_1655 : memref<1x1x8x128xf32, #tpu.memory_space<vmem>> -> memref<8x128xf32, #tpu.memory_space<vmem>>
        tpu.wait_dma2 semaphore(%arg9 : memref<!tpu.dma_semaphore, #tpu.memory_space<semaphore_mem>>) src(%dma_wait3A_1656 : memref<8x128xf32, #tpu.memory_space<vmem>>) dst(%dma_wait3A_1652 : memref<8x128xf32, #tpu.memory_space<hbm>>)
        %dma_wait3A_1657 = arith.constant 1 : i32
        %dma_wait3A_1658 = arith.constant 0 : i32
        %dma_wait3A_1659 = arith.constant 0 : i32
        %dma_wait3A_1660 = arith.constant 0 : i32
        %dma_wait3A_1661 = arith.constant 0 : i32
        %dma_wait3A_1662 = arith.constant 0 : i32
        %dma_wait3A_1663 = arith.constant 0 : i32
        %dma_wait3A_1664 = tpu.memref_slice %arg7[%dma_wait3A_1657, %dma_wait3A_1658, %dma_wait3A_1662, %dma_wait3A_1663] : memref<2x2x64x129xf32, #tpu.memory_space<vmem>> -> memref<1x1x8x128xf32, #tpu.memory_space<vmem>>
        %dma_wait3A_1665 = tpu.memref_squeeze %dma_wait3A_1664 : memref<1x1x8x128xf32, #tpu.memory_space<vmem>> -> memref<8x128xf32, #tpu.memory_space<vmem>>
        %dma_wait3A_1666 = arith.constant 0 : i32
        %dma_wait3A_1667 = arith.constant 0 : i32
        %dma_wait3A_1668 = tpu.memref_slice %arg4[%dma_wait3A_1659, %dma_wait3A_1660, %dma_wait3A_1661, %dma_wait3A_1666, %dma_wait3A_1667] : memref<50x8x128x8x128xf32, #tpu.memory_space<hbm>> -> memref<1x1x1x8x128xf32, #tpu.memory_space<hbm>>
        %dma_wait3A_1669 = tpu.memref_squeeze %dma_wait3A_1668 : memref<1x1x1x8x128xf32, #tpu.memory_space<hbm>> -> memref<8x128xf32, #tpu.memory_space<hbm>>
        %dma_wait3A_1670 = arith.constant 0 : i32
        %dma_wait3A_1671 = arith.constant 0 : i32
        %dma_wait3A_1672 = tpu.memref_slice %arg4[%dma_wait3A_1659, %dma_wait3A_1660, %dma_wait3A_1661, %dma_wait3A_1670, %dma_wait3A_1671] : memref<50x8x128x8x128xf32, #tpu.memory_space<hbm>> -> memref<1x1x1x8x128xf32, #tpu.memory_space<hbm>>
        %dma_wait3A_1673 = tpu.memref_squeeze %dma_wait3A_1672 : memref<1x1x1x8x128xf32, #tpu.memory_space<hbm>> -> memref<8x128xf32, #tpu.memory_space<hbm>>
        %dma_wait3A_1674 = arith.constant 0 : i32
        %dma_wait3A_1675 = arith.constant 0 : i32
        %dma_wait3A_1676 = tpu.memref_slice %arg7[%dma_wait3A_1657, %dma_wait3A_1658, %dma_wait3A_1674, %dma_wait3A_1675] : memref<2x2x64x129xf32, #tpu.memory_space<vmem>> -> memref<1x1x8x128xf32, #tpu.memory_space<vmem>>
        %dma_wait3A_1677 = tpu.memref_squeeze %dma_wait3A_1676 : memref<1x1x8x128xf32, #tpu.memory_space<vmem>> -> memref<8x128xf32, #tpu.memory_space<vmem>>
        tpu.wait_dma2 semaphore(%arg9 : memref<!tpu.dma_semaphore, #tpu.memory_space<semaphore_mem>>) src(%dma_wait3A_1677 : memref<8x128xf32, #tpu.memory_space<vmem>>) dst(%dma_wait3A_1673 : memref<8x128xf32, #tpu.memory_space<hbm>>)
        %dma_wait3A_1678 = arith.constant 1 : i32
        %dma_wait3A_1679 = arith.constant 0 : i32
        %dma_wait3A_1680 = arith.constant 0 : i32
        %dma_wait3A_1681 = arith.constant 0 : i32
        %dma_wait3A_1682 = arith.constant 0 : i32
        %dma_wait3A_1683 = arith.constant 0 : i32
        %dma_wait3A_1684 = arith.constant 0 : i32
        %dma_wait3A_1685 = tpu.memref_slice %arg7[%dma_wait3A_1678, %dma_wait3A_1679, %dma_wait3A_1683, %dma_wait3A_1684] : memref<2x2x64x129xf32, #tpu.memory_space<vmem>> -> memref<1x1x8x128xf32, #tpu.memory_space<vmem>>
        %dma_wait3A_1686 = tpu.memref_squeeze %dma_wait3A_1685 : memref<1x1x8x128xf32, #tpu.memory_space<vmem>> -> memref<8x128xf32, #tpu.memory_space<vmem>>
        %dma_wait3A_1687 = arith.constant 0 : i32
        %dma_wait3A_1688 = arith.constant 0 : i32
        %dma_wait3A_1689 = tpu.memref_slice %arg4[%dma_wait3A_1680, %dma_wait3A_1681, %dma_wait3A_1682, %dma_wait3A_1687, %dma_wait3A_1688] : memref<50x8x128x8x128xf32, #tpu.memory_space<hbm>> -> memref<1x1x1x8x128xf32, #tpu.memory_space<hbm>>
        %dma_wait3A_1690 = tpu.memref_squeeze %dma_wait3A_1689 : memref<1x1x1x8x128xf32, #tpu.memory_space<hbm>> -> memref<8x128xf32, #tpu.memory_space<hbm>>
        %dma_wait3A_1691 = arith.constant 0 : i32
        %dma_wait3A_1692 = arith.constant 0 : i32
        %dma_wait3A_1693 = tpu.memref_slice %arg4[%dma_wait3A_1680, %dma_wait3A_1681, %dma_wait3A_1682, %dma_wait3A_1691, %dma_wait3A_1692] : memref<50x8x128x8x128xf32, #tpu.memory_space<hbm>> -> memref<1x1x1x8x128xf32, #tpu.memory_space<hbm>>
        %dma_wait3A_1694 = tpu.memref_squeeze %dma_wait3A_1693 : memref<1x1x1x8x128xf32, #tpu.memory_space<hbm>> -> memref<8x128xf32, #tpu.memory_space<hbm>>
        %dma_wait3A_1695 = arith.constant 0 : i32
        %dma_wait3A_1696 = arith.constant 0 : i32
        %dma_wait3A_1697 = tpu.memref_slice %arg7[%dma_wait3A_1678, %dma_wait3A_1679, %dma_wait3A_1695, %dma_wait3A_1696] : memref<2x2x64x129xf32, #tpu.memory_space<vmem>> -> memref<1x1x8x128xf32, #tpu.memory_space<vmem>>
        %dma_wait3A_1698 = tpu.memref_squeeze %dma_wait3A_1697 : memref<1x1x8x128xf32, #tpu.memory_space<vmem>> -> memref<8x128xf32, #tpu.memory_space<vmem>>
        tpu.wait_dma2 semaphore(%arg9 : memref<!tpu.dma_semaphore, #tpu.memory_space<semaphore_mem>>) src(%dma_wait3A_1698 : memref<8x128xf32, #tpu.memory_space<vmem>>) dst(%dma_wait3A_1694 : memref<8x128xf32, #tpu.memory_space<hbm>>)
        %dma_wait3A_1699 = arith.constant 1 : i32
        %dma_wait3A_1700 = arith.constant 0 : i32
        %dma_wait3A_1701 = arith.constant 0 : i32
        %dma_wait3A_1702 = arith.constant 0 : i32
        %dma_wait3A_1703 = arith.constant 0 : i32
        %dma_wait3A_1704 = arith.constant 0 : i32
        %dma_wait3A_1705 = arith.constant 0 : i32
        %dma_wait3A_1706 = tpu.memref_slice %arg7[%dma_wait3A_1699, %dma_wait3A_1700, %dma_wait3A_1704, %dma_wait3A_1705] : memref<2x2x64x129xf32, #tpu.memory_space<vmem>> -> memref<1x1x8x128xf32, #tpu.memory_space<vmem>>
        %dma_wait3A_1707 = tpu.memref_squeeze %dma_wait3A_1706 : memref<1x1x8x128xf32, #tpu.memory_space<vmem>> -> memref<8x128xf32, #tpu.memory_space<vmem>>
        %dma_wait3A_1708 = arith.constant 0 : i32
        %dma_wait3A_1709 = arith.constant 0 : i32
        %dma_wait3A_1710 = tpu.memref_slice %arg4[%dma_wait3A_1701, %dma_wait3A_1702, %dma_wait3A_1703, %dma_wait3A_1708, %dma_wait3A_1709] : memref<50x8x128x8x128xf32, #tpu.memory_space<hbm>> -> memref<1x1x1x8x128xf32, #tpu.memory_space<hbm>>
        %dma_wait3A_1711 = tpu.memref_squeeze %dma_wait3A_1710 : memref<1x1x1x8x128xf32, #tpu.memory_space<hbm>> -> memref<8x128xf32, #tpu.memory_space<hbm>>
        %dma_wait3A_1712 = arith.constant 0 : i32
        %dma_wait3A_1713 = arith.constant 0 : i32
        %dma_wait3A_1714 = tpu.memref_slice %arg4[%dma_wait3A_1701, %dma_wait3A_1702, %dma_wait3A_1703, %dma_wait3A_1712, %dma_wait3A_1713] : memref<50x8x128x8x128xf32, #tpu.memory_space<hbm>> -> memref<1x1x1x8x128xf32, #tpu.memory_space<hbm>>
        %dma_wait3A_1715 = tpu.memref_squeeze %dma_wait3A_1714 : memref<1x1x1x8x128xf32, #tpu.memory_space<hbm>> -> memref<8x128xf32, #tpu.memory_space<hbm>>
        %dma_wait3A_1716 = arith.constant 0 : i32
        %dma_wait3A_1717 = arith.constant 0 : i32
        %dma_wait3A_1718 = tpu.memref_slice %arg7[%dma_wait3A_1699, %dma_wait3A_1700, %dma_wait3A_1716, %dma_wait3A_1717] : memref<2x2x64x129xf32, #tpu.memory_space<vmem>> -> memref<1x1x8x128xf32, #tpu.memory_space<vmem>>
        %dma_wait3A_1719 = tpu.memref_squeeze %dma_wait3A_1718 : memref<1x1x8x128xf32, #tpu.memory_space<vmem>> -> memref<8x128xf32, #tpu.memory_space<vmem>>
        tpu.wait_dma2 semaphore(%arg9 : memref<!tpu.dma_semaphore, #tpu.memory_space<semaphore_mem>>) src(%dma_wait3A_1719 : memref<8x128xf32, #tpu.memory_space<vmem>>) dst(%dma_wait3A_1715 : memref<8x128xf32, #tpu.memory_space<hbm>>)
        %dma_wait3A_1720 = arith.constant 1 : i32
        %dma_wait3A_1721 = arith.constant 0 : i32
        %dma_wait3A_1722 = arith.constant 0 : i32
        %dma_wait3A_1723 = arith.constant 0 : i32
        %dma_wait3A_1724 = arith.constant 0 : i32
        %dma_wait3A_1725 = arith.constant 0 : i32
        %dma_wait3A_1726 = arith.constant 0 : i32
        %dma_wait3A_1727 = tpu.memref_slice %arg7[%dma_wait3A_1720, %dma_wait3A_1721, %dma_wait3A_1725, %dma_wait3A_1726] : memref<2x2x64x129xf32, #tpu.memory_space<vmem>> -> memref<1x1x8x128xf32, #tpu.memory_space<vmem>>
        %dma_wait3A_1728 = tpu.memref_squeeze %dma_wait3A_1727 : memref<1x1x8x128xf32, #tpu.memory_space<vmem>> -> memref<8x128xf32, #tpu.memory_space<vmem>>
        %dma_wait3A_1729 = arith.constant 0 : i32
        %dma_wait3A_1730 = arith.constant 0 : i32
        %dma_wait3A_1731 = tpu.memref_slice %arg4[%dma_wait3A_1722, %dma_wait3A_1723, %dma_wait3A_1724, %dma_wait3A_1729, %dma_wait3A_1730] : memref<50x8x128x8x128xf32, #tpu.memory_space<hbm>> -> memref<1x1x1x8x128xf32, #tpu.memory_space<hbm>>
        %dma_wait3A_1732 = tpu.memref_squeeze %dma_wait3A_1731 : memref<1x1x1x8x128xf32, #tpu.memory_space<hbm>> -> memref<8x128xf32, #tpu.memory_space<hbm>>
        %dma_wait3A_1733 = arith.constant 0 : i32
        %dma_wait3A_1734 = arith.constant 0 : i32
        %dma_wait3A_1735 = tpu.memref_slice %arg4[%dma_wait3A_1722, %dma_wait3A_1723, %dma_wait3A_1724, %dma_wait3A_1733, %dma_wait3A_1734] : memref<50x8x128x8x128xf32, #tpu.memory_space<hbm>> -> memref<1x1x1x8x128xf32, #tpu.memory_space<hbm>>
        %dma_wait3A_1736 = tpu.memref_squeeze %dma_wait3A_1735 : memref<1x1x1x8x128xf32, #tpu.memory_space<hbm>> -> memref<8x128xf32, #tpu.memory_space<hbm>>
        %dma_wait3A_1737 = arith.constant 0 : i32
        %dma_wait3A_1738 = arith.constant 0 : i32
        %dma_wait3A_1739 = tpu.memref_slice %arg7[%dma_wait3A_1720, %dma_wait3A_1721, %dma_wait3A_1737, %dma_wait3A_1738] : memref<2x2x64x129xf32, #tpu.memory_space<vmem>> -> memref<1x1x8x128xf32, #tpu.memory_space<vmem>>
        %dma_wait3A_1740 = tpu.memref_squeeze %dma_wait3A_1739 : memref<1x1x8x128xf32, #tpu.memory_space<vmem>> -> memref<8x128xf32, #tpu.memory_space<vmem>>
        tpu.wait_dma2 semaphore(%arg9 : memref<!tpu.dma_semaphore, #tpu.memory_space<semaphore_mem>>) src(%dma_wait3A_1740 : memref<8x128xf32, #tpu.memory_space<vmem>>) dst(%dma_wait3A_1736 : memref<8x128xf32, #tpu.memory_space<hbm>>)
        %dma_wait3A_1741 = arith.constant 1 : i32
        %dma_wait3A_1742 = arith.constant 0 : i32
        %dma_wait3A_1743 = arith.constant 0 : i32
        %dma_wait3A_1744 = arith.constant 0 : i32
        %dma_wait3A_1745 = arith.constant 0 : i32
        %dma_wait3A_1746 = arith.constant 0 : i32
        %dma_wait3A_1747 = arith.constant 0 : i32
        %dma_wait3A_1748 = tpu.memref_slice %arg7[%dma_wait3A_1741, %dma_wait3A_1742, %dma_wait3A_1746, %dma_wait3A_1747] : memref<2x2x64x129xf32, #tpu.memory_space<vmem>> -> memref<1x1x8x128xf32, #tpu.memory_space<vmem>>
        %dma_wait3A_1749 = tpu.memref_squeeze %dma_wait3A_1748 : memref<1x1x8x128xf32, #tpu.memory_space<vmem>> -> memref<8x128xf32, #tpu.memory_space<vmem>>
        %dma_wait3A_1750 = arith.constant 0 : i32
        %dma_wait3A_1751 = arith.constant 0 : i32
        %dma_wait3A_1752 = tpu.memref_slice %arg4[%dma_wait3A_1743, %dma_wait3A_1744, %dma_wait3A_1745, %dma_wait3A_1750, %dma_wait3A_1751] : memref<50x8x128x8x128xf32, #tpu.memory_space<hbm>> -> memref<1x1x1x8x128xf32, #tpu.memory_space<hbm>>
        %dma_wait3A_1753 = tpu.memref_squeeze %dma_wait3A_1752 : memref<1x1x1x8x128xf32, #tpu.memory_space<hbm>> -> memref<8x128xf32, #tpu.memory_space<hbm>>
        %dma_wait3A_1754 = arith.constant 0 : i32
        %dma_wait3A_1755 = arith.constant 0 : i32
        %dma_wait3A_1756 = tpu.memref_slice %arg4[%dma_wait3A_1743, %dma_wait3A_1744, %dma_wait3A_1745, %dma_wait3A_1754, %dma_wait3A_1755] : memref<50x8x128x8x128xf32, #tpu.memory_space<hbm>> -> memref<1x1x1x8x128xf32, #tpu.memory_space<hbm>>
        %dma_wait3A_1757 = tpu.memref_squeeze %dma_wait3A_1756 : memref<1x1x1x8x128xf32, #tpu.memory_space<hbm>> -> memref<8x128xf32, #tpu.memory_space<hbm>>
        %dma_wait3A_1758 = arith.constant 0 : i32
        %dma_wait3A_1759 = arith.constant 0 : i32
        %dma_wait3A_1760 = tpu.memref_slice %arg7[%dma_wait3A_1741, %dma_wait3A_1742, %dma_wait3A_1758, %dma_wait3A_1759] : memref<2x2x64x129xf32, #tpu.memory_space<vmem>> -> memref<1x1x8x128xf32, #tpu.memory_space<vmem>>
        %dma_wait3A_1761 = tpu.memref_squeeze %dma_wait3A_1760 : memref<1x1x8x128xf32, #tpu.memory_space<vmem>> -> memref<8x128xf32, #tpu.memory_space<vmem>>
        tpu.wait_dma2 semaphore(%arg9 : memref<!tpu.dma_semaphore, #tpu.memory_space<semaphore_mem>>) src(%dma_wait3A_1761 : memref<8x128xf32, #tpu.memory_space<vmem>>) dst(%dma_wait3A_1757 : memref<8x128xf32, #tpu.memory_space<hbm>>)
        %dma_wait3A_1762 = arith.constant 1 : i32
        %dma_wait3A_1763 = arith.constant 0 : i32
        %dma_wait3A_1764 = arith.constant 0 : i32
        %dma_wait3A_1765 = arith.constant 0 : i32
        %dma_wait3A_1766 = arith.constant 0 : i32
        %dma_wait3A_1767 = arith.constant 0 : i32
        %dma_wait3A_1768 = arith.constant 0 : i32
        %dma_wait3A_1769 = tpu.memref_slice %arg7[%dma_wait3A_1762, %dma_wait3A_1763, %dma_wait3A_1767, %dma_wait3A_1768] : memref<2x2x64x129xf32, #tpu.memory_space<vmem>> -> memref<1x1x8x128xf32, #tpu.memory_space<vmem>>
        %dma_wait3A_1770 = tpu.memref_squeeze %dma_wait3A_1769 : memref<1x1x8x128xf32, #tpu.memory_space<vmem>> -> memref<8x128xf32, #tpu.memory_space<vmem>>
        %dma_wait3A_1771 = arith.constant 0 : i32
        %dma_wait3A_1772 = arith.constant 0 : i32
        %dma_wait3A_1773 = tpu.memref_slice %arg4[%dma_wait3A_1764, %dma_wait3A_1765, %dma_wait3A_1766, %dma_wait3A_1771, %dma_wait3A_1772] : memref<50x8x128x8x128xf32, #tpu.memory_space<hbm>> -> memref<1x1x1x8x128xf32, #tpu.memory_space<hbm>>
        %dma_wait3A_1774 = tpu.memref_squeeze %dma_wait3A_1773 : memref<1x1x1x8x128xf32, #tpu.memory_space<hbm>> -> memref<8x128xf32, #tpu.memory_space<hbm>>
        %dma_wait3A_1775 = arith.constant 0 : i32
        %dma_wait3A_1776 = arith.constant 0 : i32
        %dma_wait3A_1777 = tpu.memref_slice %arg4[%dma_wait3A_1764, %dma_wait3A_1765, %dma_wait3A_1766, %dma_wait3A_1775, %dma_wait3A_1776] : memref<50x8x128x8x128xf32, #tpu.memory_space<hbm>> -> memref<1x1x1x8x128xf32, #tpu.memory_space<hbm>>
        %dma_wait3A_1778 = tpu.memref_squeeze %dma_wait3A_1777 : memref<1x1x1x8x128xf32, #tpu.memory_space<hbm>> -> memref<8x128xf32, #tpu.memory_space<hbm>>
        %dma_wait3A_1779 = arith.constant 0 : i32
        %dma_wait3A_1780 = arith.constant 0 : i32
        %dma_wait3A_1781 = tpu.memref_slice %arg7[%dma_wait3A_1762, %dma_wait3A_1763, %dma_wait3A_1779, %dma_wait3A_1780] : memref<2x2x64x129xf32, #tpu.memory_space<vmem>> -> memref<1x1x8x128xf32, #tpu.memory_space<vmem>>
        %dma_wait3A_1782 = tpu.memref_squeeze %dma_wait3A_1781 : memref<1x1x8x128xf32, #tpu.memory_space<vmem>> -> memref<8x128xf32, #tpu.memory_space<vmem>>
        tpu.wait_dma2 semaphore(%arg9 : memref<!tpu.dma_semaphore, #tpu.memory_space<semaphore_mem>>) src(%dma_wait3A_1782 : memref<8x128xf32, #tpu.memory_space<vmem>>) dst(%dma_wait3A_1778 : memref<8x128xf32, #tpu.memory_space<hbm>>)
        %dma_wait3A_1783 = arith.constant 1 : i32
        %dma_wait3A_1784 = arith.constant 0 : i32
        %dma_wait3A_1785 = arith.constant 0 : i32
        %dma_wait3A_1786 = arith.constant 0 : i32
        %dma_wait3A_1787 = arith.constant 0 : i32
        %dma_wait3A_1788 = arith.constant 0 : i32
        %dma_wait3A_1789 = arith.constant 0 : i32
        %dma_wait3A_1790 = tpu.memref_slice %arg7[%dma_wait3A_1783, %dma_wait3A_1784, %dma_wait3A_1788, %dma_wait3A_1789] : memref<2x2x64x129xf32, #tpu.memory_space<vmem>> -> memref<1x1x8x128xf32, #tpu.memory_space<vmem>>
        %dma_wait3A_1791 = tpu.memref_squeeze %dma_wait3A_1790 : memref<1x1x8x128xf32, #tpu.memory_space<vmem>> -> memref<8x128xf32, #tpu.memory_space<vmem>>
        %dma_wait3A_1792 = arith.constant 0 : i32
        %dma_wait3A_1793 = arith.constant 0 : i32
        %dma_wait3A_1794 = tpu.memref_slice %arg4[%dma_wait3A_1785, %dma_wait3A_1786, %dma_wait3A_1787, %dma_wait3A_1792, %dma_wait3A_1793] : memref<50x8x128x8x128xf32, #tpu.memory_space<hbm>> -> memref<1x1x1x8x128xf32, #tpu.memory_space<hbm>>
        %dma_wait3A_1795 = tpu.memref_squeeze %dma_wait3A_1794 : memref<1x1x1x8x128xf32, #tpu.memory_space<hbm>> -> memref<8x128xf32, #tpu.memory_space<hbm>>
        %dma_wait3A_1796 = arith.constant 0 : i32
        %dma_wait3A_1797 = arith.constant 0 : i32
        %dma_wait3A_1798 = tpu.memref_slice %arg4[%dma_wait3A_1785, %dma_wait3A_1786, %dma_wait3A_1787, %dma_wait3A_1796, %dma_wait3A_1797] : memref<50x8x128x8x128xf32, #tpu.memory_space<hbm>> -> memref<1x1x1x8x128xf32, #tpu.memory_space<hbm>>
        %dma_wait3A_1799 = tpu.memref_squeeze %dma_wait3A_1798 : memref<1x1x1x8x128xf32, #tpu.memory_space<hbm>> -> memref<8x128xf32, #tpu.memory_space<hbm>>
        %dma_wait3A_1800 = arith.constant 0 : i32
        %dma_wait3A_1801 = arith.constant 0 : i32
        %dma_wait3A_1802 = tpu.memref_slice %arg7[%dma_wait3A_1783, %dma_wait3A_1784, %dma_wait3A_1800, %dma_wait3A_1801] : memref<2x2x64x129xf32, #tpu.memory_space<vmem>> -> memref<1x1x8x128xf32, #tpu.memory_space<vmem>>
        %dma_wait3A_1803 = tpu.memref_squeeze %dma_wait3A_1802 : memref<1x1x8x128xf32, #tpu.memory_space<vmem>> -> memref<8x128xf32, #tpu.memory_space<vmem>>
        tpu.wait_dma2 semaphore(%arg9 : memref<!tpu.dma_semaphore, #tpu.memory_space<semaphore_mem>>) src(%dma_wait3A_1803 : memref<8x128xf32, #tpu.memory_space<vmem>>) dst(%dma_wait3A_1799 : memref<8x128xf32, #tpu.memory_space<hbm>>)
        %dma_wait3A_1804 = arith.constant 1 : i32
        %dma_wait3A_1805 = arith.constant 0 : i32
        %dma_wait3A_1806 = arith.constant 0 : i32
        %dma_wait3A_1807 = arith.constant 0 : i32
        %dma_wait3A_1808 = arith.constant 0 : i32
        %dma_wait3A_1809 = arith.constant 0 : i32
        %dma_wait3A_1810 = arith.constant 0 : i32
        %dma_wait3A_1811 = tpu.memref_slice %arg7[%dma_wait3A_1804, %dma_wait3A_1805, %dma_wait3A_1809, %dma_wait3A_1810] : memref<2x2x64x129xf32, #tpu.memory_space<vmem>> -> memref<1x1x8x128xf32, #tpu.memory_space<vmem>>
        %dma_wait3A_1812 = tpu.memref_squeeze %dma_wait3A_1811 : memref<1x1x8x128xf32, #tpu.memory_space<vmem>> -> memref<8x128xf32, #tpu.memory_space<vmem>>
        %dma_wait3A_1813 = arith.constant 0 : i32
        %dma_wait3A_1814 = arith.constant 0 : i32
        %dma_wait3A_1815 = tpu.memref_slice %arg4[%dma_wait3A_1806, %dma_wait3A_1807, %dma_wait3A_1808, %dma_wait3A_1813, %dma_wait3A_1814] : memref<50x8x128x8x128xf32, #tpu.memory_space<hbm>> -> memref<1x1x1x8x128xf32, #tpu.memory_space<hbm>>
        %dma_wait3A_1816 = tpu.memref_squeeze %dma_wait3A_1815 : memref<1x1x1x8x128xf32, #tpu.memory_space<hbm>> -> memref<8x128xf32, #tpu.memory_space<hbm>>
        %dma_wait3A_1817 = arith.constant 0 : i32
        %dma_wait3A_1818 = arith.constant 0 : i32
        %dma_wait3A_1819 = tpu.memref_slice %arg4[%dma_wait3A_1806, %dma_wait3A_1807, %dma_wait3A_1808, %dma_wait3A_1817, %dma_wait3A_1818] : memref<50x8x128x8x128xf32, #tpu.memory_space<hbm>> -> memref<1x1x1x8x128xf32, #tpu.memory_space<hbm>>
        %dma_wait3A_1820 = tpu.memref_squeeze %dma_wait3A_1819 : memref<1x1x1x8x128xf32, #tpu.memory_space<hbm>> -> memref<8x128xf32, #tpu.memory_space<hbm>>
        %dma_wait3A_1821 = arith.constant 0 : i32
        %dma_wait3A_1822 = arith.constant 0 : i32
        %dma_wait3A_1823 = tpu.memref_slice %arg7[%dma_wait3A_1804, %dma_wait3A_1805, %dma_wait3A_1821, %dma_wait3A_1822] : memref<2x2x64x129xf32, #tpu.memory_space<vmem>> -> memref<1x1x8x128xf32, #tpu.memory_space<vmem>>
        %dma_wait3A_1824 = tpu.memref_squeeze %dma_wait3A_1823 : memref<1x1x8x128xf32, #tpu.memory_space<vmem>> -> memref<8x128xf32, #tpu.memory_space<vmem>>
        tpu.wait_dma2 semaphore(%arg9 : memref<!tpu.dma_semaphore, #tpu.memory_space<semaphore_mem>>) src(%dma_wait3A_1824 : memref<8x128xf32, #tpu.memory_space<vmem>>) dst(%dma_wait3A_1820 : memref<8x128xf32, #tpu.memory_space<hbm>>)
      } else {
      }
      %scan3A_1119 = arith.constant 0 : i32
      %scan3A_1120 = arith.constant 32 : i32
      %scan3A_1121 = arith.addi %scan3A_1119, %scan3A_1120 : i32
      %scan3A_1122 = arith.constant 1 : i32
      scf.for %scan3A_1489 = %scan3A_1119 to %scan3A_1121 step %scan3A_1122  : i32 {
        %mul3A_1490 = arith.constant 8 : i32
        %mul3A_1491 = arith.muli %scan3A_1489, %mul3A_1490 : i32
        %add3A_1492 = arith.constant 0 : i32
        %add3A_1493 = arith.addi %add3A_1492, %mul3A_1491 : i32
        %add3A_1494 = arith.constant 0 : i32
        %add3A_1495 = arith.addi %add3A_1493, %add3A_1494 : i32
        %jit3A_1496 = arith.constant 128 : i32
        %div3A_1497 = arith.divsi %add3A_1495, %jit3A_1496 : i32
        %sign3A_1498 = arith.constant 0 : i32
        %sign3A_1499 = arith.cmpi sgt, %add3A_1495, %sign3A_1498 : i32
        %sign3A_1500 = arith.extui %sign3A_1499 : i1 to i32
        %sign3A_1501 = arith.constant 0 : i32
        %sign3A_1502 = arith.cmpi slt, %add3A_1495, %sign3A_1501 : i32
        %sign3A_1503 = arith.extui %sign3A_1502 : i1 to i32
        %sign3A_1504 = arith.subi %sign3A_1500, %sign3A_1503 : i32
        %sign3A_1505 = arith.constant 0 : i32
        %sign3A_1506 = arith.cmpi sgt, %jit3A_1496, %sign3A_1505 : i32
        %sign3A_1507 = arith.extui %sign3A_1506 : i1 to i32
        %sign3A_1508 = arith.constant 0 : i32
        %sign3A_1509 = arith.cmpi slt, %jit3A_1496, %sign3A_1508 : i32
        %sign3A_1510 = arith.extui %sign3A_1509 : i1 to i32
        %sign3A_1511 = arith.subi %sign3A_1507, %sign3A_1510 : i32
        %ne3A_1512 = arith.cmpi ne, %sign3A_1504, %sign3A_1511 : i32
        %rem3A_1513 = arith.remsi %add3A_1495, %jit3A_1496 : i32
        %ne3A_1514 = arith.constant 0 : i32
        %ne3A_1515 = arith.cmpi ne, %rem3A_1513, %ne3A_1514 : i32
        %and3A_1516 = arith.andi %ne3A_1512, %ne3A_1515 : i1
        %sub3A_1517 = arith.constant 1 : i32
        %sub3A_1518 = arith.subi %div3A_1497, %sub3A_1517 : i32
        %select_n3A_1519 = arith.select %and3A_1516, %sub3A_1518, %div3A_1497 : i32
        %jit3A_1520 = arith.constant 128 : i32
        %eq3A_1521 = arith.constant 0 : i32
        %eq3A_1522 = arith.cmpi eq, %jit3A_1520, %eq3A_1521 : i32
        %jit3A_1523 = arith.constant 1 : i32
        %select_n3A_1524 = arith.select %eq3A_1522, %jit3A_1523, %jit3A_1520 : i32
        %rem3A_1525 = arith.remsi %add3A_1495, %select_n3A_1524 : i32
        %ne3A_1526 = arith.constant 0 : i32
        %ne3A_1527 = arith.cmpi ne, %rem3A_1525, %ne3A_1526 : i32
        %lt3A_1528 = arith.constant 0 : i32
        %lt3A_1529 = arith.cmpi slt, %rem3A_1525, %lt3A_1528 : i32
        %lt3A_1530 = arith.constant 0 : i32
        %lt3A_1531 = arith.cmpi slt, %select_n3A_1524, %lt3A_1530 : i32
        %ne3A_1532 = arith.xori %lt3A_1529, %lt3A_1531 : i1
        %and3A_1533 = arith.andi %ne3A_1532, %ne3A_1527 : i1
        %add3A_1534 = arith.addi %rem3A_1525, %select_n3A_1524 : i32
        %select_n3A_1535 = arith.select %and3A_1533, %add3A_1534, %rem3A_1525 : i32
        %broadcast_in_dim3A = arith.constant 0 : i32
        %broadcast_in_dim3A_1536 = vector.broadcast %broadcast_in_dim3A : i32 to vector<16xi32>
        %add3A_1537 = vector.broadcast %select_n3A_1535 : i32 to vector<16xi32>
        %add3A_1538 = arith.addi %broadcast_in_dim3A_1536, %add3A_1537 : vector<16xi32>
        %get3A = arith.constant 1 : i32
        %get3A_1539 = arith.index_cast %get3A : i32 to index
        %get3A_1540 = arith.index_cast %add3A_1495 : i32 to index
        %get3A_1541 = arith.constant 0 : index
        %get3A_1542 = tpu.vector_load %arg6[%get3A_1539, %get3A_1540, %get3A_1541] {strides = array<i32>} : memref<2x256x64xf32, #tpu.memory_space<vmem>>, vector<16xf32>,
        %get3A_1543 = arith.constant 1 : i32
        %get3A_1544 = arith.index_cast %get3A_1543 : i32 to index
        %get3A_1545 = arith.index_cast %add3A_1495 : i32 to index
        %get3A_1546 = arith.constant 16 : index
        %get3A_1547 = tpu.vector_load %arg6[%get3A_1544, %get3A_1545, %get3A_1546] {strides = array<i32>} : memref<2x256x64xf32, #tpu.memory_space<vmem>>, vector<16xf32>,
        %get3A_1548 = arith.constant 1 : i32
        %get3A_1549 = arith.index_cast %get3A_1548 : i32 to index
        %get3A_1550 = arith.index_cast %add3A_1495 : i32 to index
        %get3A_1551 = arith.constant 32 : index
        %get3A_1552 = tpu.vector_load %arg6[%get3A_1549, %get3A_1550, %get3A_1551] {strides = array<i32>} : memref<2x256x64xf32, #tpu.memory_space<vmem>>, vector<16xf32>,
        %get3A_1553 = arith.constant 1 : i32
        %get3A_1554 = arith.index_cast %get3A_1553 : i32 to index
        %get3A_1555 = arith.index_cast %add3A_1495 : i32 to index
        %get3A_1556 = arith.constant 48 : index
        %get3A_1557 = tpu.vector_load %arg6[%get3A_1554, %get3A_1555, %get3A_1556] {strides = array<i32>} : memref<2x256x64xf32, #tpu.memory_space<vmem>>, vector<16xf32>,
        %scatter3A = arith.constant 1 : i32
        %scatter3A_1558 = arith.constant 0 : i32
        %scatter3A_1559 = arith.constant 0 : i32
        %scatter3A_1560 = tpu.memref_slice %arg7[%scatter3A, %select_n3A_1519, %scatter3A_1558, %scatter3A_1559] : memref<2x2x64x129xf32, #tpu.memory_space<vmem>> -> memref<1x1x64x129xf32, #tpu.memory_space<vmem>>
        %scatter3A_1561 = tpu.memref_squeeze %scatter3A_1560 : memref<1x1x64x129xf32, #tpu.memory_space<vmem>> -> memref<64x129xf32, #tpu.memory_space<vmem>>
        tpu.vector_store_idx %scatter3A_1561[%add3A_5, %add3A_1538], %get3A_1542 : memref<64x129xf32, #tpu.memory_space<vmem>>[vector<16xi32>, vector<16xi32>], vector<16xf32>,
        %scatter3A_1562 = arith.constant 1 : i32
        %scatter3A_1563 = arith.constant 0 : i32
        %scatter3A_1564 = arith.constant 0 : i32
        %scatter3A_1565 = tpu.memref_slice %arg7[%scatter3A_1562, %select_n3A_1519, %scatter3A_1563, %scatter3A_1564] : memref<2x2x64x129xf32, #tpu.memory_space<vmem>> -> memref<1x1x64x129xf32, #tpu.memory_space<vmem>>
        %scatter3A_1566 = tpu.memref_squeeze %scatter3A_1565 : memref<1x1x64x129xf32, #tpu.memory_space<vmem>> -> memref<64x129xf32, #tpu.memory_space<vmem>>
        tpu.vector_store_idx %scatter3A_1566[%add3A_8, %add3A_1538], %get3A_1547 : memref<64x129xf32, #tpu.memory_space<vmem>>[vector<16xi32>, vector<16xi32>], vector<16xf32>,
        %scatter3A_1567 = arith.constant 1 : i32
        %scatter3A_1568 = arith.constant 0 : i32
        %scatter3A_1569 = arith.constant 0 : i32
        %scatter3A_1570 = tpu.memref_slice %arg7[%scatter3A_1567, %select_n3A_1519, %scatter3A_1568, %scatter3A_1569] : memref<2x2x64x129xf32, #tpu.memory_space<vmem>> -> memref<1x1x64x129xf32, #tpu.memory_space<vmem>>
        %scatter3A_1571 = tpu.memref_squeeze %scatter3A_1570 : memref<1x1x64x129xf32, #tpu.memory_space<vmem>> -> memref<64x129xf32, #tpu.memory_space<vmem>>
        tpu.vector_store_idx %scatter3A_1571[%add3A_11, %add3A_1538], %get3A_1552 : memref<64x129xf32, #tpu.memory_space<vmem>>[vector<16xi32>, vector<16xi32>], vector<16xf32>,
        %scatter3A_1572 = arith.constant 1 : i32
        %scatter3A_1573 = arith.constant 0 : i32
        %scatter3A_1574 = arith.constant 0 : i32
        %scatter3A_1575 = tpu.memref_slice %arg7[%scatter3A_1572, %select_n3A_1519, %scatter3A_1573, %scatter3A_1574] : memref<2x2x64x129xf32, #tpu.memory_space<vmem>> -> memref<1x1x64x129xf32, #tpu.memory_space<vmem>>
        %scatter3A_1576 = tpu.memref_squeeze %scatter3A_1575 : memref<1x1x64x129xf32, #tpu.memory_space<vmem>> -> memref<64x129xf32, #tpu.memory_space<vmem>>
        tpu.vector_store_idx %scatter3A_1576[%add3A_14, %add3A_1538], %get3A_1557 : memref<64x129xf32, #tpu.memory_space<vmem>>[vector<16xi32>, vector<16xi32>], vector<16xf32>,
        %add3A_1577 = arith.constant 1 : i32
        %add3A_1578 = arith.addi %add3A_1493, %add3A_1577 : i32
        %jit3A_1579 = arith.constant 128 : i32
        %div3A_1580 = arith.divsi %add3A_1578, %jit3A_1579 : i32
        %sign3A_1581 = arith.constant 0 : i32
        %sign3A_1582 = arith.cmpi sgt, %add3A_1578, %sign3A_1581 : i32
        %sign3A_1583 = arith.extui %sign3A_1582 : i1 to i32
        %sign3A_1584 = arith.constant 0 : i32
        %sign3A_1585 = arith.cmpi slt, %add3A_1578, %sign3A_1584 : i32
        %sign3A_1586 = arith.extui %sign3A_1585 : i1 to i32
        %sign3A_1587 = arith.subi %sign3A_1583, %sign3A_1586 : i32
        %sign3A_1588 = arith.constant 0 : i32
        %sign3A_1589 = arith.cmpi sgt, %jit3A_1579, %sign3A_1588 : i32
        %sign3A_1590 = arith.extui %sign3A_1589 : i1 to i32
        %sign3A_1591 = arith.constant 0 : i32
        %sign3A_1592 = arith.cmpi slt, %jit3A_1579, %sign3A_1591 : i32
        %sign3A_1593 = arith.extui %sign3A_1592 : i1 to i32
        %sign3A_1594 = arith.subi %sign3A_1590, %sign3A_1593 : i32
        %ne3A_1595 = arith.cmpi ne, %sign3A_1587, %sign3A_1594 : i32
        %rem3A_1596 = arith.remsi %add3A_1578, %jit3A_1579 : i32
        %ne3A_1597 = arith.constant 0 : i32
        %ne3A_1598 = arith.cmpi ne, %rem3A_1596, %ne3A_1597 : i32
        %and3A_1599 = arith.andi %ne3A_1595, %ne3A_1598 : i1
        %sub3A_1600 = arith.constant 1 : i32
        %sub3A_1601 = arith.subi %div3A_1580, %sub3A_1600 : i32
        %select_n3A_1602 = arith.select %and3A_1599, %sub3A_1601, %div3A_1580 : i32
        %jit3A_1603 = arith.constant 128 : i32
        %eq3A_1604 = arith.constant 0 : i32
        %eq3A_1605 = arith.cmpi eq, %jit3A_1603, %eq3A_1604 : i32
        %jit3A_1606 = arith.constant 1 : i32
        %select_n3A_1607 = arith.select %eq3A_1605, %jit3A_1606, %jit3A_1603 : i32
        %rem3A_1608 = arith.remsi %add3A_1578, %select_n3A_1607 : i32
        %ne3A_1609 = arith.constant 0 : i32
        %ne3A_1610 = arith.cmpi ne, %rem3A_1608, %ne3A_1609 : i32
        %lt3A_1611 = arith.constant 0 : i32
        %lt3A_1612 = arith.cmpi slt, %rem3A_1608, %lt3A_1611 : i32
        %lt3A_1613 = arith.constant 0 : i32
        %lt3A_1614 = arith.cmpi slt, %select_n3A_1607, %lt3A_1613 : i32
        %ne3A_1615 = arith.xori %lt3A_1612, %lt3A_1614 : i1
        %and3A_1616 = arith.andi %ne3A_1615, %ne3A_1610 : i1
        %add3A_1617 = arith.addi %rem3A_1608, %select_n3A_1607 : i32
        %select_n3A_1618 = arith.select %and3A_1616, %add3A_1617, %rem3A_1608 : i32
        %broadcast_in_dim3A_1619 = arith.constant 0 : i32
        %broadcast_in_dim3A_1620 = vector.broadcast %broadcast_in_dim3A_1619 : i32 to vector<16xi32>
        %add3A_1621 = vector.broadcast %select_n3A_1618 : i32 to vector<16xi32>
        %add3A_1622 = arith.addi %broadcast_in_dim3A_1620, %add3A_1621 : vector<16xi32>
        %get3A_1623 = arith.constant 1 : i32
        %get3A_1624 = arith.index_cast %get3A_1623 : i32 to index
        %get3A_1625 = arith.index_cast %add3A_1578 : i32 to index
        %get3A_1626 = arith.constant 0 : index
        %get3A_1627 = tpu.vector_load %arg6[%get3A_1624, %get3A_1625, %get3A_1626] {strides = array<i32>} : memref<2x256x64xf32, #tpu.memory_space<vmem>>, vector<16xf32>,
        %get3A_1628 = arith.constant 1 : i32
        %get3A_1629 = arith.index_cast %get3A_1628 : i32 to index
        %get3A_1630 = arith.index_cast %add3A_1578 : i32 to index
        %get3A_1631 = arith.constant 16 : index
        %get3A_1632 = tpu.vector_load %arg6[%get3A_1629, %get3A_1630, %get3A_1631] {strides = array<i32>} : memref<2x256x64xf32, #tpu.memory_space<vmem>>, vector<16xf32>,
        %get3A_1633 = arith.constant 1 : i32
        %get3A_1634 = arith.index_cast %get3A_1633 : i32 to index
        %get3A_1635 = arith.index_cast %add3A_1578 : i32 to index
        %get3A_1636 = arith.constant 32 : index
        %get3A_1637 = tpu.vector_load %arg6[%get3A_1634, %get3A_1635, %get3A_1636] {strides = array<i32>} : memref<2x256x64xf32, #tpu.memory_space<vmem>>, vector<16xf32>,
        %get3A_1638 = arith.constant 1 : i32
        %get3A_1639 = arith.index_cast %get3A_1638 : i32 to index
        %get3A_1640 = arith.index_cast %add3A_1578 : i32 to index
        %get3A_1641 = arith.constant 48 : index
        %get3A_1642 = tpu.vector_load %arg6[%get3A_1639, %get3A_1640, %get3A_1641] {strides = array<i32>} : memref<2x256x64xf32, #tpu.memory_space<vmem>>, vector<16xf32>,
        %scatter3A_1643 = arith.constant 1 : i32
        %scatter3A_1644 = arith.constant 0 : i32
        %scatter3A_1645 = arith.constant 0 : i32
        %scatter3A_1646 = tpu.memref_slice %arg7[%scatter3A_1643, %select_n3A_1602, %scatter3A_1644, %scatter3A_1645] : memref<2x2x64x129xf32, #tpu.memory_space<vmem>> -> memref<1x1x64x129xf32, #tpu.memory_space<vmem>>
        %scatter3A_1647 = tpu.memref_squeeze %scatter3A_1646 : memref<1x1x64x129xf32, #tpu.memory_space<vmem>> -> memref<64x129xf32, #tpu.memory_space<vmem>>
        tpu.vector_store_idx %scatter3A_1647[%add3A_5, %add3A_1622], %get3A_1627 : memref<64x129xf32, #tpu.memory_space<vmem>>[vector<16xi32>, vector<16xi32>], vector<16xf32>,
        %scatter3A_1648 = arith.constant 1 : i32
        %scatter3A_1649 = arith.constant 0 : i32
        %scatter3A_1650 = arith.constant 0 : i32
        %scatter3A_1651 = tpu.memref_slice %arg7[%scatter3A_1648, %select_n3A_1602, %scatter3A_1649, %scatter3A_1650] : memref<2x2x64x129xf32, #tpu.memory_space<vmem>> -> memref<1x1x64x129xf32, #tpu.memory_space<vmem>>
        %scatter3A_1652 = tpu.memref_squeeze %scatter3A_1651 : memref<1x1x64x129xf32, #tpu.memory_space<vmem>> -> memref<64x129xf32, #tpu.memory_space<vmem>>
        tpu.vector_store_idx %scatter3A_1652[%add3A_8, %add3A_1622], %get3A_1632 : memref<64x129xf32, #tpu.memory_space<vmem>>[vector<16xi32>, vector<16xi32>], vector<16xf32>,
        %scatter3A_1653 = arith.constant 1 : i32
        %scatter3A_1654 = arith.constant 0 : i32
        %scatter3A_1655 = arith.constant 0 : i32
        %scatter3A_1656 = tpu.memref_slice %arg7[%scatter3A_1653, %select_n3A_1602, %scatter3A_1654, %scatter3A_1655] : memref<2x2x64x129xf32, #tpu.memory_space<vmem>> -> memref<1x1x64x129xf32, #tpu.memory_space<vmem>>
        %scatter3A_1657 = tpu.memref_squeeze %scatter3A_1656 : memref<1x1x64x129xf32, #tpu.memory_space<vmem>> -> memref<64x129xf32, #tpu.memory_space<vmem>>
        tpu.vector_store_idx %scatter3A_1657[%add3A_11, %add3A_1622], %get3A_1637 : memref<64x129xf32, #tpu.memory_space<vmem>>[vector<16xi32>, vector<16xi32>], vector<16xf32>,
        %scatter3A_1658 = arith.constant 1 : i32
        %scatter3A_1659 = arith.constant 0 : i32
        %scatter3A_1660 = arith.constant 0 : i32
        %scatter3A_1661 = tpu.memref_slice %arg7[%scatter3A_1658, %select_n3A_1602, %scatter3A_1659, %scatter3A_1660] : memref<2x2x64x129xf32, #tpu.memory_space<vmem>> -> memref<1x1x64x129xf32, #tpu.memory_space<vmem>>
        %scatter3A_1662 = tpu.memref_squeeze %scatter3A_1661 : memref<1x1x64x129xf32, #tpu.memory_space<vmem>> -> memref<64x129xf32, #tpu.memory_space<vmem>>
        tpu.vector_store_idx %scatter3A_1662[%add3A_14, %add3A_1622], %get3A_1642 : memref<64x129xf32, #tpu.memory_space<vmem>>[vector<16xi32>, vector<16xi32>], vector<16xf32>,
        %add3A_1663 = arith.constant 2 : i32
        %add3A_1664 = arith.addi %add3A_1493, %add3A_1663 : i32
        %jit3A_1665 = arith.constant 128 : i32
        %div3A_1666 = arith.divsi %add3A_1664, %jit3A_1665 : i32
        %sign3A_1667 = arith.constant 0 : i32
        %sign3A_1668 = arith.cmpi sgt, %add3A_1664, %sign3A_1667 : i32
        %sign3A_1669 = arith.extui %sign3A_1668 : i1 to i32
        %sign3A_1670 = arith.constant 0 : i32
        %sign3A_1671 = arith.cmpi slt, %add3A_1664, %sign3A_1670 : i32
        %sign3A_1672 = arith.extui %sign3A_1671 : i1 to i32
        %sign3A_1673 = arith.subi %sign3A_1669, %sign3A_1672 : i32
        %sign3A_1674 = arith.constant 0 : i32
        %sign3A_1675 = arith.cmpi sgt, %jit3A_1665, %sign3A_1674 : i32
        %sign3A_1676 = arith.extui %sign3A_1675 : i1 to i32
        %sign3A_1677 = arith.constant 0 : i32
        %sign3A_1678 = arith.cmpi slt, %jit3A_1665, %sign3A_1677 : i32
        %sign3A_1679 = arith.extui %sign3A_1678 : i1 to i32
        %sign3A_1680 = arith.subi %sign3A_1676, %sign3A_1679 : i32
        %ne3A_1681 = arith.cmpi ne, %sign3A_1673, %sign3A_1680 : i32
        %rem3A_1682 = arith.remsi %add3A_1664, %jit3A_1665 : i32
        %ne3A_1683 = arith.constant 0 : i32
        %ne3A_1684 = arith.cmpi ne, %rem3A_1682, %ne3A_1683 : i32
        %and3A_1685 = arith.andi %ne3A_1681, %ne3A_1684 : i1
        %sub3A_1686 = arith.constant 1 : i32
        %sub3A_1687 = arith.subi %div3A_1666, %sub3A_1686 : i32
        %select_n3A_1688 = arith.select %and3A_1685, %sub3A_1687, %div3A_1666 : i32
        %jit3A_1689 = arith.constant 128 : i32
        %eq3A_1690 = arith.constant 0 : i32
        %eq3A_1691 = arith.cmpi eq, %jit3A_1689, %eq3A_1690 : i32
        %jit3A_1692 = arith.constant 1 : i32
        %select_n3A_1693 = arith.select %eq3A_1691, %jit3A_1692, %jit3A_1689 : i32
        %rem3A_1694 = arith.remsi %add3A_1664, %select_n3A_1693 : i32
        %ne3A_1695 = arith.constant 0 : i32
        %ne3A_1696 = arith.cmpi ne, %rem3A_1694, %ne3A_1695 : i32
        %lt3A_1697 = arith.constant 0 : i32
        %lt3A_1698 = arith.cmpi slt, %rem3A_1694, %lt3A_1697 : i32
        %lt3A_1699 = arith.constant 0 : i32
        %lt3A_1700 = arith.cmpi slt, %select_n3A_1693, %lt3A_1699 : i32
        %ne3A_1701 = arith.xori %lt3A_1698, %lt3A_1700 : i1
        %and3A_1702 = arith.andi %ne3A_1701, %ne3A_1696 : i1
        %add3A_1703 = arith.addi %rem3A_1694, %select_n3A_1693 : i32
        %select_n3A_1704 = arith.select %and3A_1702, %add3A_1703, %rem3A_1694 : i32
        %broadcast_in_dim3A_1705 = arith.constant 0 : i32
        %broadcast_in_dim3A_1706 = vector.broadcast %broadcast_in_dim3A_1705 : i32 to vector<16xi32>
        %add3A_1707 = vector.broadcast %select_n3A_1704 : i32 to vector<16xi32>
        %add3A_1708 = arith.addi %broadcast_in_dim3A_1706, %add3A_1707 : vector<16xi32>
        %get3A_1709 = arith.constant 1 : i32
        %get3A_1710 = arith.index_cast %get3A_1709 : i32 to index
        %get3A_1711 = arith.index_cast %add3A_1664 : i32 to index
        %get3A_1712 = arith.constant 0 : index
        %get3A_1713 = tpu.vector_load %arg6[%get3A_1710, %get3A_1711, %get3A_1712] {strides = array<i32>} : memref<2x256x64xf32, #tpu.memory_space<vmem>>, vector<16xf32>,
        %get3A_1714 = arith.constant 1 : i32
        %get3A_1715 = arith.index_cast %get3A_1714 : i32 to index
        %get3A_1716 = arith.index_cast %add3A_1664 : i32 to index
        %get3A_1717 = arith.constant 16 : index
        %get3A_1718 = tpu.vector_load %arg6[%get3A_1715, %get3A_1716, %get3A_1717] {strides = array<i32>} : memref<2x256x64xf32, #tpu.memory_space<vmem>>, vector<16xf32>,
        %get3A_1719 = arith.constant 1 : i32
        %get3A_1720 = arith.index_cast %get3A_1719 : i32 to index
        %get3A_1721 = arith.index_cast %add3A_1664 : i32 to index
        %get3A_1722 = arith.constant 32 : index
        %get3A_1723 = tpu.vector_load %arg6[%get3A_1720, %get3A_1721, %get3A_1722] {strides = array<i32>} : memref<2x256x64xf32, #tpu.memory_space<vmem>>, vector<16xf32>,
        %get3A_1724 = arith.constant 1 : i32
        %get3A_1725 = arith.index_cast %get3A_1724 : i32 to index
        %get3A_1726 = arith.index_cast %add3A_1664 : i32 to index
        %get3A_1727 = arith.constant 48 : index
        %get3A_1728 = tpu.vector_load %arg6[%get3A_1725, %get3A_1726, %get3A_1727] {strides = array<i32>} : memref<2x256x64xf32, #tpu.memory_space<vmem>>, vector<16xf32>,
        %scatter3A_1729 = arith.constant 1 : i32
        %scatter3A_1730 = arith.constant 0 : i32
        %scatter3A_1731 = arith.constant 0 : i32
        %scatter3A_1732 = tpu.memref_slice %arg7[%scatter3A_1729, %select_n3A_1688, %scatter3A_1730, %scatter3A_1731] : memref<2x2x64x129xf32, #tpu.memory_space<vmem>> -> memref<1x1x64x129xf32, #tpu.memory_space<vmem>>
        %scatter3A_1733 = tpu.memref_squeeze %scatter3A_1732 : memref<1x1x64x129xf32, #tpu.memory_space<vmem>> -> memref<64x129xf32, #tpu.memory_space<vmem>>
        tpu.vector_store_idx %scatter3A_1733[%add3A_5, %add3A_1708], %get3A_1713 : memref<64x129xf32, #tpu.memory_space<vmem>>[vector<16xi32>, vector<16xi32>], vector<16xf32>,
        %scatter3A_1734 = arith.constant 1 : i32
        %scatter3A_1735 = arith.constant 0 : i32
        %scatter3A_1736 = arith.constant 0 : i32
        %scatter3A_1737 = tpu.memref_slice %arg7[%scatter3A_1734, %select_n3A_1688, %scatter3A_1735, %scatter3A_1736] : memref<2x2x64x129xf32, #tpu.memory_space<vmem>> -> memref<1x1x64x129xf32, #tpu.memory_space<vmem>>
        %scatter3A_1738 = tpu.memref_squeeze %scatter3A_1737 : memref<1x1x64x129xf32, #tpu.memory_space<vmem>> -> memref<64x129xf32, #tpu.memory_space<vmem>>
        tpu.vector_store_idx %scatter3A_1738[%add3A_8, %add3A_1708], %get3A_1718 : memref<64x129xf32, #tpu.memory_space<vmem>>[vector<16xi32>, vector<16xi32>], vector<16xf32>,
        %scatter3A_1739 = arith.constant 1 : i32
        %scatter3A_1740 = arith.constant 0 : i32
        %scatter3A_1741 = arith.constant 0 : i32
        %scatter3A_1742 = tpu.memref_slice %arg7[%scatter3A_1739, %select_n3A_1688, %scatter3A_1740, %scatter3A_1741] : memref<2x2x64x129xf32, #tpu.memory_space<vmem>> -> memref<1x1x64x129xf32, #tpu.memory_space<vmem>>
        %scatter3A_1743 = tpu.memref_squeeze %scatter3A_1742 : memref<1x1x64x129xf32, #tpu.memory_space<vmem>> -> memref<64x129xf32, #tpu.memory_space<vmem>>
        tpu.vector_store_idx %scatter3A_1743[%add3A_11, %add3A_1708], %get3A_1723 : memref<64x129xf32, #tpu.memory_space<vmem>>[vector<16xi32>, vector<16xi32>], vector<16xf32>,
        %scatter3A_1744 = arith.constant 1 : i32
        %scatter3A_1745 = arith.constant 0 : i32
        %scatter3A_1746 = arith.constant 0 : i32
        %scatter3A_1747 = tpu.memref_slice %arg7[%scatter3A_1744, %select_n3A_1688, %scatter3A_1745, %scatter3A_1746] : memref<2x2x64x129xf32, #tpu.memory_space<vmem>> -> memref<1x1x64x129xf32, #tpu.memory_space<vmem>>
        %scatter3A_1748 = tpu.memref_squeeze %scatter3A_1747 : memref<1x1x64x129xf32, #tpu.memory_space<vmem>> -> memref<64x129xf32, #tpu.memory_space<vmem>>
        tpu.vector_store_idx %scatter3A_1748[%add3A_14, %add3A_1708], %get3A_1728 : memref<64x129xf32, #tpu.memory_space<vmem>>[vector<16xi32>, vector<16xi32>], vector<16xf32>,
        %add3A_1749 = arith.constant 3 : i32
        %add3A_1750 = arith.addi %add3A_1493, %add3A_1749 : i32
        %jit3A_1751 = arith.constant 128 : i32
        %div3A_1752 = arith.divsi %add3A_1750, %jit3A_1751 : i32
        %sign3A_1753 = arith.constant 0 : i32
        %sign3A_1754 = arith.cmpi sgt, %add3A_1750, %sign3A_1753 : i32
        %sign3A_1755 = arith.extui %sign3A_1754 : i1 to i32
        %sign3A_1756 = arith.constant 0 : i32
        %sign3A_1757 = arith.cmpi slt, %add3A_1750, %sign3A_1756 : i32
        %sign3A_1758 = arith.extui %sign3A_1757 : i1 to i32
        %sign3A_1759 = arith.subi %sign3A_1755, %sign3A_1758 : i32
        %sign3A_1760 = arith.constant 0 : i32
        %sign3A_1761 = arith.cmpi sgt, %jit3A_1751, %sign3A_1760 : i32
        %sign3A_1762 = arith.extui %sign3A_1761 : i1 to i32
        %sign3A_1763 = arith.constant 0 : i32
        %sign3A_1764 = arith.cmpi slt, %jit3A_1751, %sign3A_1763 : i32
        %sign3A_1765 = arith.extui %sign3A_1764 : i1 to i32
        %sign3A_1766 = arith.subi %sign3A_1762, %sign3A_1765 : i32
        %ne3A_1767 = arith.cmpi ne, %sign3A_1759, %sign3A_1766 : i32
        %rem3A_1768 = arith.remsi %add3A_1750, %jit3A_1751 : i32
        %ne3A_1769 = arith.constant 0 : i32
        %ne3A_1770 = arith.cmpi ne, %rem3A_1768, %ne3A_1769 : i32
        %and3A_1771 = arith.andi %ne3A_1767, %ne3A_1770 : i1
        %sub3A_1772 = arith.constant 1 : i32
        %sub3A_1773 = arith.subi %div3A_1752, %sub3A_1772 : i32
        %select_n3A_1774 = arith.select %and3A_1771, %sub3A_1773, %div3A_1752 : i32
        %jit3A_1775 = arith.constant 128 : i32
        %eq3A_1776 = arith.constant 0 : i32
        %eq3A_1777 = arith.cmpi eq, %jit3A_1775, %eq3A_1776 : i32
        %jit3A_1778 = arith.constant 1 : i32
        %select_n3A_1779 = arith.select %eq3A_1777, %jit3A_1778, %jit3A_1775 : i32
        %rem3A_1780 = arith.remsi %add3A_1750, %select_n3A_1779 : i32
        %ne3A_1781 = arith.constant 0 : i32
        %ne3A_1782 = arith.cmpi ne, %rem3A_1780, %ne3A_1781 : i32
        %lt3A_1783 = arith.constant 0 : i32
        %lt3A_1784 = arith.cmpi slt, %rem3A_1780, %lt3A_1783 : i32
        %lt3A_1785 = arith.constant 0 : i32
        %lt3A_1786 = arith.cmpi slt, %select_n3A_1779, %lt3A_1785 : i32
        %ne3A_1787 = arith.xori %lt3A_1784, %lt3A_1786 : i1
        %and3A_1788 = arith.andi %ne3A_1787, %ne3A_1782 : i1
        %add3A_1789 = arith.addi %rem3A_1780, %select_n3A_1779 : i32
        %select_n3A_1790 = arith.select %and3A_1788, %add3A_1789, %rem3A_1780 : i32
        %broadcast_in_dim3A_1791 = arith.constant 0 : i32
        %broadcast_in_dim3A_1792 = vector.broadcast %broadcast_in_dim3A_1791 : i32 to vector<16xi32>
        %add3A_1793 = vector.broadcast %select_n3A_1790 : i32 to vector<16xi32>
        %add3A_1794 = arith.addi %broadcast_in_dim3A_1792, %add3A_1793 : vector<16xi32>
        %get3A_1795 = arith.constant 1 : i32
        %get3A_1796 = arith.index_cast %get3A_1795 : i32 to index
        %get3A_1797 = arith.index_cast %add3A_1750 : i32 to index
        %get3A_1798 = arith.constant 0 : index
        %get3A_1799 = tpu.vector_load %arg6[%get3A_1796, %get3A_1797, %get3A_1798] {strides = array<i32>} : memref<2x256x64xf32, #tpu.memory_space<vmem>>, vector<16xf32>,
        %get3A_1800 = arith.constant 1 : i32
        %get3A_1801 = arith.index_cast %get3A_1800 : i32 to index
        %get3A_1802 = arith.index_cast %add3A_1750 : i32 to index
        %get3A_1803 = arith.constant 16 : index
        %get3A_1804 = tpu.vector_load %arg6[%get3A_1801, %get3A_1802, %get3A_1803] {strides = array<i32>} : memref<2x256x64xf32, #tpu.memory_space<vmem>>, vector<16xf32>,
        %get3A_1805 = arith.constant 1 : i32
        %get3A_1806 = arith.index_cast %get3A_1805 : i32 to index
        %get3A_1807 = arith.index_cast %add3A_1750 : i32 to index
        %get3A_1808 = arith.constant 32 : index
        %get3A_1809 = tpu.vector_load %arg6[%get3A_1806, %get3A_1807, %get3A_1808] {strides = array<i32>} : memref<2x256x64xf32, #tpu.memory_space<vmem>>, vector<16xf32>,
        %get3A_1810 = arith.constant 1 : i32
        %get3A_1811 = arith.index_cast %get3A_1810 : i32 to index
        %get3A_1812 = arith.index_cast %add3A_1750 : i32 to index
        %get3A_1813 = arith.constant 48 : index
        %get3A_1814 = tpu.vector_load %arg6[%get3A_1811, %get3A_1812, %get3A_1813] {strides = array<i32>} : memref<2x256x64xf32, #tpu.memory_space<vmem>>, vector<16xf32>,
        %scatter3A_1815 = arith.constant 1 : i32
        %scatter3A_1816 = arith.constant 0 : i32
        %scatter3A_1817 = arith.constant 0 : i32
        %scatter3A_1818 = tpu.memref_slice %arg7[%scatter3A_1815, %select_n3A_1774, %scatter3A_1816, %scatter3A_1817] : memref<2x2x64x129xf32, #tpu.memory_space<vmem>> -> memref<1x1x64x129xf32, #tpu.memory_space<vmem>>
        %scatter3A_1819 = tpu.memref_squeeze %scatter3A_1818 : memref<1x1x64x129xf32, #tpu.memory_space<vmem>> -> memref<64x129xf32, #tpu.memory_space<vmem>>
        tpu.vector_store_idx %scatter3A_1819[%add3A_5, %add3A_1794], %get3A_1799 : memref<64x129xf32, #tpu.memory_space<vmem>>[vector<16xi32>, vector<16xi32>], vector<16xf32>,
        %scatter3A_1820 = arith.constant 1 : i32
        %scatter3A_1821 = arith.constant 0 : i32
        %scatter3A_1822 = arith.constant 0 : i32
        %scatter3A_1823 = tpu.memref_slice %arg7[%scatter3A_1820, %select_n3A_1774, %scatter3A_1821, %scatter3A_1822] : memref<2x2x64x129xf32, #tpu.memory_space<vmem>> -> memref<1x1x64x129xf32, #tpu.memory_space<vmem>>
        %scatter3A_1824 = tpu.memref_squeeze %scatter3A_1823 : memref<1x1x64x129xf32, #tpu.memory_space<vmem>> -> memref<64x129xf32, #tpu.memory_space<vmem>>
        tpu.vector_store_idx %scatter3A_1824[%add3A_8, %add3A_1794], %get3A_1804 : memref<64x129xf32, #tpu.memory_space<vmem>>[vector<16xi32>, vector<16xi32>], vector<16xf32>,
        %scatter3A_1825 = arith.constant 1 : i32
        %scatter3A_1826 = arith.constant 0 : i32
        %scatter3A_1827 = arith.constant 0 : i32
        %scatter3A_1828 = tpu.memref_slice %arg7[%scatter3A_1825, %select_n3A_1774, %scatter3A_1826, %scatter3A_1827] : memref<2x2x64x129xf32, #tpu.memory_space<vmem>> -> memref<1x1x64x129xf32, #tpu.memory_space<vmem>>
        %scatter3A_1829 = tpu.memref_squeeze %scatter3A_1828 : memref<1x1x64x129xf32, #tpu.memory_space<vmem>> -> memref<64x129xf32, #tpu.memory_space<vmem>>
        tpu.vector_store_idx %scatter3A_1829[%add3A_11, %add3A_1794], %get3A_1809 : memref<64x129xf32, #tpu.memory_space<vmem>>[vector<16xi32>, vector<16xi32>], vector<16xf32>,
        %scatter3A_1830 = arith.constant 1 : i32
        %scatter3A_1831 = arith.constant 0 : i32
        %scatter3A_1832 = arith.constant 0 : i32
        %scatter3A_1833 = tpu.memref_slice %arg7[%scatter3A_1830, %select_n3A_1774, %scatter3A_1831, %scatter3A_1832] : memref<2x2x64x129xf32, #tpu.memory_space<vmem>> -> memref<1x1x64x129xf32, #tpu.memory_space<vmem>>
        %scatter3A_1834 = tpu.memref_squeeze %scatter3A_1833 : memref<1x1x64x129xf32, #tpu.memory_space<vmem>> -> memref<64x129xf32, #tpu.memory_space<vmem>>
        tpu.vector_store_idx %scatter3A_1834[%add3A_14, %add3A_1794], %get3A_1814 : memref<64x129xf32, #tpu.memory_space<vmem>>[vector<16xi32>, vector<16xi32>], vector<16xf32>,
        %add3A_1835 = arith.constant 4 : i32
        %add3A_1836 = arith.addi %add3A_1493, %add3A_1835 : i32
        %jit3A_1837 = arith.constant 128 : i32
        %div3A_1838 = arith.divsi %add3A_1836, %jit3A_1837 : i32
        %sign3A_1839 = arith.constant 0 : i32
        %sign3A_1840 = arith.cmpi sgt, %add3A_1836, %sign3A_1839 : i32
        %sign3A_1841 = arith.extui %sign3A_1840 : i1 to i32
        %sign3A_1842 = arith.constant 0 : i32
        %sign3A_1843 = arith.cmpi slt, %add3A_1836, %sign3A_1842 : i32
        %sign3A_1844 = arith.extui %sign3A_1843 : i1 to i32
        %sign3A_1845 = arith.subi %sign3A_1841, %sign3A_1844 : i32
        %sign3A_1846 = arith.constant 0 : i32
        %sign3A_1847 = arith.cmpi sgt, %jit3A_1837, %sign3A_1846 : i32
        %sign3A_1848 = arith.extui %sign3A_1847 : i1 to i32
        %sign3A_1849 = arith.constant 0 : i32
        %sign3A_1850 = arith.cmpi slt, %jit3A_1837, %sign3A_1849 : i32
        %sign3A_1851 = arith.extui %sign3A_1850 : i1 to i32
        %sign3A_1852 = arith.subi %sign3A_1848, %sign3A_1851 : i32
        %ne3A_1853 = arith.cmpi ne, %sign3A_1845, %sign3A_1852 : i32
        %rem3A_1854 = arith.remsi %add3A_1836, %jit3A_1837 : i32
        %ne3A_1855 = arith.constant 0 : i32
        %ne3A_1856 = arith.cmpi ne, %rem3A_1854, %ne3A_1855 : i32
        %and3A_1857 = arith.andi %ne3A_1853, %ne3A_1856 : i1
        %sub3A_1858 = arith.constant 1 : i32
        %sub3A_1859 = arith.subi %div3A_1838, %sub3A_1858 : i32
        %select_n3A_1860 = arith.select %and3A_1857, %sub3A_1859, %div3A_1838 : i32
        %jit3A_1861 = arith.constant 128 : i32
        %eq3A_1862 = arith.constant 0 : i32
        %eq3A_1863 = arith.cmpi eq, %jit3A_1861, %eq3A_1862 : i32
        %jit3A_1864 = arith.constant 1 : i32
        %select_n3A_1865 = arith.select %eq3A_1863, %jit3A_1864, %jit3A_1861 : i32
        %rem3A_1866 = arith.remsi %add3A_1836, %select_n3A_1865 : i32
        %ne3A_1867 = arith.constant 0 : i32
        %ne3A_1868 = arith.cmpi ne, %rem3A_1866, %ne3A_1867 : i32
        %lt3A_1869 = arith.constant 0 : i32
        %lt3A_1870 = arith.cmpi slt, %rem3A_1866, %lt3A_1869 : i32
        %lt3A_1871 = arith.constant 0 : i32
        %lt3A_1872 = arith.cmpi slt, %select_n3A_1865, %lt3A_1871 : i32
        %ne3A_1873 = arith.xori %lt3A_1870, %lt3A_1872 : i1
        %and3A_1874 = arith.andi %ne3A_1873, %ne3A_1868 : i1
        %add3A_1875 = arith.addi %rem3A_1866, %select_n3A_1865 : i32
        %select_n3A_1876 = arith.select %and3A_1874, %add3A_1875, %rem3A_1866 : i32
        %broadcast_in_dim3A_1877 = arith.constant 0 : i32
        %broadcast_in_dim3A_1878 = vector.broadcast %broadcast_in_dim3A_1877 : i32 to vector<16xi32>
        %add3A_1879 = vector.broadcast %select_n3A_1876 : i32 to vector<16xi32>
        %add3A_1880 = arith.addi %broadcast_in_dim3A_1878, %add3A_1879 : vector<16xi32>
        %get3A_1881 = arith.constant 1 : i32
        %get3A_1882 = arith.index_cast %get3A_1881 : i32 to index
        %get3A_1883 = arith.index_cast %add3A_1836 : i32 to index
        %get3A_1884 = arith.constant 0 : index
        %get3A_1885 = tpu.vector_load %arg6[%get3A_1882, %get3A_1883, %get3A_1884] {strides = array<i32>} : memref<2x256x64xf32, #tpu.memory_space<vmem>>, vector<16xf32>,
        %get3A_1886 = arith.constant 1 : i32
        %get3A_1887 = arith.index_cast %get3A_1886 : i32 to index
        %get3A_1888 = arith.index_cast %add3A_1836 : i32 to index
        %get3A_1889 = arith.constant 16 : index
        %get3A_1890 = tpu.vector_load %arg6[%get3A_1887, %get3A_1888, %get3A_1889] {strides = array<i32>} : memref<2x256x64xf32, #tpu.memory_space<vmem>>, vector<16xf32>,
        %get3A_1891 = arith.constant 1 : i32
        %get3A_1892 = arith.index_cast %get3A_1891 : i32 to index
        %get3A_1893 = arith.index_cast %add3A_1836 : i32 to index
        %get3A_1894 = arith.constant 32 : index
        %get3A_1895 = tpu.vector_load %arg6[%get3A_1892, %get3A_1893, %get3A_1894] {strides = array<i32>} : memref<2x256x64xf32, #tpu.memory_space<vmem>>, vector<16xf32>,
        %get3A_1896 = arith.constant 1 : i32
        %get3A_1897 = arith.index_cast %get3A_1896 : i32 to index
        %get3A_1898 = arith.index_cast %add3A_1836 : i32 to index
        %get3A_1899 = arith.constant 48 : index
        %get3A_1900 = tpu.vector_load %arg6[%get3A_1897, %get3A_1898, %get3A_1899] {strides = array<i32>} : memref<2x256x64xf32, #tpu.memory_space<vmem>>, vector<16xf32>,
        %scatter3A_1901 = arith.constant 1 : i32
        %scatter3A_1902 = arith.constant 0 : i32
        %scatter3A_1903 = arith.constant 0 : i32
        %scatter3A_1904 = tpu.memref_slice %arg7[%scatter3A_1901, %select_n3A_1860, %scatter3A_1902, %scatter3A_1903] : memref<2x2x64x129xf32, #tpu.memory_space<vmem>> -> memref<1x1x64x129xf32, #tpu.memory_space<vmem>>
        %scatter3A_1905 = tpu.memref_squeeze %scatter3A_1904 : memref<1x1x64x129xf32, #tpu.memory_space<vmem>> -> memref<64x129xf32, #tpu.memory_space<vmem>>
        tpu.vector_store_idx %scatter3A_1905[%add3A_5, %add3A_1880], %get3A_1885 : memref<64x129xf32, #tpu.memory_space<vmem>>[vector<16xi32>, vector<16xi32>], vector<16xf32>,
        %scatter3A_1906 = arith.constant 1 : i32
        %scatter3A_1907 = arith.constant 0 : i32
        %scatter3A_1908 = arith.constant 0 : i32
        %scatter3A_1909 = tpu.memref_slice %arg7[%scatter3A_1906, %select_n3A_1860, %scatter3A_1907, %scatter3A_1908] : memref<2x2x64x129xf32, #tpu.memory_space<vmem>> -> memref<1x1x64x129xf32, #tpu.memory_space<vmem>>
        %scatter3A_1910 = tpu.memref_squeeze %scatter3A_1909 : memref<1x1x64x129xf32, #tpu.memory_space<vmem>> -> memref<64x129xf32, #tpu.memory_space<vmem>>
        tpu.vector_store_idx %scatter3A_1910[%add3A_8, %add3A_1880], %get3A_1890 : memref<64x129xf32, #tpu.memory_space<vmem>>[vector<16xi32>, vector<16xi32>], vector<16xf32>,
        %scatter3A_1911 = arith.constant 1 : i32
        %scatter3A_1912 = arith.constant 0 : i32
        %scatter3A_1913 = arith.constant 0 : i32
        %scatter3A_1914 = tpu.memref_slice %arg7[%scatter3A_1911, %select_n3A_1860, %scatter3A_1912, %scatter3A_1913] : memref<2x2x64x129xf32, #tpu.memory_space<vmem>> -> memref<1x1x64x129xf32, #tpu.memory_space<vmem>>
        %scatter3A_1915 = tpu.memref_squeeze %scatter3A_1914 : memref<1x1x64x129xf32, #tpu.memory_space<vmem>> -> memref<64x129xf32, #tpu.memory_space<vmem>>
        tpu.vector_store_idx %scatter3A_1915[%add3A_11, %add3A_1880], %get3A_1895 : memref<64x129xf32, #tpu.memory_space<vmem>>[vector<16xi32>, vector<16xi32>], vector<16xf32>,
        %scatter3A_1916 = arith.constant 1 : i32
        %scatter3A_1917 = arith.constant 0 : i32
        %scatter3A_1918 = arith.constant 0 : i32
        %scatter3A_1919 = tpu.memref_slice %arg7[%scatter3A_1916, %select_n3A_1860, %scatter3A_1917, %scatter3A_1918] : memref<2x2x64x129xf32, #tpu.memory_space<vmem>> -> memref<1x1x64x129xf32, #tpu.memory_space<vmem>>
        %scatter3A_1920 = tpu.memref_squeeze %scatter3A_1919 : memref<1x1x64x129xf32, #tpu.memory_space<vmem>> -> memref<64x129xf32, #tpu.memory_space<vmem>>
        tpu.vector_store_idx %scatter3A_1920[%add3A_14, %add3A_1880], %get3A_1900 : memref<64x129xf32, #tpu.memory_space<vmem>>[vector<16xi32>, vector<16xi32>], vector<16xf32>,
        %add3A_1921 = arith.constant 5 : i32
        %add3A_1922 = arith.addi %add3A_1493, %add3A_1921 : i32
        %jit3A_1923 = arith.constant 128 : i32
        %div3A_1924 = arith.divsi %add3A_1922, %jit3A_1923 : i32
        %sign3A_1925 = arith.constant 0 : i32
        %sign3A_1926 = arith.cmpi sgt, %add3A_1922, %sign3A_1925 : i32
        %sign3A_1927 = arith.extui %sign3A_1926 : i1 to i32
        %sign3A_1928 = arith.constant 0 : i32
        %sign3A_1929 = arith.cmpi slt, %add3A_1922, %sign3A_1928 : i32
        %sign3A_1930 = arith.extui %sign3A_1929 : i1 to i32
        %sign3A_1931 = arith.subi %sign3A_1927, %sign3A_1930 : i32
        %sign3A_1932 = arith.constant 0 : i32
        %sign3A_1933 = arith.cmpi sgt, %jit3A_1923, %sign3A_1932 : i32
        %sign3A_1934 = arith.extui %sign3A_1933 : i1 to i32
        %sign3A_1935 = arith.constant 0 : i32
        %sign3A_1936 = arith.cmpi slt, %jit3A_1923, %sign3A_1935 : i32
        %sign3A_1937 = arith.extui %sign3A_1936 : i1 to i32
        %sign3A_1938 = arith.subi %sign3A_1934, %sign3A_1937 : i32
        %ne3A_1939 = arith.cmpi ne, %sign3A_1931, %sign3A_1938 : i32
        %rem3A_1940 = arith.remsi %add3A_1922, %jit3A_1923 : i32
        %ne3A_1941 = arith.constant 0 : i32
        %ne3A_1942 = arith.cmpi ne, %rem3A_1940, %ne3A_1941 : i32
        %and3A_1943 = arith.andi %ne3A_1939, %ne3A_1942 : i1
        %sub3A_1944 = arith.constant 1 : i32
        %sub3A_1945 = arith.subi %div3A_1924, %sub3A_1944 : i32
        %select_n3A_1946 = arith.select %and3A_1943, %sub3A_1945, %div3A_1924 : i32
        %jit3A_1947 = arith.constant 128 : i32
        %eq3A_1948 = arith.constant 0 : i32
        %eq3A_1949 = arith.cmpi eq, %jit3A_1947, %eq3A_1948 : i32
        %jit3A_1950 = arith.constant 1 : i32
        %select_n3A_1951 = arith.select %eq3A_1949, %jit3A_1950, %jit3A_1947 : i32
        %rem3A_1952 = arith.remsi %add3A_1922, %select_n3A_1951 : i32
        %ne3A_1953 = arith.constant 0 : i32
        %ne3A_1954 = arith.cmpi ne, %rem3A_1952, %ne3A_1953 : i32
        %lt3A_1955 = arith.constant 0 : i32
        %lt3A_1956 = arith.cmpi slt, %rem3A_1952, %lt3A_1955 : i32
        %lt3A_1957 = arith.constant 0 : i32
        %lt3A_1958 = arith.cmpi slt, %select_n3A_1951, %lt3A_1957 : i32
        %ne3A_1959 = arith.xori %lt3A_1956, %lt3A_1958 : i1
        %and3A_1960 = arith.andi %ne3A_1959, %ne3A_1954 : i1
        %add3A_1961 = arith.addi %rem3A_1952, %select_n3A_1951 : i32
        %select_n3A_1962 = arith.select %and3A_1960, %add3A_1961, %rem3A_1952 : i32
        %broadcast_in_dim3A_1963 = arith.constant 0 : i32
        %broadcast_in_dim3A_1964 = vector.broadcast %broadcast_in_dim3A_1963 : i32 to vector<16xi32>
        %add3A_1965 = vector.broadcast %select_n3A_1962 : i32 to vector<16xi32>
        %add3A_1966 = arith.addi %broadcast_in_dim3A_1964, %add3A_1965 : vector<16xi32>
        %get3A_1967 = arith.constant 1 : i32
        %get3A_1968 = arith.index_cast %get3A_1967 : i32 to index
        %get3A_1969 = arith.index_cast %add3A_1922 : i32 to index
        %get3A_1970 = arith.constant 0 : index
        %get3A_1971 = tpu.vector_load %arg6[%get3A_1968, %get3A_1969, %get3A_1970] {strides = array<i32>} : memref<2x256x64xf32, #tpu.memory_space<vmem>>, vector<16xf32>,
        %get3A_1972 = arith.constant 1 : i32
        %get3A_1973 = arith.index_cast %get3A_1972 : i32 to index
        %get3A_1974 = arith.index_cast %add3A_1922 : i32 to index
        %get3A_1975 = arith.constant 16 : index
        %get3A_1976 = tpu.vector_load %arg6[%get3A_1973, %get3A_1974, %get3A_1975] {strides = array<i32>} : memref<2x256x64xf32, #tpu.memory_space<vmem>>, vector<16xf32>,
        %get3A_1977 = arith.constant 1 : i32
        %get3A_1978 = arith.index_cast %get3A_1977 : i32 to index
        %get3A_1979 = arith.index_cast %add3A_1922 : i32 to index
        %get3A_1980 = arith.constant 32 : index
        %get3A_1981 = tpu.vector_load %arg6[%get3A_1978, %get3A_1979, %get3A_1980] {strides = array<i32>} : memref<2x256x64xf32, #tpu.memory_space<vmem>>, vector<16xf32>,
        %get3A_1982 = arith.constant 1 : i32
        %get3A_1983 = arith.index_cast %get3A_1982 : i32 to index
        %get3A_1984 = arith.index_cast %add3A_1922 : i32 to index
        %get3A_1985 = arith.constant 48 : index
        %get3A_1986 = tpu.vector_load %arg6[%get3A_1983, %get3A_1984, %get3A_1985] {strides = array<i32>} : memref<2x256x64xf32, #tpu.memory_space<vmem>>, vector<16xf32>,
        %scatter3A_1987 = arith.constant 1 : i32
        %scatter3A_1988 = arith.constant 0 : i32
        %scatter3A_1989 = arith.constant 0 : i32
        %scatter3A_1990 = tpu.memref_slice %arg7[%scatter3A_1987, %select_n3A_1946, %scatter3A_1988, %scatter3A_1989] : memref<2x2x64x129xf32, #tpu.memory_space<vmem>> -> memref<1x1x64x129xf32, #tpu.memory_space<vmem>>
        %scatter3A_1991 = tpu.memref_squeeze %scatter3A_1990 : memref<1x1x64x129xf32, #tpu.memory_space<vmem>> -> memref<64x129xf32, #tpu.memory_space<vmem>>
        tpu.vector_store_idx %scatter3A_1991[%add3A_5, %add3A_1966], %get3A_1971 : memref<64x129xf32, #tpu.memory_space<vmem>>[vector<16xi32>, vector<16xi32>], vector<16xf32>,
        %scatter3A_1992 = arith.constant 1 : i32
        %scatter3A_1993 = arith.constant 0 : i32
        %scatter3A_1994 = arith.constant 0 : i32
        %scatter3A_1995 = tpu.memref_slice %arg7[%scatter3A_1992, %select_n3A_1946, %scatter3A_1993, %scatter3A_1994] : memref<2x2x64x129xf32, #tpu.memory_space<vmem>> -> memref<1x1x64x129xf32, #tpu.memory_space<vmem>>
        %scatter3A_1996 = tpu.memref_squeeze %scatter3A_1995 : memref<1x1x64x129xf32, #tpu.memory_space<vmem>> -> memref<64x129xf32, #tpu.memory_space<vmem>>
        tpu.vector_store_idx %scatter3A_1996[%add3A_8, %add3A_1966], %get3A_1976 : memref<64x129xf32, #tpu.memory_space<vmem>>[vector<16xi32>, vector<16xi32>], vector<16xf32>,
        %scatter3A_1997 = arith.constant 1 : i32
        %scatter3A_1998 = arith.constant 0 : i32
        %scatter3A_1999 = arith.constant 0 : i32
        %scatter3A_2000 = tpu.memref_slice %arg7[%scatter3A_1997, %select_n3A_1946, %scatter3A_1998, %scatter3A_1999] : memref<2x2x64x129xf32, #tpu.memory_space<vmem>> -> memref<1x1x64x129xf32, #tpu.memory_space<vmem>>
        %scatter3A_2001 = tpu.memref_squeeze %scatter3A_2000 : memref<1x1x64x129xf32, #tpu.memory_space<vmem>> -> memref<64x129xf32, #tpu.memory_space<vmem>>
        tpu.vector_store_idx %scatter3A_2001[%add3A_11, %add3A_1966], %get3A_1981 : memref<64x129xf32, #tpu.memory_space<vmem>>[vector<16xi32>, vector<16xi32>], vector<16xf32>,
        %scatter3A_2002 = arith.constant 1 : i32
        %scatter3A_2003 = arith.constant 0 : i32
        %scatter3A_2004 = arith.constant 0 : i32
        %scatter3A_2005 = tpu.memref_slice %arg7[%scatter3A_2002, %select_n3A_1946, %scatter3A_2003, %scatter3A_2004] : memref<2x2x64x129xf32, #tpu.memory_space<vmem>> -> memref<1x1x64x129xf32, #tpu.memory_space<vmem>>
        %scatter3A_2006 = tpu.memref_squeeze %scatter3A_2005 : memref<1x1x64x129xf32, #tpu.memory_space<vmem>> -> memref<64x129xf32, #tpu.memory_space<vmem>>
        tpu.vector_store_idx %scatter3A_2006[%add3A_14, %add3A_1966], %get3A_1986 : memref<64x129xf32, #tpu.memory_space<vmem>>[vector<16xi32>, vector<16xi32>], vector<16xf32>,
        %add3A_2007 = arith.constant 6 : i32
        %add3A_2008 = arith.addi %add3A_1493, %add3A_2007 : i32
        %jit3A_2009 = arith.constant 128 : i32
        %div3A_2010 = arith.divsi %add3A_2008, %jit3A_2009 : i32
        %sign3A_2011 = arith.constant 0 : i32
        %sign3A_2012 = arith.cmpi sgt, %add3A_2008, %sign3A_2011 : i32
        %sign3A_2013 = arith.extui %sign3A_2012 : i1 to i32
        %sign3A_2014 = arith.constant 0 : i32
        %sign3A_2015 = arith.cmpi slt, %add3A_2008, %sign3A_2014 : i32
        %sign3A_2016 = arith.extui %sign3A_2015 : i1 to i32
        %sign3A_2017 = arith.subi %sign3A_2013, %sign3A_2016 : i32
        %sign3A_2018 = arith.constant 0 : i32
        %sign3A_2019 = arith.cmpi sgt, %jit3A_2009, %sign3A_2018 : i32
        %sign3A_2020 = arith.extui %sign3A_2019 : i1 to i32
        %sign3A_2021 = arith.constant 0 : i32
        %sign3A_2022 = arith.cmpi slt, %jit3A_2009, %sign3A_2021 : i32
        %sign3A_2023 = arith.extui %sign3A_2022 : i1 to i32
        %sign3A_2024 = arith.subi %sign3A_2020, %sign3A_2023 : i32
        %ne3A_2025 = arith.cmpi ne, %sign3A_2017, %sign3A_2024 : i32
        %rem3A_2026 = arith.remsi %add3A_2008, %jit3A_2009 : i32
        %ne3A_2027 = arith.constant 0 : i32
        %ne3A_2028 = arith.cmpi ne, %rem3A_2026, %ne3A_2027 : i32
        %and3A_2029 = arith.andi %ne3A_2025, %ne3A_2028 : i1
        %sub3A_2030 = arith.constant 1 : i32
        %sub3A_2031 = arith.subi %div3A_2010, %sub3A_2030 : i32
        %select_n3A_2032 = arith.select %and3A_2029, %sub3A_2031, %div3A_2010 : i32
        %jit3A_2033 = arith.constant 128 : i32
        %eq3A_2034 = arith.constant 0 : i32
        %eq3A_2035 = arith.cmpi eq, %jit3A_2033, %eq3A_2034 : i32
        %jit3A_2036 = arith.constant 1 : i32
        %select_n3A_2037 = arith.select %eq3A_2035, %jit3A_2036, %jit3A_2033 : i32
        %rem3A_2038 = arith.remsi %add3A_2008, %select_n3A_2037 : i32
        %ne3A_2039 = arith.constant 0 : i32
        %ne3A_2040 = arith.cmpi ne, %rem3A_2038, %ne3A_2039 : i32
        %lt3A_2041 = arith.constant 0 : i32
        %lt3A_2042 = arith.cmpi slt, %rem3A_2038, %lt3A_2041 : i32
        %lt3A_2043 = arith.constant 0 : i32
        %lt3A_2044 = arith.cmpi slt, %select_n3A_2037, %lt3A_2043 : i32
        %ne3A_2045 = arith.xori %lt3A_2042, %lt3A_2044 : i1
        %and3A_2046 = arith.andi %ne3A_2045, %ne3A_2040 : i1
        %add3A_2047 = arith.addi %rem3A_2038, %select_n3A_2037 : i32
        %select_n3A_2048 = arith.select %and3A_2046, %add3A_2047, %rem3A_2038 : i32
        %broadcast_in_dim3A_2049 = arith.constant 0 : i32
        %broadcast_in_dim3A_2050 = vector.broadcast %broadcast_in_dim3A_2049 : i32 to vector<16xi32>
        %add3A_2051 = vector.broadcast %select_n3A_2048 : i32 to vector<16xi32>
        %add3A_2052 = arith.addi %broadcast_in_dim3A_2050, %add3A_2051 : vector<16xi32>
        %get3A_2053 = arith.constant 1 : i32
        %get3A_2054 = arith.index_cast %get3A_2053 : i32 to index
        %get3A_2055 = arith.index_cast %add3A_2008 : i32 to index
        %get3A_2056 = arith.constant 0 : index
        %get3A_2057 = tpu.vector_load %arg6[%get3A_2054, %get3A_2055, %get3A_2056] {strides = array<i32>} : memref<2x256x64xf32, #tpu.memory_space<vmem>>, vector<16xf32>,
        %get3A_2058 = arith.constant 1 : i32
        %get3A_2059 = arith.index_cast %get3A_2058 : i32 to index
        %get3A_2060 = arith.index_cast %add3A_2008 : i32 to index
        %get3A_2061 = arith.constant 16 : index
        %get3A_2062 = tpu.vector_load %arg6[%get3A_2059, %get3A_2060, %get3A_2061] {strides = array<i32>} : memref<2x256x64xf32, #tpu.memory_space<vmem>>, vector<16xf32>,
        %get3A_2063 = arith.constant 1 : i32
        %get3A_2064 = arith.index_cast %get3A_2063 : i32 to index
        %get3A_2065 = arith.index_cast %add3A_2008 : i32 to index
        %get3A_2066 = arith.constant 32 : index
        %get3A_2067 = tpu.vector_load %arg6[%get3A_2064, %get3A_2065, %get3A_2066] {strides = array<i32>} : memref<2x256x64xf32, #tpu.memory_space<vmem>>, vector<16xf32>,
        %get3A_2068 = arith.constant 1 : i32
        %get3A_2069 = arith.index_cast %get3A_2068 : i32 to index
        %get3A_2070 = arith.index_cast %add3A_2008 : i32 to index
        %get3A_2071 = arith.constant 48 : index
        %get3A_2072 = tpu.vector_load %arg6[%get3A_2069, %get3A_2070, %get3A_2071] {strides = array<i32>} : memref<2x256x64xf32, #tpu.memory_space<vmem>>, vector<16xf32>,
        %scatter3A_2073 = arith.constant 1 : i32
        %scatter3A_2074 = arith.constant 0 : i32
        %scatter3A_2075 = arith.constant 0 : i32
        %scatter3A_2076 = tpu.memref_slice %arg7[%scatter3A_2073, %select_n3A_2032, %scatter3A_2074, %scatter3A_2075] : memref<2x2x64x129xf32, #tpu.memory_space<vmem>> -> memref<1x1x64x129xf32, #tpu.memory_space<vmem>>
        %scatter3A_2077 = tpu.memref_squeeze %scatter3A_2076 : memref<1x1x64x129xf32, #tpu.memory_space<vmem>> -> memref<64x129xf32, #tpu.memory_space<vmem>>
        tpu.vector_store_idx %scatter3A_2077[%add3A_5, %add3A_2052], %get3A_2057 : memref<64x129xf32, #tpu.memory_space<vmem>>[vector<16xi32>, vector<16xi32>], vector<16xf32>,
        %scatter3A_2078 = arith.constant 1 : i32
        %scatter3A_2079 = arith.constant 0 : i32
        %scatter3A_2080 = arith.constant 0 : i32
        %scatter3A_2081 = tpu.memref_slice %arg7[%scatter3A_2078, %select_n3A_2032, %scatter3A_2079, %scatter3A_2080] : memref<2x2x64x129xf32, #tpu.memory_space<vmem>> -> memref<1x1x64x129xf32, #tpu.memory_space<vmem>>
        %scatter3A_2082 = tpu.memref_squeeze %scatter3A_2081 : memref<1x1x64x129xf32, #tpu.memory_space<vmem>> -> memref<64x129xf32, #tpu.memory_space<vmem>>
        tpu.vector_store_idx %scatter3A_2082[%add3A_8, %add3A_2052], %get3A_2062 : memref<64x129xf32, #tpu.memory_space<vmem>>[vector<16xi32>, vector<16xi32>], vector<16xf32>,
        %scatter3A_2083 = arith.constant 1 : i32
        %scatter3A_2084 = arith.constant 0 : i32
        %scatter3A_2085 = arith.constant 0 : i32
        %scatter3A_2086 = tpu.memref_slice %arg7[%scatter3A_2083, %select_n3A_2032, %scatter3A_2084, %scatter3A_2085] : memref<2x2x64x129xf32, #tpu.memory_space<vmem>> -> memref<1x1x64x129xf32, #tpu.memory_space<vmem>>
        %scatter3A_2087 = tpu.memref_squeeze %scatter3A_2086 : memref<1x1x64x129xf32, #tpu.memory_space<vmem>> -> memref<64x129xf32, #tpu.memory_space<vmem>>
        tpu.vector_store_idx %scatter3A_2087[%add3A_11, %add3A_2052], %get3A_2067 : memref<64x129xf32, #tpu.memory_space<vmem>>[vector<16xi32>, vector<16xi32>], vector<16xf32>,
        %scatter3A_2088 = arith.constant 1 : i32
        %scatter3A_2089 = arith.constant 0 : i32
        %scatter3A_2090 = arith.constant 0 : i32
        %scatter3A_2091 = tpu.memref_slice %arg7[%scatter3A_2088, %select_n3A_2032, %scatter3A_2089, %scatter3A_2090] : memref<2x2x64x129xf32, #tpu.memory_space<vmem>> -> memref<1x1x64x129xf32, #tpu.memory_space<vmem>>
        %scatter3A_2092 = tpu.memref_squeeze %scatter3A_2091 : memref<1x1x64x129xf32, #tpu.memory_space<vmem>> -> memref<64x129xf32, #tpu.memory_space<vmem>>
        tpu.vector_store_idx %scatter3A_2092[%add3A_14, %add3A_2052], %get3A_2072 : memref<64x129xf32, #tpu.memory_space<vmem>>[vector<16xi32>, vector<16xi32>], vector<16xf32>,
        %add3A_2093 = arith.constant 7 : i32
        %add3A_2094 = arith.addi %add3A_1493, %add3A_2093 : i32
        %jit3A_2095 = arith.constant 128 : i32
        %div3A_2096 = arith.divsi %add3A_2094, %jit3A_2095 : i32
        %sign3A_2097 = arith.constant 0 : i32
        %sign3A_2098 = arith.cmpi sgt, %add3A_2094, %sign3A_2097 : i32
        %sign3A_2099 = arith.extui %sign3A_2098 : i1 to i32
        %sign3A_2100 = arith.constant 0 : i32
        %sign3A_2101 = arith.cmpi slt, %add3A_2094, %sign3A_2100 : i32
        %sign3A_2102 = arith.extui %sign3A_2101 : i1 to i32
        %sign3A_2103 = arith.subi %sign3A_2099, %sign3A_2102 : i32
        %sign3A_2104 = arith.constant 0 : i32
        %sign3A_2105 = arith.cmpi sgt, %jit3A_2095, %sign3A_2104 : i32
        %sign3A_2106 = arith.extui %sign3A_2105 : i1 to i32
        %sign3A_2107 = arith.constant 0 : i32
        %sign3A_2108 = arith.cmpi slt, %jit3A_2095, %sign3A_2107 : i32
        %sign3A_2109 = arith.extui %sign3A_2108 : i1 to i32
        %sign3A_2110 = arith.subi %sign3A_2106, %sign3A_2109 : i32
        %ne3A_2111 = arith.cmpi ne, %sign3A_2103, %sign3A_2110 : i32
        %rem3A_2112 = arith.remsi %add3A_2094, %jit3A_2095 : i32
        %ne3A_2113 = arith.constant 0 : i32
        %ne3A_2114 = arith.cmpi ne, %rem3A_2112, %ne3A_2113 : i32
        %and3A_2115 = arith.andi %ne3A_2111, %ne3A_2114 : i1
        %sub3A_2116 = arith.constant 1 : i32
        %sub3A_2117 = arith.subi %div3A_2096, %sub3A_2116 : i32
        %select_n3A_2118 = arith.select %and3A_2115, %sub3A_2117, %div3A_2096 : i32
        %jit3A_2119 = arith.constant 128 : i32
        %eq3A_2120 = arith.constant 0 : i32
        %eq3A_2121 = arith.cmpi eq, %jit3A_2119, %eq3A_2120 : i32
        %jit3A_2122 = arith.constant 1 : i32
        %select_n3A_2123 = arith.select %eq3A_2121, %jit3A_2122, %jit3A_2119 : i32
        %rem3A_2124 = arith.remsi %add3A_2094, %select_n3A_2123 : i32
        %ne3A_2125 = arith.constant 0 : i32
        %ne3A_2126 = arith.cmpi ne, %rem3A_2124, %ne3A_2125 : i32
        %lt3A_2127 = arith.constant 0 : i32
        %lt3A_2128 = arith.cmpi slt, %rem3A_2124, %lt3A_2127 : i32
        %lt3A_2129 = arith.constant 0 : i32
        %lt3A_2130 = arith.cmpi slt, %select_n3A_2123, %lt3A_2129 : i32
        %ne3A_2131 = arith.xori %lt3A_2128, %lt3A_2130 : i1
        %and3A_2132 = arith.andi %ne3A_2131, %ne3A_2126 : i1
        %add3A_2133 = arith.addi %rem3A_2124, %select_n3A_2123 : i32
        %select_n3A_2134 = arith.select %and3A_2132, %add3A_2133, %rem3A_2124 : i32
        %broadcast_in_dim3A_2135 = arith.constant 0 : i32
        %broadcast_in_dim3A_2136 = vector.broadcast %broadcast_in_dim3A_2135 : i32 to vector<16xi32>
        %add3A_2137 = vector.broadcast %select_n3A_2134 : i32 to vector<16xi32>
        %add3A_2138 = arith.addi %broadcast_in_dim3A_2136, %add3A_2137 : vector<16xi32>
        %get3A_2139 = arith.constant 1 : i32
        %get3A_2140 = arith.index_cast %get3A_2139 : i32 to index
        %get3A_2141 = arith.index_cast %add3A_2094 : i32 to index
        %get3A_2142 = arith.constant 0 : index
        %get3A_2143 = tpu.vector_load %arg6[%get3A_2140, %get3A_2141, %get3A_2142] {strides = array<i32>} : memref<2x256x64xf32, #tpu.memory_space<vmem>>, vector<16xf32>,
        %get3A_2144 = arith.constant 1 : i32
        %get3A_2145 = arith.index_cast %get3A_2144 : i32 to index
        %get3A_2146 = arith.index_cast %add3A_2094 : i32 to index
        %get3A_2147 = arith.constant 16 : index
        %get3A_2148 = tpu.vector_load %arg6[%get3A_2145, %get3A_2146, %get3A_2147] {strides = array<i32>} : memref<2x256x64xf32, #tpu.memory_space<vmem>>, vector<16xf32>,
        %get3A_2149 = arith.constant 1 : i32
        %get3A_2150 = arith.index_cast %get3A_2149 : i32 to index
        %get3A_2151 = arith.index_cast %add3A_2094 : i32 to index
        %get3A_2152 = arith.constant 32 : index
        %get3A_2153 = tpu.vector_load %arg6[%get3A_2150, %get3A_2151, %get3A_2152] {strides = array<i32>} : memref<2x256x64xf32, #tpu.memory_space<vmem>>, vector<16xf32>,
        %get3A_2154 = arith.constant 1 : i32
        %get3A_2155 = arith.index_cast %get3A_2154 : i32 to index
        %get3A_2156 = arith.index_cast %add3A_2094 : i32 to index
        %get3A_2157 = arith.constant 48 : index
        %get3A_2158 = tpu.vector_load %arg6[%get3A_2155, %get3A_2156, %get3A_2157] {strides = array<i32>} : memref<2x256x64xf32, #tpu.memory_space<vmem>>, vector<16xf32>,
        %scatter3A_2159 = arith.constant 1 : i32
        %scatter3A_2160 = arith.constant 0 : i32
        %scatter3A_2161 = arith.constant 0 : i32
        %scatter3A_2162 = tpu.memref_slice %arg7[%scatter3A_2159, %select_n3A_2118, %scatter3A_2160, %scatter3A_2161] : memref<2x2x64x129xf32, #tpu.memory_space<vmem>> -> memref<1x1x64x129xf32, #tpu.memory_space<vmem>>
        %scatter3A_2163 = tpu.memref_squeeze %scatter3A_2162 : memref<1x1x64x129xf32, #tpu.memory_space<vmem>> -> memref<64x129xf32, #tpu.memory_space<vmem>>
        tpu.vector_store_idx %scatter3A_2163[%add3A_5, %add3A_2138], %get3A_2143 : memref<64x129xf32, #tpu.memory_space<vmem>>[vector<16xi32>, vector<16xi32>], vector<16xf32>,
        %scatter3A_2164 = arith.constant 1 : i32
        %scatter3A_2165 = arith.constant 0 : i32
        %scatter3A_2166 = arith.constant 0 : i32
        %scatter3A_2167 = tpu.memref_slice %arg7[%scatter3A_2164, %select_n3A_2118, %scatter3A_2165, %scatter3A_2166] : memref<2x2x64x129xf32, #tpu.memory_space<vmem>> -> memref<1x1x64x129xf32, #tpu.memory_space<vmem>>
        %scatter3A_2168 = tpu.memref_squeeze %scatter3A_2167 : memref<1x1x64x129xf32, #tpu.memory_space<vmem>> -> memref<64x129xf32, #tpu.memory_space<vmem>>
        tpu.vector_store_idx %scatter3A_2168[%add3A_8, %add3A_2138], %get3A_2148 : memref<64x129xf32, #tpu.memory_space<vmem>>[vector<16xi32>, vector<16xi32>], vector<16xf32>,
        %scatter3A_2169 = arith.constant 1 : i32
        %scatter3A_2170 = arith.constant 0 : i32
        %scatter3A_2171 = arith.constant 0 : i32
        %scatter3A_2172 = tpu.memref_slice %arg7[%scatter3A_2169, %select_n3A_2118, %scatter3A_2170, %scatter3A_2171] : memref<2x2x64x129xf32, #tpu.memory_space<vmem>> -> memref<1x1x64x129xf32, #tpu.memory_space<vmem>>
        %scatter3A_2173 = tpu.memref_squeeze %scatter3A_2172 : memref<1x1x64x129xf32, #tpu.memory_space<vmem>> -> memref<64x129xf32, #tpu.memory_space<vmem>>
        tpu.vector_store_idx %scatter3A_2173[%add3A_11, %add3A_2138], %get3A_2153 : memref<64x129xf32, #tpu.memory_space<vmem>>[vector<16xi32>, vector<16xi32>], vector<16xf32>,
        %scatter3A_2174 = arith.constant 1 : i32
        %scatter3A_2175 = arith.constant 0 : i32
        %scatter3A_2176 = arith.constant 0 : i32
        %scatter3A_2177 = tpu.memref_slice %arg7[%scatter3A_2174, %select_n3A_2118, %scatter3A_2175, %scatter3A_2176] : memref<2x2x64x129xf32, #tpu.memory_space<vmem>> -> memref<1x1x64x129xf32, #tpu.memory_space<vmem>>
        %scatter3A_2178 = tpu.memref_squeeze %scatter3A_2177 : memref<1x1x64x129xf32, #tpu.memory_space<vmem>> -> memref<64x129xf32, #tpu.memory_space<vmem>>
        tpu.vector_store_idx %scatter3A_2178[%add3A_14, %add3A_2138], %get3A_2158 : memref<64x129xf32, #tpu.memory_space<vmem>>[vector<16xi32>, vector<16xi32>], vector<16xf32>,
      }
      %scan3A_1123 = arith.constant 32 : i32
      %jit3A_1124 = arith.constant 2 : i32
      %div3A_1125 = arith.divsi %add3A_1098, %jit3A_1124 : i32
      %sign3A_1126 = arith.constant 0 : i32
      %sign3A_1127 = arith.cmpi sgt, %add3A_1098, %sign3A_1126 : i32
      %sign3A_1128 = arith.extui %sign3A_1127 : i1 to i32
      %sign3A_1129 = arith.constant 0 : i32
      %sign3A_1130 = arith.cmpi slt, %add3A_1098, %sign3A_1129 : i32
      %sign3A_1131 = arith.extui %sign3A_1130 : i1 to i32
      %sign3A_1132 = arith.subi %sign3A_1128, %sign3A_1131 : i32
      %sign3A_1133 = arith.constant 0 : i32
      %sign3A_1134 = arith.cmpi sgt, %jit3A_1124, %sign3A_1133 : i32
      %sign3A_1135 = arith.extui %sign3A_1134 : i1 to i32
      %sign3A_1136 = arith.constant 0 : i32
      %sign3A_1137 = arith.cmpi slt, %jit3A_1124, %sign3A_1136 : i32
      %sign3A_1138 = arith.extui %sign3A_1137 : i1 to i32
      %sign3A_1139 = arith.subi %sign3A_1135, %sign3A_1138 : i32
      %ne3A_1140 = arith.cmpi ne, %sign3A_1132, %sign3A_1139 : i32
      %rem3A_1141 = arith.remsi %add3A_1098, %jit3A_1124 : i32
      %ne3A_1142 = arith.constant 0 : i32
      %ne3A_1143 = arith.cmpi ne, %rem3A_1141, %ne3A_1142 : i32
      %and3A_1144 = arith.andi %ne3A_1140, %ne3A_1143 : i1
      %sub3A_1145 = arith.constant 1 : i32
      %sub3A_1146 = arith.subi %div3A_1125, %sub3A_1145 : i32
      %select_n3A_1147 = arith.select %and3A_1144, %sub3A_1146, %div3A_1125 : i32
      %jit3A_1148 = arith.constant 2 : i32
      %eq3A_1149 = arith.constant 0 : i32
      %eq3A_1150 = arith.cmpi eq, %jit3A_1148, %eq3A_1149 : i32
      %jit3A_1151 = arith.constant 1 : i32
      %select_n3A_1152 = arith.select %eq3A_1150, %jit3A_1151, %jit3A_1148 : i32
      %rem3A_1153 = arith.remsi %add3A_1098, %select_n3A_1152 : i32
      %ne3A_1154 = arith.constant 0 : i32
      %ne3A_1155 = arith.cmpi ne, %rem3A_1153, %ne3A_1154 : i32
      %lt3A_1156 = arith.constant 0 : i32
      %lt3A_1157 = arith.cmpi slt, %rem3A_1153, %lt3A_1156 : i32
      %lt3A_1158 = arith.constant 0 : i32
      %lt3A_1159 = arith.cmpi slt, %select_n3A_1152, %lt3A_1158 : i32
      %ne3A_1160 = arith.xori %lt3A_1157, %lt3A_1159 : i1
      %and3A_1161 = arith.andi %ne3A_1160, %ne3A_1155 : i1
      %add3A_1162 = arith.addi %rem3A_1153, %select_n3A_1152 : i32
      %select_n3A_1163 = arith.select %and3A_1161, %add3A_1162, %rem3A_1153 : i32
      %mul3A_1164 = arith.constant 4 : i32
      %mul3A_1165 = arith.muli %add3A, %mul3A_1164 : i32
      %mul3A_1166 = arith.constant 2 : i32
      %mul3A_1167 = arith.muli %select_n3A_1163, %mul3A_1166 : i32
      %add3A_1168 = arith.addi %mul3A_1165, %mul3A_1167 : i32
      %add3A_1169 = arith.constant 0 : i32
      %add3A_1170 = arith.addi %add3A_1168, %add3A_1169 : i32
      %dma_start3A_1171 = arith.constant 1 : i32
      %dma_start3A_1172 = arith.constant 0 : i32
      %dma_start3A_1173 = arith.constant 0 : i32
      %dma_start3A_1174 = arith.constant 0 : i32
      %dma_start3A_1175 = arith.constant 0 : i32
      %dma_start3A_1176 = tpu.memref_slice %arg7[%dma_start3A_1171, %dma_start3A_1172, %dma_start3A_1174, %dma_start3A_1175] : memref<2x2x64x129xf32, #tpu.memory_space<vmem>> -> memref<1x1x8x128xf32, #tpu.memory_space<vmem>>
      %dma_start3A_1177 = tpu.memref_squeeze %dma_start3A_1176 : memref<1x1x8x128xf32, #tpu.memory_space<vmem>> -> memref<8x128xf32, #tpu.memory_space<vmem>>
      %dma_start3A_1178 = arith.constant 0 : i32
      %dma_start3A_1179 = arith.constant 0 : i32
      %dma_start3A_1180 = tpu.memref_slice %arg4[%select_n3A_1147, %dma_start3A_1173, %add3A_1170, %dma_start3A_1178, %dma_start3A_1179] : memref<50x8x128x8x128xf32, #tpu.memory_space<hbm>> -> memref<1x1x1x8x128xf32, #tpu.memory_space<hbm>>
      %dma_start3A_1181 = tpu.memref_squeeze %dma_start3A_1180 : memref<1x1x1x8x128xf32, #tpu.memory_space<hbm>> -> memref<8x128xf32, #tpu.memory_space<hbm>>
      %dma_start3A_1182 = arith.constant 0 : i32
      %dma_start3A_1183 = arith.constant 0 : i32
      %dma_start3A_1184 = tpu.memref_slice %arg4[%select_n3A_1147, %dma_start3A_1173, %add3A_1170, %dma_start3A_1182, %dma_start3A_1183] : memref<50x8x128x8x128xf32, #tpu.memory_space<hbm>> -> memref<1x1x1x8x128xf32, #tpu.memory_space<hbm>>
      %dma_start3A_1185 = tpu.memref_squeeze %dma_start3A_1184 : memref<1x1x1x8x128xf32, #tpu.memory_space<hbm>> -> memref<8x128xf32, #tpu.memory_space<hbm>>
      %dma_start3A_1186 = arith.constant 0 : i32
      %dma_start3A_1187 = arith.constant 0 : i32
      %dma_start3A_1188 = tpu.memref_slice %arg7[%dma_start3A_1171, %dma_start3A_1172, %dma_start3A_1186, %dma_start3A_1187] : memref<2x2x64x129xf32, #tpu.memory_space<vmem>> -> memref<1x1x8x128xf32, #tpu.memory_space<vmem>>
      %dma_start3A_1189 = tpu.memref_squeeze %dma_start3A_1188 : memref<1x1x8x128xf32, #tpu.memory_space<vmem>> -> memref<8x128xf32, #tpu.memory_space<vmem>>
      tpu.enqueue_dma source(%dma_start3A_1189 : memref<8x128xf32, #tpu.memory_space<vmem>>) target(%dma_start3A_1185 : memref<8x128xf32, #tpu.memory_space<hbm>>) target_semaphore(%arg9 : memref<!tpu.dma_semaphore, #tpu.memory_space<semaphore_mem>>)
      %dma_start3A_1190 = arith.constant 1 : i32
      %dma_start3A_1191 = arith.constant 0 : i32
      %dma_start3A_1192 = arith.constant 1 : i32
      %dma_start3A_1193 = arith.constant 8 : i32
      %dma_start3A_1194 = arith.constant 0 : i32
      %dma_start3A_1195 = tpu.memref_slice %arg7[%dma_start3A_1190, %dma_start3A_1191, %dma_start3A_1193, %dma_start3A_1194] : memref<2x2x64x129xf32, #tpu.memory_space<vmem>> -> memref<1x1x8x128xf32, #tpu.memory_space<vmem>>
      %dma_start3A_1196 = tpu.memref_squeeze %dma_start3A_1195 : memref<1x1x8x128xf32, #tpu.memory_space<vmem>> -> memref<8x128xf32, #tpu.memory_space<vmem>>
      %dma_start3A_1197 = arith.constant 0 : i32
      %dma_start3A_1198 = arith.constant 0 : i32
      %dma_start3A_1199 = tpu.memref_slice %arg4[%select_n3A_1147, %dma_start3A_1192, %add3A_1170, %dma_start3A_1197, %dma_start3A_1198] : memref<50x8x128x8x128xf32, #tpu.memory_space<hbm>> -> memref<1x1x1x8x128xf32, #tpu.memory_space<hbm>>
      %dma_start3A_1200 = tpu.memref_squeeze %dma_start3A_1199 : memref<1x1x1x8x128xf32, #tpu.memory_space<hbm>> -> memref<8x128xf32, #tpu.memory_space<hbm>>
      %dma_start3A_1201 = arith.constant 0 : i32
      %dma_start3A_1202 = arith.constant 0 : i32
      %dma_start3A_1203 = tpu.memref_slice %arg4[%select_n3A_1147, %dma_start3A_1192, %add3A_1170, %dma_start3A_1201, %dma_start3A_1202] : memref<50x8x128x8x128xf32, #tpu.memory_space<hbm>> -> memref<1x1x1x8x128xf32, #tpu.memory_space<hbm>>
      %dma_start3A_1204 = tpu.memref_squeeze %dma_start3A_1203 : memref<1x1x1x8x128xf32, #tpu.memory_space<hbm>> -> memref<8x128xf32, #tpu.memory_space<hbm>>
      %dma_start3A_1205 = arith.constant 8 : i32
      %dma_start3A_1206 = arith.constant 0 : i32
      %dma_start3A_1207 = tpu.memref_slice %arg7[%dma_start3A_1190, %dma_start3A_1191, %dma_start3A_1205, %dma_start3A_1206] : memref<2x2x64x129xf32, #tpu.memory_space<vmem>> -> memref<1x1x8x128xf32, #tpu.memory_space<vmem>>
      %dma_start3A_1208 = tpu.memref_squeeze %dma_start3A_1207 : memref<1x1x8x128xf32, #tpu.memory_space<vmem>> -> memref<8x128xf32, #tpu.memory_space<vmem>>
      tpu.enqueue_dma source(%dma_start3A_1208 : memref<8x128xf32, #tpu.memory_space<vmem>>) target(%dma_start3A_1204 : memref<8x128xf32, #tpu.memory_space<hbm>>) target_semaphore(%arg9 : memref<!tpu.dma_semaphore, #tpu.memory_space<semaphore_mem>>)
      %dma_start3A_1209 = arith.constant 1 : i32
      %dma_start3A_1210 = arith.constant 0 : i32
      %dma_start3A_1211 = arith.constant 2 : i32
      %dma_start3A_1212 = arith.constant 16 : i32
      %dma_start3A_1213 = arith.constant 0 : i32
      %dma_start3A_1214 = tpu.memref_slice %arg7[%dma_start3A_1209, %dma_start3A_1210, %dma_start3A_1212, %dma_start3A_1213] : memref<2x2x64x129xf32, #tpu.memory_space<vmem>> -> memref<1x1x8x128xf32, #tpu.memory_space<vmem>>
      %dma_start3A_1215 = tpu.memref_squeeze %dma_start3A_1214 : memref<1x1x8x128xf32, #tpu.memory_space<vmem>> -> memref<8x128xf32, #tpu.memory_space<vmem>>
      %dma_start3A_1216 = arith.constant 0 : i32
      %dma_start3A_1217 = arith.constant 0 : i32
      %dma_start3A_1218 = tpu.memref_slice %arg4[%select_n3A_1147, %dma_start3A_1211, %add3A_1170, %dma_start3A_1216, %dma_start3A_1217] : memref<50x8x128x8x128xf32, #tpu.memory_space<hbm>> -> memref<1x1x1x8x128xf32, #tpu.memory_space<hbm>>
      %dma_start3A_1219 = tpu.memref_squeeze %dma_start3A_1218 : memref<1x1x1x8x128xf32, #tpu.memory_space<hbm>> -> memref<8x128xf32, #tpu.memory_space<hbm>>
      %dma_start3A_1220 = arith.constant 0 : i32
      %dma_start3A_1221 = arith.constant 0 : i32
      %dma_start3A_1222 = tpu.memref_slice %arg4[%select_n3A_1147, %dma_start3A_1211, %add3A_1170, %dma_start3A_1220, %dma_start3A_1221] : memref<50x8x128x8x128xf32, #tpu.memory_space<hbm>> -> memref<1x1x1x8x128xf32, #tpu.memory_space<hbm>>
      %dma_start3A_1223 = tpu.memref_squeeze %dma_start3A_1222 : memref<1x1x1x8x128xf32, #tpu.memory_space<hbm>> -> memref<8x128xf32, #tpu.memory_space<hbm>>
      %dma_start3A_1224 = arith.constant 16 : i32
      %dma_start3A_1225 = arith.constant 0 : i32
      %dma_start3A_1226 = tpu.memref_slice %arg7[%dma_start3A_1209, %dma_start3A_1210, %dma_start3A_1224, %dma_start3A_1225] : memref<2x2x64x129xf32, #tpu.memory_space<vmem>> -> memref<1x1x8x128xf32, #tpu.memory_space<vmem>>
      %dma_start3A_1227 = tpu.memref_squeeze %dma_start3A_1226 : memref<1x1x8x128xf32, #tpu.memory_space<vmem>> -> memref<8x128xf32, #tpu.memory_space<vmem>>
      tpu.enqueue_dma source(%dma_start3A_1227 : memref<8x128xf32, #tpu.memory_space<vmem>>) target(%dma_start3A_1223 : memref<8x128xf32, #tpu.memory_space<hbm>>) target_semaphore(%arg9 : memref<!tpu.dma_semaphore, #tpu.memory_space<semaphore_mem>>)
      %dma_start3A_1228 = arith.constant 1 : i32
      %dma_start3A_1229 = arith.constant 0 : i32
      %dma_start3A_1230 = arith.constant 3 : i32
      %dma_start3A_1231 = arith.constant 24 : i32
      %dma_start3A_1232 = arith.constant 0 : i32
      %dma_start3A_1233 = tpu.memref_slice %arg7[%dma_start3A_1228, %dma_start3A_1229, %dma_start3A_1231, %dma_start3A_1232] : memref<2x2x64x129xf32, #tpu.memory_space<vmem>> -> memref<1x1x8x128xf32, #tpu.memory_space<vmem>>
      %dma_start3A_1234 = tpu.memref_squeeze %dma_start3A_1233 : memref<1x1x8x128xf32, #tpu.memory_space<vmem>> -> memref<8x128xf32, #tpu.memory_space<vmem>>
      %dma_start3A_1235 = arith.constant 0 : i32
      %dma_start3A_1236 = arith.constant 0 : i32
      %dma_start3A_1237 = tpu.memref_slice %arg4[%select_n3A_1147, %dma_start3A_1230, %add3A_1170, %dma_start3A_1235, %dma_start3A_1236] : memref<50x8x128x8x128xf32, #tpu.memory_space<hbm>> -> memref<1x1x1x8x128xf32, #tpu.memory_space<hbm>>
      %dma_start3A_1238 = tpu.memref_squeeze %dma_start3A_1237 : memref<1x1x1x8x128xf32, #tpu.memory_space<hbm>> -> memref<8x128xf32, #tpu.memory_space<hbm>>
      %dma_start3A_1239 = arith.constant 0 : i32
      %dma_start3A_1240 = arith.constant 0 : i32
      %dma_start3A_1241 = tpu.memref_slice %arg4[%select_n3A_1147, %dma_start3A_1230, %add3A_1170, %dma_start3A_1239, %dma_start3A_1240] : memref<50x8x128x8x128xf32, #tpu.memory_space<hbm>> -> memref<1x1x1x8x128xf32, #tpu.memory_space<hbm>>
      %dma_start3A_1242 = tpu.memref_squeeze %dma_start3A_1241 : memref<1x1x1x8x128xf32, #tpu.memory_space<hbm>> -> memref<8x128xf32, #tpu.memory_space<hbm>>
      %dma_start3A_1243 = arith.constant 24 : i32
      %dma_start3A_1244 = arith.constant 0 : i32
      %dma_start3A_1245 = tpu.memref_slice %arg7[%dma_start3A_1228, %dma_start3A_1229, %dma_start3A_1243, %dma_start3A_1244] : memref<2x2x64x129xf32, #tpu.memory_space<vmem>> -> memref<1x1x8x128xf32, #tpu.memory_space<vmem>>
      %dma_start3A_1246 = tpu.memref_squeeze %dma_start3A_1245 : memref<1x1x8x128xf32, #tpu.memory_space<vmem>> -> memref<8x128xf32, #tpu.memory_space<vmem>>
      tpu.enqueue_dma source(%dma_start3A_1246 : memref<8x128xf32, #tpu.memory_space<vmem>>) target(%dma_start3A_1242 : memref<8x128xf32, #tpu.memory_space<hbm>>) target_semaphore(%arg9 : memref<!tpu.dma_semaphore, #tpu.memory_space<semaphore_mem>>)
      %dma_start3A_1247 = arith.constant 1 : i32
      %dma_start3A_1248 = arith.constant 0 : i32
      %dma_start3A_1249 = arith.constant 4 : i32
      %dma_start3A_1250 = arith.constant 32 : i32
      %dma_start3A_1251 = arith.constant 0 : i32
      %dma_start3A_1252 = tpu.memref_slice %arg7[%dma_start3A_1247, %dma_start3A_1248, %dma_start3A_1250, %dma_start3A_1251] : memref<2x2x64x129xf32, #tpu.memory_space<vmem>> -> memref<1x1x8x128xf32, #tpu.memory_space<vmem>>
      %dma_start3A_1253 = tpu.memref_squeeze %dma_start3A_1252 : memref<1x1x8x128xf32, #tpu.memory_space<vmem>> -> memref<8x128xf32, #tpu.memory_space<vmem>>
      %dma_start3A_1254 = arith.constant 0 : i32
      %dma_start3A_1255 = arith.constant 0 : i32
      %dma_start3A_1256 = tpu.memref_slice %arg4[%select_n3A_1147, %dma_start3A_1249, %add3A_1170, %dma_start3A_1254, %dma_start3A_1255] : memref<50x8x128x8x128xf32, #tpu.memory_space<hbm>> -> memref<1x1x1x8x128xf32, #tpu.memory_space<hbm>>
      %dma_start3A_1257 = tpu.memref_squeeze %dma_start3A_1256 : memref<1x1x1x8x128xf32, #tpu.memory_space<hbm>> -> memref<8x128xf32, #tpu.memory_space<hbm>>
      %dma_start3A_1258 = arith.constant 0 : i32
      %dma_start3A_1259 = arith.constant 0 : i32
      %dma_start3A_1260 = tpu.memref_slice %arg4[%select_n3A_1147, %dma_start3A_1249, %add3A_1170, %dma_start3A_1258, %dma_start3A_1259] : memref<50x8x128x8x128xf32, #tpu.memory_space<hbm>> -> memref<1x1x1x8x128xf32, #tpu.memory_space<hbm>>
      %dma_start3A_1261 = tpu.memref_squeeze %dma_start3A_1260 : memref<1x1x1x8x128xf32, #tpu.memory_space<hbm>> -> memref<8x128xf32, #tpu.memory_space<hbm>>
      %dma_start3A_1262 = arith.constant 32 : i32
      %dma_start3A_1263 = arith.constant 0 : i32
      %dma_start3A_1264 = tpu.memref_slice %arg7[%dma_start3A_1247, %dma_start3A_1248, %dma_start3A_1262, %dma_start3A_1263] : memref<2x2x64x129xf32, #tpu.memory_space<vmem>> -> memref<1x1x8x128xf32, #tpu.memory_space<vmem>>
      %dma_start3A_1265 = tpu.memref_squeeze %dma_start3A_1264 : memref<1x1x8x128xf32, #tpu.memory_space<vmem>> -> memref<8x128xf32, #tpu.memory_space<vmem>>
      tpu.enqueue_dma source(%dma_start3A_1265 : memref<8x128xf32, #tpu.memory_space<vmem>>) target(%dma_start3A_1261 : memref<8x128xf32, #tpu.memory_space<hbm>>) target_semaphore(%arg9 : memref<!tpu.dma_semaphore, #tpu.memory_space<semaphore_mem>>)
      %dma_start3A_1266 = arith.constant 1 : i32
      %dma_start3A_1267 = arith.constant 0 : i32
      %dma_start3A_1268 = arith.constant 5 : i32
      %dma_start3A_1269 = arith.constant 40 : i32
      %dma_start3A_1270 = arith.constant 0 : i32
      %dma_start3A_1271 = tpu.memref_slice %arg7[%dma_start3A_1266, %dma_start3A_1267, %dma_start3A_1269, %dma_start3A_1270] : memref<2x2x64x129xf32, #tpu.memory_space<vmem>> -> memref<1x1x8x128xf32, #tpu.memory_space<vmem>>
      %dma_start3A_1272 = tpu.memref_squeeze %dma_start3A_1271 : memref<1x1x8x128xf32, #tpu.memory_space<vmem>> -> memref<8x128xf32, #tpu.memory_space<vmem>>
      %dma_start3A_1273 = arith.constant 0 : i32
      %dma_start3A_1274 = arith.constant 0 : i32
      %dma_start3A_1275 = tpu.memref_slice %arg4[%select_n3A_1147, %dma_start3A_1268, %add3A_1170, %dma_start3A_1273, %dma_start3A_1274] : memref<50x8x128x8x128xf32, #tpu.memory_space<hbm>> -> memref<1x1x1x8x128xf32, #tpu.memory_space<hbm>>
      %dma_start3A_1276 = tpu.memref_squeeze %dma_start3A_1275 : memref<1x1x1x8x128xf32, #tpu.memory_space<hbm>> -> memref<8x128xf32, #tpu.memory_space<hbm>>
      %dma_start3A_1277 = arith.constant 0 : i32
      %dma_start3A_1278 = arith.constant 0 : i32
      %dma_start3A_1279 = tpu.memref_slice %arg4[%select_n3A_1147, %dma_start3A_1268, %add3A_1170, %dma_start3A_1277, %dma_start3A_1278] : memref<50x8x128x8x128xf32, #tpu.memory_space<hbm>> -> memref<1x1x1x8x128xf32, #tpu.memory_space<hbm>>
      %dma_start3A_1280 = tpu.memref_squeeze %dma_start3A_1279 : memref<1x1x1x8x128xf32, #tpu.memory_space<hbm>> -> memref<8x128xf32, #tpu.memory_space<hbm>>
      %dma_start3A_1281 = arith.constant 40 : i32
      %dma_start3A_1282 = arith.constant 0 : i32
      %dma_start3A_1283 = tpu.memref_slice %arg7[%dma_start3A_1266, %dma_start3A_1267, %dma_start3A_1281, %dma_start3A_1282] : memref<2x2x64x129xf32, #tpu.memory_space<vmem>> -> memref<1x1x8x128xf32, #tpu.memory_space<vmem>>
      %dma_start3A_1284 = tpu.memref_squeeze %dma_start3A_1283 : memref<1x1x8x128xf32, #tpu.memory_space<vmem>> -> memref<8x128xf32, #tpu.memory_space<vmem>>
      tpu.enqueue_dma source(%dma_start3A_1284 : memref<8x128xf32, #tpu.memory_space<vmem>>) target(%dma_start3A_1280 : memref<8x128xf32, #tpu.memory_space<hbm>>) target_semaphore(%arg9 : memref<!tpu.dma_semaphore, #tpu.memory_space<semaphore_mem>>)
      %dma_start3A_1285 = arith.constant 1 : i32
      %dma_start3A_1286 = arith.constant 0 : i32
      %dma_start3A_1287 = arith.constant 6 : i32
      %dma_start3A_1288 = arith.constant 48 : i32
      %dma_start3A_1289 = arith.constant 0 : i32
      %dma_start3A_1290 = tpu.memref_slice %arg7[%dma_start3A_1285, %dma_start3A_1286, %dma_start3A_1288, %dma_start3A_1289] : memref<2x2x64x129xf32, #tpu.memory_space<vmem>> -> memref<1x1x8x128xf32, #tpu.memory_space<vmem>>
      %dma_start3A_1291 = tpu.memref_squeeze %dma_start3A_1290 : memref<1x1x8x128xf32, #tpu.memory_space<vmem>> -> memref<8x128xf32, #tpu.memory_space<vmem>>
      %dma_start3A_1292 = arith.constant 0 : i32
      %dma_start3A_1293 = arith.constant 0 : i32
      %dma_start3A_1294 = tpu.memref_slice %arg4[%select_n3A_1147, %dma_start3A_1287, %add3A_1170, %dma_start3A_1292, %dma_start3A_1293] : memref<50x8x128x8x128xf32, #tpu.memory_space<hbm>> -> memref<1x1x1x8x128xf32, #tpu.memory_space<hbm>>
      %dma_start3A_1295 = tpu.memref_squeeze %dma_start3A_1294 : memref<1x1x1x8x128xf32, #tpu.memory_space<hbm>> -> memref<8x128xf32, #tpu.memory_space<hbm>>
      %dma_start3A_1296 = arith.constant 0 : i32
      %dma_start3A_1297 = arith.constant 0 : i32
      %dma_start3A_1298 = tpu.memref_slice %arg4[%select_n3A_1147, %dma_start3A_1287, %add3A_1170, %dma_start3A_1296, %dma_start3A_1297] : memref<50x8x128x8x128xf32, #tpu.memory_space<hbm>> -> memref<1x1x1x8x128xf32, #tpu.memory_space<hbm>>
      %dma_start3A_1299 = tpu.memref_squeeze %dma_start3A_1298 : memref<1x1x1x8x128xf32, #tpu.memory_space<hbm>> -> memref<8x128xf32, #tpu.memory_space<hbm>>
      %dma_start3A_1300 = arith.constant 48 : i32
      %dma_start3A_1301 = arith.constant 0 : i32
      %dma_start3A_1302 = tpu.memref_slice %arg7[%dma_start3A_1285, %dma_start3A_1286, %dma_start3A_1300, %dma_start3A_1301] : memref<2x2x64x129xf32, #tpu.memory_space<vmem>> -> memref<1x1x8x128xf32, #tpu.memory_space<vmem>>
      %dma_start3A_1303 = tpu.memref_squeeze %dma_start3A_1302 : memref<1x1x8x128xf32, #tpu.memory_space<vmem>> -> memref<8x128xf32, #tpu.memory_space<vmem>>
      tpu.enqueue_dma source(%dma_start3A_1303 : memref<8x128xf32, #tpu.memory_space<vmem>>) target(%dma_start3A_1299 : memref<8x128xf32, #tpu.memory_space<hbm>>) target_semaphore(%arg9 : memref<!tpu.dma_semaphore, #tpu.memory_space<semaphore_mem>>)
      %dma_start3A_1304 = arith.constant 1 : i32
      %dma_start3A_1305 = arith.constant 0 : i32
      %dma_start3A_1306 = arith.constant 7 : i32
      %dma_start3A_1307 = arith.constant 56 : i32
      %dma_start3A_1308 = arith.constant 0 : i32
      %dma_start3A_1309 = tpu.memref_slice %arg7[%dma_start3A_1304, %dma_start3A_1305, %dma_start3A_1307, %dma_start3A_1308] : memref<2x2x64x129xf32, #tpu.memory_space<vmem>> -> memref<1x1x8x128xf32, #tpu.memory_space<vmem>>
      %dma_start3A_1310 = tpu.memref_squeeze %dma_start3A_1309 : memref<1x1x8x128xf32, #tpu.memory_space<vmem>> -> memref<8x128xf32, #tpu.memory_space<vmem>>
      %dma_start3A_1311 = arith.constant 0 : i32
      %dma_start3A_1312 = arith.constant 0 : i32
      %dma_start3A_1313 = tpu.memref_slice %arg4[%select_n3A_1147, %dma_start3A_1306, %add3A_1170, %dma_start3A_1311, %dma_start3A_1312] : memref<50x8x128x8x128xf32, #tpu.memory_space<hbm>> -> memref<1x1x1x8x128xf32, #tpu.memory_space<hbm>>
      %dma_start3A_1314 = tpu.memref_squeeze %dma_start3A_1313 : memref<1x1x1x8x128xf32, #tpu.memory_space<hbm>> -> memref<8x128xf32, #tpu.memory_space<hbm>>
      %dma_start3A_1315 = arith.constant 0 : i32
      %dma_start3A_1316 = arith.constant 0 : i32
      %dma_start3A_1317 = tpu.memref_slice %arg4[%select_n3A_1147, %dma_start3A_1306, %add3A_1170, %dma_start3A_1315, %dma_start3A_1316] : memref<50x8x128x8x128xf32, #tpu.memory_space<hbm>> -> memref<1x1x1x8x128xf32, #tpu.memory_space<hbm>>
      %dma_start3A_1318 = tpu.memref_squeeze %dma_start3A_1317 : memref<1x1x1x8x128xf32, #tpu.memory_space<hbm>> -> memref<8x128xf32, #tpu.memory_space<hbm>>
      %dma_start3A_1319 = arith.constant 56 : i32
      %dma_start3A_1320 = arith.constant 0 : i32
      %dma_start3A_1321 = tpu.memref_slice %arg7[%dma_start3A_1304, %dma_start3A_1305, %dma_start3A_1319, %dma_start3A_1320] : memref<2x2x64x129xf32, #tpu.memory_space<vmem>> -> memref<1x1x8x128xf32, #tpu.memory_space<vmem>>
      %dma_start3A_1322 = tpu.memref_squeeze %dma_start3A_1321 : memref<1x1x8x128xf32, #tpu.memory_space<vmem>> -> memref<8x128xf32, #tpu.memory_space<vmem>>
      tpu.enqueue_dma source(%dma_start3A_1322 : memref<8x128xf32, #tpu.memory_space<vmem>>) target(%dma_start3A_1318 : memref<8x128xf32, #tpu.memory_space<hbm>>) target_semaphore(%arg9 : memref<!tpu.dma_semaphore, #tpu.memory_space<semaphore_mem>>)
      %mul3A_1323 = arith.constant 4 : i32
      %mul3A_1324 = arith.muli %add3A, %mul3A_1323 : i32
      %mul3A_1325 = arith.constant 2 : i32
      %mul3A_1326 = arith.muli %select_n3A_1163, %mul3A_1325 : i32
      %add3A_1327 = arith.addi %mul3A_1324, %mul3A_1326 : i32
      %add3A_1328 = arith.constant 1 : i32
      %add3A_1329 = arith.addi %add3A_1327, %add3A_1328 : i32
      %dma_start3A_1330 = arith.constant 1 : i32
      %dma_start3A_1331 = arith.constant 1 : i32
      %dma_start3A_1332 = arith.constant 0 : i32
      %dma_start3A_1333 = arith.constant 0 : i32
      %dma_start3A_1334 = arith.constant 0 : i32
      %dma_start3A_1335 = tpu.memref_slice %arg7[%dma_start3A_1330, %dma_start3A_1331, %dma_start3A_1333, %dma_start3A_1334] : memref<2x2x64x129xf32, #tpu.memory_space<vmem>> -> memref<1x1x8x128xf32, #tpu.memory_space<vmem>>
      %dma_start3A_1336 = tpu.memref_squeeze %dma_start3A_1335 : memref<1x1x8x128xf32, #tpu.memory_space<vmem>> -> memref<8x128xf32, #tpu.memory_space<vmem>>
      %dma_start3A_1337 = arith.constant 0 : i32
      %dma_start3A_1338 = arith.constant 0 : i32
      %dma_start3A_1339 = tpu.memref_slice %arg4[%select_n3A_1147, %dma_start3A_1332, %add3A_1329, %dma_start3A_1337, %dma_start3A_1338] : memref<50x8x128x8x128xf32, #tpu.memory_space<hbm>> -> memref<1x1x1x8x128xf32, #tpu.memory_space<hbm>>
      %dma_start3A_1340 = tpu.memref_squeeze %dma_start3A_1339 : memref<1x1x1x8x128xf32, #tpu.memory_space<hbm>> -> memref<8x128xf32, #tpu.memory_space<hbm>>
      %dma_start3A_1341 = arith.constant 0 : i32
      %dma_start3A_1342 = arith.constant 0 : i32
      %dma_start3A_1343 = tpu.memref_slice %arg4[%select_n3A_1147, %dma_start3A_1332, %add3A_1329, %dma_start3A_1341, %dma_start3A_1342] : memref<50x8x128x8x128xf32, #tpu.memory_space<hbm>> -> memref<1x1x1x8x128xf32, #tpu.memory_space<hbm>>
      %dma_start3A_1344 = tpu.memref_squeeze %dma_start3A_1343 : memref<1x1x1x8x128xf32, #tpu.memory_space<hbm>> -> memref<8x128xf32, #tpu.memory_space<hbm>>
      %dma_start3A_1345 = arith.constant 0 : i32
      %dma_start3A_1346 = arith.constant 0 : i32
      %dma_start3A_1347 = tpu.memref_slice %arg7[%dma_start3A_1330, %dma_start3A_1331, %dma_start3A_1345, %dma_start3A_1346] : memref<2x2x64x129xf32, #tpu.memory_space<vmem>> -> memref<1x1x8x128xf32, #tpu.memory_space<vmem>>
      %dma_start3A_1348 = tpu.memref_squeeze %dma_start3A_1347 : memref<1x1x8x128xf32, #tpu.memory_space<vmem>> -> memref<8x128xf32, #tpu.memory_space<vmem>>
      tpu.enqueue_dma source(%dma_start3A_1348 : memref<8x128xf32, #tpu.memory_space<vmem>>) target(%dma_start3A_1344 : memref<8x128xf32, #tpu.memory_space<hbm>>) target_semaphore(%arg9 : memref<!tpu.dma_semaphore, #tpu.memory_space<semaphore_mem>>)
      %dma_start3A_1349 = arith.constant 1 : i32
      %dma_start3A_1350 = arith.constant 1 : i32
      %dma_start3A_1351 = arith.constant 1 : i32
      %dma_start3A_1352 = arith.constant 8 : i32
      %dma_start3A_1353 = arith.constant 0 : i32
      %dma_start3A_1354 = tpu.memref_slice %arg7[%dma_start3A_1349, %dma_start3A_1350, %dma_start3A_1352, %dma_start3A_1353] : memref<2x2x64x129xf32, #tpu.memory_space<vmem>> -> memref<1x1x8x128xf32, #tpu.memory_space<vmem>>
      %dma_start3A_1355 = tpu.memref_squeeze %dma_start3A_1354 : memref<1x1x8x128xf32, #tpu.memory_space<vmem>> -> memref<8x128xf32, #tpu.memory_space<vmem>>
      %dma_start3A_1356 = arith.constant 0 : i32
      %dma_start3A_1357 = arith.constant 0 : i32
      %dma_start3A_1358 = tpu.memref_slice %arg4[%select_n3A_1147, %dma_start3A_1351, %add3A_1329, %dma_start3A_1356, %dma_start3A_1357] : memref<50x8x128x8x128xf32, #tpu.memory_space<hbm>> -> memref<1x1x1x8x128xf32, #tpu.memory_space<hbm>>
      %dma_start3A_1359 = tpu.memref_squeeze %dma_start3A_1358 : memref<1x1x1x8x128xf32, #tpu.memory_space<hbm>> -> memref<8x128xf32, #tpu.memory_space<hbm>>
      %dma_start3A_1360 = arith.constant 0 : i32
      %dma_start3A_1361 = arith.constant 0 : i32
      %dma_start3A_1362 = tpu.memref_slice %arg4[%select_n3A_1147, %dma_start3A_1351, %add3A_1329, %dma_start3A_1360, %dma_start3A_1361] : memref<50x8x128x8x128xf32, #tpu.memory_space<hbm>> -> memref<1x1x1x8x128xf32, #tpu.memory_space<hbm>>
      %dma_start3A_1363 = tpu.memref_squeeze %dma_start3A_1362 : memref<1x1x1x8x128xf32, #tpu.memory_space<hbm>> -> memref<8x128xf32, #tpu.memory_space<hbm>>
      %dma_start3A_1364 = arith.constant 8 : i32
      %dma_start3A_1365 = arith.constant 0 : i32
      %dma_start3A_1366 = tpu.memref_slice %arg7[%dma_start3A_1349, %dma_start3A_1350, %dma_start3A_1364, %dma_start3A_1365] : memref<2x2x64x129xf32, #tpu.memory_space<vmem>> -> memref<1x1x8x128xf32, #tpu.memory_space<vmem>>
      %dma_start3A_1367 = tpu.memref_squeeze %dma_start3A_1366 : memref<1x1x8x128xf32, #tpu.memory_space<vmem>> -> memref<8x128xf32, #tpu.memory_space<vmem>>
      tpu.enqueue_dma source(%dma_start3A_1367 : memref<8x128xf32, #tpu.memory_space<vmem>>) target(%dma_start3A_1363 : memref<8x128xf32, #tpu.memory_space<hbm>>) target_semaphore(%arg9 : memref<!tpu.dma_semaphore, #tpu.memory_space<semaphore_mem>>)
      %dma_start3A_1368 = arith.constant 1 : i32
      %dma_start3A_1369 = arith.constant 1 : i32
      %dma_start3A_1370 = arith.constant 2 : i32
      %dma_start3A_1371 = arith.constant 16 : i32
      %dma_start3A_1372 = arith.constant 0 : i32
      %dma_start3A_1373 = tpu.memref_slice %arg7[%dma_start3A_1368, %dma_start3A_1369, %dma_start3A_1371, %dma_start3A_1372] : memref<2x2x64x129xf32, #tpu.memory_space<vmem>> -> memref<1x1x8x128xf32, #tpu.memory_space<vmem>>
      %dma_start3A_1374 = tpu.memref_squeeze %dma_start3A_1373 : memref<1x1x8x128xf32, #tpu.memory_space<vmem>> -> memref<8x128xf32, #tpu.memory_space<vmem>>
      %dma_start3A_1375 = arith.constant 0 : i32
      %dma_start3A_1376 = arith.constant 0 : i32
      %dma_start3A_1377 = tpu.memref_slice %arg4[%select_n3A_1147, %dma_start3A_1370, %add3A_1329, %dma_start3A_1375, %dma_start3A_1376] : memref<50x8x128x8x128xf32, #tpu.memory_space<hbm>> -> memref<1x1x1x8x128xf32, #tpu.memory_space<hbm>>
      %dma_start3A_1378 = tpu.memref_squeeze %dma_start3A_1377 : memref<1x1x1x8x128xf32, #tpu.memory_space<hbm>> -> memref<8x128xf32, #tpu.memory_space<hbm>>
      %dma_start3A_1379 = arith.constant 0 : i32
      %dma_start3A_1380 = arith.constant 0 : i32
      %dma_start3A_1381 = tpu.memref_slice %arg4[%select_n3A_1147, %dma_start3A_1370, %add3A_1329, %dma_start3A_1379, %dma_start3A_1380] : memref<50x8x128x8x128xf32, #tpu.memory_space<hbm>> -> memref<1x1x1x8x128xf32, #tpu.memory_space<hbm>>
      %dma_start3A_1382 = tpu.memref_squeeze %dma_start3A_1381 : memref<1x1x1x8x128xf32, #tpu.memory_space<hbm>> -> memref<8x128xf32, #tpu.memory_space<hbm>>
      %dma_start3A_1383 = arith.constant 16 : i32
      %dma_start3A_1384 = arith.constant 0 : i32
      %dma_start3A_1385 = tpu.memref_slice %arg7[%dma_start3A_1368, %dma_start3A_1369, %dma_start3A_1383, %dma_start3A_1384] : memref<2x2x64x129xf32, #tpu.memory_space<vmem>> -> memref<1x1x8x128xf32, #tpu.memory_space<vmem>>
      %dma_start3A_1386 = tpu.memref_squeeze %dma_start3A_1385 : memref<1x1x8x128xf32, #tpu.memory_space<vmem>> -> memref<8x128xf32, #tpu.memory_space<vmem>>
      tpu.enqueue_dma source(%dma_start3A_1386 : memref<8x128xf32, #tpu.memory_space<vmem>>) target(%dma_start3A_1382 : memref<8x128xf32, #tpu.memory_space<hbm>>) target_semaphore(%arg9 : memref<!tpu.dma_semaphore, #tpu.memory_space<semaphore_mem>>)
      %dma_start3A_1387 = arith.constant 1 : i32
      %dma_start3A_1388 = arith.constant 1 : i32
      %dma_start3A_1389 = arith.constant 3 : i32
      %dma_start3A_1390 = arith.constant 24 : i32
      %dma_start3A_1391 = arith.constant 0 : i32
      %dma_start3A_1392 = tpu.memref_slice %arg7[%dma_start3A_1387, %dma_start3A_1388, %dma_start3A_1390, %dma_start3A_1391] : memref<2x2x64x129xf32, #tpu.memory_space<vmem>> -> memref<1x1x8x128xf32, #tpu.memory_space<vmem>>
      %dma_start3A_1393 = tpu.memref_squeeze %dma_start3A_1392 : memref<1x1x8x128xf32, #tpu.memory_space<vmem>> -> memref<8x128xf32, #tpu.memory_space<vmem>>
      %dma_start3A_1394 = arith.constant 0 : i32
      %dma_start3A_1395 = arith.constant 0 : i32
      %dma_start3A_1396 = tpu.memref_slice %arg4[%select_n3A_1147, %dma_start3A_1389, %add3A_1329, %dma_start3A_1394, %dma_start3A_1395] : memref<50x8x128x8x128xf32, #tpu.memory_space<hbm>> -> memref<1x1x1x8x128xf32, #tpu.memory_space<hbm>>
      %dma_start3A_1397 = tpu.memref_squeeze %dma_start3A_1396 : memref<1x1x1x8x128xf32, #tpu.memory_space<hbm>> -> memref<8x128xf32, #tpu.memory_space<hbm>>
      %dma_start3A_1398 = arith.constant 0 : i32
      %dma_start3A_1399 = arith.constant 0 : i32
      %dma_start3A_1400 = tpu.memref_slice %arg4[%select_n3A_1147, %dma_start3A_1389, %add3A_1329, %dma_start3A_1398, %dma_start3A_1399] : memref<50x8x128x8x128xf32, #tpu.memory_space<hbm>> -> memref<1x1x1x8x128xf32, #tpu.memory_space<hbm>>
      %dma_start3A_1401 = tpu.memref_squeeze %dma_start3A_1400 : memref<1x1x1x8x128xf32, #tpu.memory_space<hbm>> -> memref<8x128xf32, #tpu.memory_space<hbm>>
      %dma_start3A_1402 = arith.constant 24 : i32
      %dma_start3A_1403 = arith.constant 0 : i32
      %dma_start3A_1404 = tpu.memref_slice %arg7[%dma_start3A_1387, %dma_start3A_1388, %dma_start3A_1402, %dma_start3A_1403] : memref<2x2x64x129xf32, #tpu.memory_space<vmem>> -> memref<1x1x8x128xf32, #tpu.memory_space<vmem>>
      %dma_start3A_1405 = tpu.memref_squeeze %dma_start3A_1404 : memref<1x1x8x128xf32, #tpu.memory_space<vmem>> -> memref<8x128xf32, #tpu.memory_space<vmem>>
      tpu.enqueue_dma source(%dma_start3A_1405 : memref<8x128xf32, #tpu.memory_space<vmem>>) target(%dma_start3A_1401 : memref<8x128xf32, #tpu.memory_space<hbm>>) target_semaphore(%arg9 : memref<!tpu.dma_semaphore, #tpu.memory_space<semaphore_mem>>)
      %dma_start3A_1406 = arith.constant 1 : i32
      %dma_start3A_1407 = arith.constant 1 : i32
      %dma_start3A_1408 = arith.constant 4 : i32
      %dma_start3A_1409 = arith.constant 32 : i32
      %dma_start3A_1410 = arith.constant 0 : i32
      %dma_start3A_1411 = tpu.memref_slice %arg7[%dma_start3A_1406, %dma_start3A_1407, %dma_start3A_1409, %dma_start3A_1410] : memref<2x2x64x129xf32, #tpu.memory_space<vmem>> -> memref<1x1x8x128xf32, #tpu.memory_space<vmem>>
      %dma_start3A_1412 = tpu.memref_squeeze %dma_start3A_1411 : memref<1x1x8x128xf32, #tpu.memory_space<vmem>> -> memref<8x128xf32, #tpu.memory_space<vmem>>
      %dma_start3A_1413 = arith.constant 0 : i32
      %dma_start3A_1414 = arith.constant 0 : i32
      %dma_start3A_1415 = tpu.memref_slice %arg4[%select_n3A_1147, %dma_start3A_1408, %add3A_1329, %dma_start3A_1413, %dma_start3A_1414] : memref<50x8x128x8x128xf32, #tpu.memory_space<hbm>> -> memref<1x1x1x8x128xf32, #tpu.memory_space<hbm>>
      %dma_start3A_1416 = tpu.memref_squeeze %dma_start3A_1415 : memref<1x1x1x8x128xf32, #tpu.memory_space<hbm>> -> memref<8x128xf32, #tpu.memory_space<hbm>>
      %dma_start3A_1417 = arith.constant 0 : i32
      %dma_start3A_1418 = arith.constant 0 : i32
      %dma_start3A_1419 = tpu.memref_slice %arg4[%select_n3A_1147, %dma_start3A_1408, %add3A_1329, %dma_start3A_1417, %dma_start3A_1418] : memref<50x8x128x8x128xf32, #tpu.memory_space<hbm>> -> memref<1x1x1x8x128xf32, #tpu.memory_space<hbm>>
      %dma_start3A_1420 = tpu.memref_squeeze %dma_start3A_1419 : memref<1x1x1x8x128xf32, #tpu.memory_space<hbm>> -> memref<8x128xf32, #tpu.memory_space<hbm>>
      %dma_start3A_1421 = arith.constant 32 : i32
      %dma_start3A_1422 = arith.constant 0 : i32
      %dma_start3A_1423 = tpu.memref_slice %arg7[%dma_start3A_1406, %dma_start3A_1407, %dma_start3A_1421, %dma_start3A_1422] : memref<2x2x64x129xf32, #tpu.memory_space<vmem>> -> memref<1x1x8x128xf32, #tpu.memory_space<vmem>>
      %dma_start3A_1424 = tpu.memref_squeeze %dma_start3A_1423 : memref<1x1x8x128xf32, #tpu.memory_space<vmem>> -> memref<8x128xf32, #tpu.memory_space<vmem>>
      tpu.enqueue_dma source(%dma_start3A_1424 : memref<8x128xf32, #tpu.memory_space<vmem>>) target(%dma_start3A_1420 : memref<8x128xf32, #tpu.memory_space<hbm>>) target_semaphore(%arg9 : memref<!tpu.dma_semaphore, #tpu.memory_space<semaphore_mem>>)
      %dma_start3A_1425 = arith.constant 1 : i32
      %dma_start3A_1426 = arith.constant 1 : i32
      %dma_start3A_1427 = arith.constant 5 : i32
      %dma_start3A_1428 = arith.constant 40 : i32
      %dma_start3A_1429 = arith.constant 0 : i32
      %dma_start3A_1430 = tpu.memref_slice %arg7[%dma_start3A_1425, %dma_start3A_1426, %dma_start3A_1428, %dma_start3A_1429] : memref<2x2x64x129xf32, #tpu.memory_space<vmem>> -> memref<1x1x8x128xf32, #tpu.memory_space<vmem>>
      %dma_start3A_1431 = tpu.memref_squeeze %dma_start3A_1430 : memref<1x1x8x128xf32, #tpu.memory_space<vmem>> -> memref<8x128xf32, #tpu.memory_space<vmem>>
      %dma_start3A_1432 = arith.constant 0 : i32
      %dma_start3A_1433 = arith.constant 0 : i32
      %dma_start3A_1434 = tpu.memref_slice %arg4[%select_n3A_1147, %dma_start3A_1427, %add3A_1329, %dma_start3A_1432, %dma_start3A_1433] : memref<50x8x128x8x128xf32, #tpu.memory_space<hbm>> -> memref<1x1x1x8x128xf32, #tpu.memory_space<hbm>>
      %dma_start3A_1435 = tpu.memref_squeeze %dma_start3A_1434 : memref<1x1x1x8x128xf32, #tpu.memory_space<hbm>> -> memref<8x128xf32, #tpu.memory_space<hbm>>
      %dma_start3A_1436 = arith.constant 0 : i32
      %dma_start3A_1437 = arith.constant 0 : i32
      %dma_start3A_1438 = tpu.memref_slice %arg4[%select_n3A_1147, %dma_start3A_1427, %add3A_1329, %dma_start3A_1436, %dma_start3A_1437] : memref<50x8x128x8x128xf32, #tpu.memory_space<hbm>> -> memref<1x1x1x8x128xf32, #tpu.memory_space<hbm>>
      %dma_start3A_1439 = tpu.memref_squeeze %dma_start3A_1438 : memref<1x1x1x8x128xf32, #tpu.memory_space<hbm>> -> memref<8x128xf32, #tpu.memory_space<hbm>>
      %dma_start3A_1440 = arith.constant 40 : i32
      %dma_start3A_1441 = arith.constant 0 : i32
      %dma_start3A_1442 = tpu.memref_slice %arg7[%dma_start3A_1425, %dma_start3A_1426, %dma_start3A_1440, %dma_start3A_1441] : memref<2x2x64x129xf32, #tpu.memory_space<vmem>> -> memref<1x1x8x128xf32, #tpu.memory_space<vmem>>
      %dma_start3A_1443 = tpu.memref_squeeze %dma_start3A_1442 : memref<1x1x8x128xf32, #tpu.memory_space<vmem>> -> memref<8x128xf32, #tpu.memory_space<vmem>>
      tpu.enqueue_dma source(%dma_start3A_1443 : memref<8x128xf32, #tpu.memory_space<vmem>>) target(%dma_start3A_1439 : memref<8x128xf32, #tpu.memory_space<hbm>>) target_semaphore(%arg9 : memref<!tpu.dma_semaphore, #tpu.memory_space<semaphore_mem>>)
      %dma_start3A_1444 = arith.constant 1 : i32
      %dma_start3A_1445 = arith.constant 1 : i32
      %dma_start3A_1446 = arith.constant 6 : i32
      %dma_start3A_1447 = arith.constant 48 : i32
      %dma_start3A_1448 = arith.constant 0 : i32
      %dma_start3A_1449 = tpu.memref_slice %arg7[%dma_start3A_1444, %dma_start3A_1445, %dma_start3A_1447, %dma_start3A_1448] : memref<2x2x64x129xf32, #tpu.memory_space<vmem>> -> memref<1x1x8x128xf32, #tpu.memory_space<vmem>>
      %dma_start3A_1450 = tpu.memref_squeeze %dma_start3A_1449 : memref<1x1x8x128xf32, #tpu.memory_space<vmem>> -> memref<8x128xf32, #tpu.memory_space<vmem>>
      %dma_start3A_1451 = arith.constant 0 : i32
      %dma_start3A_1452 = arith.constant 0 : i32
      %dma_start3A_1453 = tpu.memref_slice %arg4[%select_n3A_1147, %dma_start3A_1446, %add3A_1329, %dma_start3A_1451, %dma_start3A_1452] : memref<50x8x128x8x128xf32, #tpu.memory_space<hbm>> -> memref<1x1x1x8x128xf32, #tpu.memory_space<hbm>>
      %dma_start3A_1454 = tpu.memref_squeeze %dma_start3A_1453 : memref<1x1x1x8x128xf32, #tpu.memory_space<hbm>> -> memref<8x128xf32, #tpu.memory_space<hbm>>
      %dma_start3A_1455 = arith.constant 0 : i32
      %dma_start3A_1456 = arith.constant 0 : i32
      %dma_start3A_1457 = tpu.memref_slice %arg4[%select_n3A_1147, %dma_start3A_1446, %add3A_1329, %dma_start3A_1455, %dma_start3A_1456] : memref<50x8x128x8x128xf32, #tpu.memory_space<hbm>> -> memref<1x1x1x8x128xf32, #tpu.memory_space<hbm>>
      %dma_start3A_1458 = tpu.memref_squeeze %dma_start3A_1457 : memref<1x1x1x8x128xf32, #tpu.memory_space<hbm>> -> memref<8x128xf32, #tpu.memory_space<hbm>>
      %dma_start3A_1459 = arith.constant 48 : i32
      %dma_start3A_1460 = arith.constant 0 : i32
      %dma_start3A_1461 = tpu.memref_slice %arg7[%dma_start3A_1444, %dma_start3A_1445, %dma_start3A_1459, %dma_start3A_1460] : memref<2x2x64x129xf32, #tpu.memory_space<vmem>> -> memref<1x1x8x128xf32, #tpu.memory_space<vmem>>
      %dma_start3A_1462 = tpu.memref_squeeze %dma_start3A_1461 : memref<1x1x8x128xf32, #tpu.memory_space<vmem>> -> memref<8x128xf32, #tpu.memory_space<vmem>>
      tpu.enqueue_dma source(%dma_start3A_1462 : memref<8x128xf32, #tpu.memory_space<vmem>>) target(%dma_start3A_1458 : memref<8x128xf32, #tpu.memory_space<hbm>>) target_semaphore(%arg9 : memref<!tpu.dma_semaphore, #tpu.memory_space<semaphore_mem>>)
      %dma_start3A_1463 = arith.constant 1 : i32
      %dma_start3A_1464 = arith.constant 1 : i32
      %dma_start3A_1465 = arith.constant 7 : i32
      %dma_start3A_1466 = arith.constant 56 : i32
      %dma_start3A_1467 = arith.constant 0 : i32
      %dma_start3A_1468 = tpu.memref_slice %arg7[%dma_start3A_1463, %dma_start3A_1464, %dma_start3A_1466, %dma_start3A_1467] : memref<2x2x64x129xf32, #tpu.memory_space<vmem>> -> memref<1x1x8x128xf32, #tpu.memory_space<vmem>>
      %dma_start3A_1469 = tpu.memref_squeeze %dma_start3A_1468 : memref<1x1x8x128xf32, #tpu.memory_space<vmem>> -> memref<8x128xf32, #tpu.memory_space<vmem>>
      %dma_start3A_1470 = arith.constant 0 : i32
      %dma_start3A_1471 = arith.constant 0 : i32
      %dma_start3A_1472 = tpu.memref_slice %arg4[%select_n3A_1147, %dma_start3A_1465, %add3A_1329, %dma_start3A_1470, %dma_start3A_1471] : memref<50x8x128x8x128xf32, #tpu.memory_space<hbm>> -> memref<1x1x1x8x128xf32, #tpu.memory_space<hbm>>
      %dma_start3A_1473 = tpu.memref_squeeze %dma_start3A_1472 : memref<1x1x1x8x128xf32, #tpu.memory_space<hbm>> -> memref<8x128xf32, #tpu.memory_space<hbm>>
      %dma_start3A_1474 = arith.constant 0 : i32
      %dma_start3A_1475 = arith.constant 0 : i32
      %dma_start3A_1476 = tpu.memref_slice %arg4[%select_n3A_1147, %dma_start3A_1465, %add3A_1329, %dma_start3A_1474, %dma_start3A_1475] : memref<50x8x128x8x128xf32, #tpu.memory_space<hbm>> -> memref<1x1x1x8x128xf32, #tpu.memory_space<hbm>>
      %dma_start3A_1477 = tpu.memref_squeeze %dma_start3A_1476 : memref<1x1x1x8x128xf32, #tpu.memory_space<hbm>> -> memref<8x128xf32, #tpu.memory_space<hbm>>
      %dma_start3A_1478 = arith.constant 56 : i32
      %dma_start3A_1479 = arith.constant 0 : i32
      %dma_start3A_1480 = tpu.memref_slice %arg7[%dma_start3A_1463, %dma_start3A_1464, %dma_start3A_1478, %dma_start3A_1479] : memref<2x2x64x129xf32, #tpu.memory_space<vmem>> -> memref<1x1x8x128xf32, #tpu.memory_space<vmem>>
      %dma_start3A_1481 = tpu.memref_squeeze %dma_start3A_1480 : memref<1x1x8x128xf32, #tpu.memory_space<vmem>> -> memref<8x128xf32, #tpu.memory_space<vmem>>
      tpu.enqueue_dma source(%dma_start3A_1481 : memref<8x128xf32, #tpu.memory_space<vmem>>) target(%dma_start3A_1477 : memref<8x128xf32, #tpu.memory_space<hbm>>) target_semaphore(%arg9 : memref<!tpu.dma_semaphore, #tpu.memory_space<semaphore_mem>>)
      %add3A_1482 = arith.constant 2 : i32
      %add3A_1483 = arith.addi %add3A_1098, %add3A_1482 : i32
      %lt3A_1484 = arith.constant 100 : i32
      %lt3A_1485 = arith.cmpi slt, %add3A_1483, %lt3A_1484 : i32
      %convert_element_type3A_1486 = arith.extui %lt3A_1485 : i1 to i32
      %cond3A_1487 = arith.constant 0 : i32
      %cond3A_1488 = arith.cmpi ne, %convert_element_type3A_1486, %cond3A_1487 : i32
      scf.if %cond3A_1488 {
        %add3A_1489 = arith.constant 2 : i32
        %add3A_1490 = arith.addi %add3A_1098, %add3A_1489 : i32
        %jit3A_1491 = arith.constant 2 : i32
        %div3A_1492 = arith.divsi %add3A_1490, %jit3A_1491 : i32
        %sign3A_1493 = arith.constant 0 : i32
        %sign3A_1494 = arith.cmpi sgt, %add3A_1490, %sign3A_1493 : i32
        %sign3A_1495 = arith.extui %sign3A_1494 : i1 to i32
        %sign3A_1496 = arith.constant 0 : i32
        %sign3A_1497 = arith.cmpi slt, %add3A_1490, %sign3A_1496 : i32
        %sign3A_1498 = arith.extui %sign3A_1497 : i1 to i32
        %sign3A_1499 = arith.subi %sign3A_1495, %sign3A_1498 : i32
        %sign3A_1500 = arith.constant 0 : i32
        %sign3A_1501 = arith.cmpi sgt, %jit3A_1491, %sign3A_1500 : i32
        %sign3A_1502 = arith.extui %sign3A_1501 : i1 to i32
        %sign3A_1503 = arith.constant 0 : i32
        %sign3A_1504 = arith.cmpi slt, %jit3A_1491, %sign3A_1503 : i32
        %sign3A_1505 = arith.extui %sign3A_1504 : i1 to i32
        %sign3A_1506 = arith.subi %sign3A_1502, %sign3A_1505 : i32
        %ne3A_1507 = arith.cmpi ne, %sign3A_1499, %sign3A_1506 : i32
        %rem3A_1508 = arith.remsi %add3A_1490, %jit3A_1491 : i32
        %ne3A_1509 = arith.constant 0 : i32
        %ne3A_1510 = arith.cmpi ne, %rem3A_1508, %ne3A_1509 : i32
        %and3A_1511 = arith.andi %ne3A_1507, %ne3A_1510 : i1
        %sub3A_1512 = arith.constant 1 : i32
        %sub3A_1513 = arith.subi %div3A_1492, %sub3A_1512 : i32
        %select_n3A_1514 = arith.select %and3A_1511, %sub3A_1513, %div3A_1492 : i32
        %jit3A_1515 = arith.constant 2 : i32
        %eq3A_1516 = arith.constant 0 : i32
        %eq3A_1517 = arith.cmpi eq, %jit3A_1515, %eq3A_1516 : i32
        %jit3A_1518 = arith.constant 1 : i32
        %select_n3A_1519 = arith.select %eq3A_1517, %jit3A_1518, %jit3A_1515 : i32
        %rem3A_1520 = arith.remsi %add3A_1490, %select_n3A_1519 : i32
        %ne3A_1521 = arith.constant 0 : i32
        %ne3A_1522 = arith.cmpi ne, %rem3A_1520, %ne3A_1521 : i32
        %lt3A_1523 = arith.constant 0 : i32
        %lt3A_1524 = arith.cmpi slt, %rem3A_1520, %lt3A_1523 : i32
        %lt3A_1525 = arith.constant 0 : i32
        %lt3A_1526 = arith.cmpi slt, %select_n3A_1519, %lt3A_1525 : i32
        %ne3A_1527 = arith.xori %lt3A_1524, %lt3A_1526 : i1
        %and3A_1528 = arith.andi %ne3A_1527, %ne3A_1522 : i1
        %add3A_1529 = arith.addi %rem3A_1520, %select_n3A_1519 : i32
        %select_n3A_1530 = arith.select %and3A_1528, %add3A_1529, %rem3A_1520 : i32
        %mul3A_1531 = arith.constant 256 : i32
        %mul3A_1532 = arith.muli %select_n3A_1530, %mul3A_1531 : i32
        %dma_start3A_1533 = arith.constant 1 : i32
        %dma_start3A_1534 = arith.constant 0 : i32
        %dma_start3A_1535 = arith.constant 0 : i32
        %dma_start3A_1536 = tpu.memref_slice %arg6[%dma_start3A_1533, %dma_start3A_1534, %dma_start3A_1535] : memref<2x256x64xf32, #tpu.memory_space<vmem>> -> memref<1x256x64xf32, #tpu.memory_space<vmem>>
        %dma_start3A_1537 = tpu.memref_squeeze %dma_start3A_1536 : memref<1x256x64xf32, #tpu.memory_space<vmem>> -> memref<256x64xf32, #tpu.memory_space<vmem>>
        %dma_start3A_1538 = tpu.memref_slice %arg5[%select_n3A_1514, %mul3A_1532] : memref<50x512xi32, #tpu.memory_space<vmem>> -> memref<1x256xi32, #tpu.memory_space<vmem>>
        %dma_start3A_1539 = tpu.memref_squeeze %dma_start3A_1538 : memref<1x256xi32, #tpu.memory_space<vmem>> -> memref<256xi32, #tpu.memory_space<vmem>>
        %dma_start3A_1540 = arith.constant 0 : i32
        %dma_start3A_1541 = arith.constant 0 : i32
        %dma_start3A_1542 = tpu.memref_slice %arg3[%dma_start3A_1540, %dma_start3A_1541] : memref<1000000x64xf32, #tpu.memory_space<hbm>> -> memref<1000000x64xf32, #tpu.memory_space<hbm>>
        tpu.enqueue_indirect_dma source(%dma_start3A_1542 : memref<1000000x64xf32, #tpu.memory_space<hbm>>) target(%dma_start3A_1537 : memref<256x64xf32, #tpu.memory_space<vmem>>) offsets(%dma_start3A_1539 : memref<256xi32, #tpu.memory_space<vmem>>) semaphore(%arg8 : memref<!tpu.dma_semaphore, #tpu.memory_space<semaphore_mem>>)
      } else {
      }
    }
    %scan3A_41 = arith.constant 50 : i32
    %dma_wait3A = arith.constant 0 : i32
    %dma_wait3A_42 = arith.constant 0 : i32
    %dma_wait3A_43 = arith.constant 0 : i32
    %dma_wait3A_44 = arith.constant 0 : i32
    %dma_wait3A_45 = arith.constant 0 : i32
    %dma_wait3A_46 = arith.constant 0 : i32
    %dma_wait3A_47 = arith.constant 0 : i32
    %dma_wait3A_48 = tpu.memref_slice %arg7[%dma_wait3A, %dma_wait3A_42, %dma_wait3A_46, %dma_wait3A_47] : memref<2x2x64x129xf32, #tpu.memory_space<vmem>> -> memref<1x1x8x128xf32, #tpu.memory_space<vmem>>
    %dma_wait3A_49 = tpu.memref_squeeze %dma_wait3A_48 : memref<1x1x8x128xf32, #tpu.memory_space<vmem>> -> memref<8x128xf32, #tpu.memory_space<vmem>>
    %dma_wait3A_50 = arith.constant 0 : i32
    %dma_wait3A_51 = arith.constant 0 : i32
    %dma_wait3A_52 = tpu.memref_slice %arg4[%dma_wait3A_43, %dma_wait3A_44, %dma_wait3A_45, %dma_wait3A_50, %dma_wait3A_51] : memref<50x8x128x8x128xf32, #tpu.memory_space<hbm>> -> memref<1x1x1x8x128xf32, #tpu.memory_space<hbm>>
    %dma_wait3A_53 = tpu.memref_squeeze %dma_wait3A_52 : memref<1x1x1x8x128xf32, #tpu.memory_space<hbm>> -> memref<8x128xf32, #tpu.memory_space<hbm>>
    %dma_wait3A_54 = arith.constant 0 : i32
    %dma_wait3A_55 = arith.constant 0 : i32
    %dma_wait3A_56 = tpu.memref_slice %arg4[%dma_wait3A_43, %dma_wait3A_44, %dma_wait3A_45, %dma_wait3A_54, %dma_wait3A_55] : memref<50x8x128x8x128xf32, #tpu.memory_space<hbm>> -> memref<1x1x1x8x128xf32, #tpu.memory_space<hbm>>
    %dma_wait3A_57 = tpu.memref_squeeze %dma_wait3A_56 : memref<1x1x1x8x128xf32, #tpu.memory_space<hbm>> -> memref<8x128xf32, #tpu.memory_space<hbm>>
    %dma_wait3A_58 = arith.constant 0 : i32
    %dma_wait3A_59 = arith.constant 0 : i32
    %dma_wait3A_60 = tpu.memref_slice %arg7[%dma_wait3A, %dma_wait3A_42, %dma_wait3A_58, %dma_wait3A_59] : memref<2x2x64x129xf32, #tpu.memory_space<vmem>> -> memref<1x1x8x128xf32, #tpu.memory_space<vmem>>
    %dma_wait3A_61 = tpu.memref_squeeze %dma_wait3A_60 : memref<1x1x8x128xf32, #tpu.memory_space<vmem>> -> memref<8x128xf32, #tpu.memory_space<vmem>>
    tpu.wait_dma2 semaphore(%arg9 : memref<!tpu.dma_semaphore, #tpu.memory_space<semaphore_mem>>) src(%dma_wait3A_61 : memref<8x128xf32, #tpu.memory_space<vmem>>) dst(%dma_wait3A_57 : memref<8x128xf32, #tpu.memory_space<hbm>>)
    %dma_wait3A_62 = arith.constant 0 : i32
    %dma_wait3A_63 = arith.constant 0 : i32
    %dma_wait3A_64 = arith.constant 0 : i32
    %dma_wait3A_65 = arith.constant 0 : i32
    %dma_wait3A_66 = arith.constant 0 : i32
    %dma_wait3A_67 = arith.constant 0 : i32
    %dma_wait3A_68 = arith.constant 0 : i32
    %dma_wait3A_69 = tpu.memref_slice %arg7[%dma_wait3A_62, %dma_wait3A_63, %dma_wait3A_67, %dma_wait3A_68] : memref<2x2x64x129xf32, #tpu.memory_space<vmem>> -> memref<1x1x8x128xf32, #tpu.memory_space<vmem>>
    %dma_wait3A_70 = tpu.memref_squeeze %dma_wait3A_69 : memref<1x1x8x128xf32, #tpu.memory_space<vmem>> -> memref<8x128xf32, #tpu.memory_space<vmem>>
    %dma_wait3A_71 = arith.constant 0 : i32
    %dma_wait3A_72 = arith.constant 0 : i32
    %dma_wait3A_73 = tpu.memref_slice %arg4[%dma_wait3A_64, %dma_wait3A_65, %dma_wait3A_66, %dma_wait3A_71, %dma_wait3A_72] : memref<50x8x128x8x128xf32, #tpu.memory_space<hbm>> -> memref<1x1x1x8x128xf32, #tpu.memory_space<hbm>>
    %dma_wait3A_74 = tpu.memref_squeeze %dma_wait3A_73 : memref<1x1x1x8x128xf32, #tpu.memory_space<hbm>> -> memref<8x128xf32, #tpu.memory_space<hbm>>
    %dma_wait3A_75 = arith.constant 0 : i32
    %dma_wait3A_76 = arith.constant 0 : i32
    %dma_wait3A_77 = tpu.memref_slice %arg4[%dma_wait3A_64, %dma_wait3A_65, %dma_wait3A_66, %dma_wait3A_75, %dma_wait3A_76] : memref<50x8x128x8x128xf32, #tpu.memory_space<hbm>> -> memref<1x1x1x8x128xf32, #tpu.memory_space<hbm>>
    %dma_wait3A_78 = tpu.memref_squeeze %dma_wait3A_77 : memref<1x1x1x8x128xf32, #tpu.memory_space<hbm>> -> memref<8x128xf32, #tpu.memory_space<hbm>>
    %dma_wait3A_79 = arith.constant 0 : i32
    %dma_wait3A_80 = arith.constant 0 : i32
    %dma_wait3A_81 = tpu.memref_slice %arg7[%dma_wait3A_62, %dma_wait3A_63, %dma_wait3A_79, %dma_wait3A_80] : memref<2x2x64x129xf32, #tpu.memory_space<vmem>> -> memref<1x1x8x128xf32, #tpu.memory_space<vmem>>
    %dma_wait3A_82 = tpu.memref_squeeze %dma_wait3A_81 : memref<1x1x8x128xf32, #tpu.memory_space<vmem>> -> memref<8x128xf32, #tpu.memory_space<vmem>>
    tpu.wait_dma2 semaphore(%arg9 : memref<!tpu.dma_semaphore, #tpu.memory_space<semaphore_mem>>) src(%dma_wait3A_82 : memref<8x128xf32, #tpu.memory_space<vmem>>) dst(%dma_wait3A_78 : memref<8x128xf32, #tpu.memory_space<hbm>>)
    %dma_wait3A_83 = arith.constant 0 : i32
    %dma_wait3A_84 = arith.constant 0 : i32
    %dma_wait3A_85 = arith.constant 0 : i32
    %dma_wait3A_86 = arith.constant 0 : i32
    %dma_wait3A_87 = arith.constant 0 : i32
    %dma_wait3A_88 = arith.constant 0 : i32
    %dma_wait3A_89 = arith.constant 0 : i32
    %dma_wait3A_90 = tpu.memref_slice %arg7[%dma_wait3A_83, %dma_wait3A_84, %dma_wait3A_88, %dma_wait3A_89] : memref<2x2x64x129xf32, #tpu.memory_space<vmem>> -> memref<1x1x8x128xf32, #tpu.memory_space<vmem>>
    %dma_wait3A_91 = tpu.memref_squeeze %dma_wait3A_90 : memref<1x1x8x128xf32, #tpu.memory_space<vmem>> -> memref<8x128xf32, #tpu.memory_space<vmem>>
    %dma_wait3A_92 = arith.constant 0 : i32
    %dma_wait3A_93 = arith.constant 0 : i32
    %dma_wait3A_94 = tpu.memref_slice %arg4[%dma_wait3A_85, %dma_wait3A_86, %dma_wait3A_87, %dma_wait3A_92, %dma_wait3A_93] : memref<50x8x128x8x128xf32, #tpu.memory_space<hbm>> -> memref<1x1x1x8x128xf32, #tpu.memory_space<hbm>>
    %dma_wait3A_95 = tpu.memref_squeeze %dma_wait3A_94 : memref<1x1x1x8x128xf32, #tpu.memory_space<hbm>> -> memref<8x128xf32, #tpu.memory_space<hbm>>
    %dma_wait3A_96 = arith.constant 0 : i32
    %dma_wait3A_97 = arith.constant 0 : i32
    %dma_wait3A_98 = tpu.memref_slice %arg4[%dma_wait3A_85, %dma_wait3A_86, %dma_wait3A_87, %dma_wait3A_96, %dma_wait3A_97] : memref<50x8x128x8x128xf32, #tpu.memory_space<hbm>> -> memref<1x1x1x8x128xf32, #tpu.memory_space<hbm>>
    %dma_wait3A_99 = tpu.memref_squeeze %dma_wait3A_98 : memref<1x1x1x8x128xf32, #tpu.memory_space<hbm>> -> memref<8x128xf32, #tpu.memory_space<hbm>>
    %dma_wait3A_100 = arith.constant 0 : i32
    %dma_wait3A_101 = arith.constant 0 : i32
    %dma_wait3A_102 = tpu.memref_slice %arg7[%dma_wait3A_83, %dma_wait3A_84, %dma_wait3A_100, %dma_wait3A_101] : memref<2x2x64x129xf32, #tpu.memory_space<vmem>> -> memref<1x1x8x128xf32, #tpu.memory_space<vmem>>
    %dma_wait3A_103 = tpu.memref_squeeze %dma_wait3A_102 : memref<1x1x8x128xf32, #tpu.memory_space<vmem>> -> memref<8x128xf32, #tpu.memory_space<vmem>>
    tpu.wait_dma2 semaphore(%arg9 : memref<!tpu.dma_semaphore, #tpu.memory_space<semaphore_mem>>) src(%dma_wait3A_103 : memref<8x128xf32, #tpu.memory_space<vmem>>) dst(%dma_wait3A_99 : memref<8x128xf32, #tpu.memory_space<hbm>>)
    %dma_wait3A_104 = arith.constant 0 : i32
    %dma_wait3A_105 = arith.constant 0 : i32
    %dma_wait3A_106 = arith.constant 0 : i32
    %dma_wait3A_107 = arith.constant 0 : i32
    %dma_wait3A_108 = arith.constant 0 : i32
    %dma_wait3A_109 = arith.constant 0 : i32
    %dma_wait3A_110 = arith.constant 0 : i32
    %dma_wait3A_111 = tpu.memref_slice %arg7[%dma_wait3A_104, %dma_wait3A_105, %dma_wait3A_109, %dma_wait3A_110] : memref<2x2x64x129xf32, #tpu.memory_space<vmem>> -> memref<1x1x8x128xf32, #tpu.memory_space<vmem>>
    %dma_wait3A_112 = tpu.memref_squeeze %dma_wait3A_111 : memref<1x1x8x128xf32, #tpu.memory_space<vmem>> -> memref<8x128xf32, #tpu.memory_space<vmem>>
    %dma_wait3A_113 = arith.constant 0 : i32
    %dma_wait3A_114 = arith.constant 0 : i32
    %dma_wait3A_115 = tpu.memref_slice %arg4[%dma_wait3A_106, %dma_wait3A_107, %dma_wait3A_108, %dma_wait3A_113, %dma_wait3A_114] : memref<50x8x128x8x128xf32, #tpu.memory_space<hbm>> -> memref<1x1x1x8x128xf32, #tpu.memory_space<hbm>>
    %dma_wait3A_116 = tpu.memref_squeeze %dma_wait3A_115 : memref<1x1x1x8x128xf32, #tpu.memory_space<hbm>> -> memref<8x128xf32, #tpu.memory_space<hbm>>
    %dma_wait3A_117 = arith.constant 0 : i32
    %dma_wait3A_118 = arith.constant 0 : i32
    %dma_wait3A_119 = tpu.memref_slice %arg4[%dma_wait3A_106, %dma_wait3A_107, %dma_wait3A_108, %dma_wait3A_117, %dma_wait3A_118] : memref<50x8x128x8x128xf32, #tpu.memory_space<hbm>> -> memref<1x1x1x8x128xf32, #tpu.memory_space<hbm>>
    %dma_wait3A_120 = tpu.memref_squeeze %dma_wait3A_119 : memref<1x1x1x8x128xf32, #tpu.memory_space<hbm>> -> memref<8x128xf32, #tpu.memory_space<hbm>>
    %dma_wait3A_121 = arith.constant 0 : i32
    %dma_wait3A_122 = arith.constant 0 : i32
    %dma_wait3A_123 = tpu.memref_slice %arg7[%dma_wait3A_104, %dma_wait3A_105, %dma_wait3A_121, %dma_wait3A_122] : memref<2x2x64x129xf32, #tpu.memory_space<vmem>> -> memref<1x1x8x128xf32, #tpu.memory_space<vmem>>
    %dma_wait3A_124 = tpu.memref_squeeze %dma_wait3A_123 : memref<1x1x8x128xf32, #tpu.memory_space<vmem>> -> memref<8x128xf32, #tpu.memory_space<vmem>>
    tpu.wait_dma2 semaphore(%arg9 : memref<!tpu.dma_semaphore, #tpu.memory_space<semaphore_mem>>) src(%dma_wait3A_124 : memref<8x128xf32, #tpu.memory_space<vmem>>) dst(%dma_wait3A_120 : memref<8x128xf32, #tpu.memory_space<hbm>>)
    %dma_wait3A_125 = arith.constant 0 : i32
    %dma_wait3A_126 = arith.constant 0 : i32
    %dma_wait3A_127 = arith.constant 0 : i32
    %dma_wait3A_128 = arith.constant 0 : i32
    %dma_wait3A_129 = arith.constant 0 : i32
    %dma_wait3A_130 = arith.constant 0 : i32
    %dma_wait3A_131 = arith.constant 0 : i32
    %dma_wait3A_132 = tpu.memref_slice %arg7[%dma_wait3A_125, %dma_wait3A_126, %dma_wait3A_130, %dma_wait3A_131] : memref<2x2x64x129xf32, #tpu.memory_space<vmem>> -> memref<1x1x8x128xf32, #tpu.memory_space<vmem>>
    %dma_wait3A_133 = tpu.memref_squeeze %dma_wait3A_132 : memref<1x1x8x128xf32, #tpu.memory_space<vmem>> -> memref<8x128xf32, #tpu.memory_space<vmem>>
    %dma_wait3A_134 = arith.constant 0 : i32
    %dma_wait3A_135 = arith.constant 0 : i32
    %dma_wait3A_136 = tpu.memref_slice %arg4[%dma_wait3A_127, %dma_wait3A_128, %dma_wait3A_129, %dma_wait3A_134, %dma_wait3A_135] : memref<50x8x128x8x128xf32, #tpu.memory_space<hbm>> -> memref<1x1x1x8x128xf32, #tpu.memory_space<hbm>>
    %dma_wait3A_137 = tpu.memref_squeeze %dma_wait3A_136 : memref<1x1x1x8x128xf32, #tpu.memory_space<hbm>> -> memref<8x128xf32, #tpu.memory_space<hbm>>
    %dma_wait3A_138 = arith.constant 0 : i32
    %dma_wait3A_139 = arith.constant 0 : i32
    %dma_wait3A_140 = tpu.memref_slice %arg4[%dma_wait3A_127, %dma_wait3A_128, %dma_wait3A_129, %dma_wait3A_138, %dma_wait3A_139] : memref<50x8x128x8x128xf32, #tpu.memory_space<hbm>> -> memref<1x1x1x8x128xf32, #tpu.memory_space<hbm>>
    %dma_wait3A_141 = tpu.memref_squeeze %dma_wait3A_140 : memref<1x1x1x8x128xf32, #tpu.memory_space<hbm>> -> memref<8x128xf32, #tpu.memory_space<hbm>>
    %dma_wait3A_142 = arith.constant 0 : i32
    %dma_wait3A_143 = arith.constant 0 : i32
    %dma_wait3A_144 = tpu.memref_slice %arg7[%dma_wait3A_125, %dma_wait3A_126, %dma_wait3A_142, %dma_wait3A_143] : memref<2x2x64x129xf32, #tpu.memory_space<vmem>> -> memref<1x1x8x128xf32, #tpu.memory_space<vmem>>
    %dma_wait3A_145 = tpu.memref_squeeze %dma_wait3A_144 : memref<1x1x8x128xf32, #tpu.memory_space<vmem>> -> memref<8x128xf32, #tpu.memory_space<vmem>>
    tpu.wait_dma2 semaphore(%arg9 : memref<!tpu.dma_semaphore, #tpu.memory_space<semaphore_mem>>) src(%dma_wait3A_145 : memref<8x128xf32, #tpu.memory_space<vmem>>) dst(%dma_wait3A_141 : memref<8x128xf32, #tpu.memory_space<hbm>>)
    %dma_wait3A_146 = arith.constant 0 : i32
    %dma_wait3A_147 = arith.constant 0 : i32
    %dma_wait3A_148 = arith.constant 0 : i32
    %dma_wait3A_149 = arith.constant 0 : i32
    %dma_wait3A_150 = arith.constant 0 : i32
    %dma_wait3A_151 = arith.constant 0 : i32
    %dma_wait3A_152 = arith.constant 0 : i32
    %dma_wait3A_153 = tpu.memref_slice %arg7[%dma_wait3A_146, %dma_wait3A_147, %dma_wait3A_151, %dma_wait3A_152] : memref<2x2x64x129xf32, #tpu.memory_space<vmem>> -> memref<1x1x8x128xf32, #tpu.memory_space<vmem>>
    %dma_wait3A_154 = tpu.memref_squeeze %dma_wait3A_153 : memref<1x1x8x128xf32, #tpu.memory_space<vmem>> -> memref<8x128xf32, #tpu.memory_space<vmem>>
    %dma_wait3A_155 = arith.constant 0 : i32
    %dma_wait3A_156 = arith.constant 0 : i32
    %dma_wait3A_157 = tpu.memref_slice %arg4[%dma_wait3A_148, %dma_wait3A_149, %dma_wait3A_150, %dma_wait3A_155, %dma_wait3A_156] : memref<50x8x128x8x128xf32, #tpu.memory_space<hbm>> -> memref<1x1x1x8x128xf32, #tpu.memory_space<hbm>>
    %dma_wait3A_158 = tpu.memref_squeeze %dma_wait3A_157 : memref<1x1x1x8x128xf32, #tpu.memory_space<hbm>> -> memref<8x128xf32, #tpu.memory_space<hbm>>
    %dma_wait3A_159 = arith.constant 0 : i32
    %dma_wait3A_160 = arith.constant 0 : i32
    %dma_wait3A_161 = tpu.memref_slice %arg4[%dma_wait3A_148, %dma_wait3A_149, %dma_wait3A_150, %dma_wait3A_159, %dma_wait3A_160] : memref<50x8x128x8x128xf32, #tpu.memory_space<hbm>> -> memref<1x1x1x8x128xf32, #tpu.memory_space<hbm>>
    %dma_wait3A_162 = tpu.memref_squeeze %dma_wait3A_161 : memref<1x1x1x8x128xf32, #tpu.memory_space<hbm>> -> memref<8x128xf32, #tpu.memory_space<hbm>>
    %dma_wait3A_163 = arith.constant 0 : i32
    %dma_wait3A_164 = arith.constant 0 : i32
    %dma_wait3A_165 = tpu.memref_slice %arg7[%dma_wait3A_146, %dma_wait3A_147, %dma_wait3A_163, %dma_wait3A_164] : memref<2x2x64x129xf32, #tpu.memory_space<vmem>> -> memref<1x1x8x128xf32, #tpu.memory_space<vmem>>
    %dma_wait3A_166 = tpu.memref_squeeze %dma_wait3A_165 : memref<1x1x8x128xf32, #tpu.memory_space<vmem>> -> memref<8x128xf32, #tpu.memory_space<vmem>>
    tpu.wait_dma2 semaphore(%arg9 : memref<!tpu.dma_semaphore, #tpu.memory_space<semaphore_mem>>) src(%dma_wait3A_166 : memref<8x128xf32, #tpu.memory_space<vmem>>) dst(%dma_wait3A_162 : memref<8x128xf32, #tpu.memory_space<hbm>>)
    %dma_wait3A_167 = arith.constant 0 : i32
    %dma_wait3A_168 = arith.constant 0 : i32
    %dma_wait3A_169 = arith.constant 0 : i32
    %dma_wait3A_170 = arith.constant 0 : i32
    %dma_wait3A_171 = arith.constant 0 : i32
    %dma_wait3A_172 = arith.constant 0 : i32
    %dma_wait3A_173 = arith.constant 0 : i32
    %dma_wait3A_174 = tpu.memref_slice %arg7[%dma_wait3A_167, %dma_wait3A_168, %dma_wait3A_172, %dma_wait3A_173] : memref<2x2x64x129xf32, #tpu.memory_space<vmem>> -> memref<1x1x8x128xf32, #tpu.memory_space<vmem>>
    %dma_wait3A_175 = tpu.memref_squeeze %dma_wait3A_174 : memref<1x1x8x128xf32, #tpu.memory_space<vmem>> -> memref<8x128xf32, #tpu.memory_space<vmem>>
    %dma_wait3A_176 = arith.constant 0 : i32
    %dma_wait3A_177 = arith.constant 0 : i32
    %dma_wait3A_178 = tpu.memref_slice %arg4[%dma_wait3A_169, %dma_wait3A_170, %dma_wait3A_171, %dma_wait3A_176, %dma_wait3A_177] : memref<50x8x128x8x128xf32, #tpu.memory_space<hbm>> -> memref<1x1x1x8x128xf32, #tpu.memory_space<hbm>>
    %dma_wait3A_179 = tpu.memref_squeeze %dma_wait3A_178 : memref<1x1x1x8x128xf32, #tpu.memory_space<hbm>> -> memref<8x128xf32, #tpu.memory_space<hbm>>
    %dma_wait3A_180 = arith.constant 0 : i32
    %dma_wait3A_181 = arith.constant 0 : i32
    %dma_wait3A_182 = tpu.memref_slice %arg4[%dma_wait3A_169, %dma_wait3A_170, %dma_wait3A_171, %dma_wait3A_180, %dma_wait3A_181] : memref<50x8x128x8x128xf32, #tpu.memory_space<hbm>> -> memref<1x1x1x8x128xf32, #tpu.memory_space<hbm>>
    %dma_wait3A_183 = tpu.memref_squeeze %dma_wait3A_182 : memref<1x1x1x8x128xf32, #tpu.memory_space<hbm>> -> memref<8x128xf32, #tpu.memory_space<hbm>>
    %dma_wait3A_184 = arith.constant 0 : i32
    %dma_wait3A_185 = arith.constant 0 : i32
    %dma_wait3A_186 = tpu.memref_slice %arg7[%dma_wait3A_167, %dma_wait3A_168, %dma_wait3A_184, %dma_wait3A_185] : memref<2x2x64x129xf32, #tpu.memory_space<vmem>> -> memref<1x1x8x128xf32, #tpu.memory_space<vmem>>
    %dma_wait3A_187 = tpu.memref_squeeze %dma_wait3A_186 : memref<1x1x8x128xf32, #tpu.memory_space<vmem>> -> memref<8x128xf32, #tpu.memory_space<vmem>>
    tpu.wait_dma2 semaphore(%arg9 : memref<!tpu.dma_semaphore, #tpu.memory_space<semaphore_mem>>) src(%dma_wait3A_187 : memref<8x128xf32, #tpu.memory_space<vmem>>) dst(%dma_wait3A_183 : memref<8x128xf32, #tpu.memory_space<hbm>>)
    %dma_wait3A_188 = arith.constant 0 : i32
    %dma_wait3A_189 = arith.constant 0 : i32
    %dma_wait3A_190 = arith.constant 0 : i32
    %dma_wait3A_191 = arith.constant 0 : i32
    %dma_wait3A_192 = arith.constant 0 : i32
    %dma_wait3A_193 = arith.constant 0 : i32
    %dma_wait3A_194 = arith.constant 0 : i32
    %dma_wait3A_195 = tpu.memref_slice %arg7[%dma_wait3A_188, %dma_wait3A_189, %dma_wait3A_193, %dma_wait3A_194] : memref<2x2x64x129xf32, #tpu.memory_space<vmem>> -> memref<1x1x8x128xf32, #tpu.memory_space<vmem>>
    %dma_wait3A_196 = tpu.memref_squeeze %dma_wait3A_195 : memref<1x1x8x128xf32, #tpu.memory_space<vmem>> -> memref<8x128xf32, #tpu.memory_space<vmem>>
    %dma_wait3A_197 = arith.constant 0 : i32
    %dma_wait3A_198 = arith.constant 0 : i32
    %dma_wait3A_199 = tpu.memref_slice %arg4[%dma_wait3A_190, %dma_wait3A_191, %dma_wait3A_192, %dma_wait3A_197, %dma_wait3A_198] : memref<50x8x128x8x128xf32, #tpu.memory_space<hbm>> -> memref<1x1x1x8x128xf32, #tpu.memory_space<hbm>>
    %dma_wait3A_200 = tpu.memref_squeeze %dma_wait3A_199 : memref<1x1x1x8x128xf32, #tpu.memory_space<hbm>> -> memref<8x128xf32, #tpu.memory_space<hbm>>
    %dma_wait3A_201 = arith.constant 0 : i32
    %dma_wait3A_202 = arith.constant 0 : i32
    %dma_wait3A_203 = tpu.memref_slice %arg4[%dma_wait3A_190, %dma_wait3A_191, %dma_wait3A_192, %dma_wait3A_201, %dma_wait3A_202] : memref<50x8x128x8x128xf32, #tpu.memory_space<hbm>> -> memref<1x1x1x8x128xf32, #tpu.memory_space<hbm>>
    %dma_wait3A_204 = tpu.memref_squeeze %dma_wait3A_203 : memref<1x1x1x8x128xf32, #tpu.memory_space<hbm>> -> memref<8x128xf32, #tpu.memory_space<hbm>>
    %dma_wait3A_205 = arith.constant 0 : i32
    %dma_wait3A_206 = arith.constant 0 : i32
    %dma_wait3A_207 = tpu.memref_slice %arg7[%dma_wait3A_188, %dma_wait3A_189, %dma_wait3A_205, %dma_wait3A_206] : memref<2x2x64x129xf32, #tpu.memory_space<vmem>> -> memref<1x1x8x128xf32, #tpu.memory_space<vmem>>
    %dma_wait3A_208 = tpu.memref_squeeze %dma_wait3A_207 : memref<1x1x8x128xf32, #tpu.memory_space<vmem>> -> memref<8x128xf32, #tpu.memory_space<vmem>>
    tpu.wait_dma2 semaphore(%arg9 : memref<!tpu.dma_semaphore, #tpu.memory_space<semaphore_mem>>) src(%dma_wait3A_208 : memref<8x128xf32, #tpu.memory_space<vmem>>) dst(%dma_wait3A_204 : memref<8x128xf32, #tpu.memory_space<hbm>>)
    %dma_wait3A_209 = arith.constant 0 : i32
    %dma_wait3A_210 = arith.constant 0 : i32
    %dma_wait3A_211 = arith.constant 0 : i32
    %dma_wait3A_212 = arith.constant 0 : i32
    %dma_wait3A_213 = arith.constant 0 : i32
    %dma_wait3A_214 = arith.constant 0 : i32
    %dma_wait3A_215 = arith.constant 0 : i32
    %dma_wait3A_216 = tpu.memref_slice %arg7[%dma_wait3A_209, %dma_wait3A_210, %dma_wait3A_214, %dma_wait3A_215] : memref<2x2x64x129xf32, #tpu.memory_space<vmem>> -> memref<1x1x8x128xf32, #tpu.memory_space<vmem>>
    %dma_wait3A_217 = tpu.memref_squeeze %dma_wait3A_216 : memref<1x1x8x128xf32, #tpu.memory_space<vmem>> -> memref<8x128xf32, #tpu.memory_space<vmem>>
    %dma_wait3A_218 = arith.constant 0 : i32
    %dma_wait3A_219 = arith.constant 0 : i32
    %dma_wait3A_220 = tpu.memref_slice %arg4[%dma_wait3A_211, %dma_wait3A_212, %dma_wait3A_213, %dma_wait3A_218, %dma_wait3A_219] : memref<50x8x128x8x128xf32, #tpu.memory_space<hbm>> -> memref<1x1x1x8x128xf32, #tpu.memory_space<hbm>>
    %dma_wait3A_221 = tpu.memref_squeeze %dma_wait3A_220 : memref<1x1x1x8x128xf32, #tpu.memory_space<hbm>> -> memref<8x128xf32, #tpu.memory_space<hbm>>
    %dma_wait3A_222 = arith.constant 0 : i32
    %dma_wait3A_223 = arith.constant 0 : i32
    %dma_wait3A_224 = tpu.memref_slice %arg4[%dma_wait3A_211, %dma_wait3A_212, %dma_wait3A_213, %dma_wait3A_222, %dma_wait3A_223] : memref<50x8x128x8x128xf32, #tpu.memory_space<hbm>> -> memref<1x1x1x8x128xf32, #tpu.memory_space<hbm>>
    %dma_wait3A_225 = tpu.memref_squeeze %dma_wait3A_224 : memref<1x1x1x8x128xf32, #tpu.memory_space<hbm>> -> memref<8x128xf32, #tpu.memory_space<hbm>>
    %dma_wait3A_226 = arith.constant 0 : i32
    %dma_wait3A_227 = arith.constant 0 : i32
    %dma_wait3A_228 = tpu.memref_slice %arg7[%dma_wait3A_209, %dma_wait3A_210, %dma_wait3A_226, %dma_wait3A_227] : memref<2x2x64x129xf32, #tpu.memory_space<vmem>> -> memref<1x1x8x128xf32, #tpu.memory_space<vmem>>
    %dma_wait3A_229 = tpu.memref_squeeze %dma_wait3A_228 : memref<1x1x8x128xf32, #tpu.memory_space<vmem>> -> memref<8x128xf32, #tpu.memory_space<vmem>>
    tpu.wait_dma2 semaphore(%arg9 : memref<!tpu.dma_semaphore, #tpu.memory_space<semaphore_mem>>) src(%dma_wait3A_229 : memref<8x128xf32, #tpu.memory_space<vmem>>) dst(%dma_wait3A_225 : memref<8x128xf32, #tpu.memory_space<hbm>>)
    %dma_wait3A_230 = arith.constant 0 : i32
    %dma_wait3A_231 = arith.constant 0 : i32
    %dma_wait3A_232 = arith.constant 0 : i32
    %dma_wait3A_233 = arith.constant 0 : i32
    %dma_wait3A_234 = arith.constant 0 : i32
    %dma_wait3A_235 = arith.constant 0 : i32
    %dma_wait3A_236 = arith.constant 0 : i32
    %dma_wait3A_237 = tpu.memref_slice %arg7[%dma_wait3A_230, %dma_wait3A_231, %dma_wait3A_235, %dma_wait3A_236] : memref<2x2x64x129xf32, #tpu.memory_space<vmem>> -> memref<1x1x8x128xf32, #tpu.memory_space<vmem>>
    %dma_wait3A_238 = tpu.memref_squeeze %dma_wait3A_237 : memref<1x1x8x128xf32, #tpu.memory_space<vmem>> -> memref<8x128xf32, #tpu.memory_space<vmem>>
    %dma_wait3A_239 = arith.constant 0 : i32
    %dma_wait3A_240 = arith.constant 0 : i32
    %dma_wait3A_241 = tpu.memref_slice %arg4[%dma_wait3A_232, %dma_wait3A_233, %dma_wait3A_234, %dma_wait3A_239, %dma_wait3A_240] : memref<50x8x128x8x128xf32, #tpu.memory_space<hbm>> -> memref<1x1x1x8x128xf32, #tpu.memory_space<hbm>>
    %dma_wait3A_242 = tpu.memref_squeeze %dma_wait3A_241 : memref<1x1x1x8x128xf32, #tpu.memory_space<hbm>> -> memref<8x128xf32, #tpu.memory_space<hbm>>
    %dma_wait3A_243 = arith.constant 0 : i32
    %dma_wait3A_244 = arith.constant 0 : i32
    %dma_wait3A_245 = tpu.memref_slice %arg4[%dma_wait3A_232, %dma_wait3A_233, %dma_wait3A_234, %dma_wait3A_243, %dma_wait3A_244] : memref<50x8x128x8x128xf32, #tpu.memory_space<hbm>> -> memref<1x1x1x8x128xf32, #tpu.memory_space<hbm>>
    %dma_wait3A_246 = tpu.memref_squeeze %dma_wait3A_245 : memref<1x1x1x8x128xf32, #tpu.memory_space<hbm>> -> memref<8x128xf32, #tpu.memory_space<hbm>>
    %dma_wait3A_247 = arith.constant 0 : i32
    %dma_wait3A_248 = arith.constant 0 : i32
    %dma_wait3A_249 = tpu.memref_slice %arg7[%dma_wait3A_230, %dma_wait3A_231, %dma_wait3A_247, %dma_wait3A_248] : memref<2x2x64x129xf32, #tpu.memory_space<vmem>> -> memref<1x1x8x128xf32, #tpu.memory_space<vmem>>
    %dma_wait3A_250 = tpu.memref_squeeze %dma_wait3A_249 : memref<1x1x8x128xf32, #tpu.memory_space<vmem>> -> memref<8x128xf32, #tpu.memory_space<vmem>>
    tpu.wait_dma2 semaphore(%arg9 : memref<!tpu.dma_semaphore, #tpu.memory_space<semaphore_mem>>) src(%dma_wait3A_250 : memref<8x128xf32, #tpu.memory_space<vmem>>) dst(%dma_wait3A_246 : memref<8x128xf32, #tpu.memory_space<hbm>>)
    %dma_wait3A_251 = arith.constant 0 : i32
    %dma_wait3A_252 = arith.constant 0 : i32
    %dma_wait3A_253 = arith.constant 0 : i32
    %dma_wait3A_254 = arith.constant 0 : i32
    %dma_wait3A_255 = arith.constant 0 : i32
    %dma_wait3A_256 = arith.constant 0 : i32
    %dma_wait3A_257 = arith.constant 0 : i32
    %dma_wait3A_258 = tpu.memref_slice %arg7[%dma_wait3A_251, %dma_wait3A_252, %dma_wait3A_256, %dma_wait3A_257] : memref<2x2x64x129xf32, #tpu.memory_space<vmem>> -> memref<1x1x8x128xf32, #tpu.memory_space<vmem>>
    %dma_wait3A_259 = tpu.memref_squeeze %dma_wait3A_258 : memref<1x1x8x128xf32, #tpu.memory_space<vmem>> -> memref<8x128xf32, #tpu.memory_space<vmem>>
    %dma_wait3A_260 = arith.constant 0 : i32
    %dma_wait3A_261 = arith.constant 0 : i32
    %dma_wait3A_262 = tpu.memref_slice %arg4[%dma_wait3A_253, %dma_wait3A_254, %dma_wait3A_255, %dma_wait3A_260, %dma_wait3A_261] : memref<50x8x128x8x128xf32, #tpu.memory_space<hbm>> -> memref<1x1x1x8x128xf32, #tpu.memory_space<hbm>>
    %dma_wait3A_263 = tpu.memref_squeeze %dma_wait3A_262 : memref<1x1x1x8x128xf32, #tpu.memory_space<hbm>> -> memref<8x128xf32, #tpu.memory_space<hbm>>
    %dma_wait3A_264 = arith.constant 0 : i32
    %dma_wait3A_265 = arith.constant 0 : i32
    %dma_wait3A_266 = tpu.memref_slice %arg4[%dma_wait3A_253, %dma_wait3A_254, %dma_wait3A_255, %dma_wait3A_264, %dma_wait3A_265] : memref<50x8x128x8x128xf32, #tpu.memory_space<hbm>> -> memref<1x1x1x8x128xf32, #tpu.memory_space<hbm>>
    %dma_wait3A_267 = tpu.memref_squeeze %dma_wait3A_266 : memref<1x1x1x8x128xf32, #tpu.memory_space<hbm>> -> memref<8x128xf32, #tpu.memory_space<hbm>>
    %dma_wait3A_268 = arith.constant 0 : i32
    %dma_wait3A_269 = arith.constant 0 : i32
    %dma_wait3A_270 = tpu.memref_slice %arg7[%dma_wait3A_251, %dma_wait3A_252, %dma_wait3A_268, %dma_wait3A_269] : memref<2x2x64x129xf32, #tpu.memory_space<vmem>> -> memref<1x1x8x128xf32, #tpu.memory_space<vmem>>
    %dma_wait3A_271 = tpu.memref_squeeze %dma_wait3A_270 : memref<1x1x8x128xf32, #tpu.memory_space<vmem>> -> memref<8x128xf32, #tpu.memory_space<vmem>>
    tpu.wait_dma2 semaphore(%arg9 : memref<!tpu.dma_semaphore, #tpu.memory_space<semaphore_mem>>) src(%dma_wait3A_271 : memref<8x128xf32, #tpu.memory_space<vmem>>) dst(%dma_wait3A_267 : memref<8x128xf32, #tpu.memory_space<hbm>>)
    %dma_wait3A_272 = arith.constant 0 : i32
    %dma_wait3A_273 = arith.constant 0 : i32
    %dma_wait3A_274 = arith.constant 0 : i32
    %dma_wait3A_275 = arith.constant 0 : i32
    %dma_wait3A_276 = arith.constant 0 : i32
    %dma_wait3A_277 = arith.constant 0 : i32
    %dma_wait3A_278 = arith.constant 0 : i32
    %dma_wait3A_279 = tpu.memref_slice %arg7[%dma_wait3A_272, %dma_wait3A_273, %dma_wait3A_277, %dma_wait3A_278] : memref<2x2x64x129xf32, #tpu.memory_space<vmem>> -> memref<1x1x8x128xf32, #tpu.memory_space<vmem>>
    %dma_wait3A_280 = tpu.memref_squeeze %dma_wait3A_279 : memref<1x1x8x128xf32, #tpu.memory_space<vmem>> -> memref<8x128xf32, #tpu.memory_space<vmem>>
    %dma_wait3A_281 = arith.constant 0 : i32
    %dma_wait3A_282 = arith.constant 0 : i32
    %dma_wait3A_283 = tpu.memref_slice %arg4[%dma_wait3A_274, %dma_wait3A_275, %dma_wait3A_276, %dma_wait3A_281, %dma_wait3A_282] : memref<50x8x128x8x128xf32, #tpu.memory_space<hbm>> -> memref<1x1x1x8x128xf32, #tpu.memory_space<hbm>>
    %dma_wait3A_284 = tpu.memref_squeeze %dma_wait3A_283 : memref<1x1x1x8x128xf32, #tpu.memory_space<hbm>> -> memref<8x128xf32, #tpu.memory_space<hbm>>
    %dma_wait3A_285 = arith.constant 0 : i32
    %dma_wait3A_286 = arith.constant 0 : i32
    %dma_wait3A_287 = tpu.memref_slice %arg4[%dma_wait3A_274, %dma_wait3A_275, %dma_wait3A_276, %dma_wait3A_285, %dma_wait3A_286] : memref<50x8x128x8x128xf32, #tpu.memory_space<hbm>> -> memref<1x1x1x8x128xf32, #tpu.memory_space<hbm>>
    %dma_wait3A_288 = tpu.memref_squeeze %dma_wait3A_287 : memref<1x1x1x8x128xf32, #tpu.memory_space<hbm>> -> memref<8x128xf32, #tpu.memory_space<hbm>>
    %dma_wait3A_289 = arith.constant 0 : i32
    %dma_wait3A_290 = arith.constant 0 : i32
    %dma_wait3A_291 = tpu.memref_slice %arg7[%dma_wait3A_272, %dma_wait3A_273, %dma_wait3A_289, %dma_wait3A_290] : memref<2x2x64x129xf32, #tpu.memory_space<vmem>> -> memref<1x1x8x128xf32, #tpu.memory_space<vmem>>
    %dma_wait3A_292 = tpu.memref_squeeze %dma_wait3A_291 : memref<1x1x8x128xf32, #tpu.memory_space<vmem>> -> memref<8x128xf32, #tpu.memory_space<vmem>>
    tpu.wait_dma2 semaphore(%arg9 : memref<!tpu.dma_semaphore, #tpu.memory_space<semaphore_mem>>) src(%dma_wait3A_292 : memref<8x128xf32, #tpu.memory_space<vmem>>) dst(%dma_wait3A_288 : memref<8x128xf32, #tpu.memory_space<hbm>>)
    %dma_wait3A_293 = arith.constant 0 : i32
    %dma_wait3A_294 = arith.constant 0 : i32
    %dma_wait3A_295 = arith.constant 0 : i32
    %dma_wait3A_296 = arith.constant 0 : i32
    %dma_wait3A_297 = arith.constant 0 : i32
    %dma_wait3A_298 = arith.constant 0 : i32
    %dma_wait3A_299 = arith.constant 0 : i32
    %dma_wait3A_300 = tpu.memref_slice %arg7[%dma_wait3A_293, %dma_wait3A_294, %dma_wait3A_298, %dma_wait3A_299] : memref<2x2x64x129xf32, #tpu.memory_space<vmem>> -> memref<1x1x8x128xf32, #tpu.memory_space<vmem>>
    %dma_wait3A_301 = tpu.memref_squeeze %dma_wait3A_300 : memref<1x1x8x128xf32, #tpu.memory_space<vmem>> -> memref<8x128xf32, #tpu.memory_space<vmem>>
    %dma_wait3A_302 = arith.constant 0 : i32
    %dma_wait3A_303 = arith.constant 0 : i32
    %dma_wait3A_304 = tpu.memref_slice %arg4[%dma_wait3A_295, %dma_wait3A_296, %dma_wait3A_297, %dma_wait3A_302, %dma_wait3A_303] : memref<50x8x128x8x128xf32, #tpu.memory_space<hbm>> -> memref<1x1x1x8x128xf32, #tpu.memory_space<hbm>>
    %dma_wait3A_305 = tpu.memref_squeeze %dma_wait3A_304 : memref<1x1x1x8x128xf32, #tpu.memory_space<hbm>> -> memref<8x128xf32, #tpu.memory_space<hbm>>
    %dma_wait3A_306 = arith.constant 0 : i32
    %dma_wait3A_307 = arith.constant 0 : i32
    %dma_wait3A_308 = tpu.memref_slice %arg4[%dma_wait3A_295, %dma_wait3A_296, %dma_wait3A_297, %dma_wait3A_306, %dma_wait3A_307] : memref<50x8x128x8x128xf32, #tpu.memory_space<hbm>> -> memref<1x1x1x8x128xf32, #tpu.memory_space<hbm>>
    %dma_wait3A_309 = tpu.memref_squeeze %dma_wait3A_308 : memref<1x1x1x8x128xf32, #tpu.memory_space<hbm>> -> memref<8x128xf32, #tpu.memory_space<hbm>>
    %dma_wait3A_310 = arith.constant 0 : i32
    %dma_wait3A_311 = arith.constant 0 : i32
    %dma_wait3A_312 = tpu.memref_slice %arg7[%dma_wait3A_293, %dma_wait3A_294, %dma_wait3A_310, %dma_wait3A_311] : memref<2x2x64x129xf32, #tpu.memory_space<vmem>> -> memref<1x1x8x128xf32, #tpu.memory_space<vmem>>
    %dma_wait3A_313 = tpu.memref_squeeze %dma_wait3A_312 : memref<1x1x8x128xf32, #tpu.memory_space<vmem>> -> memref<8x128xf32, #tpu.memory_space<vmem>>
    tpu.wait_dma2 semaphore(%arg9 : memref<!tpu.dma_semaphore, #tpu.memory_space<semaphore_mem>>) src(%dma_wait3A_313 : memref<8x128xf32, #tpu.memory_space<vmem>>) dst(%dma_wait3A_309 : memref<8x128xf32, #tpu.memory_space<hbm>>)
    %dma_wait3A_314 = arith.constant 0 : i32
    %dma_wait3A_315 = arith.constant 0 : i32
    %dma_wait3A_316 = arith.constant 0 : i32
    %dma_wait3A_317 = arith.constant 0 : i32
    %dma_wait3A_318 = arith.constant 0 : i32
    %dma_wait3A_319 = arith.constant 0 : i32
    %dma_wait3A_320 = arith.constant 0 : i32
    %dma_wait3A_321 = tpu.memref_slice %arg7[%dma_wait3A_314, %dma_wait3A_315, %dma_wait3A_319, %dma_wait3A_320] : memref<2x2x64x129xf32, #tpu.memory_space<vmem>> -> memref<1x1x8x128xf32, #tpu.memory_space<vmem>>
    %dma_wait3A_322 = tpu.memref_squeeze %dma_wait3A_321 : memref<1x1x8x128xf32, #tpu.memory_space<vmem>> -> memref<8x128xf32, #tpu.memory_space<vmem>>
    %dma_wait3A_323 = arith.constant 0 : i32
    %dma_wait3A_324 = arith.constant 0 : i32
    %dma_wait3A_325 = tpu.memref_slice %arg4[%dma_wait3A_316, %dma_wait3A_317, %dma_wait3A_318, %dma_wait3A_323, %dma_wait3A_324] : memref<50x8x128x8x128xf32, #tpu.memory_space<hbm>> -> memref<1x1x1x8x128xf32, #tpu.memory_space<hbm>>
    %dma_wait3A_326 = tpu.memref_squeeze %dma_wait3A_325 : memref<1x1x1x8x128xf32, #tpu.memory_space<hbm>> -> memref<8x128xf32, #tpu.memory_space<hbm>>
    %dma_wait3A_327 = arith.constant 0 : i32
    %dma_wait3A_328 = arith.constant 0 : i32
    %dma_wait3A_329 = tpu.memref_slice %arg4[%dma_wait3A_316, %dma_wait3A_317, %dma_wait3A_318, %dma_wait3A_327, %dma_wait3A_328] : memref<50x8x128x8x128xf32, #tpu.memory_space<hbm>> -> memref<1x1x1x8x128xf32, #tpu.memory_space<hbm>>
    %dma_wait3A_330 = tpu.memref_squeeze %dma_wait3A_329 : memref<1x1x1x8x128xf32, #tpu.memory_space<hbm>> -> memref<8x128xf32, #tpu.memory_space<hbm>>
    %dma_wait3A_331 = arith.constant 0 : i32
    %dma_wait3A_332 = arith.constant 0 : i32
    %dma_wait3A_333 = tpu.memref_slice %arg7[%dma_wait3A_314, %dma_wait3A_315, %dma_wait3A_331, %dma_wait3A_332] : memref<2x2x64x129xf32, #tpu.memory_space<vmem>> -> memref<1x1x8x128xf32, #tpu.memory_space<vmem>>
    %dma_wait3A_334 = tpu.memref_squeeze %dma_wait3A_333 : memref<1x1x8x128xf32, #tpu.memory_space<vmem>> -> memref<8x128xf32, #tpu.memory_space<vmem>>
    tpu.wait_dma2 semaphore(%arg9 : memref<!tpu.dma_semaphore, #tpu.memory_space<semaphore_mem>>) src(%dma_wait3A_334 : memref<8x128xf32, #tpu.memory_space<vmem>>) dst(%dma_wait3A_330 : memref<8x128xf32, #tpu.memory_space<hbm>>)
    %dma_wait3A_335 = arith.constant 0 : i32
    %dma_wait3A_336 = arith.constant 0 : i32
    %dma_wait3A_337 = arith.constant 0 : i32
    %dma_wait3A_338 = arith.constant 0 : i32
    %dma_wait3A_339 = arith.constant 0 : i32
    %dma_wait3A_340 = arith.constant 0 : i32
    %dma_wait3A_341 = arith.constant 0 : i32
    %dma_wait3A_342 = tpu.memref_slice %arg7[%dma_wait3A_335, %dma_wait3A_336, %dma_wait3A_340, %dma_wait3A_341] : memref<2x2x64x129xf32, #tpu.memory_space<vmem>> -> memref<1x1x8x128xf32, #tpu.memory_space<vmem>>
    %dma_wait3A_343 = tpu.memref_squeeze %dma_wait3A_342 : memref<1x1x8x128xf32, #tpu.memory_space<vmem>> -> memref<8x128xf32, #tpu.memory_space<vmem>>
    %dma_wait3A_344 = arith.constant 0 : i32
    %dma_wait3A_345 = arith.constant 0 : i32
    %dma_wait3A_346 = tpu.memref_slice %arg4[%dma_wait3A_337, %dma_wait3A_338, %dma_wait3A_339, %dma_wait3A_344, %dma_wait3A_345] : memref<50x8x128x8x128xf32, #tpu.memory_space<hbm>> -> memref<1x1x1x8x128xf32, #tpu.memory_space<hbm>>
    %dma_wait3A_347 = tpu.memref_squeeze %dma_wait3A_346 : memref<1x1x1x8x128xf32, #tpu.memory_space<hbm>> -> memref<8x128xf32, #tpu.memory_space<hbm>>
    %dma_wait3A_348 = arith.constant 0 : i32
    %dma_wait3A_349 = arith.constant 0 : i32
    %dma_wait3A_350 = tpu.memref_slice %arg4[%dma_wait3A_337, %dma_wait3A_338, %dma_wait3A_339, %dma_wait3A_348, %dma_wait3A_349] : memref<50x8x128x8x128xf32, #tpu.memory_space<hbm>> -> memref<1x1x1x8x128xf32, #tpu.memory_space<hbm>>
    %dma_wait3A_351 = tpu.memref_squeeze %dma_wait3A_350 : memref<1x1x1x8x128xf32, #tpu.memory_space<hbm>> -> memref<8x128xf32, #tpu.memory_space<hbm>>
    %dma_wait3A_352 = arith.constant 0 : i32
    %dma_wait3A_353 = arith.constant 0 : i32
    %dma_wait3A_354 = tpu.memref_slice %arg7[%dma_wait3A_335, %dma_wait3A_336, %dma_wait3A_352, %dma_wait3A_353] : memref<2x2x64x129xf32, #tpu.memory_space<vmem>> -> memref<1x1x8x128xf32, #tpu.memory_space<vmem>>
    %dma_wait3A_355 = tpu.memref_squeeze %dma_wait3A_354 : memref<1x1x8x128xf32, #tpu.memory_space<vmem>> -> memref<8x128xf32, #tpu.memory_space<vmem>>
    tpu.wait_dma2 semaphore(%arg9 : memref<!tpu.dma_semaphore, #tpu.memory_space<semaphore_mem>>) src(%dma_wait3A_355 : memref<8x128xf32, #tpu.memory_space<vmem>>) dst(%dma_wait3A_351 : memref<8x128xf32, #tpu.memory_space<hbm>>)
    %dma_wait3A_356 = arith.constant 0 : i32
    %dma_wait3A_357 = arith.constant 0 : i32
    %dma_wait3A_358 = arith.constant 0 : i32
    %dma_wait3A_359 = arith.constant 0 : i32
    %dma_wait3A_360 = arith.constant 0 : i32
    %dma_wait3A_361 = arith.constant 0 : i32
    %dma_wait3A_362 = arith.constant 0 : i32
    %dma_wait3A_363 = tpu.memref_slice %arg7[%dma_wait3A_356, %dma_wait3A_357, %dma_wait3A_361, %dma_wait3A_362] : memref<2x2x64x129xf32, #tpu.memory_space<vmem>> -> memref<1x1x8x128xf32, #tpu.memory_space<vmem>>
    %dma_wait3A_364 = tpu.memref_squeeze %dma_wait3A_363 : memref<1x1x8x128xf32, #tpu.memory_space<vmem>> -> memref<8x128xf32, #tpu.memory_space<vmem>>
    %dma_wait3A_365 = arith.constant 0 : i32
    %dma_wait3A_366 = arith.constant 0 : i32
    %dma_wait3A_367 = tpu.memref_slice %arg4[%dma_wait3A_358, %dma_wait3A_359, %dma_wait3A_360, %dma_wait3A_365, %dma_wait3A_366] : memref<50x8x128x8x128xf32, #tpu.memory_space<hbm>> -> memref<1x1x1x8x128xf32, #tpu.memory_space<hbm>>
    %dma_wait3A_368 = tpu.memref_squeeze %dma_wait3A_367 : memref<1x1x1x8x128xf32, #tpu.memory_space<hbm>> -> memref<8x128xf32, #tpu.memory_space<hbm>>
    %dma_wait3A_369 = arith.constant 0 : i32
    %dma_wait3A_370 = arith.constant 0 : i32
    %dma_wait3A_371 = tpu.memref_slice %arg4[%dma_wait3A_358, %dma_wait3A_359, %dma_wait3A_360, %dma_wait3A_369, %dma_wait3A_370] : memref<50x8x128x8x128xf32, #tpu.memory_space<hbm>> -> memref<1x1x1x8x128xf32, #tpu.memory_space<hbm>>
    %dma_wait3A_372 = tpu.memref_squeeze %dma_wait3A_371 : memref<1x1x1x8x128xf32, #tpu.memory_space<hbm>> -> memref<8x128xf32, #tpu.memory_space<hbm>>
    %dma_wait3A_373 = arith.constant 0 : i32
    %dma_wait3A_374 = arith.constant 0 : i32
    %dma_wait3A_375 = tpu.memref_slice %arg7[%dma_wait3A_356, %dma_wait3A_357, %dma_wait3A_373, %dma_wait3A_374] : memref<2x2x64x129xf32, #tpu.memory_space<vmem>> -> memref<1x1x8x128xf32, #tpu.memory_space<vmem>>
    %dma_wait3A_376 = tpu.memref_squeeze %dma_wait3A_375 : memref<1x1x8x128xf32, #tpu.memory_space<vmem>> -> memref<8x128xf32, #tpu.memory_space<vmem>>
    tpu.wait_dma2 semaphore(%arg9 : memref<!tpu.dma_semaphore, #tpu.memory_space<semaphore_mem>>) src(%dma_wait3A_376 : memref<8x128xf32, #tpu.memory_space<vmem>>) dst(%dma_wait3A_372 : memref<8x128xf32, #tpu.memory_space<hbm>>)
    %dma_wait3A_377 = arith.constant 1 : i32
    %dma_wait3A_378 = arith.constant 0 : i32
    %dma_wait3A_379 = arith.constant 0 : i32
    %dma_wait3A_380 = arith.constant 0 : i32
    %dma_wait3A_381 = arith.constant 0 : i32
    %dma_wait3A_382 = arith.constant 0 : i32
    %dma_wait3A_383 = arith.constant 0 : i32
    %dma_wait3A_384 = tpu.memref_slice %arg7[%dma_wait3A_377, %dma_wait3A_378, %dma_wait3A_382, %dma_wait3A_383] : memref<2x2x64x129xf32, #tpu.memory_space<vmem>> -> memref<1x1x8x128xf32, #tpu.memory_space<vmem>>
    %dma_wait3A_385 = tpu.memref_squeeze %dma_wait3A_384 : memref<1x1x8x128xf32, #tpu.memory_space<vmem>> -> memref<8x128xf32, #tpu.memory_space<vmem>>
    %dma_wait3A_386 = arith.constant 0 : i32
    %dma_wait3A_387 = arith.constant 0 : i32
    %dma_wait3A_388 = tpu.memref_slice %arg4[%dma_wait3A_379, %dma_wait3A_380, %dma_wait3A_381, %dma_wait3A_386, %dma_wait3A_387] : memref<50x8x128x8x128xf32, #tpu.memory_space<hbm>> -> memref<1x1x1x8x128xf32, #tpu.memory_space<hbm>>
    %dma_wait3A_389 = tpu.memref_squeeze %dma_wait3A_388 : memref<1x1x1x8x128xf32, #tpu.memory_space<hbm>> -> memref<8x128xf32, #tpu.memory_space<hbm>>
    %dma_wait3A_390 = arith.constant 0 : i32
    %dma_wait3A_391 = arith.constant 0 : i32
    %dma_wait3A_392 = tpu.memref_slice %arg4[%dma_wait3A_379, %dma_wait3A_380, %dma_wait3A_381, %dma_wait3A_390, %dma_wait3A_391] : memref<50x8x128x8x128xf32, #tpu.memory_space<hbm>> -> memref<1x1x1x8x128xf32, #tpu.memory_space<hbm>>
    %dma_wait3A_393 = tpu.memref_squeeze %dma_wait3A_392 : memref<1x1x1x8x128xf32, #tpu.memory_space<hbm>> -> memref<8x128xf32, #tpu.memory_space<hbm>>
    %dma_wait3A_394 = arith.constant 0 : i32
    %dma_wait3A_395 = arith.constant 0 : i32
    %dma_wait3A_396 = tpu.memref_slice %arg7[%dma_wait3A_377, %dma_wait3A_378, %dma_wait3A_394, %dma_wait3A_395] : memref<2x2x64x129xf32, #tpu.memory_space<vmem>> -> memref<1x1x8x128xf32, #tpu.memory_space<vmem>>
    %dma_wait3A_397 = tpu.memref_squeeze %dma_wait3A_396 : memref<1x1x8x128xf32, #tpu.memory_space<vmem>> -> memref<8x128xf32, #tpu.memory_space<vmem>>
    tpu.wait_dma2 semaphore(%arg9 : memref<!tpu.dma_semaphore, #tpu.memory_space<semaphore_mem>>) src(%dma_wait3A_397 : memref<8x128xf32, #tpu.memory_space<vmem>>) dst(%dma_wait3A_393 : memref<8x128xf32, #tpu.memory_space<hbm>>)
    %dma_wait3A_398 = arith.constant 1 : i32
    %dma_wait3A_399 = arith.constant 0 : i32
    %dma_wait3A_400 = arith.constant 0 : i32
    %dma_wait3A_401 = arith.constant 0 : i32
    %dma_wait3A_402 = arith.constant 0 : i32
    %dma_wait3A_403 = arith.constant 0 : i32
    %dma_wait3A_404 = arith.constant 0 : i32
    %dma_wait3A_405 = tpu.memref_slice %arg7[%dma_wait3A_398, %dma_wait3A_399, %dma_wait3A_403, %dma_wait3A_404] : memref<2x2x64x129xf32, #tpu.memory_space<vmem>> -> memref<1x1x8x128xf32, #tpu.memory_space<vmem>>
    %dma_wait3A_406 = tpu.memref_squeeze %dma_wait3A_405 : memref<1x1x8x128xf32, #tpu.memory_space<vmem>> -> memref<8x128xf32, #tpu.memory_space<vmem>>
    %dma_wait3A_407 = arith.constant 0 : i32
    %dma_wait3A_408 = arith.constant 0 : i32
    %dma_wait3A_409 = tpu.memref_slice %arg4[%dma_wait3A_400, %dma_wait3A_401, %dma_wait3A_402, %dma_wait3A_407, %dma_wait3A_408] : memref<50x8x128x8x128xf32, #tpu.memory_space<hbm>> -> memref<1x1x1x8x128xf32, #tpu.memory_space<hbm>>
    %dma_wait3A_410 = tpu.memref_squeeze %dma_wait3A_409 : memref<1x1x1x8x128xf32, #tpu.memory_space<hbm>> -> memref<8x128xf32, #tpu.memory_space<hbm>>
    %dma_wait3A_411 = arith.constant 0 : i32
    %dma_wait3A_412 = arith.constant 0 : i32
    %dma_wait3A_413 = tpu.memref_slice %arg4[%dma_wait3A_400, %dma_wait3A_401, %dma_wait3A_402, %dma_wait3A_411, %dma_wait3A_412] : memref<50x8x128x8x128xf32, #tpu.memory_space<hbm>> -> memref<1x1x1x8x128xf32, #tpu.memory_space<hbm>>
    %dma_wait3A_414 = tpu.memref_squeeze %dma_wait3A_413 : memref<1x1x1x8x128xf32, #tpu.memory_space<hbm>> -> memref<8x128xf32, #tpu.memory_space<hbm>>
    %dma_wait3A_415 = arith.constant 0 : i32
    %dma_wait3A_416 = arith.constant 0 : i32
    %dma_wait3A_417 = tpu.memref_slice %arg7[%dma_wait3A_398, %dma_wait3A_399, %dma_wait3A_415, %dma_wait3A_416] : memref<2x2x64x129xf32, #tpu.memory_space<vmem>> -> memref<1x1x8x128xf32, #tpu.memory_space<vmem>>
    %dma_wait3A_418 = tpu.memref_squeeze %dma_wait3A_417 : memref<1x1x8x128xf32, #tpu.memory_space<vmem>> -> memref<8x128xf32, #tpu.memory_space<vmem>>
    tpu.wait_dma2 semaphore(%arg9 : memref<!tpu.dma_semaphore, #tpu.memory_space<semaphore_mem>>) src(%dma_wait3A_418 : memref<8x128xf32, #tpu.memory_space<vmem>>) dst(%dma_wait3A_414 : memref<8x128xf32, #tpu.memory_space<hbm>>)
    %dma_wait3A_419 = arith.constant 1 : i32
    %dma_wait3A_420 = arith.constant 0 : i32
    %dma_wait3A_421 = arith.constant 0 : i32
    %dma_wait3A_422 = arith.constant 0 : i32
    %dma_wait3A_423 = arith.constant 0 : i32
    %dma_wait3A_424 = arith.constant 0 : i32
    %dma_wait3A_425 = arith.constant 0 : i32
    %dma_wait3A_426 = tpu.memref_slice %arg7[%dma_wait3A_419, %dma_wait3A_420, %dma_wait3A_424, %dma_wait3A_425] : memref<2x2x64x129xf32, #tpu.memory_space<vmem>> -> memref<1x1x8x128xf32, #tpu.memory_space<vmem>>
    %dma_wait3A_427 = tpu.memref_squeeze %dma_wait3A_426 : memref<1x1x8x128xf32, #tpu.memory_space<vmem>> -> memref<8x128xf32, #tpu.memory_space<vmem>>
    %dma_wait3A_428 = arith.constant 0 : i32
    %dma_wait3A_429 = arith.constant 0 : i32
    %dma_wait3A_430 = tpu.memref_slice %arg4[%dma_wait3A_421, %dma_wait3A_422, %dma_wait3A_423, %dma_wait3A_428, %dma_wait3A_429] : memref<50x8x128x8x128xf32, #tpu.memory_space<hbm>> -> memref<1x1x1x8x128xf32, #tpu.memory_space<hbm>>
    %dma_wait3A_431 = tpu.memref_squeeze %dma_wait3A_430 : memref<1x1x1x8x128xf32, #tpu.memory_space<hbm>> -> memref<8x128xf32, #tpu.memory_space<hbm>>
    %dma_wait3A_432 = arith.constant 0 : i32
    %dma_wait3A_433 = arith.constant 0 : i32
    %dma_wait3A_434 = tpu.memref_slice %arg4[%dma_wait3A_421, %dma_wait3A_422, %dma_wait3A_423, %dma_wait3A_432, %dma_wait3A_433] : memref<50x8x128x8x128xf32, #tpu.memory_space<hbm>> -> memref<1x1x1x8x128xf32, #tpu.memory_space<hbm>>
    %dma_wait3A_435 = tpu.memref_squeeze %dma_wait3A_434 : memref<1x1x1x8x128xf32, #tpu.memory_space<hbm>> -> memref<8x128xf32, #tpu.memory_space<hbm>>
    %dma_wait3A_436 = arith.constant 0 : i32
    %dma_wait3A_437 = arith.constant 0 : i32
    %dma_wait3A_438 = tpu.memref_slice %arg7[%dma_wait3A_419, %dma_wait3A_420, %dma_wait3A_436, %dma_wait3A_437] : memref<2x2x64x129xf32, #tpu.memory_space<vmem>> -> memref<1x1x8x128xf32, #tpu.memory_space<vmem>>
    %dma_wait3A_439 = tpu.memref_squeeze %dma_wait3A_438 : memref<1x1x8x128xf32, #tpu.memory_space<vmem>> -> memref<8x128xf32, #tpu.memory_space<vmem>>
    tpu.wait_dma2 semaphore(%arg9 : memref<!tpu.dma_semaphore, #tpu.memory_space<semaphore_mem>>) src(%dma_wait3A_439 : memref<8x128xf32, #tpu.memory_space<vmem>>) dst(%dma_wait3A_435 : memref<8x128xf32, #tpu.memory_space<hbm>>)
    %dma_wait3A_440 = arith.constant 1 : i32
    %dma_wait3A_441 = arith.constant 0 : i32
    %dma_wait3A_442 = arith.constant 0 : i32
    %dma_wait3A_443 = arith.constant 0 : i32
    %dma_wait3A_444 = arith.constant 0 : i32
    %dma_wait3A_445 = arith.constant 0 : i32
    %dma_wait3A_446 = arith.constant 0 : i32
    %dma_wait3A_447 = tpu.memref_slice %arg7[%dma_wait3A_440, %dma_wait3A_441, %dma_wait3A_445, %dma_wait3A_446] : memref<2x2x64x129xf32, #tpu.memory_space<vmem>> -> memref<1x1x8x128xf32, #tpu.memory_space<vmem>>
    %dma_wait3A_448 = tpu.memref_squeeze %dma_wait3A_447 : memref<1x1x8x128xf32, #tpu.memory_space<vmem>> -> memref<8x128xf32, #tpu.memory_space<vmem>>
    %dma_wait3A_449 = arith.constant 0 : i32
    %dma_wait3A_450 = arith.constant 0 : i32
    %dma_wait3A_451 = tpu.memref_slice %arg4[%dma_wait3A_442, %dma_wait3A_443, %dma_wait3A_444, %dma_wait3A_449, %dma_wait3A_450] : memref<50x8x128x8x128xf32, #tpu.memory_space<hbm>> -> memref<1x1x1x8x128xf32, #tpu.memory_space<hbm>>
    %dma_wait3A_452 = tpu.memref_squeeze %dma_wait3A_451 : memref<1x1x1x8x128xf32, #tpu.memory_space<hbm>> -> memref<8x128xf32, #tpu.memory_space<hbm>>
    %dma_wait3A_453 = arith.constant 0 : i32
    %dma_wait3A_454 = arith.constant 0 : i32
    %dma_wait3A_455 = tpu.memref_slice %arg4[%dma_wait3A_442, %dma_wait3A_443, %dma_wait3A_444, %dma_wait3A_453, %dma_wait3A_454] : memref<50x8x128x8x128xf32, #tpu.memory_space<hbm>> -> memref<1x1x1x8x128xf32, #tpu.memory_space<hbm>>
    %dma_wait3A_456 = tpu.memref_squeeze %dma_wait3A_455 : memref<1x1x1x8x128xf32, #tpu.memory_space<hbm>> -> memref<8x128xf32, #tpu.memory_space<hbm>>
    %dma_wait3A_457 = arith.constant 0 : i32
    %dma_wait3A_458 = arith.constant 0 : i32
    %dma_wait3A_459 = tpu.memref_slice %arg7[%dma_wait3A_440, %dma_wait3A_441, %dma_wait3A_457, %dma_wait3A_458] : memref<2x2x64x129xf32, #tpu.memory_space<vmem>> -> memref<1x1x8x128xf32, #tpu.memory_space<vmem>>
    %dma_wait3A_460 = tpu.memref_squeeze %dma_wait3A_459 : memref<1x1x8x128xf32, #tpu.memory_space<vmem>> -> memref<8x128xf32, #tpu.memory_space<vmem>>
    tpu.wait_dma2 semaphore(%arg9 : memref<!tpu.dma_semaphore, #tpu.memory_space<semaphore_mem>>) src(%dma_wait3A_460 : memref<8x128xf32, #tpu.memory_space<vmem>>) dst(%dma_wait3A_456 : memref<8x128xf32, #tpu.memory_space<hbm>>)
    %dma_wait3A_461 = arith.constant 1 : i32
    %dma_wait3A_462 = arith.constant 0 : i32
    %dma_wait3A_463 = arith.constant 0 : i32
    %dma_wait3A_464 = arith.constant 0 : i32
    %dma_wait3A_465 = arith.constant 0 : i32
    %dma_wait3A_466 = arith.constant 0 : i32
    %dma_wait3A_467 = arith.constant 0 : i32
    %dma_wait3A_468 = tpu.memref_slice %arg7[%dma_wait3A_461, %dma_wait3A_462, %dma_wait3A_466, %dma_wait3A_467] : memref<2x2x64x129xf32, #tpu.memory_space<vmem>> -> memref<1x1x8x128xf32, #tpu.memory_space<vmem>>
    %dma_wait3A_469 = tpu.memref_squeeze %dma_wait3A_468 : memref<1x1x8x128xf32, #tpu.memory_space<vmem>> -> memref<8x128xf32, #tpu.memory_space<vmem>>
    %dma_wait3A_470 = arith.constant 0 : i32
    %dma_wait3A_471 = arith.constant 0 : i32
    %dma_wait3A_472 = tpu.memref_slice %arg4[%dma_wait3A_463, %dma_wait3A_464, %dma_wait3A_465, %dma_wait3A_470, %dma_wait3A_471] : memref<50x8x128x8x128xf32, #tpu.memory_space<hbm>> -> memref<1x1x1x8x128xf32, #tpu.memory_space<hbm>>
    %dma_wait3A_473 = tpu.memref_squeeze %dma_wait3A_472 : memref<1x1x1x8x128xf32, #tpu.memory_space<hbm>> -> memref<8x128xf32, #tpu.memory_space<hbm>>
    %dma_wait3A_474 = arith.constant 0 : i32
    %dma_wait3A_475 = arith.constant 0 : i32
    %dma_wait3A_476 = tpu.memref_slice %arg4[%dma_wait3A_463, %dma_wait3A_464, %dma_wait3A_465, %dma_wait3A_474, %dma_wait3A_475] : memref<50x8x128x8x128xf32, #tpu.memory_space<hbm>> -> memref<1x1x1x8x128xf32, #tpu.memory_space<hbm>>
    %dma_wait3A_477 = tpu.memref_squeeze %dma_wait3A_476 : memref<1x1x1x8x128xf32, #tpu.memory_space<hbm>> -> memref<8x128xf32, #tpu.memory_space<hbm>>
    %dma_wait3A_478 = arith.constant 0 : i32
    %dma_wait3A_479 = arith.constant 0 : i32
    %dma_wait3A_480 = tpu.memref_slice %arg7[%dma_wait3A_461, %dma_wait3A_462, %dma_wait3A_478, %dma_wait3A_479] : memref<2x2x64x129xf32, #tpu.memory_space<vmem>> -> memref<1x1x8x128xf32, #tpu.memory_space<vmem>>
    %dma_wait3A_481 = tpu.memref_squeeze %dma_wait3A_480 : memref<1x1x8x128xf32, #tpu.memory_space<vmem>> -> memref<8x128xf32, #tpu.memory_space<vmem>>
    tpu.wait_dma2 semaphore(%arg9 : memref<!tpu.dma_semaphore, #tpu.memory_space<semaphore_mem>>) src(%dma_wait3A_481 : memref<8x128xf32, #tpu.memory_space<vmem>>) dst(%dma_wait3A_477 : memref<8x128xf32, #tpu.memory_space<hbm>>)
    %dma_wait3A_482 = arith.constant 1 : i32
    %dma_wait3A_483 = arith.constant 0 : i32
    %dma_wait3A_484 = arith.constant 0 : i32
    %dma_wait3A_485 = arith.constant 0 : i32
    %dma_wait3A_486 = arith.constant 0 : i32
    %dma_wait3A_487 = arith.constant 0 : i32
    %dma_wait3A_488 = arith.constant 0 : i32
    %dma_wait3A_489 = tpu.memref_slice %arg7[%dma_wait3A_482, %dma_wait3A_483, %dma_wait3A_487, %dma_wait3A_488] : memref<2x2x64x129xf32, #tpu.memory_space<vmem>> -> memref<1x1x8x128xf32, #tpu.memory_space<vmem>>
    %dma_wait3A_490 = tpu.memref_squeeze %dma_wait3A_489 : memref<1x1x8x128xf32, #tpu.memory_space<vmem>> -> memref<8x128xf32, #tpu.memory_space<vmem>>
    %dma_wait3A_491 = arith.constant 0 : i32
    %dma_wait3A_492 = arith.constant 0 : i32
    %dma_wait3A_493 = tpu.memref_slice %arg4[%dma_wait3A_484, %dma_wait3A_485, %dma_wait3A_486, %dma_wait3A_491, %dma_wait3A_492] : memref<50x8x128x8x128xf32, #tpu.memory_space<hbm>> -> memref<1x1x1x8x128xf32, #tpu.memory_space<hbm>>
    %dma_wait3A_494 = tpu.memref_squeeze %dma_wait3A_493 : memref<1x1x1x8x128xf32, #tpu.memory_space<hbm>> -> memref<8x128xf32, #tpu.memory_space<hbm>>
    %dma_wait3A_495 = arith.constant 0 : i32
    %dma_wait3A_496 = arith.constant 0 : i32
    %dma_wait3A_497 = tpu.memref_slice %arg4[%dma_wait3A_484, %dma_wait3A_485, %dma_wait3A_486, %dma_wait3A_495, %dma_wait3A_496] : memref<50x8x128x8x128xf32, #tpu.memory_space<hbm>> -> memref<1x1x1x8x128xf32, #tpu.memory_space<hbm>>
    %dma_wait3A_498 = tpu.memref_squeeze %dma_wait3A_497 : memref<1x1x1x8x128xf32, #tpu.memory_space<hbm>> -> memref<8x128xf32, #tpu.memory_space<hbm>>
    %dma_wait3A_499 = arith.constant 0 : i32
    %dma_wait3A_500 = arith.constant 0 : i32
    %dma_wait3A_501 = tpu.memref_slice %arg7[%dma_wait3A_482, %dma_wait3A_483, %dma_wait3A_499, %dma_wait3A_500] : memref<2x2x64x129xf32, #tpu.memory_space<vmem>> -> memref<1x1x8x128xf32, #tpu.memory_space<vmem>>
    %dma_wait3A_502 = tpu.memref_squeeze %dma_wait3A_501 : memref<1x1x8x128xf32, #tpu.memory_space<vmem>> -> memref<8x128xf32, #tpu.memory_space<vmem>>
    tpu.wait_dma2 semaphore(%arg9 : memref<!tpu.dma_semaphore, #tpu.memory_space<semaphore_mem>>) src(%dma_wait3A_502 : memref<8x128xf32, #tpu.memory_space<vmem>>) dst(%dma_wait3A_498 : memref<8x128xf32, #tpu.memory_space<hbm>>)
    %dma_wait3A_503 = arith.constant 1 : i32
    %dma_wait3A_504 = arith.constant 0 : i32
    %dma_wait3A_505 = arith.constant 0 : i32
    %dma_wait3A_506 = arith.constant 0 : i32
    %dma_wait3A_507 = arith.constant 0 : i32
    %dma_wait3A_508 = arith.constant 0 : i32
    %dma_wait3A_509 = arith.constant 0 : i32
    %dma_wait3A_510 = tpu.memref_slice %arg7[%dma_wait3A_503, %dma_wait3A_504, %dma_wait3A_508, %dma_wait3A_509] : memref<2x2x64x129xf32, #tpu.memory_space<vmem>> -> memref<1x1x8x128xf32, #tpu.memory_space<vmem>>
    %dma_wait3A_511 = tpu.memref_squeeze %dma_wait3A_510 : memref<1x1x8x128xf32, #tpu.memory_space<vmem>> -> memref<8x128xf32, #tpu.memory_space<vmem>>
    %dma_wait3A_512 = arith.constant 0 : i32
    %dma_wait3A_513 = arith.constant 0 : i32
    %dma_wait3A_514 = tpu.memref_slice %arg4[%dma_wait3A_505, %dma_wait3A_506, %dma_wait3A_507, %dma_wait3A_512, %dma_wait3A_513] : memref<50x8x128x8x128xf32, #tpu.memory_space<hbm>> -> memref<1x1x1x8x128xf32, #tpu.memory_space<hbm>>
    %dma_wait3A_515 = tpu.memref_squeeze %dma_wait3A_514 : memref<1x1x1x8x128xf32, #tpu.memory_space<hbm>> -> memref<8x128xf32, #tpu.memory_space<hbm>>
    %dma_wait3A_516 = arith.constant 0 : i32
    %dma_wait3A_517 = arith.constant 0 : i32
    %dma_wait3A_518 = tpu.memref_slice %arg4[%dma_wait3A_505, %dma_wait3A_506, %dma_wait3A_507, %dma_wait3A_516, %dma_wait3A_517] : memref<50x8x128x8x128xf32, #tpu.memory_space<hbm>> -> memref<1x1x1x8x128xf32, #tpu.memory_space<hbm>>
    %dma_wait3A_519 = tpu.memref_squeeze %dma_wait3A_518 : memref<1x1x1x8x128xf32, #tpu.memory_space<hbm>> -> memref<8x128xf32, #tpu.memory_space<hbm>>
    %dma_wait3A_520 = arith.constant 0 : i32
    %dma_wait3A_521 = arith.constant 0 : i32
    %dma_wait3A_522 = tpu.memref_slice %arg7[%dma_wait3A_503, %dma_wait3A_504, %dma_wait3A_520, %dma_wait3A_521] : memref<2x2x64x129xf32, #tpu.memory_space<vmem>> -> memref<1x1x8x128xf32, #tpu.memory_space<vmem>>
    %dma_wait3A_523 = tpu.memref_squeeze %dma_wait3A_522 : memref<1x1x8x128xf32, #tpu.memory_space<vmem>> -> memref<8x128xf32, #tpu.memory_space<vmem>>
    tpu.wait_dma2 semaphore(%arg9 : memref<!tpu.dma_semaphore, #tpu.memory_space<semaphore_mem>>) src(%dma_wait3A_523 : memref<8x128xf32, #tpu.memory_space<vmem>>) dst(%dma_wait3A_519 : memref<8x128xf32, #tpu.memory_space<hbm>>)
    %dma_wait3A_524 = arith.constant 1 : i32
    %dma_wait3A_525 = arith.constant 0 : i32
    %dma_wait3A_526 = arith.constant 0 : i32
    %dma_wait3A_527 = arith.constant 0 : i32
    %dma_wait3A_528 = arith.constant 0 : i32
    %dma_wait3A_529 = arith.constant 0 : i32
    %dma_wait3A_530 = arith.constant 0 : i32
    %dma_wait3A_531 = tpu.memref_slice %arg7[%dma_wait3A_524, %dma_wait3A_525, %dma_wait3A_529, %dma_wait3A_530] : memref<2x2x64x129xf32, #tpu.memory_space<vmem>> -> memref<1x1x8x128xf32, #tpu.memory_space<vmem>>
    %dma_wait3A_532 = tpu.memref_squeeze %dma_wait3A_531 : memref<1x1x8x128xf32, #tpu.memory_space<vmem>> -> memref<8x128xf32, #tpu.memory_space<vmem>>
    %dma_wait3A_533 = arith.constant 0 : i32
    %dma_wait3A_534 = arith.constant 0 : i32
    %dma_wait3A_535 = tpu.memref_slice %arg4[%dma_wait3A_526, %dma_wait3A_527, %dma_wait3A_528, %dma_wait3A_533, %dma_wait3A_534] : memref<50x8x128x8x128xf32, #tpu.memory_space<hbm>> -> memref<1x1x1x8x128xf32, #tpu.memory_space<hbm>>
    %dma_wait3A_536 = tpu.memref_squeeze %dma_wait3A_535 : memref<1x1x1x8x128xf32, #tpu.memory_space<hbm>> -> memref<8x128xf32, #tpu.memory_space<hbm>>
    %dma_wait3A_537 = arith.constant 0 : i32
    %dma_wait3A_538 = arith.constant 0 : i32
    %dma_wait3A_539 = tpu.memref_slice %arg4[%dma_wait3A_526, %dma_wait3A_527, %dma_wait3A_528, %dma_wait3A_537, %dma_wait3A_538] : memref<50x8x128x8x128xf32, #tpu.memory_space<hbm>> -> memref<1x1x1x8x128xf32, #tpu.memory_space<hbm>>
    %dma_wait3A_540 = tpu.memref_squeeze %dma_wait3A_539 : memref<1x1x1x8x128xf32, #tpu.memory_space<hbm>> -> memref<8x128xf32, #tpu.memory_space<hbm>>
    %dma_wait3A_541 = arith.constant 0 : i32
    %dma_wait3A_542 = arith.constant 0 : i32
    %dma_wait3A_543 = tpu.memref_slice %arg7[%dma_wait3A_524, %dma_wait3A_525, %dma_wait3A_541, %dma_wait3A_542] : memref<2x2x64x129xf32, #tpu.memory_space<vmem>> -> memref<1x1x8x128xf32, #tpu.memory_space<vmem>>
    %dma_wait3A_544 = tpu.memref_squeeze %dma_wait3A_543 : memref<1x1x8x128xf32, #tpu.memory_space<vmem>> -> memref<8x128xf32, #tpu.memory_space<vmem>>
    tpu.wait_dma2 semaphore(%arg9 : memref<!tpu.dma_semaphore, #tpu.memory_space<semaphore_mem>>) src(%dma_wait3A_544 : memref<8x128xf32, #tpu.memory_space<vmem>>) dst(%dma_wait3A_540 : memref<8x128xf32, #tpu.memory_space<hbm>>)
    %dma_wait3A_545 = arith.constant 1 : i32
    %dma_wait3A_546 = arith.constant 0 : i32
    %dma_wait3A_547 = arith.constant 0 : i32
    %dma_wait3A_548 = arith.constant 0 : i32
    %dma_wait3A_549 = arith.constant 0 : i32
    %dma_wait3A_550 = arith.constant 0 : i32
    %dma_wait3A_551 = arith.constant 0 : i32
    %dma_wait3A_552 = tpu.memref_slice %arg7[%dma_wait3A_545, %dma_wait3A_546, %dma_wait3A_550, %dma_wait3A_551] : memref<2x2x64x129xf32, #tpu.memory_space<vmem>> -> memref<1x1x8x128xf32, #tpu.memory_space<vmem>>
    %dma_wait3A_553 = tpu.memref_squeeze %dma_wait3A_552 : memref<1x1x8x128xf32, #tpu.memory_space<vmem>> -> memref<8x128xf32, #tpu.memory_space<vmem>>
    %dma_wait3A_554 = arith.constant 0 : i32
    %dma_wait3A_555 = arith.constant 0 : i32
    %dma_wait3A_556 = tpu.memref_slice %arg4[%dma_wait3A_547, %dma_wait3A_548, %dma_wait3A_549, %dma_wait3A_554, %dma_wait3A_555] : memref<50x8x128x8x128xf32, #tpu.memory_space<hbm>> -> memref<1x1x1x8x128xf32, #tpu.memory_space<hbm>>
    %dma_wait3A_557 = tpu.memref_squeeze %dma_wait3A_556 : memref<1x1x1x8x128xf32, #tpu.memory_space<hbm>> -> memref<8x128xf32, #tpu.memory_space<hbm>>
    %dma_wait3A_558 = arith.constant 0 : i32
    %dma_wait3A_559 = arith.constant 0 : i32
    %dma_wait3A_560 = tpu.memref_slice %arg4[%dma_wait3A_547, %dma_wait3A_548, %dma_wait3A_549, %dma_wait3A_558, %dma_wait3A_559] : memref<50x8x128x8x128xf32, #tpu.memory_space<hbm>> -> memref<1x1x1x8x128xf32, #tpu.memory_space<hbm>>
    %dma_wait3A_561 = tpu.memref_squeeze %dma_wait3A_560 : memref<1x1x1x8x128xf32, #tpu.memory_space<hbm>> -> memref<8x128xf32, #tpu.memory_space<hbm>>
    %dma_wait3A_562 = arith.constant 0 : i32
    %dma_wait3A_563 = arith.constant 0 : i32
    %dma_wait3A_564 = tpu.memref_slice %arg7[%dma_wait3A_545, %dma_wait3A_546, %dma_wait3A_562, %dma_wait3A_563] : memref<2x2x64x129xf32, #tpu.memory_space<vmem>> -> memref<1x1x8x128xf32, #tpu.memory_space<vmem>>
    %dma_wait3A_565 = tpu.memref_squeeze %dma_wait3A_564 : memref<1x1x8x128xf32, #tpu.memory_space<vmem>> -> memref<8x128xf32, #tpu.memory_space<vmem>>
    tpu.wait_dma2 semaphore(%arg9 : memref<!tpu.dma_semaphore, #tpu.memory_space<semaphore_mem>>) src(%dma_wait3A_565 : memref<8x128xf32, #tpu.memory_space<vmem>>) dst(%dma_wait3A_561 : memref<8x128xf32, #tpu.memory_space<hbm>>)
    %dma_wait3A_566 = arith.constant 1 : i32
    %dma_wait3A_567 = arith.constant 0 : i32
    %dma_wait3A_568 = arith.constant 0 : i32
    %dma_wait3A_569 = arith.constant 0 : i32
    %dma_wait3A_570 = arith.constant 0 : i32
    %dma_wait3A_571 = arith.constant 0 : i32
    %dma_wait3A_572 = arith.constant 0 : i32
    %dma_wait3A_573 = tpu.memref_slice %arg7[%dma_wait3A_566, %dma_wait3A_567, %dma_wait3A_571, %dma_wait3A_572] : memref<2x2x64x129xf32, #tpu.memory_space<vmem>> -> memref<1x1x8x128xf32, #tpu.memory_space<vmem>>
    %dma_wait3A_574 = tpu.memref_squeeze %dma_wait3A_573 : memref<1x1x8x128xf32, #tpu.memory_space<vmem>> -> memref<8x128xf32, #tpu.memory_space<vmem>>
    %dma_wait3A_575 = arith.constant 0 : i32
    %dma_wait3A_576 = arith.constant 0 : i32
    %dma_wait3A_577 = tpu.memref_slice %arg4[%dma_wait3A_568, %dma_wait3A_569, %dma_wait3A_570, %dma_wait3A_575, %dma_wait3A_576] : memref<50x8x128x8x128xf32, #tpu.memory_space<hbm>> -> memref<1x1x1x8x128xf32, #tpu.memory_space<hbm>>
    %dma_wait3A_578 = tpu.memref_squeeze %dma_wait3A_577 : memref<1x1x1x8x128xf32, #tpu.memory_space<hbm>> -> memref<8x128xf32, #tpu.memory_space<hbm>>
    %dma_wait3A_579 = arith.constant 0 : i32
    %dma_wait3A_580 = arith.constant 0 : i32
    %dma_wait3A_581 = tpu.memref_slice %arg4[%dma_wait3A_568, %dma_wait3A_569, %dma_wait3A_570, %dma_wait3A_579, %dma_wait3A_580] : memref<50x8x128x8x128xf32, #tpu.memory_space<hbm>> -> memref<1x1x1x8x128xf32, #tpu.memory_space<hbm>>
    %dma_wait3A_582 = tpu.memref_squeeze %dma_wait3A_581 : memref<1x1x1x8x128xf32, #tpu.memory_space<hbm>> -> memref<8x128xf32, #tpu.memory_space<hbm>>
    %dma_wait3A_583 = arith.constant 0 : i32
    %dma_wait3A_584 = arith.constant 0 : i32
    %dma_wait3A_585 = tpu.memref_slice %arg7[%dma_wait3A_566, %dma_wait3A_567, %dma_wait3A_583, %dma_wait3A_584] : memref<2x2x64x129xf32, #tpu.memory_space<vmem>> -> memref<1x1x8x128xf32, #tpu.memory_space<vmem>>
    %dma_wait3A_586 = tpu.memref_squeeze %dma_wait3A_585 : memref<1x1x8x128xf32, #tpu.memory_space<vmem>> -> memref<8x128xf32, #tpu.memory_space<vmem>>
    tpu.wait_dma2 semaphore(%arg9 : memref<!tpu.dma_semaphore, #tpu.memory_space<semaphore_mem>>) src(%dma_wait3A_586 : memref<8x128xf32, #tpu.memory_space<vmem>>) dst(%dma_wait3A_582 : memref<8x128xf32, #tpu.memory_space<hbm>>)
    %dma_wait3A_587 = arith.constant 1 : i32
    %dma_wait3A_588 = arith.constant 0 : i32
    %dma_wait3A_589 = arith.constant 0 : i32
    %dma_wait3A_590 = arith.constant 0 : i32
    %dma_wait3A_591 = arith.constant 0 : i32
    %dma_wait3A_592 = arith.constant 0 : i32
    %dma_wait3A_593 = arith.constant 0 : i32
    %dma_wait3A_594 = tpu.memref_slice %arg7[%dma_wait3A_587, %dma_wait3A_588, %dma_wait3A_592, %dma_wait3A_593] : memref<2x2x64x129xf32, #tpu.memory_space<vmem>> -> memref<1x1x8x128xf32, #tpu.memory_space<vmem>>
    %dma_wait3A_595 = tpu.memref_squeeze %dma_wait3A_594 : memref<1x1x8x128xf32, #tpu.memory_space<vmem>> -> memref<8x128xf32, #tpu.memory_space<vmem>>
    %dma_wait3A_596 = arith.constant 0 : i32
    %dma_wait3A_597 = arith.constant 0 : i32
    %dma_wait3A_598 = tpu.memref_slice %arg4[%dma_wait3A_589, %dma_wait3A_590, %dma_wait3A_591, %dma_wait3A_596, %dma_wait3A_597] : memref<50x8x128x8x128xf32, #tpu.memory_space<hbm>> -> memref<1x1x1x8x128xf32, #tpu.memory_space<hbm>>
    %dma_wait3A_599 = tpu.memref_squeeze %dma_wait3A_598 : memref<1x1x1x8x128xf32, #tpu.memory_space<hbm>> -> memref<8x128xf32, #tpu.memory_space<hbm>>
    %dma_wait3A_600 = arith.constant 0 : i32
    %dma_wait3A_601 = arith.constant 0 : i32
    %dma_wait3A_602 = tpu.memref_slice %arg4[%dma_wait3A_589, %dma_wait3A_590, %dma_wait3A_591, %dma_wait3A_600, %dma_wait3A_601] : memref<50x8x128x8x128xf32, #tpu.memory_space<hbm>> -> memref<1x1x1x8x128xf32, #tpu.memory_space<hbm>>
    %dma_wait3A_603 = tpu.memref_squeeze %dma_wait3A_602 : memref<1x1x1x8x128xf32, #tpu.memory_space<hbm>> -> memref<8x128xf32, #tpu.memory_space<hbm>>
    %dma_wait3A_604 = arith.constant 0 : i32
    %dma_wait3A_605 = arith.constant 0 : i32
    %dma_wait3A_606 = tpu.memref_slice %arg7[%dma_wait3A_587, %dma_wait3A_588, %dma_wait3A_604, %dma_wait3A_605] : memref<2x2x64x129xf32, #tpu.memory_space<vmem>> -> memref<1x1x8x128xf32, #tpu.memory_space<vmem>>
    %dma_wait3A_607 = tpu.memref_squeeze %dma_wait3A_606 : memref<1x1x8x128xf32, #tpu.memory_space<vmem>> -> memref<8x128xf32, #tpu.memory_space<vmem>>
    tpu.wait_dma2 semaphore(%arg9 : memref<!tpu.dma_semaphore, #tpu.memory_space<semaphore_mem>>) src(%dma_wait3A_607 : memref<8x128xf32, #tpu.memory_space<vmem>>) dst(%dma_wait3A_603 : memref<8x128xf32, #tpu.memory_space<hbm>>)
    %dma_wait3A_608 = arith.constant 1 : i32
    %dma_wait3A_609 = arith.constant 0 : i32
    %dma_wait3A_610 = arith.constant 0 : i32
    %dma_wait3A_611 = arith.constant 0 : i32
    %dma_wait3A_612 = arith.constant 0 : i32
    %dma_wait3A_613 = arith.constant 0 : i32
    %dma_wait3A_614 = arith.constant 0 : i32
    %dma_wait3A_615 = tpu.memref_slice %arg7[%dma_wait3A_608, %dma_wait3A_609, %dma_wait3A_613, %dma_wait3A_614] : memref<2x2x64x129xf32, #tpu.memory_space<vmem>> -> memref<1x1x8x128xf32, #tpu.memory_space<vmem>>
    %dma_wait3A_616 = tpu.memref_squeeze %dma_wait3A_615 : memref<1x1x8x128xf32, #tpu.memory_space<vmem>> -> memref<8x128xf32, #tpu.memory_space<vmem>>
    %dma_wait3A_617 = arith.constant 0 : i32
    %dma_wait3A_618 = arith.constant 0 : i32
    %dma_wait3A_619 = tpu.memref_slice %arg4[%dma_wait3A_610, %dma_wait3A_611, %dma_wait3A_612, %dma_wait3A_617, %dma_wait3A_618] : memref<50x8x128x8x128xf32, #tpu.memory_space<hbm>> -> memref<1x1x1x8x128xf32, #tpu.memory_space<hbm>>
    %dma_wait3A_620 = tpu.memref_squeeze %dma_wait3A_619 : memref<1x1x1x8x128xf32, #tpu.memory_space<hbm>> -> memref<8x128xf32, #tpu.memory_space<hbm>>
    %dma_wait3A_621 = arith.constant 0 : i32
    %dma_wait3A_622 = arith.constant 0 : i32
    %dma_wait3A_623 = tpu.memref_slice %arg4[%dma_wait3A_610, %dma_wait3A_611, %dma_wait3A_612, %dma_wait3A_621, %dma_wait3A_622] : memref<50x8x128x8x128xf32, #tpu.memory_space<hbm>> -> memref<1x1x1x8x128xf32, #tpu.memory_space<hbm>>
    %dma_wait3A_624 = tpu.memref_squeeze %dma_wait3A_623 : memref<1x1x1x8x128xf32, #tpu.memory_space<hbm>> -> memref<8x128xf32, #tpu.memory_space<hbm>>
    %dma_wait3A_625 = arith.constant 0 : i32
    %dma_wait3A_626 = arith.constant 0 : i32
    %dma_wait3A_627 = tpu.memref_slice %arg7[%dma_wait3A_608, %dma_wait3A_609, %dma_wait3A_625, %dma_wait3A_626] : memref<2x2x64x129xf32, #tpu.memory_space<vmem>> -> memref<1x1x8x128xf32, #tpu.memory_space<vmem>>
    %dma_wait3A_628 = tpu.memref_squeeze %dma_wait3A_627 : memref<1x1x8x128xf32, #tpu.memory_space<vmem>> -> memref<8x128xf32, #tpu.memory_space<vmem>>
    tpu.wait_dma2 semaphore(%arg9 : memref<!tpu.dma_semaphore, #tpu.memory_space<semaphore_mem>>) src(%dma_wait3A_628 : memref<8x128xf32, #tpu.memory_space<vmem>>) dst(%dma_wait3A_624 : memref<8x128xf32, #tpu.memory_space<hbm>>)
    %dma_wait3A_629 = arith.constant 1 : i32
    %dma_wait3A_630 = arith.constant 0 : i32
    %dma_wait3A_631 = arith.constant 0 : i32
    %dma_wait3A_632 = arith.constant 0 : i32
    %dma_wait3A_633 = arith.constant 0 : i32
    %dma_wait3A_634 = arith.constant 0 : i32
    %dma_wait3A_635 = arith.constant 0 : i32
    %dma_wait3A_636 = tpu.memref_slice %arg7[%dma_wait3A_629, %dma_wait3A_630, %dma_wait3A_634, %dma_wait3A_635] : memref<2x2x64x129xf32, #tpu.memory_space<vmem>> -> memref<1x1x8x128xf32, #tpu.memory_space<vmem>>
    %dma_wait3A_637 = tpu.memref_squeeze %dma_wait3A_636 : memref<1x1x8x128xf32, #tpu.memory_space<vmem>> -> memref<8x128xf32, #tpu.memory_space<vmem>>
    %dma_wait3A_638 = arith.constant 0 : i32
    %dma_wait3A_639 = arith.constant 0 : i32
    %dma_wait3A_640 = tpu.memref_slice %arg4[%dma_wait3A_631, %dma_wait3A_632, %dma_wait3A_633, %dma_wait3A_638, %dma_wait3A_639] : memref<50x8x128x8x128xf32, #tpu.memory_space<hbm>> -> memref<1x1x1x8x128xf32, #tpu.memory_space<hbm>>
    %dma_wait3A_641 = tpu.memref_squeeze %dma_wait3A_640 : memref<1x1x1x8x128xf32, #tpu.memory_space<hbm>> -> memref<8x128xf32, #tpu.memory_space<hbm>>
    %dma_wait3A_642 = arith.constant 0 : i32
    %dma_wait3A_643 = arith.constant 0 : i32
    %dma_wait3A_644 = tpu.memref_slice %arg4[%dma_wait3A_631, %dma_wait3A_632, %dma_wait3A_633, %dma_wait3A_642, %dma_wait3A_643] : memref<50x8x128x8x128xf32, #tpu.memory_space<hbm>> -> memref<1x1x1x8x128xf32, #tpu.memory_space<hbm>>
    %dma_wait3A_645 = tpu.memref_squeeze %dma_wait3A_644 : memref<1x1x1x8x128xf32, #tpu.memory_space<hbm>> -> memref<8x128xf32, #tpu.memory_space<hbm>>
    %dma_wait3A_646 = arith.constant 0 : i32
    %dma_wait3A_647 = arith.constant 0 : i32
    %dma_wait3A_648 = tpu.memref_slice %arg7[%dma_wait3A_629, %dma_wait3A_630, %dma_wait3A_646, %dma_wait3A_647] : memref<2x2x64x129xf32, #tpu.memory_space<vmem>> -> memref<1x1x8x128xf32, #tpu.memory_space<vmem>>
    %dma_wait3A_649 = tpu.memref_squeeze %dma_wait3A_648 : memref<1x1x8x128xf32, #tpu.memory_space<vmem>> -> memref<8x128xf32, #tpu.memory_space<vmem>>
    tpu.wait_dma2 semaphore(%arg9 : memref<!tpu.dma_semaphore, #tpu.memory_space<semaphore_mem>>) src(%dma_wait3A_649 : memref<8x128xf32, #tpu.memory_space<vmem>>) dst(%dma_wait3A_645 : memref<8x128xf32, #tpu.memory_space<hbm>>)
    %dma_wait3A_650 = arith.constant 1 : i32
    %dma_wait3A_651 = arith.constant 0 : i32
    %dma_wait3A_652 = arith.constant 0 : i32
    %dma_wait3A_653 = arith.constant 0 : i32
    %dma_wait3A_654 = arith.constant 0 : i32
    %dma_wait3A_655 = arith.constant 0 : i32
    %dma_wait3A_656 = arith.constant 0 : i32
    %dma_wait3A_657 = tpu.memref_slice %arg7[%dma_wait3A_650, %dma_wait3A_651, %dma_wait3A_655, %dma_wait3A_656] : memref<2x2x64x129xf32, #tpu.memory_space<vmem>> -> memref<1x1x8x128xf32, #tpu.memory_space<vmem>>
    %dma_wait3A_658 = tpu.memref_squeeze %dma_wait3A_657 : memref<1x1x8x128xf32, #tpu.memory_space<vmem>> -> memref<8x128xf32, #tpu.memory_space<vmem>>
    %dma_wait3A_659 = arith.constant 0 : i32
    %dma_wait3A_660 = arith.constant 0 : i32
    %dma_wait3A_661 = tpu.memref_slice %arg4[%dma_wait3A_652, %dma_wait3A_653, %dma_wait3A_654, %dma_wait3A_659, %dma_wait3A_660] : memref<50x8x128x8x128xf32, #tpu.memory_space<hbm>> -> memref<1x1x1x8x128xf32, #tpu.memory_space<hbm>>
    %dma_wait3A_662 = tpu.memref_squeeze %dma_wait3A_661 : memref<1x1x1x8x128xf32, #tpu.memory_space<hbm>> -> memref<8x128xf32, #tpu.memory_space<hbm>>
    %dma_wait3A_663 = arith.constant 0 : i32
    %dma_wait3A_664 = arith.constant 0 : i32
    %dma_wait3A_665 = tpu.memref_slice %arg4[%dma_wait3A_652, %dma_wait3A_653, %dma_wait3A_654, %dma_wait3A_663, %dma_wait3A_664] : memref<50x8x128x8x128xf32, #tpu.memory_space<hbm>> -> memref<1x1x1x8x128xf32, #tpu.memory_space<hbm>>
    %dma_wait3A_666 = tpu.memref_squeeze %dma_wait3A_665 : memref<1x1x1x8x128xf32, #tpu.memory_space<hbm>> -> memref<8x128xf32, #tpu.memory_space<hbm>>
    %dma_wait3A_667 = arith.constant 0 : i32
    %dma_wait3A_668 = arith.constant 0 : i32
    %dma_wait3A_669 = tpu.memref_slice %arg7[%dma_wait3A_650, %dma_wait3A_651, %dma_wait3A_667, %dma_wait3A_668] : memref<2x2x64x129xf32, #tpu.memory_space<vmem>> -> memref<1x1x8x128xf32, #tpu.memory_space<vmem>>
    %dma_wait3A_670 = tpu.memref_squeeze %dma_wait3A_669 : memref<1x1x8x128xf32, #tpu.memory_space<vmem>> -> memref<8x128xf32, #tpu.memory_space<vmem>>
    tpu.wait_dma2 semaphore(%arg9 : memref<!tpu.dma_semaphore, #tpu.memory_space<semaphore_mem>>) src(%dma_wait3A_670 : memref<8x128xf32, #tpu.memory_space<vmem>>) dst(%dma_wait3A_666 : memref<8x128xf32, #tpu.memory_space<hbm>>)
    %dma_wait3A_671 = arith.constant 1 : i32
    %dma_wait3A_672 = arith.constant 0 : i32
    %dma_wait3A_673 = arith.constant 0 : i32
    %dma_wait3A_674 = arith.constant 0 : i32
    %dma_wait3A_675 = arith.constant 0 : i32
    %dma_wait3A_676 = arith.constant 0 : i32
    %dma_wait3A_677 = arith.constant 0 : i32
    %dma_wait3A_678 = tpu.memref_slice %arg7[%dma_wait3A_671, %dma_wait3A_672, %dma_wait3A_676, %dma_wait3A_677] : memref<2x2x64x129xf32, #tpu.memory_space<vmem>> -> memref<1x1x8x128xf32, #tpu.memory_space<vmem>>
    %dma_wait3A_679 = tpu.memref_squeeze %dma_wait3A_678 : memref<1x1x8x128xf32, #tpu.memory_space<vmem>> -> memref<8x128xf32, #tpu.memory_space<vmem>>
    %dma_wait3A_680 = arith.constant 0 : i32
    %dma_wait3A_681 = arith.constant 0 : i32
    %dma_wait3A_682 = tpu.memref_slice %arg4[%dma_wait3A_673, %dma_wait3A_674, %dma_wait3A_675, %dma_wait3A_680, %dma_wait3A_681] : memref<50x8x128x8x128xf32, #tpu.memory_space<hbm>> -> memref<1x1x1x8x128xf32, #tpu.memory_space<hbm>>
    %dma_wait3A_683 = tpu.memref_squeeze %dma_wait3A_682 : memref<1x1x1x8x128xf32, #tpu.memory_space<hbm>> -> memref<8x128xf32, #tpu.memory_space<hbm>>
    %dma_wait3A_684 = arith.constant 0 : i32
    %dma_wait3A_685 = arith.constant 0 : i32
    %dma_wait3A_686 = tpu.memref_slice %arg4[%dma_wait3A_673, %dma_wait3A_674, %dma_wait3A_675, %dma_wait3A_684, %dma_wait3A_685] : memref<50x8x128x8x128xf32, #tpu.memory_space<hbm>> -> memref<1x1x1x8x128xf32, #tpu.memory_space<hbm>>
    %dma_wait3A_687 = tpu.memref_squeeze %dma_wait3A_686 : memref<1x1x1x8x128xf32, #tpu.memory_space<hbm>> -> memref<8x128xf32, #tpu.memory_space<hbm>>
    %dma_wait3A_688 = arith.constant 0 : i32
    %dma_wait3A_689 = arith.constant 0 : i32
    %dma_wait3A_690 = tpu.memref_slice %arg7[%dma_wait3A_671, %dma_wait3A_672, %dma_wait3A_688, %dma_wait3A_689] : memref<2x2x64x129xf32, #tpu.memory_space<vmem>> -> memref<1x1x8x128xf32, #tpu.memory_space<vmem>>
    %dma_wait3A_691 = tpu.memref_squeeze %dma_wait3A_690 : memref<1x1x8x128xf32, #tpu.memory_space<vmem>> -> memref<8x128xf32, #tpu.memory_space<vmem>>
    tpu.wait_dma2 semaphore(%arg9 : memref<!tpu.dma_semaphore, #tpu.memory_space<semaphore_mem>>) src(%dma_wait3A_691 : memref<8x128xf32, #tpu.memory_space<vmem>>) dst(%dma_wait3A_687 : memref<8x128xf32, #tpu.memory_space<hbm>>)
    %dma_wait3A_692 = arith.constant 1 : i32
    %dma_wait3A_693 = arith.constant 0 : i32
    %dma_wait3A_694 = arith.constant 0 : i32
    %dma_wait3A_695 = arith.constant 0 : i32
    %dma_wait3A_696 = arith.constant 0 : i32
    %dma_wait3A_697 = arith.constant 0 : i32
    %dma_wait3A_698 = arith.constant 0 : i32
    %dma_wait3A_699 = tpu.memref_slice %arg7[%dma_wait3A_692, %dma_wait3A_693, %dma_wait3A_697, %dma_wait3A_698] : memref<2x2x64x129xf32, #tpu.memory_space<vmem>> -> memref<1x1x8x128xf32, #tpu.memory_space<vmem>>
    %dma_wait3A_700 = tpu.memref_squeeze %dma_wait3A_699 : memref<1x1x8x128xf32, #tpu.memory_space<vmem>> -> memref<8x128xf32, #tpu.memory_space<vmem>>
    %dma_wait3A_701 = arith.constant 0 : i32
    %dma_wait3A_702 = arith.constant 0 : i32
    %dma_wait3A_703 = tpu.memref_slice %arg4[%dma_wait3A_694, %dma_wait3A_695, %dma_wait3A_696, %dma_wait3A_701, %dma_wait3A_702] : memref<50x8x128x8x128xf32, #tpu.memory_space<hbm>> -> memref<1x1x1x8x128xf32, #tpu.memory_space<hbm>>
    %dma_wait3A_704 = tpu.memref_squeeze %dma_wait3A_703 : memref<1x1x1x8x128xf32, #tpu.memory_space<hbm>> -> memref<8x128xf32, #tpu.memory_space<hbm>>
    %dma_wait3A_705 = arith.constant 0 : i32
    %dma_wait3A_706 = arith.constant 0 : i32
    %dma_wait3A_707 = tpu.memref_slice %arg4[%dma_wait3A_694, %dma_wait3A_695, %dma_wait3A_696, %dma_wait3A_705, %dma_wait3A_706] : memref<50x8x128x8x128xf32, #tpu.memory_space<hbm>> -> memref<1x1x1x8x128xf32, #tpu.memory_space<hbm>>
    %dma_wait3A_708 = tpu.memref_squeeze %dma_wait3A_707 : memref<1x1x1x8x128xf32, #tpu.memory_space<hbm>> -> memref<8x128xf32, #tpu.memory_space<hbm>>
    %dma_wait3A_709 = arith.constant 0 : i32
    %dma_wait3A_710 = arith.constant 0 : i32
    %dma_wait3A_711 = tpu.memref_slice %arg7[%dma_wait3A_692, %dma_wait3A_693, %dma_wait3A_709, %dma_wait3A_710] : memref<2x2x64x129xf32, #tpu.memory_space<vmem>> -> memref<1x1x8x128xf32, #tpu.memory_space<vmem>>
    %dma_wait3A_712 = tpu.memref_squeeze %dma_wait3A_711 : memref<1x1x8x128xf32, #tpu.memory_space<vmem>> -> memref<8x128xf32, #tpu.memory_space<vmem>>
    tpu.wait_dma2 semaphore(%arg9 : memref<!tpu.dma_semaphore, #tpu.memory_space<semaphore_mem>>) src(%dma_wait3A_712 : memref<8x128xf32, #tpu.memory_space<vmem>>) dst(%dma_wait3A_708 : memref<8x128xf32, #tpu.memory_space<hbm>>)
    return
  }
}

</mosaic_0001>

<sc_bundles>
// kernel: kernel.3.cloned.1.call-start
scs
__scs_entry_jumppad:
0x0: {  	(pc) =	sbr.rel $0x88, $3  }
0x1: {  	(tag) =	ssettag $0x0;
	lr =	simm.s32 $0x1  }
0x2: {  	[smem:$0x3F9F] =	sst lr;
	_ =	strace $0xD0000000  }
0x3: {  	_ = 	snop  }
0x4: {  	_ = 	snop  }
0x5: {  	_ = 	snop  }
0x6: {  	_ = 	snop  }
0x7: {  	_ = 	snop  }
__scs_overlays_trampoline_lowered:
0x8: {  	[smem:$0x3FAE] =	sst s0  }
0x9: {  	[smem:$0x3FAF] =	sst s1  }
0xa: {  	[smem:$0x3FB0] =	sst s2  }
0xb: {  	[smem:$0x3FB1] =	sst s3  }
0xc: {  	[smem:$0x3FB2] =	sst s4  }
0xd: {  	[smem:$0x3FB3] =	sst s5  }
0xe: {  	[smem:$0x3FB4] =	sst s6  }
0xf: {  	[smem:$0x3FB5] =	sst s7  }
0x10: {  	[smem:$0x3FB6] =	sst s8  }
0x11: {  	[smem:$0x3FB7] =	sst s9;
	s0 =	simm.s32 @!p0 $0x0  }
0x12: {  	s1 =	sld [smem:$0x3F9D];
	s0 =	simm.s32 @p0 $0x1  }
0x13: {  	[smem:$0x3FB8] =	sst s0;
	s0 =	simm.s32 @!p1 $0x0  }
0x14: {  	s2 =	sld [smem:$0x3F9C];
	s0 =	simm.s32 @p1 $0x1  }
0x15: {  	[smem:$0x3FB9] =	sst s0;
	s0 =	simm.s32 @!p2 $0x0  }
0x16: {  	s3 =	sld [smem:$0x3FDB];
	s0 =	simm.s32 @p2 $0x1  }
0x17: {  	s4 =	simm.s32 $0x1BF5;
	[smem:$0x3FBB] =	sst s0  }
0x18: {  	s0 =	sld [smem:$0x3F9E];
	_ =	swait.ge [sflag:s4], $0x0  }
0x19: {  	s7 =	sld [smem:$0x3F9F]  }
0x1a: {  	s8 =	sadd.s32 $0xFFFFE003, lr  }
0x1b: {  	s9 =	sadd.s32 $0xFFFFFEF7, lr;
	s5 =	simm.s32 $0xFFFFFFFF;
	p2 =	slt.u32 s8, $0xFFFFF086  }
0x1c: {  	p1 =	slt.u32 s9, $0xF7A;
	s5 =	simm.s32 @!p2 $0x0  }
0x1d: {  	s5 =	simm.s32 @p1 $0x1;
	p0 =	seq.s32 s7, s2  }
0x1e: {  	s7 =	smul.u32 @!p0 $0xF7A, s2;
	p2 =	seq.s32 @!p0 s5, $0x0  }
0x1f: {  	s9 =	smul.u32 $0xF7A, s1;
	s8 =	simm.s32 @!p0 $0x1BF5;
	p2 =	por !p2, p0  }
0x20: {  	[sflag:s8] =	ssyncset.s32 @!p0 $0xFFFFF086;
	s6 =	sadd.s32 @!p0 s3, s7;
	s7 =	simm.s32 @!p0 $0x108  }
0x21: {  	s3 =	sadd.s32 s3, s9;
	s6 =	sadd.s32 @!p0 $0x88, s6;
	s7 =	simm.s32 @p2 $0x1082  }
0x22: {  	[simem:s7], [sflag:s8] =	dma.local @!p0 [hbm:s6], $0xF7A  }
0x23: {  	s9 =	sor.u32 $0xD0000000, s2;
	s6 =	simm.s32 $0x108;
	_ =	swait.ge @!p0 [sflag:s8], $0x0  }
0x24: {  	s3 =	sadd.s32 $0x88, s3;
	s6 =	simm.s32 @!p1 $0x1082;
	[sflag:s4] =	ssyncset.s32 $0xFFFFF086  }
0x25: {  	[simem:s6], [sflag:s4] =	dma.local [hbm:s3], $0xF7A  }
0x26: {  	[smem:$0x3F9F] =	sst s1;
	(tag) =	ssettag s2;
	_ =	strace s9  }
0x27: {  	s1 =	sld [smem:$0x3FAF]  }
0x28: {  	s2 =	sld [smem:$0x3FB0]  }
0x29: {  	s4 =	sld [smem:$0x3FB2]  }
0x2a: {  	p0 =	seq.s32 s5, $0x0;
	s5 =	sld [smem:$0x3FB3]  }
0x2b: {  	s6 =	sld [smem:$0x3FB4]  }
0x2c: {  	s7 =	sld [smem:$0x3FB5]  }
0x2d: {  	s3 =	simm.s32 $0x108;
	s8 =	sld [smem:$0x3FB6]  }
0x2e: {  	s3 =	simm.s32 @!p0 $0x1082;
	s9 =	sld [smem:$0x3FB7]  }
0x2f: {  	lr =	sadd.s32 s0, s3;
	s0 =	sld [smem:$0x3FAE]  }
0x30: {  	s3 =	sld [smem:$0x3FB1]  }
0x31: {  	[smem:$0x3FBA] =	sst s10  }
0x32: {  	s10 =	sld [smem:$0x3FB8];
	_ =	sdelay $0x3  }
0x33: {  	p0 =	seq.s32 s10, $0x1;
	s10 =	sld [smem:$0x3FBA];
	_ =	sdelay $0x3  }
0x34: {  	[smem:$0x3FBA] =	sst s10  }
0x35: {  	s10 =	sld [smem:$0x3FB9];
	_ =	sdelay $0x3  }
0x36: {  	p1 =	seq.s32 s10, $0x1;
	s10 =	sld [smem:$0x3FBA];
	_ =	sdelay $0x3  }
0x37: {  	[smem:$0x3FBA] =	sst s10  }
0x38: {  	s10 =	sld [smem:$0x3FBB]  }
0x39: {  	_ = 	snop;
	(pc) =	sbr.ind lr, $3  }
0x3a: {  	_ = 	snop  }
0x3b: {  	_ = 	snop  }
0x3c: {  	p2 =	seq.s32 s10, $0x1;
	s10 =	sld [smem:$0x3FBA]  }
0x3d: {  	_ =	shalt  }
0x3e: {  	_ =	shalt  }
0x3f: {  	_ =	shalt  }
0x40: {  	_ =	shalt  }
0x41: {  	_ =	shalt  }
0x42: {  	_ =	shalt  }
0x43: {  	_ =	shalt  }
0x44: {  	_ =	shalt  }
0x45: {  	_ =	shalt  }
0x46: {  	_ =	shalt  }
0x47: {  	_ =	shalt  }
0x48: {  	_ =	shalt  }
0x49: {  	_ =	shalt  }
0x4a: {  	_ =	shalt  }
0x4b: {  	_ =	shalt  }
0x4c: {  	_ =	shalt  }
0x4d: {  	_ =	shalt  }
0x4e: {  	_ =	shalt  }
0x4f: {  	_ =	shalt  }
0x50: {  	_ =	shalt  }
0x51: {  	_ =	shalt  }
0x52: {  	_ =	shalt  }
0x53: {  	_ =	shalt  }
0x54: {  	_ =	shalt  }
0x55: {  	_ =	shalt  }
0x56: {  	_ =	shalt  }
0x57: {  	_ =	shalt  }
0x58: {  	_ =	shalt  }
0x59: {  	_ =	shalt  }
0x5a: {  	_ =	shalt  }
0x5b: {  	_ =	shalt  }
0x5c: {  	_ =	shalt  }
0x5d: {  	_ =	shalt  }
0x5e: {  	_ =	shalt  }
0x5f: {  	_ =	shalt  }
0x60: {  	_ =	shalt  }
0x61: {  	_ =	shalt  }
0x62: {  	_ =	shalt  }
0x63: {  	_ =	shalt  }
0x64: {  	_ =	shalt  }
0x65: {  	_ =	shalt  }
0x66: {  	_ =	shalt  }
0x67: {  	_ =	shalt  }
0x68: {  	_ =	shalt  }
0x69: {  	_ =	shalt  }
0x6a: {  	_ =	shalt  }
0x6b: {  	_ =	shalt  }
0x6c: {  	_ =	shalt  }
0x6d: {  	_ =	shalt  }
0x6e: {  	_ =	shalt  }
0x6f: {  	_ =	shalt  }
0x70: {  	_ =	shalt  }
0x71: {  	_ =	shalt  }
0x72: {  	_ =	shalt  }
0x73: {  	_ =	shalt  }
0x74: {  	_ =	shalt  }
0x75: {  	_ =	shalt  }
0x76: {  	_ =	shalt  }
0x77: {  	_ =	shalt  }
0x78: {  	_ =	shalt  }
0x79: {  	_ =	shalt  }
0x7a: {  	_ =	shalt  }
0x7b: {  	_ =	shalt  }
0x7c: {  	_ =	shalt  }
0x7d: {  	_ =	shalt  }
0x7e: {  	_ =	shalt  }
0x7f: {  	_ =	shalt  }
0x80: {  	_ =	shalt  }
0x81: {  	_ =	shalt  }
0x82: {  	_ =	shalt  }
0x83: {  	_ =	shalt  }
0x84: {  	_ =	shalt  }
0x85: {  	_ =	shalt  }
0x86: {  	_ =	shalt  }
0x87: {  	_ =	shalt  }
.Lfunc_end0:
.L_simem_size_0:
called_computation_lowered:
.L_overlay_start_0:
0x88: {  	s2 =	sld [smem:$0x3FD9]  }
0x89: {  	s3 =	sld [smem:$0x3FFE];
	_ =	sdelay $0x1  }
0x8a: {  	s1 =	srdreg.scid  }
0x8b: {  	s0 =	sand.u32 $0x1, s1  }
0x8c: {  	s17 =	sshll.u32 s0, $0xA;
	s2 =	sadd.s32 s3, s2  }
0x8d: {  	s2 =	sadd.s32 s2, s17  }
0x8e: {  	[smem:$0x3FC6] =	sst s2  }
0x8f: {  	_ = 	snop  }
0x90: {  	s2 =	sld [smem:$0x3FD0];
	(tm) =	ssettm $0x1  }
0x91: {  	s18 =	sld [smem:$0x3FFB];
	_ =	sdelay $0x3  }
0x92: {  	_ =	strace s18  }
0x93: {  	s3 =	sld [smem:$0x3FFC];
	_ =	sdelay $0x3  }
0x94: {  	_ =	strace s3  }
0x95: {  	s3 =	sld [smem:$0x3FFD];
	_ =	sdelay $0x3  }
0x96: {  	_ =	strace s3  }
0x97: {  	_ =	strace $0x8FFFFFFF  }
0x98: {  	s19 =	sld [smem:$0x3FDB];
	_ =	sdelay $0x1  }
0x99: {  	s4 =	simm.s32 $_scs_section_size  }
0x9a: {  	s5 =	simm.s32 $_size__tile_overlayer_lowered;
	s6 =	simm.s32 $_tile_overlayer_lowered  }
0x9b: {  	s22 =	simm.s32 $0x1BFF;
	s21 =	sshll.u32 s6, $0x1;
	s3 =	sadd.s32 s4, s19  }
0x9c: {  	s7 =	simm.s32 $0x0;
	s20 =	sshll.u32 s5, $0x1;
	s5 =	sadd.s32 s21, s3  }
0x9d: {  	[timem:s7], [sflag:s22] =	dma.local [hbm:s5], s20  }
0x9e: {  	_ =	swait.ge [sflag:s22], s20  }
0x9f: {  	s4 =	ssub.s32 $0x0, s20;
	[sflag:s22] =	ssyncset.done $0x0  }
0xa0: {  	[sflag:s22] =	ssyncadd.s32 s4;
	_ =	sdelay $0x1  }
0xa1: {  	s23 =	simm.s32 $0x1B8B  }
0xa2: {  	_ =	swait.ge [sflag:s23], $0x1  }
0xa3: {  	[sflag:s23] =	ssyncset.done $0x0  }
0xa4: {  	s25 =	simm.s32 $0x1B8E;
	s24 =	sld [smem:$0x3FFE];
	[sflag:s23] =	ssyncadd.s32 $0xFFFFFFFF  }
0xa5: {  	s26 =	simm.s32 $execute0_lowered;
	[smem:$0x3FD2] =	sst s25  }
0xa6: {  	s5 =	sshll.u32 s26, $0x1;
	_ =	strace $0x80000046;
	[dreg:$0x1] =	wrdreg $0xFFFFFFFF  }
0xa7: {  	s28 =	simm.s32 $_size_execute0_lowered;
	s3 =	sadd.s32 s3, s5;
	[dreg:$0x0] =	wrdreg $0x0  }
0xa8: {  	s5 =	sshll.u32 s28, $0x1;
	[dreg:$0x2] =	wrdreg s3  }
0xa9: {  	[dreg:$0x3] =	wrdreg s5  }
0xaa: {  	[dreg:$0x4] =	wrdreg $0xC0  }
0xab: {  	_ =	task [dreg:s7], $0x5FFFF  }
0xac: {  	[dreg:$0x1] =	wrdreg $0xFFFFFFFF  }
0xad: {  	[dreg:$0x0] =	wrdreg $0x60  }
0xae: {  	[dreg:$0x2] =	wrdreg s24  }
0xaf: {  	[dreg:$0x3] =	wrdreg s2  }
0xb0: {  	[dreg:$0x4] =	wrdreg $0x9  }
0xb1: {  	_ =	task.clear_ibuf [dreg:s7], $0x5FFFF;
	_ =	strace $0x90000046  }
0xb2: {  	s29 =	simm.s32 $0x9;
	_ =	strace $0x80000048  }
0xb3: {  	_ =	swait.ge [sflag:s29], $0x1  }
0xb4: {  	[sflag:s29] =	ssyncadd.s32 $0xFFFFFFFF  }
0xb5: {  	_ =	strace $0x90000048  }
0xb6: {  	_ =	sfence  }
0xb7: {  	s30 =	sld [smem:$0x0];
	_ =	sdelay $0x2  }
0xb8: {  	s31 =	sshll.u32 s1, $0xD;
	s1 =	sshrl.u32 s1, $0x2  }
0xb9: {  	s3 =	sand.u32 $0x4000, s31;
	s1 =	sadd.s32 s1, s30  }
0xba: {  	s0 =	sor.u32 s3, s0;
	s1 =	sshll.u32 s1, $0x11  }
0xbb: {  	s0 =	sor.u32 s1, s0  }
0xbc: {  	s0 =	sadd.s32 $0x8F2B, s0  }
0xbd: {  	[sflag:s0] =	ssyncadd.remote.s32 $0x1  }
0xbe: {  	_ =	sfence.sel $0xFFFF  }
0xbf: {  	[dreg:$0x0] =	wrdreg $0xFFFFFFFF;
	(pc) =	sbr.abs _section_cstart, $3  }
0xc0: {  	[dreg:$0x1] =	wrdreg $0xFFFFFFFF  }
0xc1: {  	_ =	task.clear_ibuf [dreg:s7], $0x2FFFF;
	_ =	strace $0x9FFFFFFF  }
0xc2: {  	(tm) =	ssettm $0x7FFFFFFF  }
0xc3: {  	_ =	shalt  }
tec
execute0_lowered:
.L_overlay_start_1:
0x0: {  	(tag) =	ssettag $0x1  }
0x1: {  	s0 =	rddreg [dreg:$0x0]  }
0x2: {  	s2 =	rddreg [dreg:$0x1];
	v0 =	vlaneseq.u32  }
0x3: {  	s1 =	srdreg.scid;
	s4 =	stileid.u32;
	s3 =	simm.s32 $0x0;
	v0 =	vmul.u32 $0x88, v0  }
0x4: {  	s21 =	simm.s32 $0x100;
	s24 =	simm.s32 $0x1;
	s18 =	simm.s32 $0x2;
	v1 =	vimm.s32 $0x0;
	vm0 =	vcmask $0x300  }
0x5: {  	s31 =	simm.s32 $0x15968;
	s19 =	simm.s32 $0x16AF0;
	s20 =	simm.s32 $0x0;
	v1 =	vsel vm0, $0x3, v1;
	v2 =	vadd.s32 $0x880, v0  }
0x6: {  	s1 =	sand.u32 $0x1, s1;
	s4 =	sshll.u32 s4, $0x1;
	[smem:$0x7FF] =	sst s3;
	v3 =	vadd.s32 $0x1100, v0;
	v4 =	vadd.s32 $0x1980, v0;
	v5 =	vor.u32 $0x1, v0  }
0x7: {  	s7 =	sadd.s32 $0x4000, s2;
	s8 =	sadd.s32 $0x8000, s2;
	s9 =	sadd.s32 $0xC000, s2;
	v6 =	vadd.s32 $0x881, v0;
	v7 =	vadd.s32 $0x1101, v0;
	v8 =	vadd.s32 $0x1981, v0  }
0x8: {  	s10 =	sadd.s32 $0x10000, s2;
	s11 =	sadd.s32 $0x14000, s2;
	s12 =	sadd.s32 $0x18000, s2;
	v9 =	vor.u32 $0x2, v0;
	v10 =	vadd.s32 $0x882, v0;
	v11 =	vadd.s32 $0x1102, v0  }
0x9: {  	s13 =	sadd.s32 $0x1C000, s2;
	s5 =	sor.u32 s1, s4;
	s1 =	ssub.s32 $0x2, s1;
	v12 =	vadd.s32 $0x1982, v0;
	v13 =	vor.u32 $0x3, v0;
	v14 =	vadd.s32 $0x883, v0  }
0xa: {  	_ =	strace $0x80000047;
	s4 =	sshll.u32 s5, $0x6;
	s29 =	sshrl.u32 s1, $0x1;
	v15 =	vadd.s32 $0x1103, v0;
	v16 =	vadd.s32 $0x1983, v0;
	v17 =	vor.u32 $0x4, v0  }
.Ltmp0:
0xb: {  	v18 =	vadd.s32 $0x884, v0;
	v19 =	vadd.s32 $0x1104, v0;
	v20 =	vadd.s32 $0x1984, v0;
	s6 =	sadd.s32 s4, s0;
	s4 =	sadd.s32 $0xF42A00, s0;
	(pc) =	sbr.rel .LBB2_1-.Ltmp0, $4  }
0xc: {  	v21 =	vor.u32 $0x5, v0;
	v22 =	vadd.s32 $0x885, v0;
	v23 =	vadd.s32 $0x1105, v0;
	s0 =	ssub.s32 s1, s29;
	s1 =	simm.s32 $0x15A78;
	s30 =	sadd.s32 $0x600, s6  }
0xd: {  	v24 =	vadd.s32 $0x1985, v0;
	v25 =	vor.u32 $0x6, v0;
	v26 =	vadd.s32 $0x886, v0;
	s6 =	sshll.u32 s5, $0xC;
	s0 =	smax.u32 s0, $0x1;
	s5 =	simm.s32 $0x16B78  }
0xe: {  	v27 =	vadd.s32 $0x1106, v0;
	v28 =	vadd.s32 $0x1986, v0;
	v29 =	vor.u32 $0x7, v0;
	[dreg:$0x3] =	wrdreg s30;
	s14 =	sor.u32 $0x400, s6;
	s15 =	sor.u32 $0x800, s6  }
0xf: {  	v30 =	vadd.s32 $0x887, v0;
	v31 =	vadd.s32 $0x1107, v0;
	v32 =	vadd.s32 $0x1987, v0;
	s16 =	sor.u32 $0xC00, s6;
	[dreg:$0x4] =	wrdreg s0;
	s0 =	simm.s32 $0x159F0  }
.LBB2_12:
0x10: {  	_ =	swait.ge [sflag:s18], $0x400  }
0x11: {  	[sflag:s18] =	ssyncset.done $0x0  }
0x12: {  	[sflag:s18] =	ssyncadd.s32 $0xFFFFFC00  }
0x13: {  	_ =	swait.ge [sflag:s18], $0x400  }
0x14: {  	[sflag:s18] =	ssyncset.done $0x0  }
0x15: {  	[sflag:s18] =	ssyncadd.s32 $0xFFFFFC00  }
0x16: {  	_ =	swait.ge [sflag:s18], $0x400  }
0x17: {  	[sflag:s18] =	ssyncset.done $0x0  }
0x18: {  	[sflag:s18] =	ssyncadd.s32 $0xFFFFFC00  }
0x19: {  	_ =	swait.ge [sflag:s18], $0x400  }
0x1a: {  	[sflag:s18] =	ssyncset.done $0x0  }
0x1b: {  	[sflag:s18] =	ssyncadd.s32 $0xFFFFFC00  }
0x1c: {  	_ =	swait.ge [sflag:s18], $0x400  }
0x1d: {  	[sflag:s18] =	ssyncset.done $0x0  }
0x1e: {  	[sflag:s18] =	ssyncadd.s32 $0xFFFFFC00  }
0x1f: {  	_ =	swait.ge [sflag:s18], $0x400  }
0x20: {  	[sflag:s18] =	ssyncset.done $0x0  }
0x21: {  	[sflag:s18] =	ssyncadd.s32 $0xFFFFFC00  }
0x22: {  	_ =	swait.ge [sflag:s18], $0x400  }
0x23: {  	[sflag:s18] =	ssyncset.done $0x0  }
0x24: {  	[sflag:s18] =	ssyncadd.s32 $0xFFFFFC00  }
0x25: {  	_ =	swait.ge [sflag:s18], $0x400  }
0x26: {  	[sflag:s18] =	ssyncset.done $0x0  }
0x27: {  	[sflag:s18] =	ssyncadd.s32 $0xFFFFFC00  }
0x28: {  	_ =	swait.ge [sflag:s18], $0x400  }
0x29: {  	[sflag:s18] =	ssyncset.done $0x0  }
0x2a: {  	[sflag:s18] =	ssyncadd.s32 $0xFFFFFC00  }
0x2b: {  	_ =	swait.ge [sflag:s18], $0x400  }
0x2c: {  	[sflag:s18] =	ssyncset.done $0x0  }
0x2d: {  	[sflag:s18] =	ssyncadd.s32 $0xFFFFFC00  }
0x2e: {  	_ =	swait.ge [sflag:s18], $0x400  }
0x2f: {  	[sflag:s18] =	ssyncset.done $0x0  }
0x30: {  	[sflag:s18] =	ssyncadd.s32 $0xFFFFFC00  }
0x31: {  	_ =	swait.ge [sflag:s18], $0x400  }
0x32: {  	[sflag:s18] =	ssyncset.done $0x0  }
0x33: {  	[sflag:s18] =	ssyncadd.s32 $0xFFFFFC00  }
0x34: {  	_ =	swait.ge [sflag:s18], $0x400  }
0x35: {  	[sflag:s18] =	ssyncset.done $0x0  }
0x36: {  	[sflag:s18] =	ssyncadd.s32 $0xFFFFFC00  }
0x37: {  	_ =	swait.ge [sflag:s18], $0x400  }
0x38: {  	[sflag:s18] =	ssyncset.done $0x0  }
0x39: {  	[sflag:s18] =	ssyncadd.s32 $0xFFFFFC00  }
0x3a: {  	_ =	swait.ge [sflag:s18], $0x400  }
0x3b: {  	[sflag:s18] =	ssyncset.done $0x0  }
0x3c: {  	[sflag:s18] =	ssyncadd.s32 $0xFFFFFC00  }
0x3d: {  	_ =	swait.ge [sflag:s18], $0x400  }
0x3e: {  	[sflag:s18] =	ssyncset.done $0x0  }
0x3f: {  	[sflag:s18] =	ssyncadd.s32 $0xFFFFFC00  }
0x40: {  	_ =	swait.ge [sflag:s18], $0x400  }
0x41: {  	[sflag:s18] =	ssyncset.done $0x0  }
0x42: {  	[sflag:s18] =	ssyncadd.s32 $0xFFFFFC00  }
0x43: {  	_ =	swait.ge [sflag:s18], $0x400  }
0x44: {  	[sflag:s18] =	ssyncset.done $0x0  }
0x45: {  	[sflag:s18] =	ssyncadd.s32 $0xFFFFFC00  }
0x46: {  	_ =	swait.ge [sflag:s18], $0x400  }
0x47: {  	[sflag:s18] =	ssyncset.done $0x0  }
0x48: {  	[sflag:s18] =	ssyncadd.s32 $0xFFFFFC00  }
0x49: {  	_ =	swait.ge [sflag:s18], $0x400  }
0x4a: {  	[sflag:s18] =	ssyncset.done $0x0  }
0x4b: {  	[sflag:s18] =	ssyncadd.s32 $0xFFFFFC00  }
0x4c: {  	_ =	swait.ge [sflag:s18], $0x400  }
0x4d: {  	[sflag:s18] =	ssyncset.done $0x0  }
0x4e: {  	[sflag:s18] =	ssyncadd.s32 $0xFFFFFC00  }
0x4f: {  	_ =	swait.ge [sflag:s18], $0x400  }
0x50: {  	[sflag:s18] =	ssyncset.done $0x0  }
0x51: {  	[sflag:s18] =	ssyncadd.s32 $0xFFFFFC00  }
0x52: {  	_ =	swait.ge [sflag:s18], $0x400  }
0x53: {  	[sflag:s18] =	ssyncset.done $0x0  }
0x54: {  	[sflag:s18] =	ssyncadd.s32 $0xFFFFFC00  }
0x55: {  	_ =	swait.ge [sflag:s18], $0x400  }
0x56: {  	[sflag:s18] =	ssyncset.done $0x0  }
0x57: {  	[sflag:s18] =	ssyncadd.s32 $0xFFFFFC00  }
0x58: {  	_ =	swait.ge [sflag:s18], $0x400  }
0x59: {  	[sflag:s18] =	ssyncset.done $0x0  }
0x5a: {  	[sflag:s18] =	ssyncadd.s32 $0xFFFFFC00  }
0x5b: {  	_ =	swait.ge [sflag:s18], $0x400  }
0x5c: {  	[sflag:s18] =	ssyncset.done $0x0  }
0x5d: {  	[sflag:s18] =	ssyncadd.s32 $0xFFFFFC00  }
0x5e: {  	_ =	swait.ge [sflag:s18], $0x400  }
0x5f: {  	[sflag:s18] =	ssyncset.done $0x0  }
0x60: {  	[sflag:s18] =	ssyncadd.s32 $0xFFFFFC00  }
0x61: {  	_ =	swait.ge [sflag:s18], $0x400  }
0x62: {  	[sflag:s18] =	ssyncset.done $0x0  }
0x63: {  	[sflag:s18] =	ssyncadd.s32 $0xFFFFFC00  }
0x64: {  	_ =	swait.ge [sflag:s18], $0x400  }
0x65: {  	[sflag:s18] =	ssyncset.done $0x0  }
0x66: {  	[sflag:s18] =	ssyncadd.s32 $0xFFFFFC00  }
0x67: {  	_ =	swait.ge [sflag:s18], $0x400  }
0x68: {  	[sflag:s18] =	ssyncset.done $0x0  }
0x69: {  	[sflag:s18] =	ssyncadd.s32 $0xFFFFFC00  }
0x6a: {  	_ =	swait.ge [sflag:s18], $0x400  }
0x6b: {  	[sflag:s18] =	ssyncset.done $0x0  }
0x6c: {  	[sflag:s18] =	ssyncadd.s32 $0xFFFFFC00  }
0x6d: {  	_ =	swait.ge [sflag:s18], $0x400  }
0x6e: {  	s20 =	rddreg [dreg:$0x5]  }
0x6f: {  	s17 =	rddreg [dreg:$0x4];
	s20 =	sadd.s32 $0x1, s20  }
0x70: {  	p0 =	sne.s32 s20, s17  }
.Ltmp1:
0x71: {  	_ = 	snop;
	(pc) =	sbr.rel @!p0 .LBB2_13-.Ltmp1, $3  }
0x72: {  	_ =	sdelay $0x1  }
0x73: {  	[sflag:s18] =	ssyncset.done $0x0  }
0x74: {  	[sflag:s18] =	ssyncadd.s32 $0xFFFFFC00  }
.LBB2_1:
0x75: {  	[dreg:$0x5] =	wrdreg s20  }
0x76: {  	s17 =	rddreg [dreg:$0x3]  }
0x77: {  	s26 =	simm.s32 $0x200;
	s22 =	simm.s32 $0x4000;
	s28 =	simm.s32 $0x3  }
0x78: {  	[tilespmem:s3], [sflag:$0x3] =	stream.strided.gather [hbm4b:s17+s26], $0x6400, s22, s26, $0x38;
	[tilespmem:$0x16C00] =	vst v63  }
0x79: {  	_ =	swait.ge [sflag:s28], $0x6400  }
0x7a: {  	[sflag:s28] =	ssyncset.done $0x0  }
0x7b: {  	s29 =	simm.s32 $0x6400;
	[sflag:s28] =	ssyncadd.s32 $0xFFFF9C00  }
0x7c: {  	[tilespmem:s29], [sflag:$0x1] =	stream.indirect.gather [hbm4b:s4+s21], $0x40, s3, s21, $0xb8;
	[tilespmem:$0x16C00] =	vst v63  }
0x7d: {  	s30 =	simm.s32 $0xA400;
	s17 =	simm.s32 $0x0  }
0x7e: {  	[tilespmem:s30], [sflag:$0x1] =	stream.indirect.gather [hbm4b:s4+s21], $0x40, s21, s21, $0xb8;
	[tilespmem:$0x16C00] =	vst v63  }
.LBB2_2:
0x7f: {  	_ =	swait.ge [sflag:s24], $0x4000  }
0x80: {  	p0 =	seq.s32 s17, $0x0;
	[sflag:s24] =	ssyncset.done $0x0  }
0x81: {  	s22 =	simm.s32 @!p0 $0x2;
	[sflag:s24] =	ssyncadd.s32 $0xFFFFC000  }
0x82: {  	_ =	swait.ge @!p0 [sflag:s22], $0x400  }
0x83: {  	[sflag:s22] =	ssyncset.done @!p0 $0x0  }
0x84: {  	[sflag:s22] =	ssyncadd.s32 @!p0 $0xFFFFFC00  }
0x85: {  	_ =	swait.ge @!p0 [sflag:s22], $0x400  }
0x86: {  	[sflag:s22] =	ssyncset.done @!p0 $0x0  }
0x87: {  	[sflag:s22] =	ssyncadd.s32 @!p0 $0xFFFFFC00  }
0x88: {  	_ =	swait.ge @!p0 [sflag:s22], $0x400  }
0x89: {  	[sflag:s22] =	ssyncset.done @!p0 $0x0  }
0x8a: {  	[sflag:s22] =	ssyncadd.s32 @!p0 $0xFFFFFC00  }
0x8b: {  	_ =	swait.ge @!p0 [sflag:s22], $0x400  }
0x8c: {  	[sflag:s22] =	ssyncset.done @!p0 $0x0  }
0x8d: {  	[sflag:s22] =	ssyncadd.s32 @!p0 $0xFFFFFC00  }
0x8e: {  	_ =	swait.ge @!p0 [sflag:s22], $0x400  }
0x8f: {  	[sflag:s22] =	ssyncset.done @!p0 $0x0  }
0x90: {  	[sflag:s22] =	ssyncadd.s32 @!p0 $0xFFFFFC00  }
0x91: {  	_ =	swait.ge @!p0 [sflag:s22], $0x400  }
0x92: {  	[sflag:s22] =	ssyncset.done @!p0 $0x0  }
0x93: {  	[sflag:s22] =	ssyncadd.s32 @!p0 $0xFFFFFC00  }
0x94: {  	_ =	swait.ge @!p0 [sflag:s22], $0x400  }
0x95: {  	[sflag:s22] =	ssyncset.done @!p0 $0x0  }
0x96: {  	[sflag:s22] =	ssyncadd.s32 @!p0 $0xFFFFFC00  }
0x97: {  	_ =	swait.ge @!p0 [sflag:s22], $0x400  }
0x98: {  	[sflag:s22] =	ssyncset.done @!p0 $0x0  }
0x99: {  	[sflag:s22] =	ssyncadd.s32 @!p0 $0xFFFFFC00  }
0x9a: {  	_ =	swait.ge @!p0 [sflag:s22], $0x400  }
0x9b: {  	[sflag:s22] =	ssyncset.done @!p0 $0x0  }
0x9c: {  	[sflag:s22] =	ssyncadd.s32 @!p0 $0xFFFFFC00  }
0x9d: {  	_ =	swait.ge @!p0 [sflag:s22], $0x400  }
0x9e: {  	[sflag:s22] =	ssyncset.done @!p0 $0x0  }
0x9f: {  	[sflag:s22] =	ssyncadd.s32 @!p0 $0xFFFFFC00  }
0xa0: {  	_ =	swait.ge @!p0 [sflag:s22], $0x400  }
0xa1: {  	[sflag:s22] =	ssyncset.done @!p0 $0x0  }
0xa2: {  	[sflag:s22] =	ssyncadd.s32 @!p0 $0xFFFFFC00  }
0xa3: {  	_ =	swait.ge @!p0 [sflag:s22], $0x400  }
0xa4: {  	[sflag:s22] =	ssyncset.done @!p0 $0x0  }
0xa5: {  	[sflag:s22] =	ssyncadd.s32 @!p0 $0xFFFFFC00  }
0xa6: {  	_ =	swait.ge @!p0 [sflag:s22], $0x400  }
0xa7: {  	[sflag:s22] =	ssyncset.done @!p0 $0x0  }
0xa8: {  	[sflag:s22] =	ssyncadd.s32 @!p0 $0xFFFFFC00  }
0xa9: {  	_ =	swait.ge @!p0 [sflag:s22], $0x400  }
0xaa: {  	[sflag:s22] =	ssyncset.done @!p0 $0x0  }
0xab: {  	s20 =	simm.s32 $0x0;
	[sflag:s22] =	ssyncadd.s32 @!p0 $0xFFFFFC00  }
0xac: {  	s23 =	sand.u32 $0x78, s20;
	_ =	swait.ge @!p0 [sflag:s22], $0x400  }
0xad: {  	v33 =	vmov s23;
	[sflag:s22] =	ssyncset.done @!p0 $0x0  }
0xae: {  	v33 =	vshrl.u32 v33, $0x3;
	[sflag:s22] =	ssyncadd.s32 @!p0 $0xFFFFFC00  }
0xaf: {  	v33 =	vshll.u32 v33, v1;
	_ =	swait.ge @!p0 [sflag:s22], $0x400  }
0xb0: {  	v33 =	vbroadcast v33, $0x0;
	[sflag:s22] =	ssyncset.done @!p0 $0x0  }
0xb1: {  	[sflag:s22] =	ssyncadd.s32 @!p0 $0xFFFFFC00;
	s22 =	simm.s32 $0x6500  }
0xb2: {  	v35 =	vadd.s32 v0, v33;
	v34 =	vld [tilespmem:s22+$0xFFFFFF00]  }
0xb3: {  	s28 =	simm.s32 $0x0;
	v37 =	vadd.s32 v2, v33;
	v36 =	vld [tilespmem:s22+$0xFFFFFF10]  }
0xb4: {  	s25 =	simm.s32 $0x1;
	s23 =	smul.u32 $0x8800, s28;
	v39 =	vadd.s32 v3, v33;
	v38 =	vld [tilespmem:s22+$0xFFFFFF20]  }
0xb5: {  	s26 =	sand.u32 $0x78, s25;
	v33 =	vadd.s32 v4, v33;
	v40 =	vld [tilespmem:s22+$0xFFFFFF30]  }
0xb6: {  	v41 =	vmov s26;
	s25 =	sshra.s32 s23, $0x2  }
0xb7: {  	v47 =	vshrl.u32 v41, $0x3;
	[tilespmem:v35+s25+$0xE400] =	vst.idx.msk $0xffff, v34  }
0xb8: {  	v34 =	vshll.u32 v47, v1;
	[tilespmem:v37+s25+$0xE400] =	vst.idx.msk $0xffff, v36  }
0xb9: {  	v34 =	vbroadcast v34, $0x0;
	[tilespmem:v39+s25+$0xE400] =	vst.idx.msk $0xffff, v38  }
0xba: {  	[tilespmem:v33+s25+$0xE400] =	vst.idx.msk $0xffff, v40  }
0xbb: {  	v48 =	vadd.s32 v5, v34;
	v33 =	vld [tilespmem:s22+$0xFFFFFF40]  }
0xbc: {  	v49 =	vadd.s32 v6, v34;
	v36 =	vld [tilespmem:s22+$0xFFFFFF50]  }
0xbd: {  	s30 =	simm.s32 $0x2;
	v50 =	vadd.s32 v7, v34;
	v38 =	vld [tilespmem:s22+$0xFFFFFF60]  }
0xbe: {  	s23 =	sand.u32 $0x78, s30;
	v34 =	vadd.s32 v8, v34;
	v40 =	vld [tilespmem:s22+$0xFFFFFF70]  }
0xbf: {  	v51 =	vmov s23  }
0xc0: {  	v52 =	vshrl.u32 v51, $0x3;
	[tilespmem:v48+s25+$0xE400] =	vst.idx.msk $0xffff, v33  }
0xc1: {  	v33 =	vshll.u32 v52, v1;
	[tilespmem:v49+s25+$0xE400] =	vst.idx.msk $0xffff, v36  }
0xc2: {  	v33 =	vbroadcast v33, $0x0;
	[tilespmem:v50+s25+$0xE400] =	vst.idx.msk $0xffff, v38  }
0xc3: {  	[tilespmem:v34+s25+$0xE400] =	vst.idx.msk $0xffff, v40  }
0xc4: {  	v53 =	vadd.s32 v9, v33;
	v34 =	vld [tilespmem:s22+$0xFFFFFF80]  }
0xc5: {  	v54 =	vadd.s32 v10, v33;
	v36 =	vld [tilespmem:s22+$0xFFFFFF90]  }
0xc6: {  	s26 =	simm.s32 $0x3;
	v55 =	vadd.s32 v11, v33;
	v38 =	vld [tilespmem:s22+$0xFFFFFFA0]  }
0xc7: {  	s23 =	sand.u32 $0x78, s26;
	v33 =	vadd.s32 v12, v33;
	v40 =	vld [tilespmem:s22+$0xFFFFFFB0]  }
0xc8: {  	v56 =	vmov s23  }
0xc9: {  	v57 =	vshrl.u32 v56, $0x3;
	[tilespmem:v53+s25+$0xE400] =	vst.idx.msk $0xffff, v34  }
0xca: {  	v34 =	vshll.u32 v57, v1;
	[tilespmem:v54+s25+$0xE400] =	vst.idx.msk $0xffff, v36  }
0xcb: {  	v34 =	vbroadcast v34, $0x0;
	[tilespmem:v55+s25+$0xE400] =	vst.idx.msk $0xffff, v38  }
0xcc: {  	[tilespmem:v33+s25+$0xE400] =	vst.idx.msk $0xffff, v40  }
0xcd: {  	v58 =	vadd.s32 v13, v34;
	v33 =	vld [tilespmem:s22+$0xFFFFFFC0]  }
0xce: {  	v59 =	vadd.s32 v14, v34;
	v36 =	vld [tilespmem:s22+$0xFFFFFFD0]  }
0xcf: {  	s28 =	simm.s32 $0x4;
	v60 =	vadd.s32 v15, v34;
	v38 =	vld [tilespmem:s22+$0xFFFFFFE0]  }
0xd0: {  	s23 =	sand.u32 $0x78, s28;
	v34 =	vadd.s32 v16, v34;
	v40 =	vld [tilespmem:s22+$0xFFFFFFF0]  }
0xd1: {  	v61 =	vmov s23  }
0xd2: {  	v62 =	vshrl.u32 v61, $0x3;
	[tilespmem:v58+s25+$0xE400] =	vst.idx.msk $0xffff, v33  }
0xd3: {  	v33 =	vshll.u32 v62, v1;
	[tilespmem:v59+s25+$0xE400] =	vst.idx.msk $0xffff, v36  }
0xd4: {  	v33 =	vbroadcast v33, $0x0;
	[tilespmem:v60+s25+$0xE400] =	vst.idx.msk $0xffff, v38  }
0xd5: {  	[tilespmem:v34+s25+$0xE400] =	vst.idx.msk $0xffff, v40  }
0xd6: {  	v63 =	vadd.s32 v17, v33;
	v34 =	vld [tilespmem:s22+$0x0]  }
0xd7: {  	v44 =	vadd.s32 v18, v33;
	v36 =	vld [tilespmem:s22+$0x10]  }
0xd8: {  	s30 =	simm.s32 $0x5;
	v45 =	vadd.s32 v19, v33;
	v38 =	vld [tilespmem:s22+$0x20]  }
0xd9: {  	s23 =	sand.u32 $0x78, s30;
	v33 =	vadd.s32 v20, v33;
	v40 =	vld [tilespmem:s22+$0x30]  }
0xda: {  	v46 =	vmov s23  }
0xdb: {  	v47 =	vshrl.u32 v46, $0x3;
	[tilespmem:v63+s25+$0xE400] =	vst.idx.msk $0xffff, v34  }
0xdc: {  	v34 =	vshll.u32 v47, v1;
	[tilespmem:v44+s25+$0xE400] =	vst.idx.msk $0xffff, v36  }
0xdd: {  	v34 =	vbroadcast v34, $0x0;
	[tilespmem:v45+s25+$0xE400] =	vst.idx.msk $0xffff, v38  }
0xde: {  	[tilespmem:v33+s25+$0xE400] =	vst.idx.msk $0xffff, v40  }
0xdf: {  	v48 =	vadd.s32 v21, v34;
	v33 =	vld [tilespmem:s22+$0x40]  }
0xe0: {  	v49 =	vadd.s32 v22, v34;
	v36 =	vld [tilespmem:s22+$0x50]  }
0xe1: {  	s26 =	simm.s32 $0x6;
	v50 =	vadd.s32 v23, v34;
	v38 =	vld [tilespmem:s22+$0x60]  }
0xe2: {  	s23 =	sand.u32 $0x78, s26;
	v34 =	vadd.s32 v24, v34;
	v40 =	vld [tilespmem:s22+$0x70]  }
0xe3: {  	v51 =	vmov s23  }
0xe4: {  	v52 =	vshrl.u32 v51, $0x3;
	[tilespmem:v48+s25+$0xE400] =	vst.idx.msk $0xffff, v33  }
0xe5: {  	v33 =	vshll.u32 v52, v1;
	[tilespmem:v49+s25+$0xE400] =	vst.idx.msk $0xffff, v36  }
0xe6: {  	v33 =	vbroadcast v33, $0x0;
	[tilespmem:v50+s25+$0xE400] =	vst.idx.msk $0xffff, v38  }
0xe7: {  	[tilespmem:v34+s25+$0xE400] =	vst.idx.msk $0xffff, v40  }
0xe8: {  	v53 =	vadd.s32 v25, v33;
	v34 =	vld [tilespmem:s22+$0x80]  }
0xe9: {  	v54 =	vadd.s32 v26, v33;
	v36 =	vld [tilespmem:s22+$0x90]  }
0xea: {  	s28 =	simm.s32 $0x7;
	v55 =	vadd.s32 v27, v33;
	v38 =	vld [tilespmem:s22+$0xA0]  }
0xeb: {  	s23 =	sand.u32 $0x78, s28;
	v33 =	vadd.s32 v28, v33;
	v40 =	vld [tilespmem:s22+$0xB0]  }
0xec: {  	v56 =	vmov s23  }
0xed: {  	v57 =	vshrl.u32 v56, $0x3;
	[tilespmem:v53+s25+$0xE400] =	vst.idx.msk $0xffff, v34  }
0xee: {  	v34 =	vshll.u32 v57, v1;
	[tilespmem:v54+s25+$0xE400] =	vst.idx.msk $0xffff, v36  }
0xef: {  	v58 =	vbroadcast v34, $0x0;
	[tilespmem:v55+s25+$0xE400] =	vst.idx.msk $0xffff, v38  }
0xf0: {  	[tilespmem:v33+s25+$0xE400] =	vst.idx.msk $0xffff, v40  }
0xf1: {  	v59 =	vadd.s32 v29, v58;
	v33 =	vld [tilespmem:s22+$0xC0]  }
0xf2: {  	v60 =	vadd.s32 v30, v58;
	v37 =	vld [tilespmem:s22+$0xD0]  }
0xf3: {  	s23 =	simm.s32 $0x8;
	v61 =	vadd.s32 v31, v58;
	v39 =	vld [tilespmem:s22+$0xE0]  }
0xf4: {  	s30 =	sand.u32 $0x78, s23  }
0xf5: {  	v62 =	vmov s30;
	v35 =	vadd.s32 v32, v58;
	v34 =	vld [tilespmem:s22+$0xF0]  }
0xf6: {  	v41 =	vshrl.u32 v62, $0x3;
	[tilespmem:v59+s25+$0xE400] =	vst.idx.msk $0xffff, v33  }
0xf7: {  	v63 =	vshll.u32 v41, v1;
	[tilespmem:v60+s25+$0xE400] =	vst.idx.msk $0xffff, v37  }
0xf8: {  	s29 =	simm.s32 $0x10;
	v33 =	vbroadcast v63, $0x0;
	[tilespmem:v61+s25+$0xE400] =	vst.idx.msk $0xffff, v39  }
.LBB2_3:
0xf9: {  	s20 =	sadd.s32 $0x1, s20  }
0xfa: {  	[tilespmem:v35+s25+$0xE400] =	vst.idx.msk $0xffff, v34;
	s22 =	sadd.s32 $0x200, s22;
	s28 =	smov.u32 s29;
	s26 =	sadd.s32 $0x8, s29  }
0xfb: {  	p1 =	sne.s32 s29, $0xF8;
	v34 =	vld [tilespmem:s22+$0xFFFFFF00];
	v35 =	vadd.s32 v0, v33  }
0xfc: {  	s25 =	sshrl.u32 s20, $0x4;
	v37 =	vadd.s32 v2, v33;
	v36 =	vld [tilespmem:s22+$0xFFFFFF10]  }
0xfd: {  	s29 =	sadd.s32 $0x1, s23;
	v39 =	vadd.s32 v3, v33;
	s25 =	smul.u32 $0x8800, s25;
	v38 =	vld [tilespmem:s22+$0xFFFFFF20]  }
0xfe: {  	v33 =	vadd.s32 v4, v33;
	s29 =	sand.u32 $0x78, s29;
	v40 =	vld [tilespmem:s22+$0xFFFFFF30]  }
0xff: {  	v41 =	vmov s29;
	s25 =	sshra.s32 s25, $0x2  }
0x100: {  	[tilespmem:v35+s25+$0xE400] =	vst.idx.msk $0xffff, v34;
	v34 =	vshrl.u32 v41, $0x3  }
0x101: {  	[tilespmem:v37+s25+$0xE400] =	vst.idx.msk $0xffff, v36;
	v34 =	vshll.u32 v34, v1  }
0x102: {  	[tilespmem:v39+s25+$0xE400] =	vst.idx.msk $0xffff, v38;
	v34 =	vbroadcast v34, $0x0  }
0x103: {  	[tilespmem:v33+s25+$0xE400] =	vst.idx.msk $0xffff, v40  }
0x104: {  	v33 =	vld [tilespmem:s22+$0xFFFFFF40];
	v35 =	vadd.s32 v5, v34  }
0x105: {  	v37 =	vadd.s32 v6, v34;
	v36 =	vld [tilespmem:s22+$0xFFFFFF50]  }
0x106: {  	s29 =	sadd.s32 $0x2, s23;
	v39 =	vadd.s32 v7, v34;
	v38 =	vld [tilespmem:s22+$0xFFFFFF60]  }
0x107: {  	s29 =	sand.u32 $0x78, s29;
	v34 =	vadd.s32 v8, v34;
	v40 =	vld [tilespmem:s22+$0xFFFFFF70]  }
0x108: {  	v41 =	vmov s29  }
0x109: {  	[tilespmem:v35+s25+$0xE400] =	vst.idx.msk $0xffff, v33;
	v33 =	vshrl.u32 v41, $0x3  }
0x10a: {  	[tilespmem:v37+s25+$0xE400] =	vst.idx.msk $0xffff, v36;
	v33 =	vshll.u32 v33, v1  }
0x10b: {  	[tilespmem:v39+s25+$0xE400] =	vst.idx.msk $0xffff, v38;
	v33 =	vbroadcast v33, $0x0  }
0x10c: {  	[tilespmem:v34+s25+$0xE400] =	vst.idx.msk $0xffff, v40  }
0x10d: {  	v34 =	vld [tilespmem:s22+$0xFFFFFF80];
	v35 =	vadd.s32 v9, v33  }
0x10e: {  	v37 =	vadd.s32 v10, v33;
	v36 =	vld [tilespmem:s22+$0xFFFFFF90]  }
0x10f: {  	s29 =	sadd.s32 $0x3, s23;
	v39 =	vadd.s32 v11, v33;
	v38 =	vld [tilespmem:s22+$0xFFFFFFA0]  }
0x110: {  	s29 =	sand.u32 $0x78, s29;
	v33 =	vadd.s32 v12, v33;
	v40 =	vld [tilespmem:s22+$0xFFFFFFB0]  }
0x111: {  	v41 =	vmov s29  }
0x112: {  	[tilespmem:v35+s25+$0xE400] =	vst.idx.msk $0xffff, v34;
	v34 =	vshrl.u32 v41, $0x3  }
0x113: {  	[tilespmem:v37+s25+$0xE400] =	vst.idx.msk $0xffff, v36;
	v34 =	vshll.u32 v34, v1  }
0x114: {  	[tilespmem:v39+s25+$0xE400] =	vst.idx.msk $0xffff, v38;
	v34 =	vbroadcast v34, $0x0  }
0x115: {  	[tilespmem:v33+s25+$0xE400] =	vst.idx.msk $0xffff, v40  }
0x116: {  	v33 =	vld [tilespmem:s22+$0xFFFFFFC0];
	v35 =	vadd.s32 v13, v34  }
0x117: {  	v37 =	vadd.s32 v14, v34;
	v36 =	vld [tilespmem:s22+$0xFFFFFFD0]  }
0x118: {  	s29 =	sadd.s32 $0x4, s23;
	v39 =	vadd.s32 v15, v34;
	v38 =	vld [tilespmem:s22+$0xFFFFFFE0]  }
0x119: {  	s29 =	sand.u32 $0x78, s29;
	v34 =	vadd.s32 v16, v34;
	v40 =	vld [tilespmem:s22+$0xFFFFFFF0]  }
0x11a: {  	v41 =	vmov s29  }
0x11b: {  	[tilespmem:v35+s25+$0xE400] =	vst.idx.msk $0xffff, v33;
	v33 =	vshrl.u32 v41, $0x3  }
0x11c: {  	[tilespmem:v37+s25+$0xE400] =	vst.idx.msk $0xffff, v36;
	v33 =	vshll.u32 v33, v1  }
0x11d: {  	[tilespmem:v39+s25+$0xE400] =	vst.idx.msk $0xffff, v38;
	v33 =	vbroadcast v33, $0x0  }
0x11e: {  	[tilespmem:v34+s25+$0xE400] =	vst.idx.msk $0xffff, v40  }
0x11f: {  	v34 =	vld [tilespmem:s22+$0x0];
	v35 =	vadd.s32 v17, v33  }
0x120: {  	v37 =	vadd.s32 v18, v33;
	v36 =	vld [tilespmem:s22+$0x10]  }
0x121: {  	s29 =	sadd.s32 $0x5, s23;
	v39 =	vadd.s32 v19, v33;
	v38 =	vld [tilespmem:s22+$0x20]  }
0x122: {  	s29 =	sand.u32 $0x78, s29;
	v33 =	vadd.s32 v20, v33;
	v40 =	vld [tilespmem:s22+$0x30]  }
0x123: {  	v41 =	vmov s29  }
0x124: {  	[tilespmem:v35+s25+$0xE400] =	vst.idx.msk $0xffff, v34;
	v34 =	vshrl.u32 v41, $0x3  }
0x125: {  	[tilespmem:v37+s25+$0xE400] =	vst.idx.msk $0xffff, v36;
	v34 =	vshll.u32 v34, v1  }
0x126: {  	[tilespmem:v39+s25+$0xE400] =	vst.idx.msk $0xffff, v38;
	v34 =	vbroadcast v34, $0x0  }
0x127: {  	[tilespmem:v33+s25+$0xE400] =	vst.idx.msk $0xffff, v40  }
0x128: {  	v33 =	vld [tilespmem:s22+$0x40];
	v35 =	vadd.s32 v21, v34  }
0x129: {  	v37 =	vadd.s32 v22, v34;
	v36 =	vld [tilespmem:s22+$0x50]  }
0x12a: {  	s29 =	sadd.s32 $0x6, s23;
	v39 =	vadd.s32 v23, v34;
	v38 =	vld [tilespmem:s22+$0x60]  }
0x12b: {  	s29 =	sand.u32 $0x78, s29;
	v34 =	vadd.s32 v24, v34;
	v40 =	vld [tilespmem:s22+$0x70]  }
0x12c: {  	v41 =	vmov s29  }
0x12d: {  	[tilespmem:v35+s25+$0xE400] =	vst.idx.msk $0xffff, v33;
	v33 =	vshrl.u32 v41, $0x3  }
0x12e: {  	[tilespmem:v37+s25+$0xE400] =	vst.idx.msk $0xffff, v36;
	v33 =	vshll.u32 v33, v1  }
0x12f: {  	[tilespmem:v39+s25+$0xE400] =	vst.idx.msk $0xffff, v38;
	v33 =	vbroadcast v33, $0x0  }
0x130: {  	[tilespmem:v34+s25+$0xE400] =	vst.idx.msk $0xffff, v40  }
0x131: {  	v34 =	vld [tilespmem:s22+$0x80];
	v35 =	vadd.s32 v25, v33  }
0x132: {  	v37 =	vadd.s32 v26, v33;
	v36 =	vld [tilespmem:s22+$0x90]  }
0x133: {  	s29 =	sadd.s32 $0x7, s23;
	s23 =	smov.u32 s28;
	v39 =	vadd.s32 v27, v33;
	v38 =	vld [tilespmem:s22+$0xA0]  }
0x134: {  	s28 =	sand.u32 $0x78, s29;
	v33 =	vadd.s32 v28, v33;
	v40 =	vld [tilespmem:s22+$0xB0]  }
0x135: {  	v41 =	vmov s28  }
0x136: {  	[tilespmem:v35+s25+$0xE400] =	vst.idx.msk $0xffff, v34;
	v34 =	vshrl.u32 v41, $0x3  }
0x137: {  	[tilespmem:v37+s25+$0xE400] =	vst.idx.msk $0xffff, v36;
	v34 =	vshll.u32 v34, v1  }
0x138: {  	[tilespmem:v39+s25+$0xE400] =	vst.idx.msk $0xffff, v38;
	v35 =	vbroadcast v34, $0x0  }
0x139: {  	[tilespmem:v33+s25+$0xE400] =	vst.idx.msk $0xffff, v40  }
0x13a: {  	v33 =	vld [tilespmem:s22+$0xC0];
	v36 =	vadd.s32 v29, v35  }
0x13b: {  	v38 =	vadd.s32 v30, v35;
	v37 =	vld [tilespmem:s22+$0xD0]  }
0x13c: {  	v40 =	vadd.s32 v31, v35;
	v39 =	vld [tilespmem:s22+$0xE0]  }
.Ltmp2:
0x13d: {  	s28 =	sand.u32 $0x78, s23;
	v35 =	vadd.s32 v32, v35;
	v34 =	vld [tilespmem:s22+$0xF0];
	(pc) =	sbr.rel @p1 .LBB2_3-.Ltmp2, $4  }
0x13e: {  	v41 =	vmov s28  }
0x13f: {  	v41 =	vshrl.u32 v41, $0x3;
	[tilespmem:v36+s25+$0xE400] =	vst.idx.msk $0xffff, v33  }
0x140: {  	v33 =	vshll.u32 v41, v1;
	[tilespmem:v38+s25+$0xE400] =	vst.idx.msk $0xffff, v37  }
0x141: {  	s29 =	smov.u32 s26;
	v33 =	vbroadcast v33, $0x0;
	[tilespmem:v40+s25+$0xE400] =	vst.idx.msk $0xffff, v39  }
0x142: {  	_ =	sdelay $0x3  }
0x143: {  	[tilespmem:v35+s25+$0xE400] =	vst.idx.msk $0xffff, v34;
	s22 =	sadd.s32 $0x200, s22  }
0x144: {  	s20 =	sadd.s32 $0x1, s20;
	v34 =	vld [tilespmem:s22+$0xFFFFFF00];
	v48 =	vadd.s32 v0, v33  }
0x145: {  	s20 =	sshrl.u32 s20, $0x4;
	v36 =	vld [tilespmem:s22+$0xFFFFFF10];
	v37 =	vadd.s32 v2, v33  }
0x146: {  	s29 =	sadd.s32 $0x1, s23;
	v38 =	vld [tilespmem:s22+$0xFFFFFF20];
	v39 =	vadd.s32 v3, v33;
	s20 =	smul.u32 $0x8800, s20  }
0x147: {  	v40 =	vld [tilespmem:s22+$0xFFFFFF30];
	v49 =	vadd.s32 v4, v33;
	s26 =	sand.u32 $0x78, s29  }
0x148: {  	v41 =	vmov s26;
	s25 =	sshra.s32 s20, $0x2  }
0x149: {  	v50 =	vshrl.u32 v41, $0x3;
	[tilespmem:v48+s25+$0xE400] =	vst.idx.msk $0xffff, v34  }
0x14a: {  	v34 =	vshll.u32 v50, v1;
	[tilespmem:v37+s25+$0xE400] =	vst.idx.msk $0xffff, v36  }
0x14b: {  	v34 =	vbroadcast v34, $0x0;
	[tilespmem:v39+s25+$0xE400] =	vst.idx.msk $0xffff, v38  }
0x14c: {  	[tilespmem:v49+s25+$0xE400] =	vst.idx.msk $0xffff, v40  }
0x14d: {  	v51 =	vadd.s32 v5, v34;
	v33 =	vld [tilespmem:s22+$0xFFFFFF40]  }
0x14e: {  	v52 =	vadd.s32 v6, v34;
	v36 =	vld [tilespmem:s22+$0xFFFFFF50]  }
0x14f: {  	s30 =	sadd.s32 $0x2, s23;
	v53 =	vadd.s32 v7, v34;
	v38 =	vld [tilespmem:s22+$0xFFFFFF60]  }
0x150: {  	s20 =	sand.u32 $0x78, s30;
	v34 =	vadd.s32 v8, v34;
	v40 =	vld [tilespmem:s22+$0xFFFFFF70]  }
0x151: {  	v54 =	vmov s20  }
0x152: {  	v55 =	vshrl.u32 v54, $0x3;
	[tilespmem:v51+s25+$0xE400] =	vst.idx.msk $0xffff, v33  }
0x153: {  	v33 =	vshll.u32 v55, v1;
	[tilespmem:v52+s25+$0xE400] =	vst.idx.msk $0xffff, v36  }
0x154: {  	v33 =	vbroadcast v33, $0x0;
	[tilespmem:v53+s25+$0xE400] =	vst.idx.msk $0xffff, v38  }
0x155: {  	[tilespmem:v34+s25+$0xE400] =	vst.idx.msk $0xffff, v40  }
0x156: {  	v56 =	vadd.s32 v9, v33;
	v34 =	vld [tilespmem:s22+$0xFFFFFF80]  }
0x157: {  	v57 =	vadd.s32 v10, v33;
	v36 =	vld [tilespmem:s22+$0xFFFFFF90]  }
0x158: {  	s26 =	sadd.s32 $0x3, s23;
	v58 =	vadd.s32 v11, v33;
	v38 =	vld [tilespmem:s22+$0xFFFFFFA0]  }
0x159: {  	s20 =	sand.u32 $0x78, s26;
	v33 =	vadd.s32 v12, v33;
	v40 =	vld [tilespmem:s22+$0xFFFFFFB0]  }
0x15a: {  	v59 =	vmov s20  }
0x15b: {  	v60 =	vshrl.u32 v59, $0x3;
	[tilespmem:v56+s25+$0xE400] =	vst.idx.msk $0xffff, v34  }
0x15c: {  	v34 =	vshll.u32 v60, v1;
	[tilespmem:v57+s25+$0xE400] =	vst.idx.msk $0xffff, v36  }
0x15d: {  	v34 =	vbroadcast v34, $0x0;
	[tilespmem:v58+s25+$0xE400] =	vst.idx.msk $0xffff, v38  }
0x15e: {  	[tilespmem:v33+s25+$0xE400] =	vst.idx.msk $0xffff, v40  }
0x15f: {  	v61 =	vadd.s32 v13, v34;
	v33 =	vld [tilespmem:s22+$0xFFFFFFC0]  }
0x160: {  	v62 =	vadd.s32 v14, v34;
	v36 =	vld [tilespmem:s22+$0xFFFFFFD0]  }
0x161: {  	s28 =	sadd.s32 $0x4, s23;
	v63 =	vadd.s32 v15, v34;
	v38 =	vld [tilespmem:s22+$0xFFFFFFE0]  }
0x162: {  	s20 =	sand.u32 $0x78, s28;
	v34 =	vadd.s32 v16, v34;
	v40 =	vld [tilespmem:s22+$0xFFFFFFF0]  }
0x163: {  	v44 =	vmov s20  }
0x164: {  	v45 =	vshrl.u32 v44, $0x3;
	[tilespmem:v61+s25+$0xE400] =	vst.idx.msk $0xffff, v33  }
0x165: {  	v33 =	vshll.u32 v45, v1;
	[tilespmem:v62+s25+$0xE400] =	vst.idx.msk $0xffff, v36  }
0x166: {  	v33 =	vbroadcast v33, $0x0;
	[tilespmem:v63+s25+$0xE400] =	vst.idx.msk $0xffff, v38  }
0x167: {  	[tilespmem:v34+s25+$0xE400] =	vst.idx.msk $0xffff, v40  }
0x168: {  	v46 =	vadd.s32 v17, v33;
	v34 =	vld [tilespmem:s22+$0x0]  }
0x169: {  	v47 =	vadd.s32 v18, v33;
	v36 =	vld [tilespmem:s22+$0x10]  }
0x16a: {  	s29 =	sadd.s32 $0x5, s23;
	v48 =	vadd.s32 v19, v33;
	v38 =	vld [tilespmem:s22+$0x20]  }
0x16b: {  	s20 =	sand.u32 $0x78, s29;
	v33 =	vadd.s32 v20, v33;
	v40 =	vld [tilespmem:s22+$0x30]  }
0x16c: {  	v49 =	vmov s20  }
0x16d: {  	v50 =	vshrl.u32 v49, $0x3;
	[tilespmem:v46+s25+$0xE400] =	vst.idx.msk $0xffff, v34  }
0x16e: {  	v34 =	vshll.u32 v50, v1;
	[tilespmem:v47+s25+$0xE400] =	vst.idx.msk $0xffff, v36  }
0x16f: {  	v34 =	vbroadcast v34, $0x0;
	[tilespmem:v48+s25+$0xE400] =	vst.idx.msk $0xffff, v38  }
0x170: {  	[tilespmem:v33+s25+$0xE400] =	vst.idx.msk $0xffff, v40  }
0x171: {  	v51 =	vadd.s32 v21, v34;
	v33 =	vld [tilespmem:s22+$0x40]  }
0x172: {  	v52 =	vadd.s32 v22, v34;
	v36 =	vld [tilespmem:s22+$0x50]  }
0x173: {  	s30 =	sadd.s32 $0x6, s23;
	v53 =	vadd.s32 v23, v34;
	v38 =	vld [tilespmem:s22+$0x60]  }
0x174: {  	s20 =	sand.u32 $0x78, s30;
	v34 =	vadd.s32 v24, v34;
	v40 =	vld [tilespmem:s22+$0x70]  }
0x175: {  	v54 =	vmov s20  }
0x176: {  	v55 =	vshrl.u32 v54, $0x3;
	[tilespmem:v51+s25+$0xE400] =	vst.idx.msk $0xffff, v33  }
0x177: {  	v33 =	vshll.u32 v55, v1;
	[tilespmem:v52+s25+$0xE400] =	vst.idx.msk $0xffff, v36  }
0x178: {  	v33 =	vbroadcast v33, $0x0;
	[tilespmem:v53+s25+$0xE400] =	vst.idx.msk $0xffff, v38  }
0x179: {  	[tilespmem:v34+s25+$0xE400] =	vst.idx.msk $0xffff, v40  }
0x17a: {  	v56 =	vadd.s32 v25, v33;
	v34 =	vld [tilespmem:s22+$0x80]  }
0x17b: {  	v57 =	vadd.s32 v26, v33;
	v36 =	vld [tilespmem:s22+$0x90]  }
0x17c: {  	s23 =	sadd.s32 $0x7, s23;
	v58 =	vadd.s32 v27, v33;
	v38 =	vld [tilespmem:s22+$0xA0]  }
0x17d: {  	s20 =	sand.u32 $0x78, s23;
	v33 =	vadd.s32 v28, v33;
	v40 =	vld [tilespmem:s22+$0xB0]  }
0x17e: {  	v59 =	vmov s20  }
0x17f: {  	v60 =	vshrl.u32 v59, $0x3;
	[tilespmem:v56+s25+$0xE400] =	vst.idx.msk $0xffff, v34  }
0x180: {  	v34 =	vshll.u32 v60, v1;
	[tilespmem:v57+s25+$0xE400] =	vst.idx.msk $0xffff, v36  }
0x181: {  	v34 =	vbroadcast v34, $0x0;
	[tilespmem:v58+s25+$0xE400] =	vst.idx.msk $0xffff, v38  }
0x182: {  	[tilespmem:v33+s25+$0xE400] =	vst.idx.msk $0xffff, v40  }
0x183: {  	v61 =	vadd.s32 v29, v34;
	v33 =	vld [tilespmem:s22+$0xC0]  }
0x184: {  	v62 =	vadd.s32 v30, v34;
	v36 =	vld [tilespmem:s22+$0xD0]  }
0x185: {  	v63 =	vadd.s32 v31, v34;
	v38 =	vld [tilespmem:s22+$0xE0]  }
0x186: {  	v34 =	vadd.s32 v32, v34;
	v40 =	vld [tilespmem:s22+$0xF0];
	_ =	sdelay $0x1  }
0x187: {  	s20 =	sshll.u32 s17, $0x14;
	[tilespmem:v61+s25+$0xE400] =	vst.idx.msk $0xffff, v33  }
0x188: {  	s26 =	sor.u32 s6, s20;
	[tilespmem:v62+s25+$0xE400] =	vst.idx.msk $0xffff, v36  }
0x189: {  	s22 =	sshrl.u32 s26, $0x3;
	[tilespmem:v63+s25+$0xE400] =	vst.idx.msk $0xffff, v38  }
0x18a: {  	s28 =	simm.s32 $0xE400;
	s23 =	sadd.s32 s2, s22;
	[tilespmem:v34+s25+$0xE400] =	vst.idx.msk $0xffff, v40  }
0x18b: {  	[hbm4b:s23+s3] =	stream.linear.scatter [tilespmem:s28], [sflag:$0x2], $0x80, $0x38;
	[tilespmem:$0x16C00] =	vst v63  }
0x18c: {  	s30 =	simm.s32 $0xE488;
	s29 =	sadd.s32 $0x10, s23  }
0x18d: {  	[hbm4b:s29+s3] =	stream.linear.scatter [tilespmem:s30], [sflag:$0x2], $0x80, $0x38;
	[tilespmem:$0x16C00] =	vst v63  }
0x18e: {  	s26 =	sadd.s32 $0x20, s23;
	s28 =	simm.s32 $0xE510  }
0x18f: {  	[hbm4b:s26+s3] =	stream.linear.scatter [tilespmem:s28], [sflag:$0x2], $0x80, $0x38;
	[tilespmem:$0x16C00] =	vst v63  }
0x190: {  	s29 =	sadd.s32 $0x30, s23;
	s30 =	simm.s32 $0xE598  }
0x191: {  	[hbm4b:s29+s3] =	stream.linear.scatter [tilespmem:s30], [sflag:$0x2], $0x80, $0x38;
	[tilespmem:$0x16C00] =	vst v63  }
0x192: {  	s26 =	sadd.s32 $0x40, s23;
	s28 =	simm.s32 $0xE620  }
0x193: {  	[hbm4b:s26+s3] =	stream.linear.scatter [tilespmem:s28], [sflag:$0x2], $0x80, $0x38;
	[tilespmem:$0x16C00] =	vst v63  }
0x194: {  	s29 =	sadd.s32 $0x50, s23;
	s30 =	simm.s32 $0xE6A8  }
0x195: {  	[hbm4b:s29+s3] =	stream.linear.scatter [tilespmem:s30], [sflag:$0x2], $0x80, $0x38;
	[tilespmem:$0x16C00] =	vst v63  }
0x196: {  	s26 =	sadd.s32 $0x60, s23;
	s28 =	simm.s32 $0xE730  }
0x197: {  	[hbm4b:s26+s3] =	stream.linear.scatter [tilespmem:s28], [sflag:$0x2], $0x80, $0x38;
	[tilespmem:$0x16C00] =	vst v63  }
0x198: {  	s23 =	sadd.s32 $0x70, s23;
	s29 =	simm.s32 $0xE7B8  }
0x199: {  	[hbm4b:s23+s3] =	stream.linear.scatter [tilespmem:s29], [sflag:$0x2], $0x80, $0x38;
	[tilespmem:$0x16C00] =	vst v63  }
0x19a: {  	s30 =	simm.s32 $0xE840;
	s23 =	sadd.s32 s22, s7  }
0x19b: {  	[hbm4b:s23+s3] =	stream.linear.scatter [tilespmem:s30], [sflag:$0x2], $0x80, $0x38;
	[tilespmem:$0x16C00] =	vst v63  }
0x19c: {  	s28 =	simm.s32 $0xE8C8;
	s26 =	sadd.s32 $0x10, s23  }
0x19d: {  	[hbm4b:s26+s3] =	stream.linear.scatter [tilespmem:s28], [sflag:$0x2], $0x80, $0x38;
	[tilespmem:$0x16C00] =	vst v63  }
0x19e: {  	s29 =	sadd.s32 $0x20, s23;
	s30 =	simm.s32 $0xE950  }
0x19f: {  	[hbm4b:s29+s3] =	stream.linear.scatter [tilespmem:s30], [sflag:$0x2], $0x80, $0x38;
	[tilespmem:$0x16C00] =	vst v63  }
0x1a0: {  	s26 =	sadd.s32 $0x30, s23;
	s28 =	simm.s32 $0xE9D8  }
0x1a1: {  	[hbm4b:s26+s3] =	stream.linear.scatter [tilespmem:s28], [sflag:$0x2], $0x80, $0x38;
	[tilespmem:$0x16C00] =	vst v63  }
0x1a2: {  	s29 =	sadd.s32 $0x40, s23;
	s30 =	simm.s32 $0xEA60  }
0x1a3: {  	[hbm4b:s29+s3] =	stream.linear.scatter [tilespmem:s30], [sflag:$0x2], $0x80, $0x38;
	[tilespmem:$0x16C00] =	vst v63  }
0x1a4: {  	s26 =	sadd.s32 $0x50, s23;
	s28 =	simm.s32 $0xEAE8  }
0x1a5: {  	[hbm4b:s26+s3] =	stream.linear.scatter [tilespmem:s28], [sflag:$0x2], $0x80, $0x38;
	[tilespmem:$0x16C00] =	vst v63  }
0x1a6: {  	s29 =	sadd.s32 $0x60, s23;
	s30 =	simm.s32 $0xEB70  }
0x1a7: {  	[hbm4b:s29+s3] =	stream.linear.scatter [tilespmem:s30], [sflag:$0x2], $0x80, $0x38;
	[tilespmem:$0x16C00] =	vst v63  }
0x1a8: {  	s23 =	sadd.s32 $0x70, s23;
	s26 =	simm.s32 $0xEBF8  }
0x1a9: {  	[hbm4b:s23+s3] =	stream.linear.scatter [tilespmem:s26], [sflag:$0x2], $0x80, $0x38;
	[tilespmem:$0x16C00] =	vst v63  }
0x1aa: {  	s28 =	simm.s32 $0xEC80;
	s23 =	sadd.s32 s22, s8  }
0x1ab: {  	[hbm4b:s23+s3] =	stream.linear.scatter [tilespmem:s28], [sflag:$0x2], $0x80, $0x38;
	[tilespmem:$0x16C00] =	vst v63  }
0x1ac: {  	s30 =	simm.s32 $0xED08;
	s29 =	sadd.s32 $0x10, s23  }
0x1ad: {  	[hbm4b:s29+s3] =	stream.linear.scatter [tilespmem:s30], [sflag:$0x2], $0x80, $0x38;
	[tilespmem:$0x16C00] =	vst v63  }
0x1ae: {  	s26 =	sadd.s32 $0x20, s23;
	s28 =	simm.s32 $0xED90  }
0x1af: {  	[hbm4b:s26+s3] =	stream.linear.scatter [tilespmem:s28], [sflag:$0x2], $0x80, $0x38;
	[tilespmem:$0x16C00] =	vst v63  }
0x1b0: {  	s29 =	sadd.s32 $0x30, s23;
	s30 =	simm.s32 $0xEE18  }
0x1b1: {  	[hbm4b:s29+s3] =	stream.linear.scatter [tilespmem:s30], [sflag:$0x2], $0x80, $0x38;
	[tilespmem:$0x16C00] =	vst v63  }
0x1b2: {  	s26 =	sadd.s32 $0x40, s23;
	s28 =	simm.s32 $0xEEA0  }
0x1b3: {  	[hbm4b:s26+s3] =	stream.linear.scatter [tilespmem:s28], [sflag:$0x2], $0x80, $0x38;
	[tilespmem:$0x16C00] =	vst v63  }
0x1b4: {  	s29 =	sadd.s32 $0x50, s23;
	s30 =	simm.s32 $0xEF28  }
0x1b5: {  	[hbm4b:s29+s3] =	stream.linear.scatter [tilespmem:s30], [sflag:$0x2], $0x80, $0x38;
	[tilespmem:$0x16C00] =	vst v63  }
0x1b6: {  	s26 =	sadd.s32 $0x60, s23;
	s28 =	simm.s32 $0xEFB0  }
0x1b7: {  	[hbm4b:s26+s3] =	stream.linear.scatter [tilespmem:s28], [sflag:$0x2], $0x80, $0x38;
	[tilespmem:$0x16C00] =	vst v63  }
0x1b8: {  	s23 =	sadd.s32 $0x70, s23;
	s29 =	simm.s32 $0xF038  }
0x1b9: {  	[hbm4b:s23+s3] =	stream.linear.scatter [tilespmem:s29], [sflag:$0x2], $0x80, $0x38;
	[tilespmem:$0x16C00] =	vst v63  }
0x1ba: {  	s30 =	simm.s32 $0xF0C0;
	s23 =	sadd.s32 s22, s9  }
0x1bb: {  	[hbm4b:s23+s3] =	stream.linear.scatter [tilespmem:s30], [sflag:$0x2], $0x80, $0x38;
	[tilespmem:$0x16C00] =	vst v63  }
0x1bc: {  	s28 =	simm.s32 $0xF148;
	s26 =	sadd.s32 $0x10, s23  }
0x1bd: {  	[hbm4b:s26+s3] =	stream.linear.scatter [tilespmem:s28], [sflag:$0x2], $0x80, $0x38;
	[tilespmem:$0x16C00] =	vst v63  }
0x1be: {  	s29 =	sadd.s32 $0x20, s23;
	s30 =	simm.s32 $0xF1D0  }
0x1bf: {  	[hbm4b:s29+s3] =	stream.linear.scatter [tilespmem:s30], [sflag:$0x2], $0x80, $0x38;
	[tilespmem:$0x16C00] =	vst v63  }
0x1c0: {  	s26 =	sadd.s32 $0x30, s23;
	s28 =	simm.s32 $0xF258  }
0x1c1: {  	[hbm4b:s26+s3] =	stream.linear.scatter [tilespmem:s28], [sflag:$0x2], $0x80, $0x38;
	[tilespmem:$0x16C00] =	vst v63  }
0x1c2: {  	s29 =	sadd.s32 $0x40, s23;
	s30 =	simm.s32 $0xF2E0  }
0x1c3: {  	[hbm4b:s29+s3] =	stream.linear.scatter [tilespmem:s30], [sflag:$0x2], $0x80, $0x38;
	[tilespmem:$0x16C00] =	vst v63  }
0x1c4: {  	s26 =	sadd.s32 $0x50, s23;
	s28 =	simm.s32 $0xF368  }
0x1c5: {  	[hbm4b:s26+s3] =	stream.linear.scatter [tilespmem:s28], [sflag:$0x2], $0x80, $0x38;
	[tilespmem:$0x16C00] =	vst v63  }
0x1c6: {  	s29 =	sadd.s32 $0x60, s23;
	s30 =	simm.s32 $0xF3F0  }
0x1c7: {  	[hbm4b:s29+s3] =	stream.linear.scatter [tilespmem:s30], [sflag:$0x2], $0x80, $0x38;
	[tilespmem:$0x16C00] =	vst v63  }
0x1c8: {  	s23 =	sadd.s32 $0x70, s23;
	s26 =	simm.s32 $0xF478  }
0x1c9: {  	[hbm4b:s23+s3] =	stream.linear.scatter [tilespmem:s26], [sflag:$0x2], $0x80, $0x38;
	[tilespmem:$0x16C00] =	vst v63  }
0x1ca: {  	s28 =	simm.s32 $0xF500;
	s23 =	sadd.s32 s22, s10  }
0x1cb: {  	[hbm4b:s23+s3] =	stream.linear.scatter [tilespmem:s28], [sflag:$0x2], $0x80, $0x38;
	[tilespmem:$0x16C00] =	vst v63  }
0x1cc: {  	s30 =	simm.s32 $0xF588;
	s29 =	sadd.s32 $0x10, s23  }
0x1cd: {  	[hbm4b:s29+s3] =	stream.linear.scatter [tilespmem:s30], [sflag:$0x2], $0x80, $0x38;
	[tilespmem:$0x16C00] =	vst v63  }
0x1ce: {  	s26 =	sadd.s32 $0x20, s23;
	s28 =	simm.s32 $0xF610  }
0x1cf: {  	[hbm4b:s26+s3] =	stream.linear.scatter [tilespmem:s28], [sflag:$0x2], $0x80, $0x38;
	[tilespmem:$0x16C00] =	vst v63  }
0x1d0: {  	s29 =	sadd.s32 $0x30, s23;
	s30 =	simm.s32 $0xF698  }
0x1d1: {  	[hbm4b:s29+s3] =	stream.linear.scatter [tilespmem:s30], [sflag:$0x2], $0x80, $0x38;
	[tilespmem:$0x16C00] =	vst v63  }
0x1d2: {  	s26 =	sadd.s32 $0x40, s23;
	s28 =	simm.s32 $0xF720  }
0x1d3: {  	[hbm4b:s26+s3] =	stream.linear.scatter [tilespmem:s28], [sflag:$0x2], $0x80, $0x38;
	[tilespmem:$0x16C00] =	vst v63  }
0x1d4: {  	s29 =	sadd.s32 $0x50, s23;
	s30 =	simm.s32 $0xF7A8  }
0x1d5: {  	[hbm4b:s29+s3] =	stream.linear.scatter [tilespmem:s30], [sflag:$0x2], $0x80, $0x38;
	[tilespmem:$0x16C00] =	vst v63  }
0x1d6: {  	s26 =	sadd.s32 $0x60, s23;
	s28 =	simm.s32 $0xF830  }
0x1d7: {  	[hbm4b:s26+s3] =	stream.linear.scatter [tilespmem:s28], [sflag:$0x2], $0x80, $0x38;
	[tilespmem:$0x16C00] =	vst v63  }
0x1d8: {  	s23 =	sadd.s32 $0x70, s23;
	s29 =	simm.s32 $0xF8B8  }
0x1d9: {  	[hbm4b:s23+s3] =	stream.linear.scatter [tilespmem:s29], [sflag:$0x2], $0x80, $0x38;
	[tilespmem:$0x16C00] =	vst v63  }
0x1da: {  	s30 =	simm.s32 $0xF940;
	s23 =	sadd.s32 s22, s11  }
0x1db: {  	[hbm4b:s23+s3] =	stream.linear.scatter [tilespmem:s30], [sflag:$0x2], $0x80, $0x38;
	[tilespmem:$0x16C00] =	vst v63  }
0x1dc: {  	s28 =	simm.s32 $0xF9C8;
	s26 =	sadd.s32 $0x10, s23  }
0x1dd: {  	[hbm4b:s26+s3] =	stream.linear.scatter [tilespmem:s28], [sflag:$0x2], $0x80, $0x38;
	[tilespmem:$0x16C00] =	vst v63  }
0x1de: {  	s29 =	sadd.s32 $0x20, s23;
	s30 =	simm.s32 $0xFA50  }
0x1df: {  	[hbm4b:s29+s3] =	stream.linear.scatter [tilespmem:s30], [sflag:$0x2], $0x80, $0x38;
	[tilespmem:$0x16C00] =	vst v63  }
0x1e0: {  	s26 =	sadd.s32 $0x30, s23;
	s28 =	simm.s32 $0xFAD8  }
0x1e1: {  	[hbm4b:s26+s3] =	stream.linear.scatter [tilespmem:s28], [sflag:$0x2], $0x80, $0x38;
	[tilespmem:$0x16C00] =	vst v63  }
0x1e2: {  	s29 =	sadd.s32 $0x40, s23;
	s30 =	simm.s32 $0xFB60  }
0x1e3: {  	[hbm4b:s29+s3] =	stream.linear.scatter [tilespmem:s30], [sflag:$0x2], $0x80, $0x38;
	[tilespmem:$0x16C00] =	vst v63  }
0x1e4: {  	s26 =	sadd.s32 $0x50, s23;
	s28 =	simm.s32 $0xFBE8  }
0x1e5: {  	[hbm4b:s26+s3] =	stream.linear.scatter [tilespmem:s28], [sflag:$0x2], $0x80, $0x38;
	[tilespmem:$0x16C00] =	vst v63  }
0x1e6: {  	s29 =	sadd.s32 $0x60, s23;
	s30 =	simm.s32 $0xFC70  }
0x1e7: {  	[hbm4b:s29+s3] =	stream.linear.scatter [tilespmem:s30], [sflag:$0x2], $0x80, $0x38;
	[tilespmem:$0x16C00] =	vst v63  }
0x1e8: {  	s23 =	sadd.s32 $0x70, s23;
	s26 =	simm.s32 $0xFCF8  }
0x1e9: {  	[hbm4b:s23+s3] =	stream.linear.scatter [tilespmem:s26], [sflag:$0x2], $0x80, $0x38;
	[tilespmem:$0x16C00] =	vst v63  }
0x1ea: {  	s28 =	simm.s32 $0xFD80;
	s23 =	sadd.s32 s22, s12  }
0x1eb: {  	[hbm4b:s23+s3] =	stream.linear.scatter [tilespmem:s28], [sflag:$0x2], $0x80, $0x38;
	[tilespmem:$0x16C00] =	vst v63  }
0x1ec: {  	s30 =	simm.s32 $0xFE08;
	s29 =	sadd.s32 $0x10, s23  }
0x1ed: {  	[hbm4b:s29+s3] =	stream.linear.scatter [tilespmem:s30], [sflag:$0x2], $0x80, $0x38;
	[tilespmem:$0x16C00] =	vst v63  }
0x1ee: {  	s26 =	sadd.s32 $0x20, s23;
	s28 =	simm.s32 $0xFE90  }
0x1ef: {  	[hbm4b:s26+s3] =	stream.linear.scatter [tilespmem:s28], [sflag:$0x2], $0x80, $0x38;
	[tilespmem:$0x16C00] =	vst v63  }
0x1f0: {  	s29 =	sadd.s32 $0x30, s23;
	s30 =	simm.s32 $0xFF18  }
0x1f1: {  	[hbm4b:s29+s3] =	stream.linear.scatter [tilespmem:s30], [sflag:$0x2], $0x80, $0x38;
	[tilespmem:$0x16C00] =	vst v63  }
0x1f2: {  	s26 =	sadd.s32 $0x40, s23;
	s28 =	simm.s32 $0xFFA0  }
0x1f3: {  	[hbm4b:s26+s3] =	stream.linear.scatter [tilespmem:s28], [sflag:$0x2], $0x80, $0x38;
	[tilespmem:$0x16C00] =	vst v63  }
0x1f4: {  	s29 =	sadd.s32 $0x50, s23;
	s30 =	simm.s32 $0x10028  }
0x1f5: {  	[hbm4b:s29+s3] =	stream.linear.scatter [tilespmem:s30], [sflag:$0x2], $0x80, $0x38;
	[tilespmem:$0x16C00] =	vst v63  }
0x1f6: {  	s28 =	sadd.s32 $0x60, s23;
	s29 =	simm.s32 $0x100B0  }
0x1f7: {  	[hbm4b:s28+s3] =	stream.linear.scatter [tilespmem:s29], [sflag:$0x2], $0x80, $0x38;
	[tilespmem:$0x16C00] =	vst v63  }
0x1f8: {  	s23 =	sadd.s32 $0x70, s23;
	s30 =	simm.s32 $0x10138  }
0x1f9: {  	[hbm4b:s23+s3] =	stream.linear.scatter [tilespmem:s30], [sflag:$0x2], $0x80, $0x38;
	[tilespmem:$0x16C00] =	vst v63  }
0x1fa: {  	s25 =	simm.s32 $0x101C0;
	s22 =	sadd.s32 s22, s13  }
0x1fb: {  	[hbm4b:s22+s3] =	stream.linear.scatter [tilespmem:s25], [sflag:$0x2], $0x80, $0x38;
	[tilespmem:$0x16C00] =	vst v63  }
0x1fc: {  	s26 =	sadd.s32 $0x10, s22;
	s28 =	simm.s32 $0x10248  }
0x1fd: {  	[hbm4b:s26+s3] =	stream.linear.scatter [tilespmem:s28], [sflag:$0x2], $0x80, $0x38;
	[tilespmem:$0x16C00] =	vst v63  }
0x1fe: {  	s29 =	sadd.s32 $0x20, s22;
	s30 =	simm.s32 $0x102D0  }
0x1ff: {  	[hbm4b:s29+s3] =	stream.linear.scatter [tilespmem:s30], [sflag:$0x2], $0x80, $0x38;
	[tilespmem:$0x16C00] =	vst v63  }
0x200: {  	s26 =	sadd.s32 $0x30, s22;
	s28 =	simm.s32 $0x10358  }
0x201: {  	[hbm4b:s26+s3] =	stream.linear.scatter [tilespmem:s28], [sflag:$0x2], $0x80, $0x38;
	[tilespmem:$0x16C00] =	vst v63  }
0x202: {  	s29 =	sadd.s32 $0x40, s22;
	s30 =	simm.s32 $0x103E0  }
0x203: {  	[hbm4b:s29+s3] =	stream.linear.scatter [tilespmem:s30], [sflag:$0x2], $0x80, $0x38;
	[tilespmem:$0x16C00] =	vst v63  }
0x204: {  	s25 =	sadd.s32 $0x50, s22;
	s26 =	simm.s32 $0x10468  }
0x205: {  	[hbm4b:s25+s3] =	stream.linear.scatter [tilespmem:s26], [sflag:$0x2], $0x80, $0x38;
	[tilespmem:$0x16C00] =	vst v63  }
0x206: {  	s28 =	sadd.s32 $0x60, s22;
	s29 =	simm.s32 $0x104F0  }
0x207: {  	[hbm4b:s28+s3] =	stream.linear.scatter [tilespmem:s29], [sflag:$0x2], $0x80, $0x38;
	[tilespmem:$0x16C00] =	vst v63  }
0x208: {  	s23 =	sor.u32 s14, s20;
	s22 =	sadd.s32 $0x70, s22;
	s30 =	simm.s32 $0x10578  }
0x209: {  	[hbm4b:s22+s3] =	stream.linear.scatter [tilespmem:s30], [sflag:$0x2], $0x80, $0x38;
	[tilespmem:$0x16C00] =	vst v63  }
0x20a: {  	s22 =	sshrl.u32 s23, $0x3  }
0x20b: {  	s25 =	simm.s32 $0x10600;
	s22 =	sadd.s32 s2, s22  }
0x20c: {  	[hbm4b:s22+s3] =	stream.linear.scatter [tilespmem:s25], [sflag:$0x2], $0x80, $0x38;
	[tilespmem:$0x16C00] =	vst v63  }
0x20d: {  	s28 =	simm.s32 $0x10688;
	s26 =	sadd.s32 $0x10, s22  }
0x20e: {  	[hbm4b:s26+s3] =	stream.linear.scatter [tilespmem:s28], [sflag:$0x2], $0x80, $0x38;
	[tilespmem:$0x16C00] =	vst v63  }
0x20f: {  	s30 =	simm.s32 $0x10710;
	s29 =	sadd.s32 $0x20, s22  }
0x210: {  	[hbm4b:s29+s3] =	stream.linear.scatter [tilespmem:s30], [sflag:$0x2], $0x80, $0x38;
	[tilespmem:$0x16C00] =	vst v63  }
0x211: {  	s26 =	sadd.s32 $0x30, s22;
	s28 =	simm.s32 $0x10798  }
0x212: {  	[hbm4b:s26+s3] =	stream.linear.scatter [tilespmem:s28], [sflag:$0x2], $0x80, $0x38;
	[tilespmem:$0x16C00] =	vst v63  }
0x213: {  	s29 =	sadd.s32 $0x40, s22;
	s30 =	simm.s32 $0x10820  }
0x214: {  	[hbm4b:s29+s3] =	stream.linear.scatter [tilespmem:s30], [sflag:$0x2], $0x80, $0x38;
	[tilespmem:$0x16C00] =	vst v63  }
0x215: {  	s26 =	sadd.s32 $0x50, s22;
	s28 =	simm.s32 $0x108A8  }
0x216: {  	[hbm4b:s26+s3] =	stream.linear.scatter [tilespmem:s28], [sflag:$0x2], $0x80, $0x38;
	[tilespmem:$0x16C00] =	vst v63  }
0x217: {  	s29 =	sadd.s32 $0x60, s22;
	s30 =	simm.s32 $0x10930  }
0x218: {  	[hbm4b:s29+s3] =	stream.linear.scatter [tilespmem:s30], [sflag:$0x2], $0x80, $0x38;
	[tilespmem:$0x16C00] =	vst v63  }
0x219: {  	s26 =	sadd.s32 $0x70, s22;
	s28 =	simm.s32 $0x109B8  }
0x21a: {  	[hbm4b:s26+s3] =	stream.linear.scatter [tilespmem:s28], [sflag:$0x2], $0x80, $0x38;
	[tilespmem:$0x16C00] =	vst v63  }
0x21b: {  	s29 =	sadd.s32 $0x4000, s22;
	s30 =	simm.s32 $0x10A40  }
0x21c: {  	[hbm4b:s29+s3] =	stream.linear.scatter [tilespmem:s30], [sflag:$0x2], $0x80, $0x38;
	[tilespmem:$0x16C00] =	vst v63  }
0x21d: {  	s26 =	sadd.s32 $0x4010, s22;
	s28 =	simm.s32 $0x10AC8  }
0x21e: {  	[hbm4b:s26+s3] =	stream.linear.scatter [tilespmem:s28], [sflag:$0x2], $0x80, $0x38;
	[tilespmem:$0x16C00] =	vst v63  }
0x21f: {  	s29 =	sadd.s32 $0x4020, s22;
	s30 =	simm.s32 $0x10B50  }
0x220: {  	[hbm4b:s29+s3] =	stream.linear.scatter [tilespmem:s30], [sflag:$0x2], $0x80, $0x38;
	[tilespmem:$0x16C00] =	vst v63  }
0x221: {  	s26 =	sadd.s32 $0x4030, s22;
	s28 =	simm.s32 $0x10BD8  }
0x222: {  	[hbm4b:s26+s3] =	stream.linear.scatter [tilespmem:s28], [sflag:$0x2], $0x80, $0x38;
	[tilespmem:$0x16C00] =	vst v63  }
0x223: {  	s29 =	sadd.s32 $0x4040, s22;
	s30 =	simm.s32 $0x10C60  }
0x224: {  	[hbm4b:s29+s3] =	stream.linear.scatter [tilespmem:s30], [sflag:$0x2], $0x80, $0x38;
	[tilespmem:$0x16C00] =	vst v63  }
0x225: {  	s26 =	sadd.s32 $0x4050, s22;
	s28 =	simm.s32 $0x10CE8  }
0x226: {  	[hbm4b:s26+s3] =	stream.linear.scatter [tilespmem:s28], [sflag:$0x2], $0x80, $0x38;
	[tilespmem:$0x16C00] =	vst v63  }
0x227: {  	s29 =	sadd.s32 $0x4060, s22;
	s30 =	simm.s32 $0x10D70  }
0x228: {  	[hbm4b:s29+s3] =	stream.linear.scatter [tilespmem:s30], [sflag:$0x2], $0x80, $0x38;
	[tilespmem:$0x16C00] =	vst v63  }
0x229: {  	s26 =	sadd.s32 $0x4070, s22;
	s28 =	simm.s32 $0x10DF8  }
0x22a: {  	[hbm4b:s26+s3] =	stream.linear.scatter [tilespmem:s28], [sflag:$0x2], $0x80, $0x38;
	[tilespmem:$0x16C00] =	vst v63  }
0x22b: {  	s29 =	sadd.s32 $0x8000, s22;
	s30 =	simm.s32 $0x10E80  }
0x22c: {  	[hbm4b:s29+s3] =	stream.linear.scatter [tilespmem:s30], [sflag:$0x2], $0x80, $0x38;
	[tilespmem:$0x16C00] =	vst v63  }
0x22d: {  	s26 =	sadd.s32 $0x8010, s22;
	s28 =	simm.s32 $0x10F08  }
0x22e: {  	[hbm4b:s26+s3] =	stream.linear.scatter [tilespmem:s28], [sflag:$0x2], $0x80, $0x38;
	[tilespmem:$0x16C00] =	vst v63  }
0x22f: {  	s29 =	sadd.s32 $0x8020, s22;
	s30 =	simm.s32 $0x10F90  }
0x230: {  	[hbm4b:s29+s3] =	stream.linear.scatter [tilespmem:s30], [sflag:$0x2], $0x80, $0x38;
	[tilespmem:$0x16C00] =	vst v63  }
0x231: {  	s26 =	sadd.s32 $0x8030, s22;
	s28 =	simm.s32 $0x11018  }
0x232: {  	[hbm4b:s26+s3] =	stream.linear.scatter [tilespmem:s28], [sflag:$0x2], $0x80, $0x38;
	[tilespmem:$0x16C00] =	vst v63  }
0x233: {  	s29 =	sadd.s32 $0x8040, s22;
	s30 =	simm.s32 $0x110A0  }
0x234: {  	[hbm4b:s29+s3] =	stream.linear.scatter [tilespmem:s30], [sflag:$0x2], $0x80, $0x38;
	[tilespmem:$0x16C00] =	vst v63  }
0x235: {  	s26 =	sadd.s32 $0x8050, s22;
	s28 =	simm.s32 $0x11128  }
0x236: {  	[hbm4b:s26+s3] =	stream.linear.scatter [tilespmem:s28], [sflag:$0x2], $0x80, $0x38;
	[tilespmem:$0x16C00] =	vst v63  }
0x237: {  	s29 =	sadd.s32 $0x8060, s22;
	s30 =	simm.s32 $0x111B0  }
0x238: {  	[hbm4b:s29+s3] =	stream.linear.scatter [tilespmem:s30], [sflag:$0x2], $0x80, $0x38;
	[tilespmem:$0x16C00] =	vst v63  }
0x239: {  	s26 =	sadd.s32 $0x8070, s22;
	s28 =	simm.s32 $0x11238  }
0x23a: {  	[hbm4b:s26+s3] =	stream.linear.scatter [tilespmem:s28], [sflag:$0x2], $0x80, $0x38;
	[tilespmem:$0x16C00] =	vst v63  }
0x23b: {  	s29 =	sadd.s32 $0xC000, s22;
	s30 =	simm.s32 $0x112C0  }
0x23c: {  	[hbm4b:s29+s3] =	stream.linear.scatter [tilespmem:s30], [sflag:$0x2], $0x80, $0x38;
	[tilespmem:$0x16C00] =	vst v63  }
0x23d: {  	s26 =	sadd.s32 $0xC010, s22;
	s28 =	simm.s32 $0x11348  }
0x23e: {  	[hbm4b:s26+s3] =	stream.linear.scatter [tilespmem:s28], [sflag:$0x2], $0x80, $0x38;
	[tilespmem:$0x16C00] =	vst v63  }
0x23f: {  	s29 =	sadd.s32 $0xC020, s22;
	s30 =	simm.s32 $0x113D0  }
0x240: {  	[hbm4b:s29+s3] =	stream.linear.scatter [tilespmem:s30], [sflag:$0x2], $0x80, $0x38;
	[tilespmem:$0x16C00] =	vst v63  }
0x241: {  	s26 =	sadd.s32 $0xC030, s22;
	s28 =	simm.s32 $0x11458  }
0x242: {  	[hbm4b:s26+s3] =	stream.linear.scatter [tilespmem:s28], [sflag:$0x2], $0x80, $0x38;
	[tilespmem:$0x16C00] =	vst v63  }
0x243: {  	s29 =	sadd.s32 $0xC040, s22;
	s30 =	simm.s32 $0x114E0  }
0x244: {  	[hbm4b:s29+s3] =	stream.linear.scatter [tilespmem:s30], [sflag:$0x2], $0x80, $0x38;
	[tilespmem:$0x16C00] =	vst v63  }
0x245: {  	s26 =	sadd.s32 $0xC050, s22;
	s28 =	simm.s32 $0x11568  }
0x246: {  	[hbm4b:s26+s3] =	stream.linear.scatter [tilespmem:s28], [sflag:$0x2], $0x80, $0x38;
	[tilespmem:$0x16C00] =	vst v63  }
0x247: {  	s29 =	sadd.s32 $0xC060, s22;
	s30 =	simm.s32 $0x115F0  }
0x248: {  	[hbm4b:s29+s3] =	stream.linear.scatter [tilespmem:s30], [sflag:$0x2], $0x80, $0x38;
	[tilespmem:$0x16C00] =	vst v63  }
0x249: {  	s25 =	sadd.s32 $0xC070, s22;
	s26 =	simm.s32 $0x11678  }
0x24a: {  	[hbm4b:s25+s3] =	stream.linear.scatter [tilespmem:s26], [sflag:$0x2], $0x80, $0x38;
	[tilespmem:$0x16C00] =	vst v63  }
0x24b: {  	s23 =	sadd.s32 $0x10000, s22;
	s28 =	simm.s32 $0x11700  }
0x24c: {  	[hbm4b:s23+s3] =	stream.linear.scatter [tilespmem:s28], [sflag:$0x2], $0x80, $0x38;
	[tilespmem:$0x16C00] =	vst v63  }
0x24d: {  	s29 =	sadd.s32 $0x10, s23;
	s30 =	simm.s32 $0x11788  }
0x24e: {  	[hbm4b:s29+s3] =	stream.linear.scatter [tilespmem:s30], [sflag:$0x2], $0x80, $0x38;
	[tilespmem:$0x16C00] =	vst v63  }
0x24f: {  	s26 =	sadd.s32 $0x20, s23;
	s28 =	simm.s32 $0x11810  }
0x250: {  	[hbm4b:s26+s3] =	stream.linear.scatter [tilespmem:s28], [sflag:$0x2], $0x80, $0x38;
	[tilespmem:$0x16C00] =	vst v63  }
0x251: {  	s29 =	sadd.s32 $0x30, s23;
	s30 =	simm.s32 $0x11898  }
0x252: {  	[hbm4b:s29+s3] =	stream.linear.scatter [tilespmem:s30], [sflag:$0x2], $0x80, $0x38;
	[tilespmem:$0x16C00] =	vst v63  }
0x253: {  	s26 =	sadd.s32 $0x40, s23;
	s28 =	simm.s32 $0x11920  }
0x254: {  	[hbm4b:s26+s3] =	stream.linear.scatter [tilespmem:s28], [sflag:$0x2], $0x80, $0x38;
	[tilespmem:$0x16C00] =	vst v63  }
0x255: {  	s29 =	sadd.s32 $0x50, s23;
	s30 =	simm.s32 $0x119A8  }
0x256: {  	[hbm4b:s29+s3] =	stream.linear.scatter [tilespmem:s30], [sflag:$0x2], $0x80, $0x38;
	[tilespmem:$0x16C00] =	vst v63  }
0x257: {  	s26 =	sadd.s32 $0x60, s23;
	s28 =	simm.s32 $0x11A30  }
0x258: {  	[hbm4b:s26+s3] =	stream.linear.scatter [tilespmem:s28], [sflag:$0x2], $0x80, $0x38;
	[tilespmem:$0x16C00] =	vst v63  }
0x259: {  	s23 =	sadd.s32 $0x70, s23;
	s29 =	simm.s32 $0x11AB8  }
0x25a: {  	[hbm4b:s23+s3] =	stream.linear.scatter [tilespmem:s29], [sflag:$0x2], $0x80, $0x38;
	[tilespmem:$0x16C00] =	vst v63  }
0x25b: {  	s30 =	simm.s32 $0x11B40;
	s23 =	sadd.s32 $0x14000, s22  }
0x25c: {  	[hbm4b:s23+s3] =	stream.linear.scatter [tilespmem:s30], [sflag:$0x2], $0x80, $0x38;
	[tilespmem:$0x16C00] =	vst v63  }
0x25d: {  	s28 =	simm.s32 $0x11BC8;
	s26 =	sadd.s32 $0x10, s23  }
0x25e: {  	[hbm4b:s26+s3] =	stream.linear.scatter [tilespmem:s28], [sflag:$0x2], $0x80, $0x38;
	[tilespmem:$0x16C00] =	vst v63  }
0x25f: {  	s29 =	sadd.s32 $0x20, s23;
	s30 =	simm.s32 $0x11C50  }
0x260: {  	[hbm4b:s29+s3] =	stream.linear.scatter [tilespmem:s30], [sflag:$0x2], $0x80, $0x38;
	[tilespmem:$0x16C00] =	vst v63  }
0x261: {  	s26 =	sadd.s32 $0x30, s23;
	s28 =	simm.s32 $0x11CD8  }
0x262: {  	[hbm4b:s26+s3] =	stream.linear.scatter [tilespmem:s28], [sflag:$0x2], $0x80, $0x38;
	[tilespmem:$0x16C00] =	vst v63  }
0x263: {  	s29 =	sadd.s32 $0x40, s23;
	s30 =	simm.s32 $0x11D60  }
0x264: {  	[hbm4b:s29+s3] =	stream.linear.scatter [tilespmem:s30], [sflag:$0x2], $0x80, $0x38;
	[tilespmem:$0x16C00] =	vst v63  }
0x265: {  	s26 =	sadd.s32 $0x50, s23;
	s28 =	simm.s32 $0x11DE8  }
0x266: {  	[hbm4b:s26+s3] =	stream.linear.scatter [tilespmem:s28], [sflag:$0x2], $0x80, $0x38;
	[tilespmem:$0x16C00] =	vst v63  }
0x267: {  	s29 =	sadd.s32 $0x60, s23;
	s30 =	simm.s32 $0x11E70  }
0x268: {  	[hbm4b:s29+s3] =	stream.linear.scatter [tilespmem:s30], [sflag:$0x2], $0x80, $0x38;
	[tilespmem:$0x16C00] =	vst v63  }
0x269: {  	s23 =	sadd.s32 $0x70, s23;
	s26 =	simm.s32 $0x11EF8  }
0x26a: {  	[hbm4b:s23+s3] =	stream.linear.scatter [tilespmem:s26], [sflag:$0x2], $0x80, $0x38;
	[tilespmem:$0x16C00] =	vst v63  }
0x26b: {  	s28 =	simm.s32 $0x11F80;
	s23 =	sadd.s32 $0x18000, s22  }
0x26c: {  	[hbm4b:s23+s3] =	stream.linear.scatter [tilespmem:s28], [sflag:$0x2], $0x80, $0x38;
	[tilespmem:$0x16C00] =	vst v63  }
0x26d: {  	s30 =	simm.s32 $0x12008;
	s29 =	sadd.s32 $0x10, s23  }
0x26e: {  	[hbm4b:s29+s3] =	stream.linear.scatter [tilespmem:s30], [sflag:$0x2], $0x80, $0x38;
	[tilespmem:$0x16C00] =	vst v63  }
0x26f: {  	s26 =	sadd.s32 $0x20, s23;
	s28 =	simm.s32 $0x12090  }
0x270: {  	[hbm4b:s26+s3] =	stream.linear.scatter [tilespmem:s28], [sflag:$0x2], $0x80, $0x38;
	[tilespmem:$0x16C00] =	vst v63  }
0x271: {  	s29 =	sadd.s32 $0x30, s23;
	s30 =	simm.s32 $0x12118  }
0x272: {  	[hbm4b:s29+s3] =	stream.linear.scatter [tilespmem:s30], [sflag:$0x2], $0x80, $0x38;
	[tilespmem:$0x16C00] =	vst v63  }
0x273: {  	s26 =	sadd.s32 $0x40, s23;
	s28 =	simm.s32 $0x121A0  }
0x274: {  	[hbm4b:s26+s3] =	stream.linear.scatter [tilespmem:s28], [sflag:$0x2], $0x80, $0x38;
	[tilespmem:$0x16C00] =	vst v63  }
0x275: {  	s29 =	sadd.s32 $0x50, s23;
	s30 =	simm.s32 $0x12228  }
0x276: {  	[hbm4b:s29+s3] =	stream.linear.scatter [tilespmem:s30], [sflag:$0x2], $0x80, $0x38;
	[tilespmem:$0x16C00] =	vst v63  }
0x277: {  	s28 =	sadd.s32 $0x60, s23;
	s29 =	simm.s32 $0x122B0  }
0x278: {  	[hbm4b:s28+s3] =	stream.linear.scatter [tilespmem:s29], [sflag:$0x2], $0x80, $0x38;
	[tilespmem:$0x16C00] =	vst v63  }
0x279: {  	s23 =	sadd.s32 $0x70, s23;
	s30 =	simm.s32 $0x12338  }
0x27a: {  	[hbm4b:s23+s3] =	stream.linear.scatter [tilespmem:s30], [sflag:$0x2], $0x80, $0x38;
	[tilespmem:$0x16C00] =	vst v63  }
0x27b: {  	s25 =	simm.s32 $0x123C0;
	s22 =	sadd.s32 $0x1C000, s22  }
0x27c: {  	[hbm4b:s22+s3] =	stream.linear.scatter [tilespmem:s25], [sflag:$0x2], $0x80, $0x38;
	[tilespmem:$0x16C00] =	vst v63  }
0x27d: {  	s26 =	sadd.s32 $0x10, s22;
	s28 =	simm.s32 $0x12448  }
0x27e: {  	[hbm4b:s26+s3] =	stream.linear.scatter [tilespmem:s28], [sflag:$0x2], $0x80, $0x38;
	[tilespmem:$0x16C00] =	vst v63  }
0x27f: {  	s29 =	sadd.s32 $0x20, s22;
	s30 =	simm.s32 $0x124D0  }
0x280: {  	[hbm4b:s29+s3] =	stream.linear.scatter [tilespmem:s30], [sflag:$0x2], $0x80, $0x38;
	[tilespmem:$0x16C00] =	vst v63  }
0x281: {  	s26 =	sadd.s32 $0x30, s22;
	s28 =	simm.s32 $0x12558  }
0x282: {  	[hbm4b:s26+s3] =	stream.linear.scatter [tilespmem:s28], [sflag:$0x2], $0x80, $0x38;
	[tilespmem:$0x16C00] =	vst v63  }
0x283: {  	s29 =	sadd.s32 $0x40, s22;
	s30 =	simm.s32 $0x125E0  }
0x284: {  	[hbm4b:s29+s3] =	stream.linear.scatter [tilespmem:s30], [sflag:$0x2], $0x80, $0x38;
	[tilespmem:$0x16C00] =	vst v63  }
0x285: {  	p1 =	sne.s32 s17, $0x31;
	s25 =	sadd.s32 $0x50, s22;
	s26 =	simm.s32 $0x12668  }
0x286: {  	[hbm4b:s25+s3] =	stream.linear.scatter [tilespmem:s26], [sflag:$0x2], $0x80, $0x38;
	[tilespmem:$0x16C00] =	vst v63  }
.Ltmp3:
0x287: {  	_ = 	snop;
	(pc) =	sbr.rel @p1 .LBB2_6-.Ltmp3, $4  }
0x288: {  	s28 =	sadd.s32 $0x60, s22;
	s29 =	simm.s32 $0x126F0  }
0x289: {  	[hbm4b:s28+s3] =	stream.linear.scatter [tilespmem:s29], [sflag:$0x2], $0x80, $0x38;
	[tilespmem:$0x16C00] =	vst v63  }
0x28a: {  	s22 =	sadd.s32 $0x70, s22;
	s30 =	simm.s32 $0x12778  }
0x28b: {  	[hbm4b:s22+s3] =	stream.linear.scatter [tilespmem:s30], [sflag:$0x2], $0x80, $0x38;
	[tilespmem:$0x16C00] =	vst v63  }
.Ltmp4:
0x28c: {  	(pc) =	sbr.rel .LBB2_7-.Ltmp4, $4  }
0x28d: {  	_ = 	snop  }
0x28e: {  	_ =	swait.ge [sflag:s24], $0x4000  }
0x28f: {  	[sflag:s24] =	ssyncset.done $0x0  }
0x290: {  	[sflag:s24] =	ssyncadd.s32 $0xFFFFC000  }
.LBB2_6:
0x291: {  	s22 =	sshll.u32 s17, $0x9  }
0x292: {  	s22 =	sand.u32 $0x3FFFFE00, s22  }
.Ltmp5:
0x293: {  	s23 =	simm.s32 $0x6400;
	s22 =	sadd.s32 $0x200, s22;
	(pc) =	sbr.rel @p0 .LBB2_8-.Ltmp5, $4  }
0x294: {  	[tilespmem:s23], [sflag:$0x1] =	stream.indirect.gather [hbm4b:s4+s21], $0x40, s22, s21, $0xb8;
	[tilespmem:$0x16C00] =	vst v63  }
0x295: {  	_ =	swait.ge [sflag:s24], $0x4000  }
0x296: {  	[sflag:s24] =	ssyncset.done $0x0  }
0x297: {  	[sflag:s24] =	ssyncadd.s32 $0xFFFFC000  }
.LBB2_7:
0x298: {  	_ =	swait.ge [sflag:s18], $0x400  }
0x299: {  	[sflag:s18] =	ssyncset.done $0x0  }
0x29a: {  	[sflag:s18] =	ssyncadd.s32 $0xFFFFFC00  }
0x29b: {  	_ =	swait.ge [sflag:s18], $0x400  }
0x29c: {  	[sflag:s18] =	ssyncset.done $0x0  }
0x29d: {  	[sflag:s18] =	ssyncadd.s32 $0xFFFFFC00  }
0x29e: {  	_ =	swait.ge [sflag:s18], $0x400  }
0x29f: {  	[sflag:s18] =	ssyncset.done $0x0  }
0x2a0: {  	[sflag:s18] =	ssyncadd.s32 $0xFFFFFC00  }
0x2a1: {  	_ =	swait.ge [sflag:s18], $0x400  }
0x2a2: {  	[sflag:s18] =	ssyncset.done $0x0  }
0x2a3: {  	[sflag:s18] =	ssyncadd.s32 $0xFFFFFC00  }
0x2a4: {  	_ =	swait.ge [sflag:s18], $0x400  }
0x2a5: {  	[sflag:s18] =	ssyncset.done $0x0  }
0x2a6: {  	[sflag:s18] =	ssyncadd.s32 $0xFFFFFC00  }
0x2a7: {  	_ =	swait.ge [sflag:s18], $0x400  }
0x2a8: {  	[sflag:s18] =	ssyncset.done $0x0  }
0x2a9: {  	[sflag:s18] =	ssyncadd.s32 $0xFFFFFC00  }
0x2aa: {  	_ =	swait.ge [sflag:s18], $0x400  }
0x2ab: {  	[sflag:s18] =	ssyncset.done $0x0  }
0x2ac: {  	[sflag:s18] =	ssyncadd.s32 $0xFFFFFC00  }
0x2ad: {  	_ =	swait.ge [sflag:s18], $0x400  }
0x2ae: {  	[sflag:s18] =	ssyncset.done $0x0  }
0x2af: {  	[sflag:s18] =	ssyncadd.s32 $0xFFFFFC00  }
0x2b0: {  	_ =	swait.ge [sflag:s18], $0x400  }
0x2b1: {  	[sflag:s18] =	ssyncset.done $0x0  }
0x2b2: {  	[sflag:s18] =	ssyncadd.s32 $0xFFFFFC00  }
0x2b3: {  	_ =	swait.ge [sflag:s18], $0x400  }
0x2b4: {  	[sflag:s18] =	ssyncset.done $0x0  }
0x2b5: {  	[sflag:s18] =	ssyncadd.s32 $0xFFFFFC00  }
0x2b6: {  	_ =	swait.ge [sflag:s18], $0x400  }
0x2b7: {  	[sflag:s18] =	ssyncset.done $0x0  }
0x2b8: {  	[sflag:s18] =	ssyncadd.s32 $0xFFFFFC00  }
0x2b9: {  	_ =	swait.ge [sflag:s18], $0x400  }
0x2ba: {  	[sflag:s18] =	ssyncset.done $0x0  }
0x2bb: {  	[sflag:s18] =	ssyncadd.s32 $0xFFFFFC00  }
0x2bc: {  	_ =	swait.ge [sflag:s18], $0x400  }
0x2bd: {  	[sflag:s18] =	ssyncset.done $0x0  }
0x2be: {  	[sflag:s18] =	ssyncadd.s32 $0xFFFFFC00  }
0x2bf: {  	_ =	swait.ge [sflag:s18], $0x400  }
0x2c0: {  	[sflag:s18] =	ssyncset.done $0x0  }
0x2c1: {  	[sflag:s18] =	ssyncadd.s32 $0xFFFFFC00  }
0x2c2: {  	_ =	swait.ge [sflag:s18], $0x400  }
0x2c3: {  	[sflag:s18] =	ssyncset.done $0x0  }
0x2c4: {  	[sflag:s18] =	ssyncadd.s32 $0xFFFFFC00  }
0x2c5: {  	_ =	swait.ge [sflag:s18], $0x400  }
0x2c6: {  	[sflag:s18] =	ssyncset.done $0x0  }
0x2c7: {  	[sflag:s18] =	ssyncadd.s32 $0xFFFFFC00  }
.LBB2_8:
0x2c8: {  	s22 =	simm.s32 $0x0  }
0x2c9: {  	s23 =	sand.u32 $0x78, s22  }
0x2ca: {  	v33 =	vmov s23  }
0x2cb: {  	v33 =	vshrl.u32 v33, $0x3  }
0x2cc: {  	v33 =	vshll.u32 v33, v1  }
0x2cd: {  	v33 =	vbroadcast v33, $0x0  }
0x2ce: {  	s23 =	simm.s32 $0x0  }
0x2cf: {  	v34 =	vld [tilespmem:s23+$0xA400];
	v35 =	vadd.s32 v0, v33  }
0x2d0: {  	s25 =	simm.s32 $0x0;
	v36 =	vld [tilespmem:s23+$0xA410];
	v37 =	vadd.s32 v2, v33  }
0x2d1: {  	s26 =	simm.s32 $0x1;
	s25 =	smul.u32 $0x8800, s25;
	v38 =	vld [tilespmem:s23+$0xA420];
	v39 =	vadd.s32 v3, v33  }
0x2d2: {  	s28 =	sand.u32 $0x78, s26;
	v40 =	vld [tilespmem:s23+$0xA430];
	v33 =	vadd.s32 v4, v33  }
0x2d3: {  	v41 =	vmov s28;
	s26 =	sshra.s32 s25, $0x2  }
0x2d4: {  	v47 =	vshrl.u32 v41, $0x3;
	[tilespmem:v35+s26+$0x12800] =	vst.idx.msk $0xffff, v34  }
0x2d5: {  	v34 =	vshll.u32 v47, v1;
	[tilespmem:v37+s26+$0x12800] =	vst.idx.msk $0xffff, v36  }
0x2d6: {  	v34 =	vbroadcast v34, $0x0;
	[tilespmem:v39+s26+$0x12800] =	vst.idx.msk $0xffff, v38  }
0x2d7: {  	[tilespmem:v33+s26+$0x12800] =	vst.idx.msk $0xffff, v40  }
0x2d8: {  	v48 =	vadd.s32 v5, v34;
	v33 =	vld [tilespmem:s23+$0xA440]  }
0x2d9: {  	v49 =	vadd.s32 v6, v34;
	v36 =	vld [tilespmem:s23+$0xA450]  }
0x2da: {  	s29 =	simm.s32 $0x2;
	v50 =	vadd.s32 v7, v34;
	v38 =	vld [tilespmem:s23+$0xA460]  }
0x2db: {  	s25 =	sand.u32 $0x78, s29;
	v34 =	vadd.s32 v8, v34;
	v40 =	vld [tilespmem:s23+$0xA470]  }
0x2dc: {  	v51 =	vmov s25  }
0x2dd: {  	v52 =	vshrl.u32 v51, $0x3;
	[tilespmem:v48+s26+$0x12800] =	vst.idx.msk $0xffff, v33  }
0x2de: {  	v33 =	vshll.u32 v52, v1;
	[tilespmem:v49+s26+$0x12800] =	vst.idx.msk $0xffff, v36  }
0x2df: {  	v33 =	vbroadcast v33, $0x0;
	[tilespmem:v50+s26+$0x12800] =	vst.idx.msk $0xffff, v38  }
0x2e0: {  	[tilespmem:v34+s26+$0x12800] =	vst.idx.msk $0xffff, v40  }
0x2e1: {  	v53 =	vadd.s32 v9, v33;
	v34 =	vld [tilespmem:s23+$0xA480]  }
0x2e2: {  	v54 =	vadd.s32 v10, v33;
	v36 =	vld [tilespmem:s23+$0xA490]  }
0x2e3: {  	s30 =	simm.s32 $0x3;
	v55 =	vadd.s32 v11, v33;
	v38 =	vld [tilespmem:s23+$0xA4A0]  }
0x2e4: {  	s25 =	sand.u32 $0x78, s30;
	v33 =	vadd.s32 v12, v33;
	v40 =	vld [tilespmem:s23+$0xA4B0]  }
0x2e5: {  	v56 =	vmov s25  }
0x2e6: {  	v57 =	vshrl.u32 v56, $0x3;
	[tilespmem:v53+s26+$0x12800] =	vst.idx.msk $0xffff, v34  }
0x2e7: {  	v34 =	vshll.u32 v57, v1;
	[tilespmem:v54+s26+$0x12800] =	vst.idx.msk $0xffff, v36  }
0x2e8: {  	v34 =	vbroadcast v34, $0x0;
	[tilespmem:v55+s26+$0x12800] =	vst.idx.msk $0xffff, v38  }
0x2e9: {  	[tilespmem:v33+s26+$0x12800] =	vst.idx.msk $0xffff, v40  }
0x2ea: {  	v58 =	vadd.s32 v13, v34;
	v33 =	vld [tilespmem:s23+$0xA4C0]  }
0x2eb: {  	v59 =	vadd.s32 v14, v34;
	v36 =	vld [tilespmem:s23+$0xA4D0]  }
0x2ec: {  	s29 =	simm.s32 $0x4;
	v60 =	vadd.s32 v15, v34;
	v38 =	vld [tilespmem:s23+$0xA4E0]  }
0x2ed: {  	s25 =	sand.u32 $0x78, s29;
	v34 =	vadd.s32 v16, v34;
	v40 =	vld [tilespmem:s23+$0xA4F0]  }
0x2ee: {  	v61 =	vmov s25  }
0x2ef: {  	v62 =	vshrl.u32 v61, $0x3;
	[tilespmem:v58+s26+$0x12800] =	vst.idx.msk $0xffff, v33  }
0x2f0: {  	v33 =	vshll.u32 v62, v1;
	[tilespmem:v59+s26+$0x12800] =	vst.idx.msk $0xffff, v36  }
0x2f1: {  	v33 =	vbroadcast v33, $0x0;
	[tilespmem:v60+s26+$0x12800] =	vst.idx.msk $0xffff, v38  }
0x2f2: {  	[tilespmem:v34+s26+$0x12800] =	vst.idx.msk $0xffff, v40  }
0x2f3: {  	v63 =	vadd.s32 v17, v33;
	v34 =	vld [tilespmem:s23+$0xA500]  }
0x2f4: {  	v44 =	vadd.s32 v18, v33;
	v36 =	vld [tilespmem:s23+$0xA510]  }
0x2f5: {  	s30 =	simm.s32 $0x5;
	v45 =	vadd.s32 v19, v33;
	v38 =	vld [tilespmem:s23+$0xA520]  }
0x2f6: {  	s25 =	sand.u32 $0x78, s30;
	v33 =	vadd.s32 v20, v33;
	v40 =	vld [tilespmem:s23+$0xA530]  }
0x2f7: {  	v46 =	vmov s25  }
0x2f8: {  	v47 =	vshrl.u32 v46, $0x3;
	[tilespmem:v63+s26+$0x12800] =	vst.idx.msk $0xffff, v34  }
0x2f9: {  	v34 =	vshll.u32 v47, v1;
	[tilespmem:v44+s26+$0x12800] =	vst.idx.msk $0xffff, v36  }
0x2fa: {  	v34 =	vbroadcast v34, $0x0;
	[tilespmem:v45+s26+$0x12800] =	vst.idx.msk $0xffff, v38  }
0x2fb: {  	[tilespmem:v33+s26+$0x12800] =	vst.idx.msk $0xffff, v40  }
0x2fc: {  	v48 =	vadd.s32 v21, v34;
	v33 =	vld [tilespmem:s23+$0xA540]  }
0x2fd: {  	v49 =	vadd.s32 v22, v34;
	v36 =	vld [tilespmem:s23+$0xA550]  }
0x2fe: {  	s29 =	simm.s32 $0x6;
	v50 =	vadd.s32 v23, v34;
	v38 =	vld [tilespmem:s23+$0xA560]  }
0x2ff: {  	s25 =	sand.u32 $0x78, s29;
	v34 =	vadd.s32 v24, v34;
	v40 =	vld [tilespmem:s23+$0xA570]  }
0x300: {  	v51 =	vmov s25  }
0x301: {  	v52 =	vshrl.u32 v51, $0x3;
	[tilespmem:v48+s26+$0x12800] =	vst.idx.msk $0xffff, v33  }
0x302: {  	v33 =	vshll.u32 v52, v1;
	[tilespmem:v49+s26+$0x12800] =	vst.idx.msk $0xffff, v36  }
0x303: {  	v33 =	vbroadcast v33, $0x0;
	[tilespmem:v50+s26+$0x12800] =	vst.idx.msk $0xffff, v38  }
0x304: {  	[tilespmem:v34+s26+$0x12800] =	vst.idx.msk $0xffff, v40  }
0x305: {  	v53 =	vadd.s32 v25, v33;
	v34 =	vld [tilespmem:s23+$0xA580]  }
0x306: {  	v54 =	vadd.s32 v26, v33;
	v36 =	vld [tilespmem:s23+$0xA590]  }
0x307: {  	s30 =	simm.s32 $0x7;
	v55 =	vadd.s32 v27, v33;
	v38 =	vld [tilespmem:s23+$0xA5A0]  }
0x308: {  	s25 =	sand.u32 $0x78, s30;
	v33 =	vadd.s32 v28, v33;
	v40 =	vld [tilespmem:s23+$0xA5B0]  }
0x309: {  	v56 =	vmov s25  }
0x30a: {  	v57 =	vshrl.u32 v56, $0x3;
	[tilespmem:v53+s26+$0x12800] =	vst.idx.msk $0xffff, v34  }
0x30b: {  	v34 =	vshll.u32 v57, v1;
	[tilespmem:v54+s26+$0x12800] =	vst.idx.msk $0xffff, v36  }
0x30c: {  	v58 =	vbroadcast v34, $0x0;
	[tilespmem:v55+s26+$0x12800] =	vst.idx.msk $0xffff, v38  }
0x30d: {  	[tilespmem:v33+s26+$0x12800] =	vst.idx.msk $0xffff, v40  }
0x30e: {  	v59 =	vadd.s32 v29, v58;
	v33 =	vld [tilespmem:s23+$0xA5C0]  }
0x30f: {  	v60 =	vadd.s32 v30, v58;
	v37 =	vld [tilespmem:s23+$0xA5D0]  }
0x310: {  	s25 =	simm.s32 $0x8;
	v61 =	vadd.s32 v31, v58;
	v39 =	vld [tilespmem:s23+$0xA5E0]  }
0x311: {  	s28 =	sand.u32 $0x78, s25  }
0x312: {  	v62 =	vmov s28;
	v35 =	vadd.s32 v32, v58;
	v34 =	vld [tilespmem:s23+$0xA5F0]  }
0x313: {  	v41 =	vshrl.u32 v62, $0x3;
	[tilespmem:v59+s26+$0x12800] =	vst.idx.msk $0xffff, v33  }
0x314: {  	v63 =	vshll.u32 v41, v1;
	[tilespmem:v60+s26+$0x12800] =	vst.idx.msk $0xffff, v37  }
0x315: {  	s28 =	simm.s32 $0x1000;
	s23 =	simm.s32 $0x200;
	v33 =	vbroadcast v63, $0x0;
	[tilespmem:v61+s26+$0x12800] =	vst.idx.msk $0xffff, v39  }
.LBB2_9:
0x316: {  	s29 =	sshra.s32 s28, $0x2  }
0x317: {  	[tilespmem:v35+s26+$0x12800] =	vst.idx.msk $0xffff, v34;
	s22 =	sadd.s32 $0x1, s22;
	s26 =	smov.u32 s28;
	s30 =	sadd.s32 $0x800, s28  }
0x318: {  	p0 =	sne.s32 s28, $0xF800;
	v34 =	vld [tilespmem:s23+$0xA400];
	v35 =	vadd.s32 v0, v33  }
0x319: {  	s26 =	sshrl.u32 s22, $0x4;
	v37 =	vadd.s32 v2, v33;
	v36 =	vld [tilespmem:s23+$0xA410]  }
0x31a: {  	s28 =	sadd.s32 $0x1, s25;
	v39 =	vadd.s32 v3, v33;
	s26 =	smul.u32 $0x8800, s26;
	v38 =	vld [tilespmem:s23+$0xA420]  }
0x31b: {  	v33 =	vadd.s32 v4, v33;
	s28 =	sand.u32 $0x78, s28;
	v40 =	vld [tilespmem:s23+$0xA430]  }
0x31c: {  	v41 =	vmov s28;
	s26 =	sshra.s32 s26, $0x2  }
0x31d: {  	[tilespmem:v35+s26+$0x12800] =	vst.idx.msk $0xffff, v34;
	v34 =	vshrl.u32 v41, $0x3  }
0x31e: {  	[tilespmem:v37+s26+$0x12800] =	vst.idx.msk $0xffff, v36;
	v34 =	vshll.u32 v34, v1  }
0x31f: {  	[tilespmem:v39+s26+$0x12800] =	vst.idx.msk $0xffff, v38;
	v34 =	vbroadcast v34, $0x0  }
0x320: {  	[tilespmem:v33+s26+$0x12800] =	vst.idx.msk $0xffff, v40  }
0x321: {  	v33 =	vld [tilespmem:s23+$0xA440];
	v35 =	vadd.s32 v5, v34  }
0x322: {  	v37 =	vadd.s32 v6, v34;
	v36 =	vld [tilespmem:s23+$0xA450]  }
0x323: {  	s28 =	sadd.s32 $0x2, s25;
	v39 =	vadd.s32 v7, v34;
	v38 =	vld [tilespmem:s23+$0xA460]  }
0x324: {  	s28 =	sand.u32 $0x78, s28;
	v34 =	vadd.s32 v8, v34;
	v40 =	vld [tilespmem:s23+$0xA470]  }
0x325: {  	v41 =	vmov s28  }
0x326: {  	[tilespmem:v35+s26+$0x12800] =	vst.idx.msk $0xffff, v33;
	v33 =	vshrl.u32 v41, $0x3  }
0x327: {  	[tilespmem:v37+s26+$0x12800] =	vst.idx.msk $0xffff, v36;
	v33 =	vshll.u32 v33, v1  }
0x328: {  	[tilespmem:v39+s26+$0x12800] =	vst.idx.msk $0xffff, v38;
	v33 =	vbroadcast v33, $0x0  }
0x329: {  	[tilespmem:v34+s26+$0x12800] =	vst.idx.msk $0xffff, v40  }
0x32a: {  	v34 =	vld [tilespmem:s23+$0xA480];
	v35 =	vadd.s32 v9, v33  }
0x32b: {  	v37 =	vadd.s32 v10, v33;
	v36 =	vld [tilespmem:s23+$0xA490]  }
0x32c: {  	s28 =	sadd.s32 $0x3, s25;
	v39 =	vadd.s32 v11, v33;
	v38 =	vld [tilespmem:s23+$0xA4A0]  }
0x32d: {  	s28 =	sand.u32 $0x78, s28;
	v33 =	vadd.s32 v12, v33;
	v40 =	vld [tilespmem:s23+$0xA4B0]  }
0x32e: {  	v41 =	vmov s28  }
0x32f: {  	[tilespmem:v35+s26+$0x12800] =	vst.idx.msk $0xffff, v34;
	v34 =	vshrl.u32 v41, $0x3  }
0x330: {  	[tilespmem:v37+s26+$0x12800] =	vst.idx.msk $0xffff, v36;
	v34 =	vshll.u32 v34, v1  }
0x331: {  	[tilespmem:v39+s26+$0x12800] =	vst.idx.msk $0xffff, v38;
	v34 =	vbroadcast v34, $0x0  }
0x332: {  	[tilespmem:v33+s26+$0x12800] =	vst.idx.msk $0xffff, v40  }
0x333: {  	v33 =	vld [tilespmem:s23+$0xA4C0];
	v35 =	vadd.s32 v13, v34  }
0x334: {  	v37 =	vadd.s32 v14, v34;
	v36 =	vld [tilespmem:s23+$0xA4D0]  }
0x335: {  	s28 =	sadd.s32 $0x4, s25;
	v39 =	vadd.s32 v15, v34;
	v38 =	vld [tilespmem:s23+$0xA4E0]  }
0x336: {  	s28 =	sand.u32 $0x78, s28;
	v34 =	vadd.s32 v16, v34;
	v40 =	vld [tilespmem:s23+$0xA4F0]  }
0x337: {  	v41 =	vmov s28  }
0x338: {  	[tilespmem:v35+s26+$0x12800] =	vst.idx.msk $0xffff, v33;
	v33 =	vshrl.u32 v41, $0x3  }
0x339: {  	[tilespmem:v37+s26+$0x12800] =	vst.idx.msk $0xffff, v36;
	v33 =	vshll.u32 v33, v1  }
0x33a: {  	[tilespmem:v39+s26+$0x12800] =	vst.idx.msk $0xffff, v38;
	v33 =	vbroadcast v33, $0x0  }
0x33b: {  	[tilespmem:v34+s26+$0x12800] =	vst.idx.msk $0xffff, v40  }
0x33c: {  	v34 =	vld [tilespmem:s23+$0xA500];
	v35 =	vadd.s32 v17, v33  }
0x33d: {  	v37 =	vadd.s32 v18, v33;
	v36 =	vld [tilespmem:s23+$0xA510]  }
0x33e: {  	s28 =	sadd.s32 $0x5, s25;
	v39 =	vadd.s32 v19, v33;
	v38 =	vld [tilespmem:s23+$0xA520]  }
0x33f: {  	s28 =	sand.u32 $0x78, s28;
	v33 =	vadd.s32 v20, v33;
	v40 =	vld [tilespmem:s23+$0xA530]  }
0x340: {  	v41 =	vmov s28  }
0x341: {  	[tilespmem:v35+s26+$0x12800] =	vst.idx.msk $0xffff, v34;
	v34 =	vshrl.u32 v41, $0x3  }
0x342: {  	[tilespmem:v37+s26+$0x12800] =	vst.idx.msk $0xffff, v36;
	v34 =	vshll.u32 v34, v1  }
0x343: {  	[tilespmem:v39+s26+$0x12800] =	vst.idx.msk $0xffff, v38;
	v34 =	vbroadcast v34, $0x0  }
0x344: {  	[tilespmem:v33+s26+$0x12800] =	vst.idx.msk $0xffff, v40  }
0x345: {  	v33 =	vld [tilespmem:s23+$0xA540];
	v35 =	vadd.s32 v21, v34  }
0x346: {  	v37 =	vadd.s32 v22, v34;
	v36 =	vld [tilespmem:s23+$0xA550]  }
0x347: {  	s28 =	sadd.s32 $0x6, s25;
	v39 =	vadd.s32 v23, v34;
	v38 =	vld [tilespmem:s23+$0xA560]  }
0x348: {  	s28 =	sand.u32 $0x78, s28;
	v34 =	vadd.s32 v24, v34;
	v40 =	vld [tilespmem:s23+$0xA570]  }
0x349: {  	v41 =	vmov s28  }
0x34a: {  	[tilespmem:v35+s26+$0x12800] =	vst.idx.msk $0xffff, v33;
	v33 =	vshrl.u32 v41, $0x3  }
0x34b: {  	[tilespmem:v37+s26+$0x12800] =	vst.idx.msk $0xffff, v36;
	v33 =	vshll.u32 v33, v1  }
0x34c: {  	[tilespmem:v39+s26+$0x12800] =	vst.idx.msk $0xffff, v38;
	v33 =	vbroadcast v33, $0x0  }
0x34d: {  	[tilespmem:v34+s26+$0x12800] =	vst.idx.msk $0xffff, v40  }
0x34e: {  	v34 =	vld [tilespmem:s23+$0xA580];
	v35 =	vadd.s32 v25, v33  }
0x34f: {  	v37 =	vadd.s32 v26, v33;
	v36 =	vld [tilespmem:s23+$0xA590]  }
0x350: {  	s28 =	sadd.s32 $0x7, s25;
	v39 =	vadd.s32 v27, v33;
	v38 =	vld [tilespmem:s23+$0xA5A0]  }
0x351: {  	s28 =	sand.u32 $0x78, s28;
	v33 =	vadd.s32 v28, v33;
	v40 =	vld [tilespmem:s23+$0xA5B0]  }
0x352: {  	v41 =	vmov s28  }
0x353: {  	[tilespmem:v35+s26+$0x12800] =	vst.idx.msk $0xffff, v34;
	v34 =	vshrl.u32 v41, $0x3  }
0x354: {  	[tilespmem:v37+s26+$0x12800] =	vst.idx.msk $0xffff, v36;
	v34 =	vshll.u32 v34, v1  }
0x355: {  	[tilespmem:v39+s26+$0x12800] =	vst.idx.msk $0xffff, v38;
	v35 =	vbroadcast v34, $0x0  }
0x356: {  	[tilespmem:v33+s26+$0x12800] =	vst.idx.msk $0xffff, v40  }
0x357: {  	v33 =	vld [tilespmem:s23+$0xA5C0];
	v36 =	vadd.s32 v29, v35  }
0x358: {  	v38 =	vadd.s32 v30, v35;
	v37 =	vld [tilespmem:s23+$0xA5D0]  }
0x359: {  	s25 =	sadd.s32 $0x8, s25;
	v40 =	vadd.s32 v31, v35;
	v39 =	vld [tilespmem:s23+$0xA5E0]  }
.Ltmp6:
0x35a: {  	s28 =	sand.u32 $0x78, s25;
	v35 =	vadd.s32 v32, v35;
	v34 =	vld [tilespmem:s23+$0xA5F0];
	s23 =	smov.u32 s29;
	(pc) =	sbr.rel @p0 .LBB2_9-.Ltmp6, $4  }
0x35b: {  	v41 =	vmov s28  }
0x35c: {  	v41 =	vshrl.u32 v41, $0x3;
	[tilespmem:v36+s26+$0x12800] =	vst.idx.msk $0xffff, v33  }
0x35d: {  	v33 =	vshll.u32 v41, v1;
	[tilespmem:v38+s26+$0x12800] =	vst.idx.msk $0xffff, v37  }
0x35e: {  	s28 =	smov.u32 s30;
	v33 =	vbroadcast v33, $0x0;
	[tilespmem:v40+s26+$0x12800] =	vst.idx.msk $0xffff, v39  }
0x35f: {  	_ =	sdelay $0x3  }
0x360: {  	[tilespmem:v35+s26+$0x12800] =	vst.idx.msk $0xffff, v34  }
0x361: {  	s22 =	sadd.s32 $0x1, s22;
	v34 =	vld [tilespmem:s23+$0xA400];
	v48 =	vadd.s32 v0, v33  }
0x362: {  	s22 =	sshrl.u32 s22, $0x4;
	v36 =	vld [tilespmem:s23+$0xA410];
	v37 =	vadd.s32 v2, v33  }
0x363: {  	s30 =	sadd.s32 $0x1, s25;
	v38 =	vld [tilespmem:s23+$0xA420];
	v39 =	vadd.s32 v3, v33;
	s22 =	smul.u32 $0x8800, s22  }
0x364: {  	v40 =	vld [tilespmem:s23+$0xA430];
	v49 =	vadd.s32 v4, v33;
	s26 =	sand.u32 $0x78, s30  }
0x365: {  	v41 =	vmov s26;
	s22 =	sshra.s32 s22, $0x2  }
0x366: {  	v50 =	vshrl.u32 v41, $0x3;
	[tilespmem:v48+s22+$0x12800] =	vst.idx.msk $0xffff, v34  }
0x367: {  	v34 =	vshll.u32 v50, v1;
	[tilespmem:v37+s22+$0x12800] =	vst.idx.msk $0xffff, v36  }
0x368: {  	v34 =	vbroadcast v34, $0x0;
	[tilespmem:v39+s22+$0x12800] =	vst.idx.msk $0xffff, v38  }
0x369: {  	[tilespmem:v49+s22+$0x12800] =	vst.idx.msk $0xffff, v40  }
0x36a: {  	v51 =	vadd.s32 v5, v34;
	v33 =	vld [tilespmem:s23+$0xA440]  }
0x36b: {  	v52 =	vadd.s32 v6, v34;
	v36 =	vld [tilespmem:s23+$0xA450]  }
0x36c: {  	s28 =	sadd.s32 $0x2, s25;
	v53 =	vadd.s32 v7, v34;
	v38 =	vld [tilespmem:s23+$0xA460]  }
0x36d: {  	s26 =	sand.u32 $0x78, s28;
	v34 =	vadd.s32 v8, v34;
	v40 =	vld [tilespmem:s23+$0xA470]  }
0x36e: {  	v54 =	vmov s26  }
0x36f: {  	v55 =	vshrl.u32 v54, $0x3;
	[tilespmem:v51+s22+$0x12800] =	vst.idx.msk $0xffff, v33  }
0x370: {  	v33 =	vshll.u32 v55, v1;
	[tilespmem:v52+s22+$0x12800] =	vst.idx.msk $0xffff, v36  }
0x371: {  	v33 =	vbroadcast v33, $0x0;
	[tilespmem:v53+s22+$0x12800] =	vst.idx.msk $0xffff, v38  }
0x372: {  	[tilespmem:v34+s22+$0x12800] =	vst.idx.msk $0xffff, v40  }
0x373: {  	v56 =	vadd.s32 v9, v33;
	v34 =	vld [tilespmem:s23+$0xA480]  }
0x374: {  	v57 =	vadd.s32 v10, v33;
	v36 =	vld [tilespmem:s23+$0xA490]  }
0x375: {  	s29 =	sadd.s32 $0x3, s25;
	v58 =	vadd.s32 v11, v33;
	v38 =	vld [tilespmem:s23+$0xA4A0]  }
0x376: {  	s26 =	sand.u32 $0x78, s29;
	v33 =	vadd.s32 v12, v33;
	v40 =	vld [tilespmem:s23+$0xA4B0]  }
0x377: {  	v59 =	vmov s26  }
0x378: {  	v60 =	vshrl.u32 v59, $0x3;
	[tilespmem:v56+s22+$0x12800] =	vst.idx.msk $0xffff, v34  }
0x379: {  	v34 =	vshll.u32 v60, v1;
	[tilespmem:v57+s22+$0x12800] =	vst.idx.msk $0xffff, v36  }
0x37a: {  	v34 =	vbroadcast v34, $0x0;
	[tilespmem:v58+s22+$0x12800] =	vst.idx.msk $0xffff, v38  }
0x37b: {  	[tilespmem:v33+s22+$0x12800] =	vst.idx.msk $0xffff, v40  }
0x37c: {  	v61 =	vadd.s32 v13, v34;
	v33 =	vld [tilespmem:s23+$0xA4C0]  }
0x37d: {  	v62 =	vadd.s32 v14, v34;
	v36 =	vld [tilespmem:s23+$0xA4D0]  }
0x37e: {  	s30 =	sadd.s32 $0x4, s25;
	v63 =	vadd.s32 v15, v34;
	v38 =	vld [tilespmem:s23+$0xA4E0]  }
0x37f: {  	s26 =	sand.u32 $0x78, s30;
	v34 =	vadd.s32 v16, v34;
	v40 =	vld [tilespmem:s23+$0xA4F0]  }
0x380: {  	v44 =	vmov s26  }
0x381: {  	v45 =	vshrl.u32 v44, $0x3;
	[tilespmem:v61+s22+$0x12800] =	vst.idx.msk $0xffff, v33  }
0x382: {  	v33 =	vshll.u32 v45, v1;
	[tilespmem:v62+s22+$0x12800] =	vst.idx.msk $0xffff, v36  }
0x383: {  	v33 =	vbroadcast v33, $0x0;
	[tilespmem:v63+s22+$0x12800] =	vst.idx.msk $0xffff, v38  }
0x384: {  	[tilespmem:v34+s22+$0x12800] =	vst.idx.msk $0xffff, v40  }
0x385: {  	v46 =	vadd.s32 v17, v33;
	v34 =	vld [tilespmem:s23+$0xA500]  }
0x386: {  	v47 =	vadd.s32 v18, v33;
	v36 =	vld [tilespmem:s23+$0xA510]  }
0x387: {  	s28 =	sadd.s32 $0x5, s25;
	v48 =	vadd.s32 v19, v33;
	v38 =	vld [tilespmem:s23+$0xA520]  }
0x388: {  	s26 =	sand.u32 $0x78, s28;
	v33 =	vadd.s32 v20, v33;
	v40 =	vld [tilespmem:s23+$0xA530]  }
0x389: {  	v49 =	vmov s26  }
0x38a: {  	v50 =	vshrl.u32 v49, $0x3;
	[tilespmem:v46+s22+$0x12800] =	vst.idx.msk $0xffff, v34  }
0x38b: {  	v34 =	vshll.u32 v50, v1;
	[tilespmem:v47+s22+$0x12800] =	vst.idx.msk $0xffff, v36  }
0x38c: {  	v34 =	vbroadcast v34, $0x0;
	[tilespmem:v48+s22+$0x12800] =	vst.idx.msk $0xffff, v38  }
0x38d: {  	[tilespmem:v33+s22+$0x12800] =	vst.idx.msk $0xffff, v40  }
0x38e: {  	v51 =	vadd.s32 v21, v34;
	v33 =	vld [tilespmem:s23+$0xA540]  }
0x38f: {  	v52 =	vadd.s32 v22, v34;
	v36 =	vld [tilespmem:s23+$0xA550]  }
0x390: {  	s29 =	sadd.s32 $0x6, s25;
	v53 =	vadd.s32 v23, v34;
	v38 =	vld [tilespmem:s23+$0xA560]  }
0x391: {  	s26 =	sand.u32 $0x78, s29;
	v34 =	vadd.s32 v24, v34;
	v40 =	vld [tilespmem:s23+$0xA570]  }
0x392: {  	v54 =	vmov s26  }
0x393: {  	v55 =	vshrl.u32 v54, $0x3;
	[tilespmem:v51+s22+$0x12800] =	vst.idx.msk $0xffff, v33  }
0x394: {  	v33 =	vshll.u32 v55, v1;
	[tilespmem:v52+s22+$0x12800] =	vst.idx.msk $0xffff, v36  }
0x395: {  	v33 =	vbroadcast v33, $0x0;
	[tilespmem:v53+s22+$0x12800] =	vst.idx.msk $0xffff, v38  }
0x396: {  	[tilespmem:v34+s22+$0x12800] =	vst.idx.msk $0xffff, v40  }
0x397: {  	v56 =	vadd.s32 v25, v33;
	v34 =	vld [tilespmem:s23+$0xA580]  }
0x398: {  	v57 =	vadd.s32 v26, v33;
	v36 =	vld [tilespmem:s23+$0xA590]  }
0x399: {  	s30 =	sadd.s32 $0x7, s25;
	v58 =	vadd.s32 v27, v33;
	v38 =	vld [tilespmem:s23+$0xA5A0]  }
0x39a: {  	s25 =	sand.u32 $0x78, s30;
	v33 =	vadd.s32 v28, v33;
	v40 =	vld [tilespmem:s23+$0xA5B0]  }
0x39b: {  	v59 =	vmov s25  }
0x39c: {  	v60 =	vshrl.u32 v59, $0x3;
	[tilespmem:v56+s22+$0x12800] =	vst.idx.msk $0xffff, v34  }
0x39d: {  	v34 =	vshll.u32 v60, v1;
	[tilespmem:v57+s22+$0x12800] =	vst.idx.msk $0xffff, v36  }
0x39e: {  	v34 =	vbroadcast v34, $0x0;
	[tilespmem:v58+s22+$0x12800] =	vst.idx.msk $0xffff, v38  }
0x39f: {  	[tilespmem:v33+s22+$0x12800] =	vst.idx.msk $0xffff, v40  }
0x3a0: {  	v61 =	vadd.s32 v29, v34;
	v33 =	vld [tilespmem:s23+$0xA5C0]  }
0x3a1: {  	v62 =	vadd.s32 v30, v34;
	v36 =	vld [tilespmem:s23+$0xA5D0]  }
0x3a2: {  	v63 =	vadd.s32 v31, v34;
	v38 =	vld [tilespmem:s23+$0xA5E0]  }
0x3a3: {  	v34 =	vadd.s32 v32, v34;
	v40 =	vld [tilespmem:s23+$0xA5F0];
	_ =	sdelay $0x1  }
0x3a4: {  	[tilespmem:v61+s22+$0x12800] =	vst.idx.msk $0xffff, v33  }
0x3a5: {  	s26 =	sor.u32 s15, s20;
	[tilespmem:v62+s22+$0x12800] =	vst.idx.msk $0xffff, v36  }
0x3a6: {  	s23 =	sshrl.u32 s26, $0x3;
	[tilespmem:v63+s22+$0x12800] =	vst.idx.msk $0xffff, v38  }
0x3a7: {  	s28 =	simm.s32 $0x12800;
	[tilespmem:v34+s22+$0x12800] =	vst.idx.msk $0xffff, v40;
	s22 =	sadd.s32 s2, s23  }
0x3a8: {  	[hbm4b:s22+s3] =	stream.linear.scatter [tilespmem:s28], [sflag:$0x2], $0x80, $0x38;
	[tilespmem:$0x16C00] =	vst v63  }
0x3a9: {  	s30 =	simm.s32 $0x12888;
	s29 =	sadd.s32 $0x10, s22  }
0x3aa: {  	[hbm4b:s29+s3] =	stream.linear.scatter [tilespmem:s30], [sflag:$0x2], $0x80, $0x38;
	[tilespmem:$0x16C00] =	vst v63  }
0x3ab: {  	s26 =	sadd.s32 $0x20, s22;
	s28 =	simm.s32 $0x12910  }
0x3ac: {  	[hbm4b:s26+s3] =	stream.linear.scatter [tilespmem:s28], [sflag:$0x2], $0x80, $0x38;
	[tilespmem:$0x16C00] =	vst v63  }
0x3ad: {  	s29 =	sadd.s32 $0x30, s22;
	s30 =	simm.s32 $0x12998  }
0x3ae: {  	[hbm4b:s29+s3] =	stream.linear.scatter [tilespmem:s30], [sflag:$0x2], $0x80, $0x38;
	[tilespmem:$0x16C00] =	vst v63  }
0x3af: {  	s26 =	sadd.s32 $0x40, s22;
	s28 =	simm.s32 $0x12A20  }
0x3b0: {  	[hbm4b:s26+s3] =	stream.linear.scatter [tilespmem:s28], [sflag:$0x2], $0x80, $0x38;
	[tilespmem:$0x16C00] =	vst v63  }
0x3b1: {  	s29 =	sadd.s32 $0x50, s22;
	s30 =	simm.s32 $0x12AA8  }
0x3b2: {  	[hbm4b:s29+s3] =	stream.linear.scatter [tilespmem:s30], [sflag:$0x2], $0x80, $0x38;
	[tilespmem:$0x16C00] =	vst v63  }
0x3b3: {  	s28 =	sadd.s32 $0x60, s22;
	s29 =	simm.s32 $0x12B30  }
0x3b4: {  	[hbm4b:s28+s3] =	stream.linear.scatter [tilespmem:s29], [sflag:$0x2], $0x80, $0x38;
	[tilespmem:$0x16C00] =	vst v63  }
0x3b5: {  	s22 =	sadd.s32 $0x70, s22;
	s26 =	sor.u32 $0x4000, s23;
	s30 =	simm.s32 $0x12BB8  }
0x3b6: {  	[hbm4b:s22+s3] =	stream.linear.scatter [tilespmem:s30], [sflag:$0x2], $0x80, $0x38;
	[tilespmem:$0x16C00] =	vst v63  }
0x3b7: {  	s28 =	simm.s32 $0x12C40;
	s22 =	sadd.s32 s2, s26  }
0x3b8: {  	[hbm4b:s22+s3] =	stream.linear.scatter [tilespmem:s28], [sflag:$0x2], $0x80, $0x38;
	[tilespmem:$0x16C00] =	vst v63  }
0x3b9: {  	s30 =	simm.s32 $0x12CC8;
	s29 =	sadd.s32 $0x10, s22  }
0x3ba: {  	[hbm4b:s29+s3] =	stream.linear.scatter [tilespmem:s30], [sflag:$0x2], $0x80, $0x38;
	[tilespmem:$0x16C00] =	vst v63  }
0x3bb: {  	s26 =	sadd.s32 $0x20, s22;
	s28 =	simm.s32 $0x12D50  }
0x3bc: {  	[hbm4b:s26+s3] =	stream.linear.scatter [tilespmem:s28], [sflag:$0x2], $0x80, $0x38;
	[tilespmem:$0x16C00] =	vst v63  }
0x3bd: {  	s29 =	sadd.s32 $0x30, s22;
	s30 =	simm.s32 $0x12DD8  }
0x3be: {  	[hbm4b:s29+s3] =	stream.linear.scatter [tilespmem:s30], [sflag:$0x2], $0x80, $0x38;
	[tilespmem:$0x16C00] =	vst v63  }
0x3bf: {  	s26 =	sadd.s32 $0x40, s22;
	s28 =	simm.s32 $0x12E60  }
0x3c0: {  	[hbm4b:s26+s3] =	stream.linear.scatter [tilespmem:s28], [sflag:$0x2], $0x80, $0x38;
	[tilespmem:$0x16C00] =	vst v63  }
0x3c1: {  	s29 =	sadd.s32 $0x50, s22;
	s30 =	simm.s32 $0x12EE8  }
0x3c2: {  	[hbm4b:s29+s3] =	stream.linear.scatter [tilespmem:s30], [sflag:$0x2], $0x80, $0x38;
	[tilespmem:$0x16C00] =	vst v63  }
0x3c3: {  	s28 =	sadd.s32 $0x60, s22;
	s29 =	simm.s32 $0x12F70  }
0x3c4: {  	[hbm4b:s28+s3] =	stream.linear.scatter [tilespmem:s29], [sflag:$0x2], $0x80, $0x38;
	[tilespmem:$0x16C00] =	vst v63  }
0x3c5: {  	s22 =	sadd.s32 $0x70, s22;
	s26 =	sor.u32 $0x8000, s23;
	s30 =	simm.s32 $0x12FF8  }
0x3c6: {  	[hbm4b:s22+s3] =	stream.linear.scatter [tilespmem:s30], [sflag:$0x2], $0x80, $0x38;
	[tilespmem:$0x16C00] =	vst v63  }
0x3c7: {  	s28 =	simm.s32 $0x13080;
	s22 =	sadd.s32 s2, s26  }
0x3c8: {  	[hbm4b:s22+s3] =	stream.linear.scatter [tilespmem:s28], [sflag:$0x2], $0x80, $0x38;
	[tilespmem:$0x16C00] =	vst v63  }
0x3c9: {  	s30 =	simm.s32 $0x13108;
	s29 =	sadd.s32 $0x10, s22  }
0x3ca: {  	[hbm4b:s29+s3] =	stream.linear.scatter [tilespmem:s30], [sflag:$0x2], $0x80, $0x38;
	[tilespmem:$0x16C00] =	vst v63  }
0x3cb: {  	s26 =	sadd.s32 $0x20, s22;
	s28 =	simm.s32 $0x13190  }
0x3cc: {  	[hbm4b:s26+s3] =	stream.linear.scatter [tilespmem:s28], [sflag:$0x2], $0x80, $0x38;
	[tilespmem:$0x16C00] =	vst v63  }
0x3cd: {  	s29 =	sadd.s32 $0x30, s22;
	s30 =	simm.s32 $0x13218  }
0x3ce: {  	[hbm4b:s29+s3] =	stream.linear.scatter [tilespmem:s30], [sflag:$0x2], $0x80, $0x38;
	[tilespmem:$0x16C00] =	vst v63  }
0x3cf: {  	s26 =	sadd.s32 $0x40, s22;
	s28 =	simm.s32 $0x132A0  }
0x3d0: {  	[hbm4b:s26+s3] =	stream.linear.scatter [tilespmem:s28], [sflag:$0x2], $0x80, $0x38;
	[tilespmem:$0x16C00] =	vst v63  }
0x3d1: {  	s29 =	sadd.s32 $0x50, s22;
	s30 =	simm.s32 $0x13328  }
0x3d2: {  	[hbm4b:s29+s3] =	stream.linear.scatter [tilespmem:s30], [sflag:$0x2], $0x80, $0x38;
	[tilespmem:$0x16C00] =	vst v63  }
0x3d3: {  	s28 =	sadd.s32 $0x60, s22;
	s29 =	simm.s32 $0x133B0  }
0x3d4: {  	[hbm4b:s28+s3] =	stream.linear.scatter [tilespmem:s29], [sflag:$0x2], $0x80, $0x38;
	[tilespmem:$0x16C00] =	vst v63  }
0x3d5: {  	s22 =	sadd.s32 $0x70, s22;
	s26 =	sor.u32 $0xC000, s23;
	s30 =	simm.s32 $0x13438  }
0x3d6: {  	[hbm4b:s22+s3] =	stream.linear.scatter [tilespmem:s30], [sflag:$0x2], $0x80, $0x38;
	[tilespmem:$0x16C00] =	vst v63  }
0x3d7: {  	s28 =	simm.s32 $0x134C0;
	s22 =	sadd.s32 s2, s26  }
0x3d8: {  	[hbm4b:s22+s3] =	stream.linear.scatter [tilespmem:s28], [sflag:$0x2], $0x80, $0x38;
	[tilespmem:$0x16C00] =	vst v63  }
0x3d9: {  	s30 =	simm.s32 $0x13548;
	s29 =	sadd.s32 $0x10, s22  }
0x3da: {  	[hbm4b:s29+s3] =	stream.linear.scatter [tilespmem:s30], [sflag:$0x2], $0x80, $0x38;
	[tilespmem:$0x16C00] =	vst v63  }
0x3db: {  	s26 =	sadd.s32 $0x20, s22;
	s28 =	simm.s32 $0x135D0  }
0x3dc: {  	[hbm4b:s26+s3] =	stream.linear.scatter [tilespmem:s28], [sflag:$0x2], $0x80, $0x38;
	[tilespmem:$0x16C00] =	vst v63  }
0x3dd: {  	s29 =	sadd.s32 $0x30, s22;
	s30 =	simm.s32 $0x13658  }
0x3de: {  	[hbm4b:s29+s3] =	stream.linear.scatter [tilespmem:s30], [sflag:$0x2], $0x80, $0x38;
	[tilespmem:$0x16C00] =	vst v63  }
0x3df: {  	s26 =	sadd.s32 $0x40, s22;
	s28 =	simm.s32 $0x136E0  }
0x3e0: {  	[hbm4b:s26+s3] =	stream.linear.scatter [tilespmem:s28], [sflag:$0x2], $0x80, $0x38;
	[tilespmem:$0x16C00] =	vst v63  }
0x3e1: {  	s29 =	sadd.s32 $0x50, s22;
	s30 =	simm.s32 $0x13768  }
0x3e2: {  	[hbm4b:s29+s3] =	stream.linear.scatter [tilespmem:s30], [sflag:$0x2], $0x80, $0x38;
	[tilespmem:$0x16C00] =	vst v63  }
0x3e3: {  	s28 =	sadd.s32 $0x60, s22;
	s29 =	simm.s32 $0x137F0  }
0x3e4: {  	[hbm4b:s28+s3] =	stream.linear.scatter [tilespmem:s29], [sflag:$0x2], $0x80, $0x38;
	[tilespmem:$0x16C00] =	vst v63  }
0x3e5: {  	s22 =	sadd.s32 $0x70, s22;
	s26 =	sor.u32 $0x10000, s23;
	s30 =	simm.s32 $0x13878  }
0x3e6: {  	[hbm4b:s22+s3] =	stream.linear.scatter [tilespmem:s30], [sflag:$0x2], $0x80, $0x38;
	[tilespmem:$0x16C00] =	vst v63  }
0x3e7: {  	s28 =	simm.s32 $0x13900;
	s22 =	sadd.s32 s2, s26  }
0x3e8: {  	[hbm4b:s22+s3] =	stream.linear.scatter [tilespmem:s28], [sflag:$0x2], $0x80, $0x38;
	[tilespmem:$0x16C00] =	vst v63  }
0x3e9: {  	s30 =	simm.s32 $0x13988;
	s29 =	sadd.s32 $0x10, s22  }
0x3ea: {  	[hbm4b:s29+s3] =	stream.linear.scatter [tilespmem:s30], [sflag:$0x2], $0x80, $0x38;
	[tilespmem:$0x16C00] =	vst v63  }
0x3eb: {  	s26 =	sadd.s32 $0x20, s22;
	s28 =	simm.s32 $0x13A10  }
0x3ec: {  	[hbm4b:s26+s3] =	stream.linear.scatter [tilespmem:s28], [sflag:$0x2], $0x80, $0x38;
	[tilespmem:$0x16C00] =	vst v63  }
0x3ed: {  	s29 =	sadd.s32 $0x30, s22;
	s30 =	simm.s32 $0x13A98  }
0x3ee: {  	[hbm4b:s29+s3] =	stream.linear.scatter [tilespmem:s30], [sflag:$0x2], $0x80, $0x38;
	[tilespmem:$0x16C00] =	vst v63  }
0x3ef: {  	s26 =	sadd.s32 $0x40, s22;
	s28 =	simm.s32 $0x13B20  }
0x3f0: {  	[hbm4b:s26+s3] =	stream.linear.scatter [tilespmem:s28], [sflag:$0x2], $0x80, $0x38;
	[tilespmem:$0x16C00] =	vst v63  }
0x3f1: {  	s29 =	sadd.s32 $0x50, s22;
	s30 =	simm.s32 $0x13BA8  }
0x3f2: {  	[hbm4b:s29+s3] =	stream.linear.scatter [tilespmem:s30], [sflag:$0x2], $0x80, $0x38;
	[tilespmem:$0x16C00] =	vst v63  }
0x3f3: {  	s28 =	sadd.s32 $0x60, s22;
	s29 =	simm.s32 $0x13C30  }
0x3f4: {  	[hbm4b:s28+s3] =	stream.linear.scatter [tilespmem:s29], [sflag:$0x2], $0x80, $0x38;
	[tilespmem:$0x16C00] =	vst v63  }
0x3f5: {  	s22 =	sadd.s32 $0x70, s22;
	s26 =	sor.u32 $0x14000, s23;
	s30 =	simm.s32 $0x13CB8  }
0x3f6: {  	[hbm4b:s22+s3] =	stream.linear.scatter [tilespmem:s30], [sflag:$0x2], $0x80, $0x38;
	[tilespmem:$0x16C00] =	vst v63  }
0x3f7: {  	s28 =	simm.s32 $0x13D40;
	s22 =	sadd.s32 s2, s26  }
0x3f8: {  	[hbm4b:s22+s3] =	stream.linear.scatter [tilespmem:s28], [sflag:$0x2], $0x80, $0x38;
	[tilespmem:$0x16C00] =	vst v63  }
0x3f9: {  	s30 =	simm.s32 $0x13DC8;
	s29 =	sadd.s32 $0x10, s22  }
0x3fa: {  	[hbm4b:s29+s3] =	stream.linear.scatter [tilespmem:s30], [sflag:$0x2], $0x80, $0x38;
	[tilespmem:$0x16C00] =	vst v63  }
0x3fb: {  	s26 =	sadd.s32 $0x20, s22;
	s28 =	simm.s32 $0x13E50  }
0x3fc: {  	[hbm4b:s26+s3] =	stream.linear.scatter [tilespmem:s28], [sflag:$0x2], $0x80, $0x38;
	[tilespmem:$0x16C00] =	vst v63  }
0x3fd: {  	s29 =	sadd.s32 $0x30, s22;
	s30 =	simm.s32 $0x13ED8  }
0x3fe: {  	[hbm4b:s29+s3] =	stream.linear.scatter [tilespmem:s30], [sflag:$0x2], $0x80, $0x38;
	[tilespmem:$0x16C00] =	vst v63  }
0x3ff: {  	s26 =	sadd.s32 $0x40, s22;
	s28 =	simm.s32 $0x13F60  }
0x400: {  	[hbm4b:s26+s3] =	stream.linear.scatter [tilespmem:s28], [sflag:$0x2], $0x80, $0x38;
	[tilespmem:$0x16C00] =	vst v63  }
0x401: {  	s29 =	sadd.s32 $0x50, s22;
	s30 =	simm.s32 $0x13FE8  }
0x402: {  	[hbm4b:s29+s3] =	stream.linear.scatter [tilespmem:s30], [sflag:$0x2], $0x80, $0x38;
	[tilespmem:$0x16C00] =	vst v63  }
0x403: {  	s28 =	sadd.s32 $0x60, s22;
	s29 =	simm.s32 $0x14070  }
0x404: {  	[hbm4b:s28+s3] =	stream.linear.scatter [tilespmem:s29], [sflag:$0x2], $0x80, $0x38;
	[tilespmem:$0x16C00] =	vst v63  }
0x405: {  	s22 =	sadd.s32 $0x70, s22;
	s26 =	sor.u32 $0x18000, s23;
	s30 =	simm.s32 $0x140F8  }
0x406: {  	[hbm4b:s22+s3] =	stream.linear.scatter [tilespmem:s30], [sflag:$0x2], $0x80, $0x38;
	[tilespmem:$0x16C00] =	vst v63  }
0x407: {  	s28 =	simm.s32 $0x14180;
	s22 =	sadd.s32 s2, s26  }
0x408: {  	[hbm4b:s22+s3] =	stream.linear.scatter [tilespmem:s28], [sflag:$0x2], $0x80, $0x38;
	[tilespmem:$0x16C00] =	vst v63  }
0x409: {  	s30 =	simm.s32 $0x14208;
	s29 =	sadd.s32 $0x10, s22  }
0x40a: {  	[hbm4b:s29+s3] =	stream.linear.scatter [tilespmem:s30], [sflag:$0x2], $0x80, $0x38;
	[tilespmem:$0x16C00] =	vst v63  }
0x40b: {  	s26 =	sadd.s32 $0x20, s22;
	s28 =	simm.s32 $0x14290  }
0x40c: {  	[hbm4b:s26+s3] =	stream.linear.scatter [tilespmem:s28], [sflag:$0x2], $0x80, $0x38;
	[tilespmem:$0x16C00] =	vst v63  }
0x40d: {  	s29 =	sadd.s32 $0x30, s22;
	s30 =	simm.s32 $0x14318  }
0x40e: {  	[hbm4b:s29+s3] =	stream.linear.scatter [tilespmem:s30], [sflag:$0x2], $0x80, $0x38;
	[tilespmem:$0x16C00] =	vst v63  }
0x40f: {  	s26 =	sadd.s32 $0x40, s22;
	s28 =	simm.s32 $0x143A0  }
0x410: {  	[hbm4b:s26+s3] =	stream.linear.scatter [tilespmem:s28], [sflag:$0x2], $0x80, $0x38;
	[tilespmem:$0x16C00] =	vst v63  }
0x411: {  	s29 =	sadd.s32 $0x50, s22;
	s30 =	simm.s32 $0x14428  }
0x412: {  	[hbm4b:s29+s3] =	stream.linear.scatter [tilespmem:s30], [sflag:$0x2], $0x80, $0x38;
	[tilespmem:$0x16C00] =	vst v63  }
0x413: {  	s28 =	sadd.s32 $0x60, s22;
	s29 =	simm.s32 $0x144B0  }
0x414: {  	[hbm4b:s28+s3] =	stream.linear.scatter [tilespmem:s29], [sflag:$0x2], $0x80, $0x38;
	[tilespmem:$0x16C00] =	vst v63  }
0x415: {  	s23 =	sor.u32 $0x1C000, s23;
	s22 =	sadd.s32 $0x70, s22;
	s30 =	simm.s32 $0x14538  }
0x416: {  	[hbm4b:s22+s3] =	stream.linear.scatter [tilespmem:s30], [sflag:$0x2], $0x80, $0x38;
	[tilespmem:$0x16C00] =	vst v63  }
0x417: {  	s25 =	simm.s32 $0x145C0;
	s22 =	sadd.s32 s2, s23  }
0x418: {  	[hbm4b:s22+s3] =	stream.linear.scatter [tilespmem:s25], [sflag:$0x2], $0x80, $0x38;
	[tilespmem:$0x16C00] =	vst v63  }
0x419: {  	s28 =	simm.s32 $0x14648;
	s26 =	sadd.s32 $0x10, s22  }
0x41a: {  	[hbm4b:s26+s3] =	stream.linear.scatter [tilespmem:s28], [sflag:$0x2], $0x80, $0x38;
	[tilespmem:$0x16C00] =	vst v63  }
0x41b: {  	s30 =	simm.s32 $0x146D0;
	s29 =	sadd.s32 $0x20, s22  }
0x41c: {  	[hbm4b:s29+s3] =	stream.linear.scatter [tilespmem:s30], [sflag:$0x2], $0x80, $0x38;
	[tilespmem:$0x16C00] =	vst v63  }
0x41d: {  	s26 =	sadd.s32 $0x30, s22;
	s28 =	simm.s32 $0x14758  }
0x41e: {  	[hbm4b:s26+s3] =	stream.linear.scatter [tilespmem:s28], [sflag:$0x2], $0x80, $0x38;
	[tilespmem:$0x16C00] =	vst v63  }
0x41f: {  	s29 =	sadd.s32 $0x40, s22;
	s30 =	simm.s32 $0x147E0  }
0x420: {  	[hbm4b:s29+s3] =	stream.linear.scatter [tilespmem:s30], [sflag:$0x2], $0x80, $0x38;
	[tilespmem:$0x16C00] =	vst v63  }
0x421: {  	s25 =	sadd.s32 $0x50, s22;
	s26 =	simm.s32 $0x14868  }
0x422: {  	[hbm4b:s25+s3] =	stream.linear.scatter [tilespmem:s26], [sflag:$0x2], $0x80, $0x38;
	[tilespmem:$0x16C00] =	vst v63  }
0x423: {  	s23 =	sor.u32 s16, s20;
	s28 =	sadd.s32 $0x60, s22;
	s29 =	simm.s32 $0x148F0  }
0x424: {  	[hbm4b:s28+s3] =	stream.linear.scatter [tilespmem:s29], [sflag:$0x2], $0x80, $0x38;
	[tilespmem:$0x16C00] =	vst v63  }
0x425: {  	s20 =	sshrl.u32 s23, $0x3;
	s22 =	sadd.s32 $0x70, s22;
	s30 =	simm.s32 $0x14978  }
0x426: {  	[hbm4b:s22+s3] =	stream.linear.scatter [tilespmem:s30], [sflag:$0x2], $0x80, $0x38;
	[tilespmem:$0x16C00] =	vst v63  }
0x427: {  	s25 =	simm.s32 $0x14A00;
	s22 =	sadd.s32 s2, s20  }
0x428: {  	[hbm4b:s22+s3] =	stream.linear.scatter [tilespmem:s25], [sflag:$0x2], $0x80, $0x38;
	[tilespmem:$0x16C00] =	vst v63  }
0x429: {  	s28 =	simm.s32 $0x14A88;
	s26 =	sadd.s32 $0x10, s22  }
0x42a: {  	[hbm4b:s26+s3] =	stream.linear.scatter [tilespmem:s28], [sflag:$0x2], $0x80, $0x38;
	[tilespmem:$0x16C00] =	vst v63  }
0x42b: {  	s30 =	simm.s32 $0x14B10;
	s29 =	sadd.s32 $0x20, s22  }
0x42c: {  	[hbm4b:s29+s3] =	stream.linear.scatter [tilespmem:s30], [sflag:$0x2], $0x80, $0x38;
	[tilespmem:$0x16C00] =	vst v63  }
0x42d: {  	s26 =	sadd.s32 $0x30, s22;
	s28 =	simm.s32 $0x14B98  }
0x42e: {  	[hbm4b:s26+s3] =	stream.linear.scatter [tilespmem:s28], [sflag:$0x2], $0x80, $0x38;
	[tilespmem:$0x16C00] =	vst v63  }
0x42f: {  	s29 =	sadd.s32 $0x40, s22;
	s30 =	simm.s32 $0x14C20  }
0x430: {  	[hbm4b:s29+s3] =	stream.linear.scatter [tilespmem:s30], [sflag:$0x2], $0x80, $0x38;
	[tilespmem:$0x16C00] =	vst v63  }
0x431: {  	s25 =	sadd.s32 $0x50, s22;
	s26 =	simm.s32 $0x14CA8  }
0x432: {  	[hbm4b:s25+s3] =	stream.linear.scatter [tilespmem:s26], [sflag:$0x2], $0x80, $0x38;
	[tilespmem:$0x16C00] =	vst v63  }
0x433: {  	s28 =	sadd.s32 $0x60, s22;
	s29 =	simm.s32 $0x14D30  }
0x434: {  	[hbm4b:s28+s3] =	stream.linear.scatter [tilespmem:s29], [sflag:$0x2], $0x80, $0x38;
	[tilespmem:$0x16C00] =	vst v63  }
0x435: {  	s23 =	sor.u32 $0x4000, s20;
	s22 =	sadd.s32 $0x70, s22;
	s30 =	simm.s32 $0x14DB8  }
0x436: {  	[hbm4b:s22+s3] =	stream.linear.scatter [tilespmem:s30], [sflag:$0x2], $0x80, $0x38;
	[tilespmem:$0x16C00] =	vst v63  }
0x437: {  	s25 =	simm.s32 $0x14E40;
	s22 =	sadd.s32 s2, s23  }
0x438: {  	[hbm4b:s22+s3] =	stream.linear.scatter [tilespmem:s25], [sflag:$0x2], $0x80, $0x38;
	[tilespmem:$0x16C00] =	vst v63  }
0x439: {  	s28 =	simm.s32 $0x14EC8;
	s26 =	sadd.s32 $0x10, s22  }
0x43a: {  	[hbm4b:s26+s3] =	stream.linear.scatter [tilespmem:s28], [sflag:$0x2], $0x80, $0x38;
	[tilespmem:$0x16C00] =	vst v63  }
0x43b: {  	s30 =	simm.s32 $0x14F50;
	s29 =	sadd.s32 $0x20, s22  }
0x43c: {  	[hbm4b:s29+s3] =	stream.linear.scatter [tilespmem:s30], [sflag:$0x2], $0x80, $0x38;
	[tilespmem:$0x16C00] =	vst v63  }
0x43d: {  	s26 =	sadd.s32 $0x30, s22;
	s28 =	simm.s32 $0x14FD8  }
0x43e: {  	[hbm4b:s26+s3] =	stream.linear.scatter [tilespmem:s28], [sflag:$0x2], $0x80, $0x38;
	[tilespmem:$0x16C00] =	vst v63  }
0x43f: {  	s29 =	sadd.s32 $0x40, s22;
	s30 =	simm.s32 $0x15060  }
0x440: {  	[hbm4b:s29+s3] =	stream.linear.scatter [tilespmem:s30], [sflag:$0x2], $0x80, $0x38;
	[tilespmem:$0x16C00] =	vst v63  }
0x441: {  	s25 =	sadd.s32 $0x50, s22;
	s26 =	simm.s32 $0x150E8  }
0x442: {  	[hbm4b:s25+s3] =	stream.linear.scatter [tilespmem:s26], [sflag:$0x2], $0x80, $0x38;
	[tilespmem:$0x16C00] =	vst v63  }
0x443: {  	s28 =	sadd.s32 $0x60, s22;
	s29 =	simm.s32 $0x15170  }
0x444: {  	[hbm4b:s28+s3] =	stream.linear.scatter [tilespmem:s29], [sflag:$0x2], $0x80, $0x38;
	[tilespmem:$0x16C00] =	vst v63  }
0x445: {  	s23 =	sor.u32 $0x8000, s20;
	s22 =	sadd.s32 $0x70, s22;
	s30 =	simm.s32 $0x151F8  }
0x446: {  	[hbm4b:s22+s3] =	stream.linear.scatter [tilespmem:s30], [sflag:$0x2], $0x80, $0x38;
	[tilespmem:$0x16C00] =	vst v63  }
0x447: {  	s25 =	simm.s32 $0x15280;
	s22 =	sadd.s32 s2, s23  }
0x448: {  	[hbm4b:s22+s3] =	stream.linear.scatter [tilespmem:s25], [sflag:$0x2], $0x80, $0x38;
	[tilespmem:$0x16C00] =	vst v63  }
0x449: {  	s28 =	simm.s32 $0x15308;
	s26 =	sadd.s32 $0x10, s22  }
0x44a: {  	[hbm4b:s26+s3] =	stream.linear.scatter [tilespmem:s28], [sflag:$0x2], $0x80, $0x38;
	[tilespmem:$0x16C00] =	vst v63  }
0x44b: {  	s30 =	simm.s32 $0x15390;
	s29 =	sadd.s32 $0x20, s22  }
0x44c: {  	[hbm4b:s29+s3] =	stream.linear.scatter [tilespmem:s30], [sflag:$0x2], $0x80, $0x38;
	[tilespmem:$0x16C00] =	vst v63  }
0x44d: {  	s26 =	sadd.s32 $0x30, s22;
	s28 =	simm.s32 $0x15418  }
0x44e: {  	[hbm4b:s26+s3] =	stream.linear.scatter [tilespmem:s28], [sflag:$0x2], $0x80, $0x38;
	[tilespmem:$0x16C00] =	vst v63  }
0x44f: {  	s29 =	sadd.s32 $0x40, s22;
	s30 =	simm.s32 $0x154A0  }
0x450: {  	[hbm4b:s29+s3] =	stream.linear.scatter [tilespmem:s30], [sflag:$0x2], $0x80, $0x38;
	[tilespmem:$0x16C00] =	vst v63  }
0x451: {  	s26 =	sadd.s32 $0x50, s22;
	s28 =	simm.s32 $0x15528  }
0x452: {  	[hbm4b:s26+s3] =	stream.linear.scatter [tilespmem:s28], [sflag:$0x2], $0x80, $0x38;
	[tilespmem:$0x16C00] =	vst v63  }
0x453: {  	s29 =	sadd.s32 $0x60, s22;
	s30 =	simm.s32 $0x155B0  }
0x454: {  	[hbm4b:s29+s3] =	stream.linear.scatter [tilespmem:s30], [sflag:$0x2], $0x80, $0x38;
	[tilespmem:$0x16C00] =	vst v63  }
0x455: {  	s25 =	simm.s32 $0x15638;
	s22 =	sadd.s32 $0x70, s22;
	s26 =	sor.u32 $0xC000, s20  }
0x456: {  	[hbm4b:s22+s3] =	stream.linear.scatter [tilespmem:s25], [sflag:$0x2], $0x80, $0x38;
	[tilespmem:$0x16C00] =	vst v63  }
0x457: {  	s28 =	simm.s32 $0x156C0;
	s22 =	sadd.s32 s2, s26  }
0x458: {  	[hbm4b:s22+s3] =	stream.linear.scatter [tilespmem:s28], [sflag:$0x2], $0x80, $0x38;
	[tilespmem:$0x16C00] =	vst v63  }
0x459: {  	s30 =	simm.s32 $0x15748;
	s29 =	sadd.s32 $0x10, s22  }
0x45a: {  	[hbm4b:s29+s3] =	stream.linear.scatter [tilespmem:s30], [sflag:$0x2], $0x80, $0x38;
	[tilespmem:$0x16C00] =	vst v63  }
0x45b: {  	s26 =	sadd.s32 $0x20, s22;
	s28 =	simm.s32 $0x157D0  }
0x45c: {  	[hbm4b:s26+s3] =	stream.linear.scatter [tilespmem:s28], [sflag:$0x2], $0x80, $0x38;
	[tilespmem:$0x16C00] =	vst v63  }
0x45d: {  	s29 =	sadd.s32 $0x30, s22;
	s30 =	simm.s32 $0x15858  }
0x45e: {  	[hbm4b:s29+s3] =	stream.linear.scatter [tilespmem:s30], [sflag:$0x2], $0x80, $0x38;
	[tilespmem:$0x16C00] =	vst v63  }
0x45f: {  	s26 =	sadd.s32 $0x40, s22;
	s28 =	simm.s32 $0x158E0  }
0x460: {  	[hbm4b:s26+s3] =	stream.linear.scatter [tilespmem:s28], [sflag:$0x2], $0x80, $0x38;
	[tilespmem:$0x16C00] =	vst v63  }
0x461: {  	s29 =	sadd.s32 $0x50, s22  }
0x462: {  	[hbm4b:s29+s3] =	stream.linear.scatter [tilespmem:s31], [sflag:$0x2], $0x80, $0x38;
	[tilespmem:$0x16C00] =	vst v63  }
0x463: {  	s30 =	sadd.s32 $0x60, s22  }
0x464: {  	[hbm4b:s30+s3] =	stream.linear.scatter [tilespmem:s0], [sflag:$0x2], $0x80, $0x38;
	[tilespmem:$0x16C00] =	vst v63  }
0x465: {  	s23 =	sor.u32 $0x10000, s20;
	s22 =	sadd.s32 $0x70, s22  }
0x466: {  	[hbm4b:s22+s3] =	stream.linear.scatter [tilespmem:s1], [sflag:$0x2], $0x80, $0x38;
	[tilespmem:$0x16C00] =	vst v63  }
0x467: {  	s25 =	simm.s32 $0x15B00;
	s22 =	sadd.s32 s2, s23  }
0x468: {  	[hbm4b:s22+s3] =	stream.linear.scatter [tilespmem:s25], [sflag:$0x2], $0x80, $0x38;
	[tilespmem:$0x16C00] =	vst v63  }
0x469: {  	s28 =	simm.s32 $0x15B88;
	s26 =	sadd.s32 $0x10, s22  }
0x46a: {  	[hbm4b:s26+s3] =	stream.linear.scatter [tilespmem:s28], [sflag:$0x2], $0x80, $0x38;
	[tilespmem:$0x16C00] =	vst v63  }
0x46b: {  	s30 =	simm.s32 $0x15C10;
	s29 =	sadd.s32 $0x20, s22  }
0x46c: {  	[hbm4b:s29+s3] =	stream.linear.scatter [tilespmem:s30], [sflag:$0x2], $0x80, $0x38;
	[tilespmem:$0x16C00] =	vst v63  }
0x46d: {  	s26 =	sadd.s32 $0x30, s22;
	s28 =	simm.s32 $0x15C98  }
0x46e: {  	[hbm4b:s26+s3] =	stream.linear.scatter [tilespmem:s28], [sflag:$0x2], $0x80, $0x38;
	[tilespmem:$0x16C00] =	vst v63  }
0x46f: {  	s29 =	sadd.s32 $0x40, s22;
	s30 =	simm.s32 $0x15D20  }
0x470: {  	[hbm4b:s29+s3] =	stream.linear.scatter [tilespmem:s30], [sflag:$0x2], $0x80, $0x38;
	[tilespmem:$0x16C00] =	vst v63  }
0x471: {  	s25 =	sadd.s32 $0x50, s22;
	s26 =	simm.s32 $0x15DA8  }
0x472: {  	[hbm4b:s25+s3] =	stream.linear.scatter [tilespmem:s26], [sflag:$0x2], $0x80, $0x38;
	[tilespmem:$0x16C00] =	vst v63  }
0x473: {  	s28 =	sadd.s32 $0x60, s22;
	s29 =	simm.s32 $0x15E30  }
0x474: {  	[hbm4b:s28+s3] =	stream.linear.scatter [tilespmem:s29], [sflag:$0x2], $0x80, $0x38;
	[tilespmem:$0x16C00] =	vst v63  }
0x475: {  	s23 =	sor.u32 $0x14000, s20;
	s22 =	sadd.s32 $0x70, s22;
	s30 =	simm.s32 $0x15EB8  }
0x476: {  	[hbm4b:s22+s3] =	stream.linear.scatter [tilespmem:s30], [sflag:$0x2], $0x80, $0x38;
	[tilespmem:$0x16C00] =	vst v63  }
0x477: {  	s25 =	simm.s32 $0x15F40;
	s22 =	sadd.s32 s2, s23  }
0x478: {  	[hbm4b:s22+s3] =	stream.linear.scatter [tilespmem:s25], [sflag:$0x2], $0x80, $0x38;
	[tilespmem:$0x16C00] =	vst v63  }
0x479: {  	s28 =	simm.s32 $0x15FC8;
	s26 =	sadd.s32 $0x10, s22  }
0x47a: {  	[hbm4b:s26+s3] =	stream.linear.scatter [tilespmem:s28], [sflag:$0x2], $0x80, $0x38;
	[tilespmem:$0x16C00] =	vst v63  }
0x47b: {  	s30 =	simm.s32 $0x16050;
	s29 =	sadd.s32 $0x20, s22  }
0x47c: {  	[hbm4b:s29+s3] =	stream.linear.scatter [tilespmem:s30], [sflag:$0x2], $0x80, $0x38;
	[tilespmem:$0x16C00] =	vst v63  }
0x47d: {  	s26 =	sadd.s32 $0x30, s22;
	s28 =	simm.s32 $0x160D8  }
0x47e: {  	[hbm4b:s26+s3] =	stream.linear.scatter [tilespmem:s28], [sflag:$0x2], $0x80, $0x38;
	[tilespmem:$0x16C00] =	vst v63  }
0x47f: {  	s29 =	sadd.s32 $0x40, s22;
	s30 =	simm.s32 $0x16160  }
0x480: {  	[hbm4b:s29+s3] =	stream.linear.scatter [tilespmem:s30], [sflag:$0x2], $0x80, $0x38;
	[tilespmem:$0x16C00] =	vst v63  }
0x481: {  	s26 =	sadd.s32 $0x50, s22;
	s28 =	simm.s32 $0x161E8  }
0x482: {  	[hbm4b:s26+s3] =	stream.linear.scatter [tilespmem:s28], [sflag:$0x2], $0x80, $0x38;
	[tilespmem:$0x16C00] =	vst v63  }
0x483: {  	s29 =	sadd.s32 $0x60, s22;
	s30 =	simm.s32 $0x16270  }
0x484: {  	[hbm4b:s29+s3] =	stream.linear.scatter [tilespmem:s30], [sflag:$0x2], $0x80, $0x38;
	[tilespmem:$0x16C00] =	vst v63  }
0x485: {  	s25 =	simm.s32 $0x162F8;
	s22 =	sadd.s32 $0x70, s22;
	s26 =	sor.u32 $0x18000, s20  }
0x486: {  	[hbm4b:s22+s3] =	stream.linear.scatter [tilespmem:s25], [sflag:$0x2], $0x80, $0x38;
	[tilespmem:$0x16C00] =	vst v63  }
0x487: {  	s28 =	simm.s32 $0x16380;
	s22 =	sadd.s32 s2, s26  }
0x488: {  	[hbm4b:s22+s3] =	stream.linear.scatter [tilespmem:s28], [sflag:$0x2], $0x80, $0x38;
	[tilespmem:$0x16C00] =	vst v63  }
0x489: {  	s30 =	simm.s32 $0x16408;
	s29 =	sadd.s32 $0x10, s22  }
0x48a: {  	[hbm4b:s29+s3] =	stream.linear.scatter [tilespmem:s30], [sflag:$0x2], $0x80, $0x38;
	[tilespmem:$0x16C00] =	vst v63  }
0x48b: {  	s26 =	sadd.s32 $0x20, s22;
	s28 =	simm.s32 $0x16490  }
0x48c: {  	[hbm4b:s26+s3] =	stream.linear.scatter [tilespmem:s28], [sflag:$0x2], $0x80, $0x38;
	[tilespmem:$0x16C00] =	vst v63  }
0x48d: {  	s29 =	sadd.s32 $0x30, s22;
	s30 =	simm.s32 $0x16518  }
0x48e: {  	[hbm4b:s29+s3] =	stream.linear.scatter [tilespmem:s30], [sflag:$0x2], $0x80, $0x38;
	[tilespmem:$0x16C00] =	vst v63  }
0x48f: {  	s26 =	sadd.s32 $0x40, s22;
	s28 =	simm.s32 $0x165A0  }
0x490: {  	[hbm4b:s26+s3] =	stream.linear.scatter [tilespmem:s28], [sflag:$0x2], $0x80, $0x38;
	[tilespmem:$0x16C00] =	vst v63  }
0x491: {  	s29 =	sadd.s32 $0x50, s22;
	s30 =	simm.s32 $0x16628  }
0x492: {  	[hbm4b:s29+s3] =	stream.linear.scatter [tilespmem:s30], [sflag:$0x2], $0x80, $0x38;
	[tilespmem:$0x16C00] =	vst v63  }
0x493: {  	s26 =	sadd.s32 $0x60, s22;
	s28 =	simm.s32 $0x166B0  }
0x494: {  	[hbm4b:s26+s3] =	stream.linear.scatter [tilespmem:s28], [sflag:$0x2], $0x80, $0x38;
	[tilespmem:$0x16C00] =	vst v63  }
0x495: {  	s20 =	sor.u32 $0x1C000, s20;
	s22 =	sadd.s32 $0x70, s22;
	s29 =	simm.s32 $0x16738  }
0x496: {  	[hbm4b:s22+s3] =	stream.linear.scatter [tilespmem:s29], [sflag:$0x2], $0x80, $0x38;
	[tilespmem:$0x16C00] =	vst v63  }
0x497: {  	s20 =	sadd.s32 s2, s20;
	s30 =	simm.s32 $0x167C0  }
0x498: {  	[hbm4b:s20+s3] =	stream.linear.scatter [tilespmem:s30], [sflag:$0x2], $0x80, $0x38;
	[tilespmem:$0x16C00] =	vst v63  }
0x499: {  	s23 =	sadd.s32 $0x10, s20;
	s25 =	simm.s32 $0x16848  }
0x49a: {  	[hbm4b:s23+s3] =	stream.linear.scatter [tilespmem:s25], [sflag:$0x2], $0x80, $0x38;
	[tilespmem:$0x16C00] =	vst v63  }
0x49b: {  	s26 =	sadd.s32 $0x20, s20;
	s28 =	simm.s32 $0x168D0  }
0x49c: {  	[hbm4b:s26+s3] =	stream.linear.scatter [tilespmem:s28], [sflag:$0x2], $0x80, $0x38;
	[tilespmem:$0x16C00] =	vst v63  }
0x49d: {  	s29 =	sadd.s32 $0x30, s20;
	s30 =	simm.s32 $0x16958  }
0x49e: {  	[hbm4b:s29+s3] =	stream.linear.scatter [tilespmem:s30], [sflag:$0x2], $0x80, $0x38;
	[tilespmem:$0x16C00] =	vst v63  }
0x49f: {  	s25 =	sadd.s32 $0x40, s20;
	s26 =	simm.s32 $0x169E0  }
0x4a0: {  	[hbm4b:s25+s3] =	stream.linear.scatter [tilespmem:s26], [sflag:$0x2], $0x80, $0x38;
	[tilespmem:$0x16C00] =	vst v63  }
0x4a1: {  	p0 =	seq.s32 s17, $0x31;
	s28 =	sadd.s32 $0x50, s20;
	s29 =	simm.s32 $0x16A68  }
0x4a2: {  	[hbm4b:s28+s3] =	stream.linear.scatter [tilespmem:s29], [sflag:$0x2], $0x80, $0x38;
	[tilespmem:$0x16C00] =	vst v63  }
.Ltmp7:
0x4a3: {  	_ = 	snop;
	(pc) =	sbr.rel @p0 .LBB2_12-.Ltmp7, $4  }
0x4a4: {  	s30 =	sadd.s32 $0x60, s20  }
0x4a5: {  	[hbm4b:s30+s3] =	stream.linear.scatter [tilespmem:s19], [sflag:$0x2], $0x80, $0x38;
	[tilespmem:$0x16C00] =	vst v63  }
0x4a6: {  	s20 =	sadd.s32 $0x70, s20  }
0x4a7: {  	[hbm4b:s20+s3] =	stream.linear.scatter [tilespmem:s5], [sflag:$0x2], $0x80, $0x38;
	[tilespmem:$0x16C00] =	vst v63  }
.Ltmp8:
0x4a8: {  	(pc) =	sbr.rel .LBB2_2-.Ltmp8, $4  }
0x4a9: {  	s20 =	sshll.u32 s17, $0x9  }
0x4aa: {  	s20 =	sand.u32 $0x3FFFFE00, s20  }
0x4ab: {  	s22 =	simm.s32 $0xA400;
	s17 =	sadd.s32 $0x1, s17;
	s20 =	sadd.s32 $0x300, s20  }
0x4ac: {  	[tilespmem:s22], [sflag:$0x1] =	stream.indirect.gather [hbm4b:s4+s21], $0x40, s20, s21, $0xb8;
	[tilespmem:$0x16C00] =	vst v63  }
.LBB2_13:
0x4ad: {  	_ =	sfence.sel $0x180000  }
0x4ae: {  	[bflag:$0x0] =	sbarrier.arrive $0xFFFF  }
0x4af: {  	_ =	strace $0x90000047  }
0x4b0: {  	s0 =	stileid.u32;
	[bflag:$0x2] =	sbarrier.arrive $0xFFFF  }
0x4b1: {  	p0 =	sne.s32 s0, $0x0;
	s0 =	rddreg [dreg:$0x2]  }
0x4b2: {  	s0 =	sadd.s32 @!p0 $0x100000, s0  }
0x4b3: {  	[sflag:s0] =	ssyncadd.tile.s32 @!p0 $0x1;
	_ =	shalt  }
.Lfunc_end2:
_tile_overlayer_lowered:
.L_overlay_start_2:
0x4b4: {  	(tag) =	ssettag $0x2  }
0x4b5: {  	s0 =	rddreg [dreg:$0x0];
	s2 =	stileid.u32  }
0x4b6: {  	s1 =	rddreg [dreg:$0x1];
	p0 =	sne.s32 s2, $0x0  }
0x4b7: {  	s3 =	rddreg [dreg:$0x2];
	[bflag:$0x3] =	sbarrier.arrive $0xFFFF;
	s2 =	simm.s32 @!p0 $0x1C03  }
0x4b8: {  	[timem:s3], [sflag:s2] =	dma.local @!p0 [hbm:s0], s1  }
0x4b9: {  	s0 =	simm.s32 @!p0 $0x3  }
0x4ba: {  	_ =	swait.ge @!p0 [sflag:s0], s1  }
0x4bb: {  	s1 =	ssub.s32 @!p0 $0x0, s1;
	[sflag:s0] =	ssyncset.done @!p0 $0x0  }
0x4bc: {  	[sflag:s0] =	ssyncadd.s32 @!p0 s1  }
0x4bd: {  	[bflag:$0x3] =	sbarrier.arrive $0xFFFF  }
0x4be: {  	_ =	shalt  }

</sc_bundles>
